<compile_context>
chip_gen: v7x
topology: tpu7x:2x2x1
jax: 0.10.2.dev20260603
libtpu: 0.0.44.dev20260713+nightly
codegen_flags: <defaults>
</compile_context>

<pallas_src>
import functools

import jax
import jax.numpy as jnp
from jax import lax
from jax.experimental import pallas as pl
from jax.experimental.pallas import tpu as pltpu, tpu_sc as plsc

NEG_SLOPE = 0.01

NC = 2
NS = 16
L = 16

CH = 80


def _fill_1d(ref, n, value):
    def body(i, _):
        ref[pl.ds(i * L, L)] = jnp.full((L,), value, jnp.float32)
        return 0

    lax.fori_loop(0, n // L, body, 0)


def _fill_2d(ref, rows, value):
    cols = ref.shape[1]

    def body(r, _):
        for j in range(cols // L):
            ref[r, pl.ds(j * L, L)] = jnp.full((L,), value, jnp.float32)
        return 0

    lax.fori_loop(0, rows, body, 0)


def _sc_aggregate(x, src, dst):
    N, D = x.shape
    E = src.shape[0]
    NW = NC * NS
    assert E % NW == 0
    ept = E // NW
    nfull = ept // CH
    assert ept % CH == 0 and CH % 8 == 0
    rpt = (N // NS) & ~7
    rextra = N - NS * rpt
    assert rextra % 8 == 0 and rextra <= rpt
    zrows = CH
    npt = -(-N // (NS * D)) * D
    CR = NS * npt // D
    DCH = 2000
    assert (ept * NS) % DCH == 0 and ept % DCH == 0 and DCH % L == 0
    assert npt % D == 0 and CR % 8 == 0 and NS * npt >= N

    mesh = plsc.VectorSubcoreMesh(core_axis_name="c", subcore_axis_name="s")

    @functools.partial(
        pl.kernel,
        mesh=mesh,
        compiler_params=pltpu.CompilerParams(needs_layout_passes=False),
        out_type=[
            jax.ShapeDtypeStruct((NC, N, D), jnp.float32),
            jax.ShapeDtypeStruct((NC, CR, D), jnp.float32),
        ],
        scratch_types=[
            pltpu.VMEM_SHARED((N, D), jnp.float32),
            pltpu.VMEM_SHARED((CR, D), jnp.float32),
            pltpu.VMEM((CH,), jnp.int32),
            pltpu.VMEM((CH,), jnp.int32),
            pltpu.VMEM((CH,), jnp.int32),
            pltpu.VMEM((CH,), jnp.int32),
            pltpu.VMEM((CH, D), jnp.float32),
            pltpu.VMEM((CH, D), jnp.float32),
            pltpu.VMEM((L * npt,), jnp.float32),
            pltpu.VMEM((DCH,), jnp.int32),
            pltpu.VMEM((DCH,), jnp.int32),
            pltpu.VMEM((npt // D, D), jnp.float32),
            pltpu.SemaphoreType.DMA,
            pltpu.SemaphoreType.DMA,
            pltpu.SemaphoreType.DMA,
            pltpu.SemaphoreType.DMA,
            pltpu.SemaphoreType.DMA,
            pltpu.SemaphoreType.DMA,
            pltpu.SemaphoreType.DMA,
            pltpu.SemaphoreType.DMA,
        ],
    )
    def sc_kernel(x_hbm, src_hbm, dst_hbm, agg_out, cnt_out,
                  acc, cgrid, sidx0, didx0, sidx1, didx1, rowbuf0, rowbuf1,
                  hist, dchunk0, dchunk1, ctot,
                  semg0, semg1, semi0s, semi0d, semi1s, semi1d,
                  semd0, semd1):
        c = lax.axis_index("c")
        s = lax.axis_index("s")
        wid = s * NC + c
        iota16 = lax.iota(jnp.int32, 16)
        ones16 = jnp.full((L,), 1.0, jnp.float32)

        zbuf = rowbuf0
        _fill_2d(zbuf, zrows, 0.0)
        _fill_1d(hist, L * npt, 0.0)

        row0 = s * rpt

        def zero_rows(tgt, start, count):
            done = 0
            while done < count:
                m = min(zrows, count - done)
                pltpu.sync_copy(zbuf.at[pl.ds(0, m)],
                                tgt.at[pl.ds(start + done, m)])
                done += m

        zero_rows(acc, row0, rpt)
        if rextra:
            @pl.when(s == NS - 1)
            def _():
                zero_rows(acc, NS * rpt, rextra)
        plsc.subcore_barrier()

        ebase = wid * ept
        emax = E - CH

        def ebase_of(i):
            return jnp.minimum(ebase + i * CH, emax)

        def start_idx(i, si, di, sis, sid):
            b = ebase_of(i)
            pltpu.async_copy(src_hbm.at[pl.ds(b, CH)], si, sis)
            pltpu.async_copy(dst_hbm.at[pl.ds(b, CH)], di, sid)

        def wait_idx(i, si, di, sis, sid):
            b = ebase_of(i)
            pltpu.make_async_copy(src_hbm.at[pl.ds(b, CH)], si, sis).wait()
            pltpu.make_async_copy(dst_hbm.at[pl.ds(b, CH)], di, sid).wait()

        def wait_gather(si, rb, sg):
            pltpu.make_async_copy(x_hbm.at[si], rb, sg).wait()

        assert nfull % 2 == 1
        ngrp = nfull // 2

        pltpu.sync_copy(src_hbm.at[pl.ds(ebase, CH)], sidx0)
        pltpu.sync_copy(dst_hbm.at[pl.ds(ebase, CH)], didx0)
        pltpu.async_copy(x_hbm.at[sidx0], rowbuf0, semg0)
        start_idx(1, sidx1, didx1, semi1s, semi1d)

        def pair(g, _):
            i0 = 2 * g
            i1 = i0 + 1
            wait_idx(i1, sidx1, didx1, semi1s, semi1d)
            pltpu.async_copy(x_hbm.at[sidx1], rowbuf1, semg1)
            wait_gather(sidx0, rowbuf0, semg0)
            pltpu.sync_copy(rowbuf0, acc.at[didx0], add=True)
            start_idx(i0 + 2, sidx0, didx0, semi0s, semi0d)
            wait_gather(sidx1, rowbuf1, semg1)
            pltpu.sync_copy(rowbuf1, acc.at[didx1], add=True)
            start_idx(i1 + 2, sidx1, didx1, semi1s, semi1d)
            wait_idx(i0 + 2, sidx0, didx0, semi0s, semi0d)
            pltpu.async_copy(x_hbm.at[sidx0], rowbuf0, semg0)
            return 0

        lax.fori_loop(0, ngrp, pair, 0)

        wait_idx(nfull, sidx1, didx1, semi1s, semi1d)
        wait_gather(sidx0, rowbuf0, semg0)
        pltpu.sync_copy(rowbuf0, acc.at[didx0], add=True)

        nbase = s * npt
        ecore = ept * NS
        ncq = ecore // DCH
        assert ncq % 2 == 0

        def cbase(q):
            qc = jnp.minimum(q, ncq - 1)
            e0 = qc * DCH
            blk = e0 // ept
            return (blk * NC + c) * ept + (e0 - blk * ept)

        def cstart(q, buf, sem):
            pltpu.async_copy(dst_hbm.at[pl.ds(cbase(q), DCH)], buf, sem)

        def cwait(q, buf, sem):
            pltpu.make_async_copy(
                dst_hbm.at[pl.ds(cbase(q), DCH)], buf, sem).wait()

        def cproc(buf):
            def body(k, _):
                dv = buf[pl.ds(k * L, L)] - nbase
                msk = (dv >= 0) & (dv < npt)
                plsc.addupdate_scatter(
                    hist, [iota16 * npt + dv], ones16, mask=msk)
                return 0

            lax.fori_loop(0, DCH // L, body, 0)

        cstart(0, dchunk0, semd0)
        cstart(1, dchunk1, semd1)

        def cpair(t, _):
            q0 = 2 * t
            cwait(q0, dchunk0, semd0)
            cproc(dchunk0)
            cstart(q0 + 2, dchunk0, semd0)
            cwait(q0 + 1, dchunk1, semd1)
            cproc(dchunk1)
            cstart(q0 + 3, dchunk1, semd1)
            return 0

        lax.fori_loop(0, ncq // 2, cpair, 0)
        cwait(ncq, dchunk0, semd0)
        cwait(ncq + 1, dchunk1, semd1)

        for j in range(npt // L):
            tot = hist[pl.ds(j * L, L)]
            for r in range(1, L):
                tot = tot + hist[pl.ds(r * npt + j * L, L)]
            ctot[(j * L) // D, pl.ds((j * L) % D, L)] = tot
        pltpu.sync_copy(ctot, cgrid.at[pl.ds(s * (npt // D), npt // D)])

        plsc.subcore_barrier()

        pltpu.sync_copy(acc.at[pl.ds(row0, rpt)],
                        agg_out.at[c, pl.ds(row0, rpt)])
        if rextra:
            @pl.when(s == NS - 1)
            def _():
                pltpu.sync_copy(acc.at[pl.ds(NS * rpt, rextra)],
                                agg_out.at[c, pl.ds(NS * rpt, rextra)])

        @pl.when(s == 0)
        def _():
            pltpu.sync_copy(cgrid, cnt_out.at[c])

    return sc_kernel(x, src, dst)


def _tc_body(x_ref, wl_ref, wr_ref, bl_ref, agg_ref, cnt_ref, out_ref):
    a = agg_ref[0] + agg_ref[1]
    cvec = cnt_ref[0] + cnt_ref[1]
    mean = a / jnp.maximum(cvec, 1.0)
    h = (jnp.dot(mean, wl_ref[...], preferred_element_type=jnp.float32)
         + jnp.dot(x_ref[...], wr_ref[...], preferred_element_type=jnp.float32)
         + bl_ref[...])
    h = jnp.where(h >= 0, h, NEG_SLOPE * h)
    nrm = jnp.sqrt(jnp.sum(h * h, axis=-1, keepdims=True))
    out_ref[...] = h / jnp.maximum(nrm, 1e-12)


def _tc_post(x, W_l, W_r, b_l2, agg, cnt):
    N, D = x.shape
    H = W_l.shape[1]
    R = 1000
    assert N % R == 0
    grid = (N // R,)
    return pl.pallas_call(
        _tc_body,
        grid=grid,
        in_specs=[
            pl.BlockSpec((R, D), lambda i: (i, 0)),
            pl.BlockSpec((D, H), lambda i: (0, 0)),
            pl.BlockSpec((D, H), lambda i: (0, 0)),
            pl.BlockSpec((1, H), lambda i: (0, 0)),
            pl.BlockSpec((NC, R, D), lambda i: (0, i, 0)),
            pl.BlockSpec((NC, R, 1), lambda i: (0, i, 0)),
        ],
        out_specs=pl.BlockSpec((R, H), lambda i: (i, 0)),
        out_shape=jax.ShapeDtypeStruct((N, H), jnp.float32),
    )(x, W_l, W_r, b_l2, agg, cnt)


def kernel(x, edge_index, W_l, W_r, b_l):
    src = edge_index[0]
    dst = edge_index[1]
    agg, cnt_grid = _sc_aggregate(x, src, dst)
    N = x.shape[0]
    cnt = cnt_grid.reshape(NC, -1)[:, :N, None]
    return _tc_post(x, W_l, W_r, b_l.reshape(1, -1), agg, cnt)

# --- scband reference (transcript-rebuilt; emitter-appended) ---
"""Pipeline reference for scband-conv-layer-30863634989811 (READ-ONLY COPY).

The authoritative reference and input builder live on the scoring server;
editing this copy changes nothing except your own understanding.
"""

import jax, jax.numpy as jnp
import numpy as np

N = 10000
E = 320000
D = 128
H = 128
NEG_SLOPE = 0.01

def setup_inputs(seed: int = 0) -> dict:
    key = jax.random.key(seed)
    k1, k2, k3, k4, k5 = jax.random.split(key, 5)
    x = jax.random.normal(k1, (N, D), dtype=jnp.float32)
    edge_index = jax.random.randint(k2, (2, E), 0, N, dtype=jnp.int32)
    # SAGEConv parameters: lin_l (applied to aggregated neighbors, with bias),
    # lin_r (applied to root/self features, no bias)
    W_l = jax.random.normal(k3, (D, H), dtype=jnp.float32) * (1.0 / np.sqrt(D))
    W_r = jax.random.normal(k4, (D, H), dtype=jnp.float32) * (1.0 / np.sqrt(D))
    b_l = jax.random.normal(k5, (H,), dtype=jnp.float32) * 0.01
    return {"x": x, "edge_index": edge_index, "W_l": W_l, "W_r": W_r, "b_l": b_l}

def reference(x, edge_index, W_l, W_r, b_l):
    src = edge_index[0]
    dst = edge_index[1]
    # SAGEConv with mean aggregation: gather messages from src, scatter-mean to dst
    msg = jnp.take(x, src, axis=0)                                  # gather [E, D]
    agg_sum = jax.ops.segment_sum(msg, dst, num_segments=N)          # scatter-add [N, D]
    cnt = jax.ops.segment_sum(jnp.ones((E,), jnp.float32), dst, num_segments=N)
    agg_mean = agg_sum / jnp.clip(cnt, 1.0, None)[:, None]
    out = agg_mean @ W_l + b_l + x @ W_r
    # post_conv: LeakyReLU (batch_norm=False, dropout=0)
    out = jnp.where(out >= 0, out, NEG_SLOPE * out)
    # L2 normalize along last dim (F.normalize, eps=1e-12)
    norm = jnp.sqrt(jnp.sum(out * out, axis=-1, keepdims=True))
    out = out / jnp.clip(norm, 1e-12, None)
    return out

if __name__ == "__main__":
    import jax
    _d = setup_inputs()
    print(jax.jit(kernel)(*tuple(_d.values())))

</pallas_src>

<mosaic_0001>
#map = affine_map<(d0, d1) -> (0, 0)>
#map1 = affine_map<(d0, d1) -> (0)>
#map2 = affine_map<(d0, d1) -> (0, 0, 0)>
module attributes {stable_mosaic.version = 14 : i64} {
  func.func @sc_kernel(%arg0: i32, %arg1: i32, %arg2: memref<10000x128xf32, #tpu.memory_space<hbm>>, %arg3: memref<320000xi32, #tpu.memory_space<hbm>>, %arg4: memref<320000xi32, #tpu.memory_space<hbm>>, %arg5: memref<2x10000x128xf32, #tpu.memory_space<hbm>>, %arg6: memref<2x80x128xf32, #tpu.memory_space<hbm>>, %arg7: memref<10000x128xf32, #tpu.memory_space<vmem_shared>>, %arg8: memref<80x128xf32, #tpu.memory_space<vmem_shared>>, %arg9: memref<80xi32, #tpu.memory_space<vmem>>, %arg10: memref<80xi32, #tpu.memory_space<vmem>>, %arg11: memref<80xi32, #tpu.memory_space<vmem>>, %arg12: memref<80xi32, #tpu.memory_space<vmem>>, %arg13: memref<80x128xf32, #tpu.memory_space<vmem>>, %arg14: memref<80x128xf32, #tpu.memory_space<vmem>>, %arg15: memref<10240xf32, #tpu.memory_space<vmem>>, %arg16: memref<2000xi32, #tpu.memory_space<vmem>>, %arg17: memref<2000xi32, #tpu.memory_space<vmem>>, %arg18: memref<5x128xf32, #tpu.memory_space<vmem>>, %arg19: memref<!tpu.dma_semaphore, #tpu.memory_space<semaphore_mem>>, %arg20: memref<!tpu.dma_semaphore, #tpu.memory_space<semaphore_mem>>, %arg21: memref<!tpu.dma_semaphore, #tpu.memory_space<semaphore_mem>>, %arg22: memref<!tpu.dma_semaphore, #tpu.memory_space<semaphore_mem>>, %arg23: memref<!tpu.dma_semaphore, #tpu.memory_space<semaphore_mem>>, %arg24: memref<!tpu.dma_semaphore, #tpu.memory_space<semaphore_mem>>, %arg25: memref<!tpu.dma_semaphore, #tpu.memory_space<semaphore_mem>>, %arg26: memref<!tpu.dma_semaphore, #tpu.memory_space<semaphore_mem>>) attributes {dimension_semantics = [#tpu.dimension_semantics<core_parallel>, #tpu.dimension_semantics<subcore_parallel>], iteration_bounds = array<i64: 2, 16>, scalar_prefetch = 0 : i64, scratch_operands = 20 : i64, tpu.core_type = #tpu.core_type<sc_vector_subcore>, window_params = [{transform_indices = #map}, {transform_indices = #map1}, {transform_indices = #map1}, {transform_indices = #map2}, {transform_indices = #map2}]} {
    %mul3A = arith.constant 2 : i32
    %mul3A_0 = arith.muli %arg1, %mul3A : i32
    %add3A = arith.addi %mul3A_0, %arg0 : i32
    %iota3A = tpu.iota {dimensions = array<i32: 0>} : vector<16xi32>
    %broadcast_in_dim3A = arith.constant 1.000000e+00 : f32
    %broadcast_in_dim3A_1 = vector.broadcast %broadcast_in_dim3A : f32 to vector<16xf32>
    %scan3A = arith.constant 0 : i32
    %scan3A_2 = arith.constant 0 : i32
    %scan3A_3 = arith.constant 80 : i32
    %scan3A_4 = arith.addi %scan3A_2, %scan3A_3 : i32
    %scan3A_5 = arith.constant 1 : i32
    %scan3A_6 = scf.for %scan3A_2275 = %scan3A_2 to %scan3A_4 step %scan3A_5 iter_args(%scan3A_2276 = %scan3A) -> (i32)  : i32 {
      %broadcast_in_dim3A_2277 = arith.constant 0.000000e+00 : f32
      %broadcast_in_dim3A_2278 = vector.broadcast %broadcast_in_dim3A_2277 : f32 to vector<16xf32>
      %swap3A_2279 = arith.index_cast %scan3A_2275 : i32 to index
      %swap3A_2280 = arith.constant 0 : index
      %swap3A_2281 = tpu.vector_load %arg13[%swap3A_2279, %swap3A_2280] {strides = array<i32>} : memref<80x128xf32, #tpu.memory_space<vmem>>, vector<16xf32>,
      tpu.vector_store %arg13[%swap3A_2279, %swap3A_2280], %broadcast_in_dim3A_2278 {strides = array<i32>} : memref<80x128xf32, #tpu.memory_space<vmem>>, vector<16xf32>,
      %broadcast_in_dim3A_2282 = arith.constant 0.000000e+00 : f32
      %broadcast_in_dim3A_2283 = vector.broadcast %broadcast_in_dim3A_2282 : f32 to vector<16xf32>
      %swap3A_2284 = arith.index_cast %scan3A_2275 : i32 to index
      %swap3A_2285 = arith.constant 16 : index
      %swap3A_2286 = tpu.vector_load %arg13[%swap3A_2284, %swap3A_2285] {strides = array<i32>} : memref<80x128xf32, #tpu.memory_space<vmem>>, vector<16xf32>,
      tpu.vector_store %arg13[%swap3A_2284, %swap3A_2285], %broadcast_in_dim3A_2283 {strides = array<i32>} : memref<80x128xf32, #tpu.memory_space<vmem>>, vector<16xf32>,
      %broadcast_in_dim3A_2287 = arith.constant 0.000000e+00 : f32
      %broadcast_in_dim3A_2288 = vector.broadcast %broadcast_in_dim3A_2287 : f32 to vector<16xf32>
      %swap3A_2289 = arith.index_cast %scan3A_2275 : i32 to index
      %swap3A_2290 = arith.constant 32 : index
      %swap3A_2291 = tpu.vector_load %arg13[%swap3A_2289, %swap3A_2290] {strides = array<i32>} : memref<80x128xf32, #tpu.memory_space<vmem>>, vector<16xf32>,
      tpu.vector_store %arg13[%swap3A_2289, %swap3A_2290], %broadcast_in_dim3A_2288 {strides = array<i32>} : memref<80x128xf32, #tpu.memory_space<vmem>>, vector<16xf32>,
      %broadcast_in_dim3A_2292 = arith.constant 0.000000e+00 : f32
      %broadcast_in_dim3A_2293 = vector.broadcast %broadcast_in_dim3A_2292 : f32 to vector<16xf32>
      %swap3A_2294 = arith.index_cast %scan3A_2275 : i32 to index
      %swap3A_2295 = arith.constant 48 : index
      %swap3A_2296 = tpu.vector_load %arg13[%swap3A_2294, %swap3A_2295] {strides = array<i32>} : memref<80x128xf32, #tpu.memory_space<vmem>>, vector<16xf32>,
      tpu.vector_store %arg13[%swap3A_2294, %swap3A_2295], %broadcast_in_dim3A_2293 {strides = array<i32>} : memref<80x128xf32, #tpu.memory_space<vmem>>, vector<16xf32>,
      %broadcast_in_dim3A_2297 = arith.constant 0.000000e+00 : f32
      %broadcast_in_dim3A_2298 = vector.broadcast %broadcast_in_dim3A_2297 : f32 to vector<16xf32>
      %swap3A_2299 = arith.index_cast %scan3A_2275 : i32 to index
      %swap3A_2300 = arith.constant 64 : index
      %swap3A_2301 = tpu.vector_load %arg13[%swap3A_2299, %swap3A_2300] {strides = array<i32>} : memref<80x128xf32, #tpu.memory_space<vmem>>, vector<16xf32>,
      tpu.vector_store %arg13[%swap3A_2299, %swap3A_2300], %broadcast_in_dim3A_2298 {strides = array<i32>} : memref<80x128xf32, #tpu.memory_space<vmem>>, vector<16xf32>,
      %broadcast_in_dim3A_2302 = arith.constant 0.000000e+00 : f32
      %broadcast_in_dim3A_2303 = vector.broadcast %broadcast_in_dim3A_2302 : f32 to vector<16xf32>
      %swap3A_2304 = arith.index_cast %scan3A_2275 : i32 to index
      %swap3A_2305 = arith.constant 80 : index
      %swap3A_2306 = tpu.vector_load %arg13[%swap3A_2304, %swap3A_2305] {strides = array<i32>} : memref<80x128xf32, #tpu.memory_space<vmem>>, vector<16xf32>,
      tpu.vector_store %arg13[%swap3A_2304, %swap3A_2305], %broadcast_in_dim3A_2303 {strides = array<i32>} : memref<80x128xf32, #tpu.memory_space<vmem>>, vector<16xf32>,
      %broadcast_in_dim3A_2307 = arith.constant 0.000000e+00 : f32
      %broadcast_in_dim3A_2308 = vector.broadcast %broadcast_in_dim3A_2307 : f32 to vector<16xf32>
      %swap3A_2309 = arith.index_cast %scan3A_2275 : i32 to index
      %swap3A_2310 = arith.constant 96 : index
      %swap3A_2311 = tpu.vector_load %arg13[%swap3A_2309, %swap3A_2310] {strides = array<i32>} : memref<80x128xf32, #tpu.memory_space<vmem>>, vector<16xf32>,
      tpu.vector_store %arg13[%swap3A_2309, %swap3A_2310], %broadcast_in_dim3A_2308 {strides = array<i32>} : memref<80x128xf32, #tpu.memory_space<vmem>>, vector<16xf32>,
      %broadcast_in_dim3A_2312 = arith.constant 0.000000e+00 : f32
      %broadcast_in_dim3A_2313 = vector.broadcast %broadcast_in_dim3A_2312 : f32 to vector<16xf32>
      %swap3A_2314 = arith.index_cast %scan3A_2275 : i32 to index
      %swap3A_2315 = arith.constant 112 : index
      %swap3A_2316 = tpu.vector_load %arg13[%swap3A_2314, %swap3A_2315] {strides = array<i32>} : memref<80x128xf32, #tpu.memory_space<vmem>>, vector<16xf32>,
      tpu.vector_store %arg13[%swap3A_2314, %swap3A_2315], %broadcast_in_dim3A_2313 {strides = array<i32>} : memref<80x128xf32, #tpu.memory_space<vmem>>, vector<16xf32>,
      %scan3A_2317 = arith.constant 0 : i32
      scf.yield %scan3A_2317 : i32
    }
    %scan3A_7 = arith.constant 80 : i32
    %scan3A_8 = arith.constant 0 : i32
    %scan3A_9 = arith.constant 0 : i32
    %scan3A_10 = arith.constant 640 : i32
    %scan3A_11 = arith.addi %scan3A_9, %scan3A_10 : i32
    %scan3A_12 = arith.constant 1 : i32
    %scan3A_13 = scf.for %scan3A_2275 = %scan3A_9 to %scan3A_11 step %scan3A_12 iter_args(%scan3A_2276 = %scan3A_8) -> (i32)  : i32 {
      %broadcast_in_dim3A_2277 = arith.constant 0.000000e+00 : f32
      %broadcast_in_dim3A_2278 = vector.broadcast %broadcast_in_dim3A_2277 : f32 to vector<16xf32>
      %mul3A_2279 = arith.constant 16 : i32
      %mul3A_2280 = arith.muli %scan3A_2275, %mul3A_2279 : i32
      %swap3A_2281 = arith.index_cast %mul3A_2280 : i32 to index
      %swap3A_2282 = tpu.vector_load %arg15[%swap3A_2281] {strides = array<i32>} : memref<10240xf32, #tpu.memory_space<vmem>>, vector<16xf32>,
      tpu.vector_store %arg15[%swap3A_2281], %broadcast_in_dim3A_2278 {strides = array<i32>} : memref<10240xf32, #tpu.memory_space<vmem>>, vector<16xf32>,
      %scan3A_2283 = arith.constant 0 : i32
      scf.yield %scan3A_2283 : i32
    }
    %scan3A_14 = arith.constant 640 : i32
    %mul3A_15 = arith.constant 624 : i32
    %mul3A_16 = arith.muli %arg1, %mul3A_15 : i32
    %add3A_17 = arith.constant 0 : i32
    %add3A_18 = arith.addi %mul3A_16, %add3A_17 : i32
    "tpu.region"() ({
      %run_scoped3A = tpu.sem_alloc : memref<!tpu.dma_semaphore, #tpu.memory_space<semaphore_mem>>
      %dma_start3A_2275 = arith.constant 0 : i32
      %dma_start3A_2276 = arith.constant 0 : i32
      %dma_start3A_2277 = tpu.memref_slice %arg13[%dma_start3A_2275, %dma_start3A_2276] : memref<80x128xf32, #tpu.memory_space<vmem>> -> memref<80x128xf32, #tpu.memory_space<vmem>>
      %dma_start3A_2278 = arith.constant 0 : i32
      %dma_start3A_2279 = tpu.memref_slice %arg7[%add3A_18, %dma_start3A_2278] : memref<10000x128xf32, #tpu.memory_space<vmem_shared>> -> memref<80x128xf32, #tpu.memory_space<vmem_shared>>
      %dma_start3A_2280 = arith.constant 0 : i32
      %dma_start3A_2281 = tpu.memref_slice %arg7[%add3A_18, %dma_start3A_2280] : memref<10000x128xf32, #tpu.memory_space<vmem_shared>> -> memref<80x128xf32, #tpu.memory_space<vmem_shared>>
      %dma_start3A_2282 = arith.constant 0 : i32
      %dma_start3A_2283 = arith.constant 0 : i32
      %dma_start3A_2284 = tpu.memref_slice %arg13[%dma_start3A_2282, %dma_start3A_2283] : memref<80x128xf32, #tpu.memory_space<vmem>> -> memref<80x128xf32, #tpu.memory_space<vmem>>
      tpu.enqueue_dma source(%dma_start3A_2284 : memref<80x128xf32, #tpu.memory_space<vmem>>) target(%dma_start3A_2281 : memref<80x128xf32, #tpu.memory_space<vmem_shared>>) target_semaphore(%run_scoped3A : memref<!tpu.dma_semaphore, #tpu.memory_space<semaphore_mem>>)
      %dma_wait3A_2285 = arith.constant 0 : i32
      %dma_wait3A_2286 = arith.constant 0 : i32
      %dma_wait3A_2287 = tpu.memref_slice %arg13[%dma_wait3A_2285, %dma_wait3A_2286] : memref<80x128xf32, #tpu.memory_space<vmem>> -> memref<80x128xf32, #tpu.memory_space<vmem>>
      %dma_wait3A_2288 = arith.constant 0 : i32
      %dma_wait3A_2289 = tpu.memref_slice %arg7[%add3A_18, %dma_wait3A_2288] : memref<10000x128xf32, #tpu.memory_space<vmem_shared>> -> memref<80x128xf32, #tpu.memory_space<vmem_shared>>
      %dma_wait3A_2290 = arith.constant 0 : i32
      %dma_wait3A_2291 = tpu.memref_slice %arg7[%add3A_18, %dma_wait3A_2290] : memref<10000x128xf32, #tpu.memory_space<vmem_shared>> -> memref<80x128xf32, #tpu.memory_space<vmem_shared>>
      %dma_wait3A_2292 = arith.constant 0 : i32
      %dma_wait3A_2293 = arith.constant 0 : i32
      %dma_wait3A_2294 = tpu.memref_slice %arg13[%dma_wait3A_2292, %dma_wait3A_2293] : memref<80x128xf32, #tpu.memory_space<vmem>> -> memref<80x128xf32, #tpu.memory_space<vmem>>
      tpu.wait_dma2 semaphore(%run_scoped3A : memref<!tpu.dma_semaphore, #tpu.memory_space<semaphore_mem>>) src(%dma_wait3A_2294 : memref<80x128xf32, #tpu.memory_space<vmem>>) dst(%dma_wait3A_2291 : memref<80x128xf32, #tpu.memory_space<vmem_shared>>)
      tpu.yield
    }) : () -> ()
    %add3A_19 = arith.constant 80 : i32
    %add3A_20 = arith.addi %mul3A_16, %add3A_19 : i32
    "tpu.region"() ({
      %run_scoped3A = tpu.sem_alloc : memref<!tpu.dma_semaphore, #tpu.memory_space<semaphore_mem>>
      %dma_start3A_2275 = arith.constant 0 : i32
      %dma_start3A_2276 = arith.constant 0 : i32
      %dma_start3A_2277 = tpu.memref_slice %arg13[%dma_start3A_2275, %dma_start3A_2276] : memref<80x128xf32, #tpu.memory_space<vmem>> -> memref<80x128xf32, #tpu.memory_space<vmem>>
      %dma_start3A_2278 = arith.constant 0 : i32
      %dma_start3A_2279 = tpu.memref_slice %arg7[%add3A_20, %dma_start3A_2278] : memref<10000x128xf32, #tpu.memory_space<vmem_shared>> -> memref<80x128xf32, #tpu.memory_space<vmem_shared>>
      %dma_start3A_2280 = arith.constant 0 : i32
      %dma_start3A_2281 = tpu.memref_slice %arg7[%add3A_20, %dma_start3A_2280] : memref<10000x128xf32, #tpu.memory_space<vmem_shared>> -> memref<80x128xf32, #tpu.memory_space<vmem_shared>>
      %dma_start3A_2282 = arith.constant 0 : i32
      %dma_start3A_2283 = arith.constant 0 : i32
      %dma_start3A_2284 = tpu.memref_slice %arg13[%dma_start3A_2282, %dma_start3A_2283] : memref<80x128xf32, #tpu.memory_space<vmem>> -> memref<80x128xf32, #tpu.memory_space<vmem>>
      tpu.enqueue_dma source(%dma_start3A_2284 : memref<80x128xf32, #tpu.memory_space<vmem>>) target(%dma_start3A_2281 : memref<80x128xf32, #tpu.memory_space<vmem_shared>>) target_semaphore(%run_scoped3A : memref<!tpu.dma_semaphore, #tpu.memory_space<semaphore_mem>>)
      %dma_wait3A_2285 = arith.constant 0 : i32
      %dma_wait3A_2286 = arith.constant 0 : i32
      %dma_wait3A_2287 = tpu.memref_slice %arg13[%dma_wait3A_2285, %dma_wait3A_2286] : memref<80x128xf32, #tpu.memory_space<vmem>> -> memref<80x128xf32, #tpu.memory_space<vmem>>
      %dma_wait3A_2288 = arith.constant 0 : i32
      %dma_wait3A_2289 = tpu.memref_slice %arg7[%add3A_20, %dma_wait3A_2288] : memref<10000x128xf32, #tpu.memory_space<vmem_shared>> -> memref<80x128xf32, #tpu.memory_space<vmem_shared>>
      %dma_wait3A_2290 = arith.constant 0 : i32
      %dma_wait3A_2291 = tpu.memref_slice %arg7[%add3A_20, %dma_wait3A_2290] : memref<10000x128xf32, #tpu.memory_space<vmem_shared>> -> memref<80x128xf32, #tpu.memory_space<vmem_shared>>
      %dma_wait3A_2292 = arith.constant 0 : i32
      %dma_wait3A_2293 = arith.constant 0 : i32
      %dma_wait3A_2294 = tpu.memref_slice %arg13[%dma_wait3A_2292, %dma_wait3A_2293] : memref<80x128xf32, #tpu.memory_space<vmem>> -> memref<80x128xf32, #tpu.memory_space<vmem>>
      tpu.wait_dma2 semaphore(%run_scoped3A : memref<!tpu.dma_semaphore, #tpu.memory_space<semaphore_mem>>) src(%dma_wait3A_2294 : memref<80x128xf32, #tpu.memory_space<vmem>>) dst(%dma_wait3A_2291 : memref<80x128xf32, #tpu.memory_space<vmem_shared>>)
      tpu.yield
    }) : () -> ()
    %add3A_21 = arith.constant 160 : i32
    %add3A_22 = arith.addi %mul3A_16, %add3A_21 : i32
    "tpu.region"() ({
      %run_scoped3A = tpu.sem_alloc : memref<!tpu.dma_semaphore, #tpu.memory_space<semaphore_mem>>
      %dma_start3A_2275 = arith.constant 0 : i32
      %dma_start3A_2276 = arith.constant 0 : i32
      %dma_start3A_2277 = tpu.memref_slice %arg13[%dma_start3A_2275, %dma_start3A_2276] : memref<80x128xf32, #tpu.memory_space<vmem>> -> memref<80x128xf32, #tpu.memory_space<vmem>>
      %dma_start3A_2278 = arith.constant 0 : i32
      %dma_start3A_2279 = tpu.memref_slice %arg7[%add3A_22, %dma_start3A_2278] : memref<10000x128xf32, #tpu.memory_space<vmem_shared>> -> memref<80x128xf32, #tpu.memory_space<vmem_shared>>
      %dma_start3A_2280 = arith.constant 0 : i32
      %dma_start3A_2281 = tpu.memref_slice %arg7[%add3A_22, %dma_start3A_2280] : memref<10000x128xf32, #tpu.memory_space<vmem_shared>> -> memref<80x128xf32, #tpu.memory_space<vmem_shared>>
      %dma_start3A_2282 = arith.constant 0 : i32
      %dma_start3A_2283 = arith.constant 0 : i32
      %dma_start3A_2284 = tpu.memref_slice %arg13[%dma_start3A_2282, %dma_start3A_2283] : memref<80x128xf32, #tpu.memory_space<vmem>> -> memref<80x128xf32, #tpu.memory_space<vmem>>
      tpu.enqueue_dma source(%dma_start3A_2284 : memref<80x128xf32, #tpu.memory_space<vmem>>) target(%dma_start3A_2281 : memref<80x128xf32, #tpu.memory_space<vmem_shared>>) target_semaphore(%run_scoped3A : memref<!tpu.dma_semaphore, #tpu.memory_space<semaphore_mem>>)
      %dma_wait3A_2285 = arith.constant 0 : i32
      %dma_wait3A_2286 = arith.constant 0 : i32
      %dma_wait3A_2287 = tpu.memref_slice %arg13[%dma_wait3A_2285, %dma_wait3A_2286] : memref<80x128xf32, #tpu.memory_space<vmem>> -> memref<80x128xf32, #tpu.memory_space<vmem>>
      %dma_wait3A_2288 = arith.constant 0 : i32
      %dma_wait3A_2289 = tpu.memref_slice %arg7[%add3A_22, %dma_wait3A_2288] : memref<10000x128xf32, #tpu.memory_space<vmem_shared>> -> memref<80x128xf32, #tpu.memory_space<vmem_shared>>
      %dma_wait3A_2290 = arith.constant 0 : i32
      %dma_wait3A_2291 = tpu.memref_slice %arg7[%add3A_22, %dma_wait3A_2290] : memref<10000x128xf32, #tpu.memory_space<vmem_shared>> -> memref<80x128xf32, #tpu.memory_space<vmem_shared>>
      %dma_wait3A_2292 = arith.constant 0 : i32
      %dma_wait3A_2293 = arith.constant 0 : i32
      %dma_wait3A_2294 = tpu.memref_slice %arg13[%dma_wait3A_2292, %dma_wait3A_2293] : memref<80x128xf32, #tpu.memory_space<vmem>> -> memref<80x128xf32, #tpu.memory_space<vmem>>
      tpu.wait_dma2 semaphore(%run_scoped3A : memref<!tpu.dma_semaphore, #tpu.memory_space<semaphore_mem>>) src(%dma_wait3A_2294 : memref<80x128xf32, #tpu.memory_space<vmem>>) dst(%dma_wait3A_2291 : memref<80x128xf32, #tpu.memory_space<vmem_shared>>)
      tpu.yield
    }) : () -> ()
    %add3A_23 = arith.constant 240 : i32
    %add3A_24 = arith.addi %mul3A_16, %add3A_23 : i32
    "tpu.region"() ({
      %run_scoped3A = tpu.sem_alloc : memref<!tpu.dma_semaphore, #tpu.memory_space<semaphore_mem>>
      %dma_start3A_2275 = arith.constant 0 : i32
      %dma_start3A_2276 = arith.constant 0 : i32
      %dma_start3A_2277 = tpu.memref_slice %arg13[%dma_start3A_2275, %dma_start3A_2276] : memref<80x128xf32, #tpu.memory_space<vmem>> -> memref<80x128xf32, #tpu.memory_space<vmem>>
      %dma_start3A_2278 = arith.constant 0 : i32
      %dma_start3A_2279 = tpu.memref_slice %arg7[%add3A_24, %dma_start3A_2278] : memref<10000x128xf32, #tpu.memory_space<vmem_shared>> -> memref<80x128xf32, #tpu.memory_space<vmem_shared>>
      %dma_start3A_2280 = arith.constant 0 : i32
      %dma_start3A_2281 = tpu.memref_slice %arg7[%add3A_24, %dma_start3A_2280] : memref<10000x128xf32, #tpu.memory_space<vmem_shared>> -> memref<80x128xf32, #tpu.memory_space<vmem_shared>>
      %dma_start3A_2282 = arith.constant 0 : i32
      %dma_start3A_2283 = arith.constant 0 : i32
      %dma_start3A_2284 = tpu.memref_slice %arg13[%dma_start3A_2282, %dma_start3A_2283] : memref<80x128xf32, #tpu.memory_space<vmem>> -> memref<80x128xf32, #tpu.memory_space<vmem>>
      tpu.enqueue_dma source(%dma_start3A_2284 : memref<80x128xf32, #tpu.memory_space<vmem>>) target(%dma_start3A_2281 : memref<80x128xf32, #tpu.memory_space<vmem_shared>>) target_semaphore(%run_scoped3A : memref<!tpu.dma_semaphore, #tpu.memory_space<semaphore_mem>>)
      %dma_wait3A_2285 = arith.constant 0 : i32
      %dma_wait3A_2286 = arith.constant 0 : i32
      %dma_wait3A_2287 = tpu.memref_slice %arg13[%dma_wait3A_2285, %dma_wait3A_2286] : memref<80x128xf32, #tpu.memory_space<vmem>> -> memref<80x128xf32, #tpu.memory_space<vmem>>
      %dma_wait3A_2288 = arith.constant 0 : i32
      %dma_wait3A_2289 = tpu.memref_slice %arg7[%add3A_24, %dma_wait3A_2288] : memref<10000x128xf32, #tpu.memory_space<vmem_shared>> -> memref<80x128xf32, #tpu.memory_space<vmem_shared>>
      %dma_wait3A_2290 = arith.constant 0 : i32
      %dma_wait3A_2291 = tpu.memref_slice %arg7[%add3A_24, %dma_wait3A_2290] : memref<10000x128xf32, #tpu.memory_space<vmem_shared>> -> memref<80x128xf32, #tpu.memory_space<vmem_shared>>
      %dma_wait3A_2292 = arith.constant 0 : i32
      %dma_wait3A_2293 = arith.constant 0 : i32
      %dma_wait3A_2294 = tpu.memref_slice %arg13[%dma_wait3A_2292, %dma_wait3A_2293] : memref<80x128xf32, #tpu.memory_space<vmem>> -> memref<80x128xf32, #tpu.memory_space<vmem>>
      tpu.wait_dma2 semaphore(%run_scoped3A : memref<!tpu.dma_semaphore, #tpu.memory_space<semaphore_mem>>) src(%dma_wait3A_2294 : memref<80x128xf32, #tpu.memory_space<vmem>>) dst(%dma_wait3A_2291 : memref<80x128xf32, #tpu.memory_space<vmem_shared>>)
      tpu.yield
    }) : () -> ()
    %add3A_25 = arith.constant 320 : i32
    %add3A_26 = arith.addi %mul3A_16, %add3A_25 : i32
    "tpu.region"() ({
      %run_scoped3A = tpu.sem_alloc : memref<!tpu.dma_semaphore, #tpu.memory_space<semaphore_mem>>
      %dma_start3A_2275 = arith.constant 0 : i32
      %dma_start3A_2276 = arith.constant 0 : i32
      %dma_start3A_2277 = tpu.memref_slice %arg13[%dma_start3A_2275, %dma_start3A_2276] : memref<80x128xf32, #tpu.memory_space<vmem>> -> memref<80x128xf32, #tpu.memory_space<vmem>>
      %dma_start3A_2278 = arith.constant 0 : i32
      %dma_start3A_2279 = tpu.memref_slice %arg7[%add3A_26, %dma_start3A_2278] : memref<10000x128xf32, #tpu.memory_space<vmem_shared>> -> memref<80x128xf32, #tpu.memory_space<vmem_shared>>
      %dma_start3A_2280 = arith.constant 0 : i32
      %dma_start3A_2281 = tpu.memref_slice %arg7[%add3A_26, %dma_start3A_2280] : memref<10000x128xf32, #tpu.memory_space<vmem_shared>> -> memref<80x128xf32, #tpu.memory_space<vmem_shared>>
      %dma_start3A_2282 = arith.constant 0 : i32
      %dma_start3A_2283 = arith.constant 0 : i32
      %dma_start3A_2284 = tpu.memref_slice %arg13[%dma_start3A_2282, %dma_start3A_2283] : memref<80x128xf32, #tpu.memory_space<vmem>> -> memref<80x128xf32, #tpu.memory_space<vmem>>
      tpu.enqueue_dma source(%dma_start3A_2284 : memref<80x128xf32, #tpu.memory_space<vmem>>) target(%dma_start3A_2281 : memref<80x128xf32, #tpu.memory_space<vmem_shared>>) target_semaphore(%run_scoped3A : memref<!tpu.dma_semaphore, #tpu.memory_space<semaphore_mem>>)
      %dma_wait3A_2285 = arith.constant 0 : i32
      %dma_wait3A_2286 = arith.constant 0 : i32
      %dma_wait3A_2287 = tpu.memref_slice %arg13[%dma_wait3A_2285, %dma_wait3A_2286] : memref<80x128xf32, #tpu.memory_space<vmem>> -> memref<80x128xf32, #tpu.memory_space<vmem>>
      %dma_wait3A_2288 = arith.constant 0 : i32
      %dma_wait3A_2289 = tpu.memref_slice %arg7[%add3A_26, %dma_wait3A_2288] : memref<10000x128xf32, #tpu.memory_space<vmem_shared>> -> memref<80x128xf32, #tpu.memory_space<vmem_shared>>
      %dma_wait3A_2290 = arith.constant 0 : i32
      %dma_wait3A_2291 = tpu.memref_slice %arg7[%add3A_26, %dma_wait3A_2290] : memref<10000x128xf32, #tpu.memory_space<vmem_shared>> -> memref<80x128xf32, #tpu.memory_space<vmem_shared>>
      %dma_wait3A_2292 = arith.constant 0 : i32
      %dma_wait3A_2293 = arith.constant 0 : i32
      %dma_wait3A_2294 = tpu.memref_slice %arg13[%dma_wait3A_2292, %dma_wait3A_2293] : memref<80x128xf32, #tpu.memory_space<vmem>> -> memref<80x128xf32, #tpu.memory_space<vmem>>
      tpu.wait_dma2 semaphore(%run_scoped3A : memref<!tpu.dma_semaphore, #tpu.memory_space<semaphore_mem>>) src(%dma_wait3A_2294 : memref<80x128xf32, #tpu.memory_space<vmem>>) dst(%dma_wait3A_2291 : memref<80x128xf32, #tpu.memory_space<vmem_shared>>)
      tpu.yield
    }) : () -> ()
    %add3A_27 = arith.constant 400 : i32
    %add3A_28 = arith.addi %mul3A_16, %add3A_27 : i32
    "tpu.region"() ({
      %run_scoped3A = tpu.sem_alloc : memref<!tpu.dma_semaphore, #tpu.memory_space<semaphore_mem>>
      %dma_start3A_2275 = arith.constant 0 : i32
      %dma_start3A_2276 = arith.constant 0 : i32
      %dma_start3A_2277 = tpu.memref_slice %arg13[%dma_start3A_2275, %dma_start3A_2276] : memref<80x128xf32, #tpu.memory_space<vmem>> -> memref<80x128xf32, #tpu.memory_space<vmem>>
      %dma_start3A_2278 = arith.constant 0 : i32
      %dma_start3A_2279 = tpu.memref_slice %arg7[%add3A_28, %dma_start3A_2278] : memref<10000x128xf32, #tpu.memory_space<vmem_shared>> -> memref<80x128xf32, #tpu.memory_space<vmem_shared>>
      %dma_start3A_2280 = arith.constant 0 : i32
      %dma_start3A_2281 = tpu.memref_slice %arg7[%add3A_28, %dma_start3A_2280] : memref<10000x128xf32, #tpu.memory_space<vmem_shared>> -> memref<80x128xf32, #tpu.memory_space<vmem_shared>>
      %dma_start3A_2282 = arith.constant 0 : i32
      %dma_start3A_2283 = arith.constant 0 : i32
      %dma_start3A_2284 = tpu.memref_slice %arg13[%dma_start3A_2282, %dma_start3A_2283] : memref<80x128xf32, #tpu.memory_space<vmem>> -> memref<80x128xf32, #tpu.memory_space<vmem>>
      tpu.enqueue_dma source(%dma_start3A_2284 : memref<80x128xf32, #tpu.memory_space<vmem>>) target(%dma_start3A_2281 : memref<80x128xf32, #tpu.memory_space<vmem_shared>>) target_semaphore(%run_scoped3A : memref<!tpu.dma_semaphore, #tpu.memory_space<semaphore_mem>>)
      %dma_wait3A_2285 = arith.constant 0 : i32
      %dma_wait3A_2286 = arith.constant 0 : i32
      %dma_wait3A_2287 = tpu.memref_slice %arg13[%dma_wait3A_2285, %dma_wait3A_2286] : memref<80x128xf32, #tpu.memory_space<vmem>> -> memref<80x128xf32, #tpu.memory_space<vmem>>
      %dma_wait3A_2288 = arith.constant 0 : i32
      %dma_wait3A_2289 = tpu.memref_slice %arg7[%add3A_28, %dma_wait3A_2288] : memref<10000x128xf32, #tpu.memory_space<vmem_shared>> -> memref<80x128xf32, #tpu.memory_space<vmem_shared>>
      %dma_wait3A_2290 = arith.constant 0 : i32
      %dma_wait3A_2291 = tpu.memref_slice %arg7[%add3A_28, %dma_wait3A_2290] : memref<10000x128xf32, #tpu.memory_space<vmem_shared>> -> memref<80x128xf32, #tpu.memory_space<vmem_shared>>
      %dma_wait3A_2292 = arith.constant 0 : i32
      %dma_wait3A_2293 = arith.constant 0 : i32
      %dma_wait3A_2294 = tpu.memref_slice %arg13[%dma_wait3A_2292, %dma_wait3A_2293] : memref<80x128xf32, #tpu.memory_space<vmem>> -> memref<80x128xf32, #tpu.memory_space<vmem>>
      tpu.wait_dma2 semaphore(%run_scoped3A : memref<!tpu.dma_semaphore, #tpu.memory_space<semaphore_mem>>) src(%dma_wait3A_2294 : memref<80x128xf32, #tpu.memory_space<vmem>>) dst(%dma_wait3A_2291 : memref<80x128xf32, #tpu.memory_space<vmem_shared>>)
      tpu.yield
    }) : () -> ()
    %add3A_29 = arith.constant 480 : i32
    %add3A_30 = arith.addi %mul3A_16, %add3A_29 : i32
    "tpu.region"() ({
      %run_scoped3A = tpu.sem_alloc : memref<!tpu.dma_semaphore, #tpu.memory_space<semaphore_mem>>
      %dma_start3A_2275 = arith.constant 0 : i32
      %dma_start3A_2276 = arith.constant 0 : i32
      %dma_start3A_2277 = tpu.memref_slice %arg13[%dma_start3A_2275, %dma_start3A_2276] : memref<80x128xf32, #tpu.memory_space<vmem>> -> memref<80x128xf32, #tpu.memory_space<vmem>>
      %dma_start3A_2278 = arith.constant 0 : i32
      %dma_start3A_2279 = tpu.memref_slice %arg7[%add3A_30, %dma_start3A_2278] : memref<10000x128xf32, #tpu.memory_space<vmem_shared>> -> memref<80x128xf32, #tpu.memory_space<vmem_shared>>
      %dma_start3A_2280 = arith.constant 0 : i32
      %dma_start3A_2281 = tpu.memref_slice %arg7[%add3A_30, %dma_start3A_2280] : memref<10000x128xf32, #tpu.memory_space<vmem_shared>> -> memref<80x128xf32, #tpu.memory_space<vmem_shared>>
      %dma_start3A_2282 = arith.constant 0 : i32
      %dma_start3A_2283 = arith.constant 0 : i32
      %dma_start3A_2284 = tpu.memref_slice %arg13[%dma_start3A_2282, %dma_start3A_2283] : memref<80x128xf32, #tpu.memory_space<vmem>> -> memref<80x128xf32, #tpu.memory_space<vmem>>
      tpu.enqueue_dma source(%dma_start3A_2284 : memref<80x128xf32, #tpu.memory_space<vmem>>) target(%dma_start3A_2281 : memref<80x128xf32, #tpu.memory_space<vmem_shared>>) target_semaphore(%run_scoped3A : memref<!tpu.dma_semaphore, #tpu.memory_space<semaphore_mem>>)
      %dma_wait3A_2285 = arith.constant 0 : i32
      %dma_wait3A_2286 = arith.constant 0 : i32
      %dma_wait3A_2287 = tpu.memref_slice %arg13[%dma_wait3A_2285, %dma_wait3A_2286] : memref<80x128xf32, #tpu.memory_space<vmem>> -> memref<80x128xf32, #tpu.memory_space<vmem>>
      %dma_wait3A_2288 = arith.constant 0 : i32
      %dma_wait3A_2289 = tpu.memref_slice %arg7[%add3A_30, %dma_wait3A_2288] : memref<10000x128xf32, #tpu.memory_space<vmem_shared>> -> memref<80x128xf32, #tpu.memory_space<vmem_shared>>
      %dma_wait3A_2290 = arith.constant 0 : i32
      %dma_wait3A_2291 = tpu.memref_slice %arg7[%add3A_30, %dma_wait3A_2290] : memref<10000x128xf32, #tpu.memory_space<vmem_shared>> -> memref<80x128xf32, #tpu.memory_space<vmem_shared>>
      %dma_wait3A_2292 = arith.constant 0 : i32
      %dma_wait3A_2293 = arith.constant 0 : i32
      %dma_wait3A_2294 = tpu.memref_slice %arg13[%dma_wait3A_2292, %dma_wait3A_2293] : memref<80x128xf32, #tpu.memory_space<vmem>> -> memref<80x128xf32, #tpu.memory_space<vmem>>
      tpu.wait_dma2 semaphore(%run_scoped3A : memref<!tpu.dma_semaphore, #tpu.memory_space<semaphore_mem>>) src(%dma_wait3A_2294 : memref<80x128xf32, #tpu.memory_space<vmem>>) dst(%dma_wait3A_2291 : memref<80x128xf32, #tpu.memory_space<vmem_shared>>)
      tpu.yield
    }) : () -> ()
    %add3A_31 = arith.constant 560 : i32
    %add3A_32 = arith.addi %mul3A_16, %add3A_31 : i32
    "tpu.region"() ({
      %run_scoped3A = tpu.sem_alloc : memref<!tpu.dma_semaphore, #tpu.memory_space<semaphore_mem>>
      %dma_start3A_2275 = arith.constant 0 : i32
      %dma_start3A_2276 = arith.constant 0 : i32
      %dma_start3A_2277 = tpu.memref_slice %arg13[%dma_start3A_2275, %dma_start3A_2276] : memref<80x128xf32, #tpu.memory_space<vmem>> -> memref<64x128xf32, #tpu.memory_space<vmem>>
      %dma_start3A_2278 = arith.constant 0 : i32
      %dma_start3A_2279 = tpu.memref_slice %arg7[%add3A_32, %dma_start3A_2278] : memref<10000x128xf32, #tpu.memory_space<vmem_shared>> -> memref<64x128xf32, #tpu.memory_space<vmem_shared>>
      %dma_start3A_2280 = arith.constant 0 : i32
      %dma_start3A_2281 = tpu.memref_slice %arg7[%add3A_32, %dma_start3A_2280] : memref<10000x128xf32, #tpu.memory_space<vmem_shared>> -> memref<64x128xf32, #tpu.memory_space<vmem_shared>>
      %dma_start3A_2282 = arith.constant 0 : i32
      %dma_start3A_2283 = arith.constant 0 : i32
      %dma_start3A_2284 = tpu.memref_slice %arg13[%dma_start3A_2282, %dma_start3A_2283] : memref<80x128xf32, #tpu.memory_space<vmem>> -> memref<64x128xf32, #tpu.memory_space<vmem>>
      tpu.enqueue_dma source(%dma_start3A_2284 : memref<64x128xf32, #tpu.memory_space<vmem>>) target(%dma_start3A_2281 : memref<64x128xf32, #tpu.memory_space<vmem_shared>>) target_semaphore(%run_scoped3A : memref<!tpu.dma_semaphore, #tpu.memory_space<semaphore_mem>>)
      %dma_wait3A_2285 = arith.constant 0 : i32
      %dma_wait3A_2286 = arith.constant 0 : i32
      %dma_wait3A_2287 = tpu.memref_slice %arg13[%dma_wait3A_2285, %dma_wait3A_2286] : memref<80x128xf32, #tpu.memory_space<vmem>> -> memref<64x128xf32, #tpu.memory_space<vmem>>
      %dma_wait3A_2288 = arith.constant 0 : i32
      %dma_wait3A_2289 = tpu.memref_slice %arg7[%add3A_32, %dma_wait3A_2288] : memref<10000x128xf32, #tpu.memory_space<vmem_shared>> -> memref<64x128xf32, #tpu.memory_space<vmem_shared>>
      %dma_wait3A_2290 = arith.constant 0 : i32
      %dma_wait3A_2291 = tpu.memref_slice %arg7[%add3A_32, %dma_wait3A_2290] : memref<10000x128xf32, #tpu.memory_space<vmem_shared>> -> memref<64x128xf32, #tpu.memory_space<vmem_shared>>
      %dma_wait3A_2292 = arith.constant 0 : i32
      %dma_wait3A_2293 = arith.constant 0 : i32
      %dma_wait3A_2294 = tpu.memref_slice %arg13[%dma_wait3A_2292, %dma_wait3A_2293] : memref<80x128xf32, #tpu.memory_space<vmem>> -> memref<64x128xf32, #tpu.memory_space<vmem>>
      tpu.wait_dma2 semaphore(%run_scoped3A : memref<!tpu.dma_semaphore, #tpu.memory_space<semaphore_mem>>) src(%dma_wait3A_2294 : memref<64x128xf32, #tpu.memory_space<vmem>>) dst(%dma_wait3A_2291 : memref<64x128xf32, #tpu.memory_space<vmem_shared>>)
      tpu.yield
    }) : () -> ()
    %eq3A = arith.constant 15 : i32
    %eq3A_33 = arith.cmpi eq, %arg1, %eq3A : i32
    %convert_element_type3A = arith.extui %eq3A_33 : i1 to i32
    %cond3A = arith.constant 0 : i32
    %cond3A_34 = arith.cmpi ne, %convert_element_type3A, %cond3A : i32
    scf.if %cond3A_34 {
      "tpu.region"() ({
        %run_scoped3A = tpu.sem_alloc : memref<!tpu.dma_semaphore, #tpu.memory_space<semaphore_mem>>
        %dma_start3A_2275 = arith.constant 0 : i32
        %dma_start3A_2276 = arith.constant 0 : i32
        %dma_start3A_2277 = tpu.memref_slice %arg13[%dma_start3A_2275, %dma_start3A_2276] : memref<80x128xf32, #tpu.memory_space<vmem>> -> memref<16x128xf32, #tpu.memory_space<vmem>>
        %dma_start3A_2278 = arith.constant 9984 : i32
        %dma_start3A_2279 = arith.constant 0 : i32
        %dma_start3A_2280 = tpu.memref_slice %arg7[%dma_start3A_2278, %dma_start3A_2279] : memref<10000x128xf32, #tpu.memory_space<vmem_shared>> -> memref<16x128xf32, #tpu.memory_space<vmem_shared>>
        %dma_start3A_2281 = arith.constant 9984 : i32
        %dma_start3A_2282 = arith.constant 0 : i32
        %dma_start3A_2283 = tpu.memref_slice %arg7[%dma_start3A_2281, %dma_start3A_2282] : memref<10000x128xf32, #tpu.memory_space<vmem_shared>> -> memref<16x128xf32, #tpu.memory_space<vmem_shared>>
        %dma_start3A_2284 = arith.constant 0 : i32
        %dma_start3A_2285 = arith.constant 0 : i32
        %dma_start3A_2286 = tpu.memref_slice %arg13[%dma_start3A_2284, %dma_start3A_2285] : memref<80x128xf32, #tpu.memory_space<vmem>> -> memref<16x128xf32, #tpu.memory_space<vmem>>
        tpu.enqueue_dma source(%dma_start3A_2286 : memref<16x128xf32, #tpu.memory_space<vmem>>) target(%dma_start3A_2283 : memref<16x128xf32, #tpu.memory_space<vmem_shared>>) target_semaphore(%run_scoped3A : memref<!tpu.dma_semaphore, #tpu.memory_space<semaphore_mem>>)
        %dma_wait3A_2287 = arith.constant 0 : i32
        %dma_wait3A_2288 = arith.constant 0 : i32
        %dma_wait3A_2289 = tpu.memref_slice %arg13[%dma_wait3A_2287, %dma_wait3A_2288] : memref<80x128xf32, #tpu.memory_space<vmem>> -> memref<16x128xf32, #tpu.memory_space<vmem>>
        %dma_wait3A_2290 = arith.constant 9984 : i32
        %dma_wait3A_2291 = arith.constant 0 : i32
        %dma_wait3A_2292 = tpu.memref_slice %arg7[%dma_wait3A_2290, %dma_wait3A_2291] : memref<10000x128xf32, #tpu.memory_space<vmem_shared>> -> memref<16x128xf32, #tpu.memory_space<vmem_shared>>
        %dma_wait3A_2293 = arith.constant 9984 : i32
        %dma_wait3A_2294 = arith.constant 0 : i32
        %dma_wait3A_2295 = tpu.memref_slice %arg7[%dma_wait3A_2293, %dma_wait3A_2294] : memref<10000x128xf32, #tpu.memory_space<vmem_shared>> -> memref<16x128xf32, #tpu.memory_space<vmem_shared>>
        %dma_wait3A_2296 = arith.constant 0 : i32
        %dma_wait3A_2297 = arith.constant 0 : i32
        %dma_wait3A_2298 = tpu.memref_slice %arg13[%dma_wait3A_2296, %dma_wait3A_2297] : memref<80x128xf32, #tpu.memory_space<vmem>> -> memref<16x128xf32, #tpu.memory_space<vmem>>
        tpu.wait_dma2 semaphore(%run_scoped3A : memref<!tpu.dma_semaphore, #tpu.memory_space<semaphore_mem>>) src(%dma_wait3A_2298 : memref<16x128xf32, #tpu.memory_space<vmem>>) dst(%dma_wait3A_2295 : memref<16x128xf32, #tpu.memory_space<vmem_shared>>)
        tpu.yield
      }) : () -> ()
    } else {
    }
    %barrier3A = arith.constant 0 : index
    tpu.barrier barrier_id(%barrier3A)
    %mul3A_35 = arith.constant 10000 : i32
    %mul3A_36 = arith.muli %add3A, %mul3A_35 : i32
    "tpu.region"() ({
      %run_scoped3A = tpu.sem_alloc : memref<!tpu.dma_semaphore, #tpu.memory_space<semaphore_mem>>
      %dma_start3A_2275 = tpu.memref_slice %arg3[%mul3A_36] : memref<320000xi32, #tpu.memory_space<hbm>> -> memref<80xi32, #tpu.memory_space<hbm>>
      %dma_start3A_2276 = tpu.memref_slice %arg3[%mul3A_36] : memref<320000xi32, #tpu.memory_space<hbm>> -> memref<80xi32, #tpu.memory_space<hbm>>
      tpu.enqueue_dma source(%dma_start3A_2276 : memref<80xi32, #tpu.memory_space<hbm>>) target(%arg9 : memref<80xi32, #tpu.memory_space<vmem>>) target_semaphore(%run_scoped3A : memref<!tpu.dma_semaphore, #tpu.memory_space<semaphore_mem>>)
      %dma_wait3A_2277 = tpu.memref_slice %arg3[%mul3A_36] : memref<320000xi32, #tpu.memory_space<hbm>> -> memref<80xi32, #tpu.memory_space<hbm>>
      %dma_wait3A_2278 = tpu.memref_slice %arg3[%mul3A_36] : memref<320000xi32, #tpu.memory_space<hbm>> -> memref<80xi32, #tpu.memory_space<hbm>>
      tpu.wait_dma2 semaphore(%run_scoped3A : memref<!tpu.dma_semaphore, #tpu.memory_space<semaphore_mem>>) src(%dma_wait3A_2278 : memref<80xi32, #tpu.memory_space<hbm>>) dst(%arg9 : memref<80xi32, #tpu.memory_space<vmem>>)
      tpu.yield
    }) : () -> ()
    "tpu.region"() ({
      %run_scoped3A = tpu.sem_alloc : memref<!tpu.dma_semaphore, #tpu.memory_space<semaphore_mem>>
      %dma_start3A_2275 = tpu.memref_slice %arg4[%mul3A_36] : memref<320000xi32, #tpu.memory_space<hbm>> -> memref<80xi32, #tpu.memory_space<hbm>>
      %dma_start3A_2276 = tpu.memref_slice %arg4[%mul3A_36] : memref<320000xi32, #tpu.memory_space<hbm>> -> memref<80xi32, #tpu.memory_space<hbm>>
      tpu.enqueue_dma source(%dma_start3A_2276 : memref<80xi32, #tpu.memory_space<hbm>>) target(%arg10 : memref<80xi32, #tpu.memory_space<vmem>>) target_semaphore(%run_scoped3A : memref<!tpu.dma_semaphore, #tpu.memory_space<semaphore_mem>>)
      %dma_wait3A_2277 = tpu.memref_slice %arg4[%mul3A_36] : memref<320000xi32, #tpu.memory_space<hbm>> -> memref<80xi32, #tpu.memory_space<hbm>>
      %dma_wait3A_2278 = tpu.memref_slice %arg4[%mul3A_36] : memref<320000xi32, #tpu.memory_space<hbm>> -> memref<80xi32, #tpu.memory_space<hbm>>
      tpu.wait_dma2 semaphore(%run_scoped3A : memref<!tpu.dma_semaphore, #tpu.memory_space<semaphore_mem>>) src(%dma_wait3A_2278 : memref<80xi32, #tpu.memory_space<hbm>>) dst(%arg10 : memref<80xi32, #tpu.memory_space<vmem>>)
      tpu.yield
    }) : () -> ()
    %dma_start3A = arith.constant 0 : i32
    %dma_start3A_37 = arith.constant 0 : i32
    %dma_start3A_38 = tpu.memref_slice %arg2[%dma_start3A, %dma_start3A_37] : memref<10000x128xf32, #tpu.memory_space<hbm>> -> memref<10000x128xf32, #tpu.memory_space<hbm>>
    tpu.enqueue_indirect_dma source(%dma_start3A_38 : memref<10000x128xf32, #tpu.memory_space<hbm>>) target(%arg13 : memref<80x128xf32, #tpu.memory_space<vmem>>) offsets(%arg9 : memref<80xi32, #tpu.memory_space<vmem>>) semaphore(%arg19 : memref<!tpu.dma_semaphore, #tpu.memory_space<semaphore_mem>>)
    %add3A_39 = arith.constant 80 : i32
    %add3A_40 = arith.addi %mul3A_36, %add3A_39 : i32
    %min3A = arith.constant 319920 : i32
    %min3A_41 = arith.minsi %add3A_40, %min3A : i32
    %dma_start3A_42 = tpu.memref_slice %arg3[%min3A_41] : memref<320000xi32, #tpu.memory_space<hbm>> -> memref<80xi32, #tpu.memory_space<hbm>>
    %dma_start3A_43 = tpu.memref_slice %arg3[%min3A_41] : memref<320000xi32, #tpu.memory_space<hbm>> -> memref<80xi32, #tpu.memory_space<hbm>>
    tpu.enqueue_dma source(%dma_start3A_43 : memref<80xi32, #tpu.memory_space<hbm>>) target(%arg11 : memref<80xi32, #tpu.memory_space<vmem>>) target_semaphore(%arg23 : memref<!tpu.dma_semaphore, #tpu.memory_space<semaphore_mem>>)
    %dma_start3A_44 = tpu.memref_slice %arg4[%min3A_41] : memref<320000xi32, #tpu.memory_space<hbm>> -> memref<80xi32, #tpu.memory_space<hbm>>
    %dma_start3A_45 = tpu.memref_slice %arg4[%min3A_41] : memref<320000xi32, #tpu.memory_space<hbm>> -> memref<80xi32, #tpu.memory_space<hbm>>
    tpu.enqueue_dma source(%dma_start3A_45 : memref<80xi32, #tpu.memory_space<hbm>>) target(%arg12 : memref<80xi32, #tpu.memory_space<vmem>>) target_semaphore(%arg24 : memref<!tpu.dma_semaphore, #tpu.memory_space<semaphore_mem>>)
    %scan3A_46 = arith.constant 0 : i32
    %scan3A_47 = arith.constant 0 : i32
    %scan3A_48 = arith.constant 62 : i32
    %scan3A_49 = arith.addi %scan3A_47, %scan3A_48 : i32
    %scan3A_50 = arith.constant 1 : i32
    %scan3A_51 = scf.for %scan3A_2275 = %scan3A_47 to %scan3A_49 step %scan3A_50 iter_args(%scan3A_2276 = %scan3A_46) -> (i32)  : i32 {
      %mul3A_2277 = arith.constant 2 : i32
      %mul3A_2278 = arith.muli %mul3A_2277, %scan3A_2275 : i32
      %add3A_2279 = arith.constant 1 : i32
      %add3A_2280 = arith.addi %mul3A_2278, %add3A_2279 : i32
      %mul3A_2281 = arith.constant 80 : i32
      %mul3A_2282 = arith.muli %add3A_2280, %mul3A_2281 : i32
      %add3A_2283 = arith.addi %mul3A_36, %mul3A_2282 : i32
      %min3A_2284 = arith.constant 319920 : i32
      %min3A_2285 = arith.minsi %add3A_2283, %min3A_2284 : i32
      %dma_wait3A_2286 = tpu.memref_slice %arg3[%min3A_2285] : memref<320000xi32, #tpu.memory_space<hbm>> -> memref<80xi32, #tpu.memory_space<hbm>>
      %dma_wait3A_2287 = tpu.memref_slice %arg3[%min3A_2285] : memref<320000xi32, #tpu.memory_space<hbm>> -> memref<80xi32, #tpu.memory_space<hbm>>
      tpu.wait_dma2 semaphore(%arg23 : memref<!tpu.dma_semaphore, #tpu.memory_space<semaphore_mem>>) src(%dma_wait3A_2287 : memref<80xi32, #tpu.memory_space<hbm>>) dst(%arg11 : memref<80xi32, #tpu.memory_space<vmem>>)
      %dma_wait3A_2288 = tpu.memref_slice %arg4[%min3A_2285] : memref<320000xi32, #tpu.memory_space<hbm>> -> memref<80xi32, #tpu.memory_space<hbm>>
      %dma_wait3A_2289 = tpu.memref_slice %arg4[%min3A_2285] : memref<320000xi32, #tpu.memory_space<hbm>> -> memref<80xi32, #tpu.memory_space<hbm>>
      tpu.wait_dma2 semaphore(%arg24 : memref<!tpu.dma_semaphore, #tpu.memory_space<semaphore_mem>>) src(%dma_wait3A_2289 : memref<80xi32, #tpu.memory_space<hbm>>) dst(%arg12 : memref<80xi32, #tpu.memory_space<vmem>>)
      %dma_start3A_2290 = arith.constant 0 : i32
      %dma_start3A_2291 = arith.constant 0 : i32
      %dma_start3A_2292 = tpu.memref_slice %arg2[%dma_start3A_2290, %dma_start3A_2291] : memref<10000x128xf32, #tpu.memory_space<hbm>> -> memref<10000x128xf32, #tpu.memory_space<hbm>>
      tpu.enqueue_indirect_dma source(%dma_start3A_2292 : memref<10000x128xf32, #tpu.memory_space<hbm>>) target(%arg14 : memref<80x128xf32, #tpu.memory_space<vmem>>) offsets(%arg11 : memref<80xi32, #tpu.memory_space<vmem>>) semaphore(%arg20 : memref<!tpu.dma_semaphore, #tpu.memory_space<semaphore_mem>>)
      %dma_wait3A_2293 = arith.constant 0 : i32
      %dma_wait3A_2294 = arith.constant 0 : i32
      %dma_wait3A_2295 = tpu.memref_slice %arg2[%dma_wait3A_2293, %dma_wait3A_2294] : memref<10000x128xf32, #tpu.memory_space<hbm>> -> memref<10000x128xf32, #tpu.memory_space<hbm>>
      tpu.wait_indirect_dma semaphore(%arg19 : memref<!tpu.dma_semaphore, #tpu.memory_space<semaphore_mem>>) src(%dma_wait3A_2295 : memref<10000x128xf32, #tpu.memory_space<hbm>>) dst(%arg13 : memref<80x128xf32, #tpu.memory_space<vmem>>)
      "tpu.region"() ({
        %run_scoped3A = tpu.sem_alloc : memref<!tpu.dma_semaphore, #tpu.memory_space<semaphore_mem>>
        %dma_start3A_2336 = arith.constant 0 : i32
        %dma_start3A_2337 = arith.constant 0 : i32
        %dma_start3A_2338 = tpu.memref_slice %arg7[%dma_start3A_2336, %dma_start3A_2337] : memref<10000x128xf32, #tpu.memory_space<vmem_shared>> -> memref<10000x128xf32, #tpu.memory_space<vmem_shared>>
        tpu.enqueue_indirect_dma source(%arg13 : memref<80x128xf32, #tpu.memory_space<vmem>>) target(%dma_start3A_2338 : memref<10000x128xf32, #tpu.memory_space<vmem_shared>>) offsets(%arg10 : memref<80xi32, #tpu.memory_space<vmem>>) semaphore(%run_scoped3A : memref<!tpu.dma_semaphore, #tpu.memory_space<semaphore_mem>>) {add = true}
        %dma_wait3A_2339 = arith.constant 0 : i32
        %dma_wait3A_2340 = arith.constant 0 : i32
        %dma_wait3A_2341 = tpu.memref_slice %arg7[%dma_wait3A_2339, %dma_wait3A_2340] : memref<10000x128xf32, #tpu.memory_space<vmem_shared>> -> memref<10000x128xf32, #tpu.memory_space<vmem_shared>>
        tpu.wait_indirect_dma semaphore(%run_scoped3A : memref<!tpu.dma_semaphore, #tpu.memory_space<semaphore_mem>>) src(%arg13 : memref<80x128xf32, #tpu.memory_space<vmem>>) dst(%dma_wait3A_2341 : memref<10000x128xf32, #tpu.memory_space<vmem_shared>>)
        tpu.yield
      }) : () -> ()
      %add3A_2296 = arith.constant 2 : i32
      %add3A_2297 = arith.addi %mul3A_2278, %add3A_2296 : i32
      %mul3A_2298 = arith.constant 80 : i32
      %mul3A_2299 = arith.muli %add3A_2297, %mul3A_2298 : i32
      %add3A_2300 = arith.addi %mul3A_36, %mul3A_2299 : i32
      %min3A_2301 = arith.constant 319920 : i32
      %min3A_2302 = arith.minsi %add3A_2300, %min3A_2301 : i32
      %dma_start3A_2303 = tpu.memref_slice %arg3[%min3A_2302] : memref<320000xi32, #tpu.memory_space<hbm>> -> memref<80xi32, #tpu.memory_space<hbm>>
      %dma_start3A_2304 = tpu.memref_slice %arg3[%min3A_2302] : memref<320000xi32, #tpu.memory_space<hbm>> -> memref<80xi32, #tpu.memory_space<hbm>>
      tpu.enqueue_dma source(%dma_start3A_2304 : memref<80xi32, #tpu.memory_space<hbm>>) target(%arg9 : memref<80xi32, #tpu.memory_space<vmem>>) target_semaphore(%arg21 : memref<!tpu.dma_semaphore, #tpu.memory_space<semaphore_mem>>)
      %dma_start3A_2305 = tpu.memref_slice %arg4[%min3A_2302] : memref<320000xi32, #tpu.memory_space<hbm>> -> memref<80xi32, #tpu.memory_space<hbm>>
      %dma_start3A_2306 = tpu.memref_slice %arg4[%min3A_2302] : memref<320000xi32, #tpu.memory_space<hbm>> -> memref<80xi32, #tpu.memory_space<hbm>>
      tpu.enqueue_dma source(%dma_start3A_2306 : memref<80xi32, #tpu.memory_space<hbm>>) target(%arg10 : memref<80xi32, #tpu.memory_space<vmem>>) target_semaphore(%arg22 : memref<!tpu.dma_semaphore, #tpu.memory_space<semaphore_mem>>)
      %dma_wait3A_2307 = arith.constant 0 : i32
      %dma_wait3A_2308 = arith.constant 0 : i32
      %dma_wait3A_2309 = tpu.memref_slice %arg2[%dma_wait3A_2307, %dma_wait3A_2308] : memref<10000x128xf32, #tpu.memory_space<hbm>> -> memref<10000x128xf32, #tpu.memory_space<hbm>>
      tpu.wait_indirect_dma semaphore(%arg20 : memref<!tpu.dma_semaphore, #tpu.memory_space<semaphore_mem>>) src(%dma_wait3A_2309 : memref<10000x128xf32, #tpu.memory_space<hbm>>) dst(%arg14 : memref<80x128xf32, #tpu.memory_space<vmem>>)
      "tpu.region"() ({
        %run_scoped3A = tpu.sem_alloc : memref<!tpu.dma_semaphore, #tpu.memory_space<semaphore_mem>>
        %dma_start3A_2336 = arith.constant 0 : i32
        %dma_start3A_2337 = arith.constant 0 : i32
        %dma_start3A_2338 = tpu.memref_slice %arg7[%dma_start3A_2336, %dma_start3A_2337] : memref<10000x128xf32, #tpu.memory_space<vmem_shared>> -> memref<10000x128xf32, #tpu.memory_space<vmem_shared>>
        tpu.enqueue_indirect_dma source(%arg14 : memref<80x128xf32, #tpu.memory_space<vmem>>) target(%dma_start3A_2338 : memref<10000x128xf32, #tpu.memory_space<vmem_shared>>) offsets(%arg12 : memref<80xi32, #tpu.memory_space<vmem>>) semaphore(%run_scoped3A : memref<!tpu.dma_semaphore, #tpu.memory_space<semaphore_mem>>) {add = true}
        %dma_wait3A_2339 = arith.constant 0 : i32
        %dma_wait3A_2340 = arith.constant 0 : i32
        %dma_wait3A_2341 = tpu.memref_slice %arg7[%dma_wait3A_2339, %dma_wait3A_2340] : memref<10000x128xf32, #tpu.memory_space<vmem_shared>> -> memref<10000x128xf32, #tpu.memory_space<vmem_shared>>
        tpu.wait_indirect_dma semaphore(%run_scoped3A : memref<!tpu.dma_semaphore, #tpu.memory_space<semaphore_mem>>) src(%arg14 : memref<80x128xf32, #tpu.memory_space<vmem>>) dst(%dma_wait3A_2341 : memref<10000x128xf32, #tpu.memory_space<vmem_shared>>)
        tpu.yield
      }) : () -> ()
      %add3A_2310 = arith.constant 2 : i32
      %add3A_2311 = arith.addi %add3A_2280, %add3A_2310 : i32
      %mul3A_2312 = arith.constant 80 : i32
      %mul3A_2313 = arith.muli %add3A_2311, %mul3A_2312 : i32
      %add3A_2314 = arith.addi %mul3A_36, %mul3A_2313 : i32
      %min3A_2315 = arith.constant 319920 : i32
      %min3A_2316 = arith.minsi %add3A_2314, %min3A_2315 : i32
      %dma_start3A_2317 = tpu.memref_slice %arg3[%min3A_2316] : memref<320000xi32, #tpu.memory_space<hbm>> -> memref<80xi32, #tpu.memory_space<hbm>>
      %dma_start3A_2318 = tpu.memref_slice %arg3[%min3A_2316] : memref<320000xi32, #tpu.memory_space<hbm>> -> memref<80xi32, #tpu.memory_space<hbm>>
      tpu.enqueue_dma source(%dma_start3A_2318 : memref<80xi32, #tpu.memory_space<hbm>>) target(%arg11 : memref<80xi32, #tpu.memory_space<vmem>>) target_semaphore(%arg23 : memref<!tpu.dma_semaphore, #tpu.memory_space<semaphore_mem>>)
      %dma_start3A_2319 = tpu.memref_slice %arg4[%min3A_2316] : memref<320000xi32, #tpu.memory_space<hbm>> -> memref<80xi32, #tpu.memory_space<hbm>>
      %dma_start3A_2320 = tpu.memref_slice %arg4[%min3A_2316] : memref<320000xi32, #tpu.memory_space<hbm>> -> memref<80xi32, #tpu.memory_space<hbm>>
      tpu.enqueue_dma source(%dma_start3A_2320 : memref<80xi32, #tpu.memory_space<hbm>>) target(%arg12 : memref<80xi32, #tpu.memory_space<vmem>>) target_semaphore(%arg24 : memref<!tpu.dma_semaphore, #tpu.memory_space<semaphore_mem>>)
      %add3A_2321 = arith.constant 2 : i32
      %add3A_2322 = arith.addi %mul3A_2278, %add3A_2321 : i32
      %mul3A_2323 = arith.constant 80 : i32
      %mul3A_2324 = arith.muli %add3A_2322, %mul3A_2323 : i32
      %add3A_2325 = arith.addi %mul3A_36, %mul3A_2324 : i32
      %min3A_2326 = arith.constant 319920 : i32
      %min3A_2327 = arith.minsi %add3A_2325, %min3A_2326 : i32
      %dma_wait3A_2328 = tpu.memref_slice %arg3[%min3A_2327] : memref<320000xi32, #tpu.memory_space<hbm>> -> memref<80xi32, #tpu.memory_space<hbm>>
      %dma_wait3A_2329 = tpu.memref_slice %arg3[%min3A_2327] : memref<320000xi32, #tpu.memory_space<hbm>> -> memref<80xi32, #tpu.memory_space<hbm>>
      tpu.wait_dma2 semaphore(%arg21 : memref<!tpu.dma_semaphore, #tpu.memory_space<semaphore_mem>>) src(%dma_wait3A_2329 : memref<80xi32, #tpu.memory_space<hbm>>) dst(%arg9 : memref<80xi32, #tpu.memory_space<vmem>>)
      %dma_wait3A_2330 = tpu.memref_slice %arg4[%min3A_2327] : memref<320000xi32, #tpu.memory_space<hbm>> -> memref<80xi32, #tpu.memory_space<hbm>>
      %dma_wait3A_2331 = tpu.memref_slice %arg4[%min3A_2327] : memref<320000xi32, #tpu.memory_space<hbm>> -> memref<80xi32, #tpu.memory_space<hbm>>
      tpu.wait_dma2 semaphore(%arg22 : memref<!tpu.dma_semaphore, #tpu.memory_space<semaphore_mem>>) src(%dma_wait3A_2331 : memref<80xi32, #tpu.memory_space<hbm>>) dst(%arg10 : memref<80xi32, #tpu.memory_space<vmem>>)
      %dma_start3A_2332 = arith.constant 0 : i32
      %dma_start3A_2333 = arith.constant 0 : i32
      %dma_start3A_2334 = tpu.memref_slice %arg2[%dma_start3A_2332, %dma_start3A_2333] : memref<10000x128xf32, #tpu.memory_space<hbm>> -> memref<10000x128xf32, #tpu.memory_space<hbm>>
      tpu.enqueue_indirect_dma source(%dma_start3A_2334 : memref<10000x128xf32, #tpu.memory_space<hbm>>) target(%arg13 : memref<80x128xf32, #tpu.memory_space<vmem>>) offsets(%arg9 : memref<80xi32, #tpu.memory_space<vmem>>) semaphore(%arg19 : memref<!tpu.dma_semaphore, #tpu.memory_space<semaphore_mem>>)
      %scan3A_2335 = arith.constant 0 : i32
      scf.yield %scan3A_2335 : i32
    }
    %scan3A_52 = arith.constant 62 : i32
    %add3A_53 = arith.constant 10000 : i32
    %add3A_54 = arith.addi %mul3A_36, %add3A_53 : i32
    %min3A_55 = arith.constant 319920 : i32
    %min3A_56 = arith.minsi %add3A_54, %min3A_55 : i32
    %dma_wait3A = tpu.memref_slice %arg3[%min3A_56] : memref<320000xi32, #tpu.memory_space<hbm>> -> memref<80xi32, #tpu.memory_space<hbm>>
    %dma_wait3A_57 = tpu.memref_slice %arg3[%min3A_56] : memref<320000xi32, #tpu.memory_space<hbm>> -> memref<80xi32, #tpu.memory_space<hbm>>
    tpu.wait_dma2 semaphore(%arg23 : memref<!tpu.dma_semaphore, #tpu.memory_space<semaphore_mem>>) src(%dma_wait3A_57 : memref<80xi32, #tpu.memory_space<hbm>>) dst(%arg11 : memref<80xi32, #tpu.memory_space<vmem>>)
    %dma_wait3A_58 = tpu.memref_slice %arg4[%min3A_56] : memref<320000xi32, #tpu.memory_space<hbm>> -> memref<80xi32, #tpu.memory_space<hbm>>
    %dma_wait3A_59 = tpu.memref_slice %arg4[%min3A_56] : memref<320000xi32, #tpu.memory_space<hbm>> -> memref<80xi32, #tpu.memory_space<hbm>>
    tpu.wait_dma2 semaphore(%arg24 : memref<!tpu.dma_semaphore, #tpu.memory_space<semaphore_mem>>) src(%dma_wait3A_59 : memref<80xi32, #tpu.memory_space<hbm>>) dst(%arg12 : memref<80xi32, #tpu.memory_space<vmem>>)
    %dma_wait3A_60 = arith.constant 0 : i32
    %dma_wait3A_61 = arith.constant 0 : i32
    %dma_wait3A_62 = tpu.memref_slice %arg2[%dma_wait3A_60, %dma_wait3A_61] : memref<10000x128xf32, #tpu.memory_space<hbm>> -> memref<10000x128xf32, #tpu.memory_space<hbm>>
    tpu.wait_indirect_dma semaphore(%arg19 : memref<!tpu.dma_semaphore, #tpu.memory_space<semaphore_mem>>) src(%dma_wait3A_62 : memref<10000x128xf32, #tpu.memory_space<hbm>>) dst(%arg13 : memref<80x128xf32, #tpu.memory_space<vmem>>)
    "tpu.region"() ({
      %run_scoped3A = tpu.sem_alloc : memref<!tpu.dma_semaphore, #tpu.memory_space<semaphore_mem>>
      %dma_start3A_2275 = arith.constant 0 : i32
      %dma_start3A_2276 = arith.constant 0 : i32
      %dma_start3A_2277 = tpu.memref_slice %arg7[%dma_start3A_2275, %dma_start3A_2276] : memref<10000x128xf32, #tpu.memory_space<vmem_shared>> -> memref<10000x128xf32, #tpu.memory_space<vmem_shared>>
      tpu.enqueue_indirect_dma source(%arg13 : memref<80x128xf32, #tpu.memory_space<vmem>>) target(%dma_start3A_2277 : memref<10000x128xf32, #tpu.memory_space<vmem_shared>>) offsets(%arg10 : memref<80xi32, #tpu.memory_space<vmem>>) semaphore(%run_scoped3A : memref<!tpu.dma_semaphore, #tpu.memory_space<semaphore_mem>>) {add = true}
      %dma_wait3A_2278 = arith.constant 0 : i32
      %dma_wait3A_2279 = arith.constant 0 : i32
      %dma_wait3A_2280 = tpu.memref_slice %arg7[%dma_wait3A_2278, %dma_wait3A_2279] : memref<10000x128xf32, #tpu.memory_space<vmem_shared>> -> memref<10000x128xf32, #tpu.memory_space<vmem_shared>>
      tpu.wait_indirect_dma semaphore(%run_scoped3A : memref<!tpu.dma_semaphore, #tpu.memory_space<semaphore_mem>>) src(%arg13 : memref<80x128xf32, #tpu.memory_space<vmem>>) dst(%dma_wait3A_2280 : memref<10000x128xf32, #tpu.memory_space<vmem_shared>>)
      tpu.yield
    }) : () -> ()
    %mul3A_63 = arith.constant 640 : i32
    %mul3A_64 = arith.muli %arg1, %mul3A_63 : i32
    %min3A_65 = arith.constant 0 : i32
    %min3A_66 = arith.constant 79 : i32
    %min3A_67 = arith.minsi %min3A_65, %min3A_66 : i32
    %mul3A_68 = arith.constant 2000 : i32
    %mul3A_69 = arith.muli %min3A_67, %mul3A_68 : i32
    %jit3A = arith.constant 10000 : i32
    %div3A = arith.divsi %mul3A_69, %jit3A : i32
    %sign3A = arith.constant 0 : i32
    %sign3A_70 = arith.cmpi sgt, %mul3A_69, %sign3A : i32
    %sign3A_71 = arith.extui %sign3A_70 : i1 to i32
    %sign3A_72 = arith.constant 0 : i32
    %sign3A_73 = arith.cmpi slt, %mul3A_69, %sign3A_72 : i32
    %sign3A_74 = arith.extui %sign3A_73 : i1 to i32
    %sign3A_75 = arith.subi %sign3A_71, %sign3A_74 : i32
    %sign3A_76 = arith.constant 0 : i32
    %sign3A_77 = arith.cmpi sgt, %jit3A, %sign3A_76 : i32
    %sign3A_78 = arith.extui %sign3A_77 : i1 to i32
    %sign3A_79 = arith.constant 0 : i32
    %sign3A_80 = arith.cmpi slt, %jit3A, %sign3A_79 : i32
    %sign3A_81 = arith.extui %sign3A_80 : i1 to i32
    %sign3A_82 = arith.subi %sign3A_78, %sign3A_81 : i32
    %ne3A = arith.cmpi ne, %sign3A_75, %sign3A_82 : i32
    %rem3A = arith.remsi %mul3A_69, %jit3A : i32
    %ne3A_83 = arith.constant 0 : i32
    %ne3A_84 = arith.cmpi ne, %rem3A, %ne3A_83 : i32
    %and3A = arith.andi %ne3A, %ne3A_84 : i1
    %sub3A = arith.constant 1 : i32
    %sub3A_85 = arith.subi %div3A, %sub3A : i32
    %select_n3A = arith.select %and3A, %sub3A_85, %div3A : i32
    %mul3A_86 = arith.constant 2 : i32
    %mul3A_87 = arith.muli %select_n3A, %mul3A_86 : i32
    %add3A_88 = arith.addi %mul3A_87, %arg0 : i32
    %mul3A_89 = arith.constant 10000 : i32
    %mul3A_90 = arith.muli %add3A_88, %mul3A_89 : i32
    %mul3A_91 = arith.constant 10000 : i32
    %mul3A_92 = arith.muli %select_n3A, %mul3A_91 : i32
    %sub3A_93 = arith.subi %mul3A_69, %mul3A_92 : i32
    %add3A_94 = arith.addi %mul3A_90, %sub3A_93 : i32
    %dma_start3A_95 = tpu.memref_slice %arg4[%add3A_94] : memref<320000xi32, #tpu.memory_space<hbm>> -> memref<2000xi32, #tpu.memory_space<hbm>>
    %dma_start3A_96 = tpu.memref_slice %arg4[%add3A_94] : memref<320000xi32, #tpu.memory_space<hbm>> -> memref<2000xi32, #tpu.memory_space<hbm>>
    tpu.enqueue_dma source(%dma_start3A_96 : memref<2000xi32, #tpu.memory_space<hbm>>) target(%arg16 : memref<2000xi32, #tpu.memory_space<vmem>>) target_semaphore(%arg25 : memref<!tpu.dma_semaphore, #tpu.memory_space<semaphore_mem>>)
    %min3A_97 = arith.constant 1 : i32
    %min3A_98 = arith.constant 79 : i32
    %min3A_99 = arith.minsi %min3A_97, %min3A_98 : i32
    %mul3A_100 = arith.constant 2000 : i32
    %mul3A_101 = arith.muli %min3A_99, %mul3A_100 : i32
    %jit3A_102 = arith.constant 10000 : i32
    %div3A_103 = arith.divsi %mul3A_101, %jit3A_102 : i32
    %sign3A_104 = arith.constant 0 : i32
    %sign3A_105 = arith.cmpi sgt, %mul3A_101, %sign3A_104 : i32
    %sign3A_106 = arith.extui %sign3A_105 : i1 to i32
    %sign3A_107 = arith.constant 0 : i32
    %sign3A_108 = arith.cmpi slt, %mul3A_101, %sign3A_107 : i32
    %sign3A_109 = arith.extui %sign3A_108 : i1 to i32
    %sign3A_110 = arith.subi %sign3A_106, %sign3A_109 : i32
    %sign3A_111 = arith.constant 0 : i32
    %sign3A_112 = arith.cmpi sgt, %jit3A_102, %sign3A_111 : i32
    %sign3A_113 = arith.extui %sign3A_112 : i1 to i32
    %sign3A_114 = arith.constant 0 : i32
    %sign3A_115 = arith.cmpi slt, %jit3A_102, %sign3A_114 : i32
    %sign3A_116 = arith.extui %sign3A_115 : i1 to i32
    %sign3A_117 = arith.subi %sign3A_113, %sign3A_116 : i32
    %ne3A_118 = arith.cmpi ne, %sign3A_110, %sign3A_117 : i32
    %rem3A_119 = arith.remsi %mul3A_101, %jit3A_102 : i32
    %ne3A_120 = arith.constant 0 : i32
    %ne3A_121 = arith.cmpi ne, %rem3A_119, %ne3A_120 : i32
    %and3A_122 = arith.andi %ne3A_118, %ne3A_121 : i1
    %sub3A_123 = arith.constant 1 : i32
    %sub3A_124 = arith.subi %div3A_103, %sub3A_123 : i32
    %select_n3A_125 = arith.select %and3A_122, %sub3A_124, %div3A_103 : i32
    %mul3A_126 = arith.constant 2 : i32
    %mul3A_127 = arith.muli %select_n3A_125, %mul3A_126 : i32
    %add3A_128 = arith.addi %mul3A_127, %arg0 : i32
    %mul3A_129 = arith.constant 10000 : i32
    %mul3A_130 = arith.muli %add3A_128, %mul3A_129 : i32
    %mul3A_131 = arith.constant 10000 : i32
    %mul3A_132 = arith.muli %select_n3A_125, %mul3A_131 : i32
    %sub3A_133 = arith.subi %mul3A_101, %mul3A_132 : i32
    %add3A_134 = arith.addi %mul3A_130, %sub3A_133 : i32
    %dma_start3A_135 = tpu.memref_slice %arg4[%add3A_134] : memref<320000xi32, #tpu.memory_space<hbm>> -> memref<2000xi32, #tpu.memory_space<hbm>>
    %dma_start3A_136 = tpu.memref_slice %arg4[%add3A_134] : memref<320000xi32, #tpu.memory_space<hbm>> -> memref<2000xi32, #tpu.memory_space<hbm>>
    tpu.enqueue_dma source(%dma_start3A_136 : memref<2000xi32, #tpu.memory_space<hbm>>) target(%arg17 : memref<2000xi32, #tpu.memory_space<vmem>>) target_semaphore(%arg26 : memref<!tpu.dma_semaphore, #tpu.memory_space<semaphore_mem>>)
    %scan3A_137 = arith.constant 0 : i32
    %scan3A_138 = arith.constant 0 : i32
    %scan3A_139 = arith.constant 40 : i32
    %scan3A_140 = arith.addi %scan3A_138, %scan3A_139 : i32
    %scan3A_141 = arith.constant 1 : i32
    %scan3A_142 = scf.for %scan3A_2275 = %scan3A_138 to %scan3A_140 step %scan3A_141 iter_args(%scan3A_2276 = %scan3A_137) -> (i32)  : i32 {
      %mul3A_2277 = arith.constant 2 : i32
      %mul3A_2278 = arith.muli %mul3A_2277, %scan3A_2275 : i32
      %min3A_2279 = arith.constant 79 : i32
      %min3A_2280 = arith.minsi %mul3A_2278, %min3A_2279 : i32
      %mul3A_2281 = arith.constant 2000 : i32
      %mul3A_2282 = arith.muli %min3A_2280, %mul3A_2281 : i32
      %jit3A_2283 = arith.constant 10000 : i32
      %div3A_2284 = arith.divsi %mul3A_2282, %jit3A_2283 : i32
      %sign3A_2285 = arith.constant 0 : i32
      %sign3A_2286 = arith.cmpi sgt, %mul3A_2282, %sign3A_2285 : i32
      %sign3A_2287 = arith.extui %sign3A_2286 : i1 to i32
      %sign3A_2288 = arith.constant 0 : i32
      %sign3A_2289 = arith.cmpi slt, %mul3A_2282, %sign3A_2288 : i32
      %sign3A_2290 = arith.extui %sign3A_2289 : i1 to i32
      %sign3A_2291 = arith.subi %sign3A_2287, %sign3A_2290 : i32
      %sign3A_2292 = arith.constant 0 : i32
      %sign3A_2293 = arith.cmpi sgt, %jit3A_2283, %sign3A_2292 : i32
      %sign3A_2294 = arith.extui %sign3A_2293 : i1 to i32
      %sign3A_2295 = arith.constant 0 : i32
      %sign3A_2296 = arith.cmpi slt, %jit3A_2283, %sign3A_2295 : i32
      %sign3A_2297 = arith.extui %sign3A_2296 : i1 to i32
      %sign3A_2298 = arith.subi %sign3A_2294, %sign3A_2297 : i32
      %ne3A_2299 = arith.cmpi ne, %sign3A_2291, %sign3A_2298 : i32
      %rem3A_2300 = arith.remsi %mul3A_2282, %jit3A_2283 : i32
      %ne3A_2301 = arith.constant 0 : i32
      %ne3A_2302 = arith.cmpi ne, %rem3A_2300, %ne3A_2301 : i32
      %and3A_2303 = arith.andi %ne3A_2299, %ne3A_2302 : i1
      %sub3A_2304 = arith.constant 1 : i32
      %sub3A_2305 = arith.subi %div3A_2284, %sub3A_2304 : i32
      %select_n3A_2306 = arith.select %and3A_2303, %sub3A_2305, %div3A_2284 : i32
      %mul3A_2307 = arith.constant 2 : i32
      %mul3A_2308 = arith.muli %select_n3A_2306, %mul3A_2307 : i32
      %add3A_2309 = arith.addi %mul3A_2308, %arg0 : i32
      %mul3A_2310 = arith.constant 10000 : i32
      %mul3A_2311 = arith.muli %add3A_2309, %mul3A_2310 : i32
      %mul3A_2312 = arith.constant 10000 : i32
      %mul3A_2313 = arith.muli %select_n3A_2306, %mul3A_2312 : i32
      %sub3A_2314 = arith.subi %mul3A_2282, %mul3A_2313 : i32
      %add3A_2315 = arith.addi %mul3A_2311, %sub3A_2314 : i32
      %dma_wait3A_2316 = tpu.memref_slice %arg4[%add3A_2315] : memref<320000xi32, #tpu.memory_space<hbm>> -> memref<2000xi32, #tpu.memory_space<hbm>>
      %dma_wait3A_2317 = tpu.memref_slice %arg4[%add3A_2315] : memref<320000xi32, #tpu.memory_space<hbm>> -> memref<2000xi32, #tpu.memory_space<hbm>>
      tpu.wait_dma2 semaphore(%arg25 : memref<!tpu.dma_semaphore, #tpu.memory_space<semaphore_mem>>) src(%dma_wait3A_2317 : memref<2000xi32, #tpu.memory_space<hbm>>) dst(%arg16 : memref<2000xi32, #tpu.memory_space<vmem>>)
      %scan3A_2318 = arith.constant 0 : i32
      %scan3A_2319 = arith.constant 0 : i32
      %scan3A_2320 = arith.constant 125 : i32
      %scan3A_2321 = arith.addi %scan3A_2319, %scan3A_2320 : i32
      %scan3A_2322 = arith.constant 1 : i32
      %scan3A_2323 = scf.for %scan3A_2456 = %scan3A_2319 to %scan3A_2321 step %scan3A_2322 iter_args(%scan3A_2457 = %scan3A_2318) -> (i32)  : i32 {
        %mul3A_2458 = arith.constant 16 : i32
        %mul3A_2459 = arith.muli %scan3A_2456, %mul3A_2458 : i32
        %get3A_2460 = arith.index_cast %mul3A_2459 : i32 to index
        %get3A_2461 = tpu.vector_load %arg16[%get3A_2460] {strides = array<i32>} : memref<2000xi32, #tpu.memory_space<vmem>>, vector<16xi32>,
        %sub3A_2462 = vector.broadcast %mul3A_64 : i32 to vector<16xi32>
        %sub3A_2463 = arith.subi %get3A_2461, %sub3A_2462 : vector<16xi32>
        %ge3A = arith.constant 0 : i32
        %ge3A_2464 = vector.broadcast %ge3A : i32 to vector<16xi32>
        %ge3A_2465 = arith.cmpi sge, %sub3A_2463, %ge3A_2464 : vector<16xi32>
        %lt3A = arith.constant 640 : i32
        %lt3A_2466 = vector.broadcast %lt3A : i32 to vector<16xi32>
        %lt3A_2467 = arith.cmpi slt, %sub3A_2463, %lt3A_2466 : vector<16xi32>
        %and3A_2468 = arith.andi %ge3A_2465, %lt3A_2467 : vector<16xi1>
        %mul3A_2469 = arith.constant 640 : i32
        %mul3A_2470 = vector.broadcast %mul3A_2469 : i32 to vector<16xi32>
        %mul3A_2471 = arith.muli %iota3A, %mul3A_2470 : vector<16xi32>
        %add3A_2472 = arith.addi %mul3A_2471, %sub3A_2463 : vector<16xi32>
        tpu.vector_store_idx %arg15[%add3A_2472], %broadcast_in_dim3A_1 masked %and3A_2468 {add = true} : memref<10240xf32, #tpu.memory_space<vmem>>[vector<16xi32>], vector<16xf32>, vector<16xi1>
        %scan3A_2473 = arith.constant 0 : i32
        scf.yield %scan3A_2473 : i32
      }
      %scan3A_2324 = arith.constant 125 : i32
      %add3A_2325 = arith.constant 2 : i32
      %add3A_2326 = arith.addi %mul3A_2278, %add3A_2325 : i32
      %min3A_2327 = arith.constant 79 : i32
      %min3A_2328 = arith.minsi %add3A_2326, %min3A_2327 : i32
      %mul3A_2329 = arith.constant 2000 : i32
      %mul3A_2330 = arith.muli %min3A_2328, %mul3A_2329 : i32
      %jit3A_2331 = arith.constant 10000 : i32
      %div3A_2332 = arith.divsi %mul3A_2330, %jit3A_2331 : i32
      %sign3A_2333 = arith.constant 0 : i32
      %sign3A_2334 = arith.cmpi sgt, %mul3A_2330, %sign3A_2333 : i32
      %sign3A_2335 = arith.extui %sign3A_2334 : i1 to i32
      %sign3A_2336 = arith.constant 0 : i32
      %sign3A_2337 = arith.cmpi slt, %mul3A_2330, %sign3A_2336 : i32
      %sign3A_2338 = arith.extui %sign3A_2337 : i1 to i32
      %sign3A_2339 = arith.subi %sign3A_2335, %sign3A_2338 : i32
      %sign3A_2340 = arith.constant 0 : i32
      %sign3A_2341 = arith.cmpi sgt, %jit3A_2331, %sign3A_2340 : i32
      %sign3A_2342 = arith.extui %sign3A_2341 : i1 to i32
      %sign3A_2343 = arith.constant 0 : i32
      %sign3A_2344 = arith.cmpi slt, %jit3A_2331, %sign3A_2343 : i32
      %sign3A_2345 = arith.extui %sign3A_2344 : i1 to i32
      %sign3A_2346 = arith.subi %sign3A_2342, %sign3A_2345 : i32
      %ne3A_2347 = arith.cmpi ne, %sign3A_2339, %sign3A_2346 : i32
      %rem3A_2348 = arith.remsi %mul3A_2330, %jit3A_2331 : i32
      %ne3A_2349 = arith.constant 0 : i32
      %ne3A_2350 = arith.cmpi ne, %rem3A_2348, %ne3A_2349 : i32
      %and3A_2351 = arith.andi %ne3A_2347, %ne3A_2350 : i1
      %sub3A_2352 = arith.constant 1 : i32
      %sub3A_2353 = arith.subi %div3A_2332, %sub3A_2352 : i32
      %select_n3A_2354 = arith.select %and3A_2351, %sub3A_2353, %div3A_2332 : i32
      %mul3A_2355 = arith.constant 2 : i32
      %mul3A_2356 = arith.muli %select_n3A_2354, %mul3A_2355 : i32
      %add3A_2357 = arith.addi %mul3A_2356, %arg0 : i32
      %mul3A_2358 = arith.constant 10000 : i32
      %mul3A_2359 = arith.muli %add3A_2357, %mul3A_2358 : i32
      %mul3A_2360 = arith.constant 10000 : i32
      %mul3A_2361 = arith.muli %select_n3A_2354, %mul3A_2360 : i32
      %sub3A_2362 = arith.subi %mul3A_2330, %mul3A_2361 : i32
      %add3A_2363 = arith.addi %mul3A_2359, %sub3A_2362 : i32
      %dma_start3A_2364 = tpu.memref_slice %arg4[%add3A_2363] : memref<320000xi32, #tpu.memory_space<hbm>> -> memref<2000xi32, #tpu.memory_space<hbm>>
      %dma_start3A_2365 = tpu.memref_slice %arg4[%add3A_2363] : memref<320000xi32, #tpu.memory_space<hbm>> -> memref<2000xi32, #tpu.memory_space<hbm>>
      tpu.enqueue_dma source(%dma_start3A_2365 : memref<2000xi32, #tpu.memory_space<hbm>>) target(%arg16 : memref<2000xi32, #tpu.memory_space<vmem>>) target_semaphore(%arg25 : memref<!tpu.dma_semaphore, #tpu.memory_space<semaphore_mem>>)
      %add3A_2366 = arith.constant 1 : i32
      %add3A_2367 = arith.addi %mul3A_2278, %add3A_2366 : i32
      %min3A_2368 = arith.constant 79 : i32
      %min3A_2369 = arith.minsi %add3A_2367, %min3A_2368 : i32
      %mul3A_2370 = arith.constant 2000 : i32
      %mul3A_2371 = arith.muli %min3A_2369, %mul3A_2370 : i32
      %jit3A_2372 = arith.constant 10000 : i32
      %div3A_2373 = arith.divsi %mul3A_2371, %jit3A_2372 : i32
      %sign3A_2374 = arith.constant 0 : i32
      %sign3A_2375 = arith.cmpi sgt, %mul3A_2371, %sign3A_2374 : i32
      %sign3A_2376 = arith.extui %sign3A_2375 : i1 to i32
      %sign3A_2377 = arith.constant 0 : i32
      %sign3A_2378 = arith.cmpi slt, %mul3A_2371, %sign3A_2377 : i32
      %sign3A_2379 = arith.extui %sign3A_2378 : i1 to i32
      %sign3A_2380 = arith.subi %sign3A_2376, %sign3A_2379 : i32
      %sign3A_2381 = arith.constant 0 : i32
      %sign3A_2382 = arith.cmpi sgt, %jit3A_2372, %sign3A_2381 : i32
      %sign3A_2383 = arith.extui %sign3A_2382 : i1 to i32
      %sign3A_2384 = arith.constant 0 : i32
      %sign3A_2385 = arith.cmpi slt, %jit3A_2372, %sign3A_2384 : i32
      %sign3A_2386 = arith.extui %sign3A_2385 : i1 to i32
      %sign3A_2387 = arith.subi %sign3A_2383, %sign3A_2386 : i32
      %ne3A_2388 = arith.cmpi ne, %sign3A_2380, %sign3A_2387 : i32
      %rem3A_2389 = arith.remsi %mul3A_2371, %jit3A_2372 : i32
      %ne3A_2390 = arith.constant 0 : i32
      %ne3A_2391 = arith.cmpi ne, %rem3A_2389, %ne3A_2390 : i32
      %and3A_2392 = arith.andi %ne3A_2388, %ne3A_2391 : i1
      %sub3A_2393 = arith.constant 1 : i32
      %sub3A_2394 = arith.subi %div3A_2373, %sub3A_2393 : i32
      %select_n3A_2395 = arith.select %and3A_2392, %sub3A_2394, %div3A_2373 : i32
      %mul3A_2396 = arith.constant 2 : i32
      %mul3A_2397 = arith.muli %select_n3A_2395, %mul3A_2396 : i32
      %add3A_2398 = arith.addi %mul3A_2397, %arg0 : i32
      %mul3A_2399 = arith.constant 10000 : i32
      %mul3A_2400 = arith.muli %add3A_2398, %mul3A_2399 : i32
      %mul3A_2401 = arith.constant 10000 : i32
      %mul3A_2402 = arith.muli %select_n3A_2395, %mul3A_2401 : i32
      %sub3A_2403 = arith.subi %mul3A_2371, %mul3A_2402 : i32
      %add3A_2404 = arith.addi %mul3A_2400, %sub3A_2403 : i32
      %dma_wait3A_2405 = tpu.memref_slice %arg4[%add3A_2404] : memref<320000xi32, #tpu.memory_space<hbm>> -> memref<2000xi32, #tpu.memory_space<hbm>>
      %dma_wait3A_2406 = tpu.memref_slice %arg4[%add3A_2404] : memref<320000xi32, #tpu.memory_space<hbm>> -> memref<2000xi32, #tpu.memory_space<hbm>>
      tpu.wait_dma2 semaphore(%arg26 : memref<!tpu.dma_semaphore, #tpu.memory_space<semaphore_mem>>) src(%dma_wait3A_2406 : memref<2000xi32, #tpu.memory_space<hbm>>) dst(%arg17 : memref<2000xi32, #tpu.memory_space<vmem>>)
      %scan3A_2407 = arith.constant 0 : i32
      %scan3A_2408 = arith.constant 0 : i32
      %scan3A_2409 = arith.constant 125 : i32
      %scan3A_2410 = arith.addi %scan3A_2408, %scan3A_2409 : i32
      %scan3A_2411 = arith.constant 1 : i32
      %scan3A_2412 = scf.for %scan3A_2456 = %scan3A_2408 to %scan3A_2410 step %scan3A_2411 iter_args(%scan3A_2457 = %scan3A_2407) -> (i32)  : i32 {
        %mul3A_2458 = arith.constant 16 : i32
        %mul3A_2459 = arith.muli %scan3A_2456, %mul3A_2458 : i32
        %get3A_2460 = arith.index_cast %mul3A_2459 : i32 to index
        %get3A_2461 = tpu.vector_load %arg17[%get3A_2460] {strides = array<i32>} : memref<2000xi32, #tpu.memory_space<vmem>>, vector<16xi32>,
        %sub3A_2462 = vector.broadcast %mul3A_64 : i32 to vector<16xi32>
        %sub3A_2463 = arith.subi %get3A_2461, %sub3A_2462 : vector<16xi32>
        %ge3A = arith.constant 0 : i32
        %ge3A_2464 = vector.broadcast %ge3A : i32 to vector<16xi32>
        %ge3A_2465 = arith.cmpi sge, %sub3A_2463, %ge3A_2464 : vector<16xi32>
        %lt3A = arith.constant 640 : i32
        %lt3A_2466 = vector.broadcast %lt3A : i32 to vector<16xi32>
        %lt3A_2467 = arith.cmpi slt, %sub3A_2463, %lt3A_2466 : vector<16xi32>
        %and3A_2468 = arith.andi %ge3A_2465, %lt3A_2467 : vector<16xi1>
        %mul3A_2469 = arith.constant 640 : i32
        %mul3A_2470 = vector.broadcast %mul3A_2469 : i32 to vector<16xi32>
        %mul3A_2471 = arith.muli %iota3A, %mul3A_2470 : vector<16xi32>
        %add3A_2472 = arith.addi %mul3A_2471, %sub3A_2463 : vector<16xi32>
        tpu.vector_store_idx %arg15[%add3A_2472], %broadcast_in_dim3A_1 masked %and3A_2468 {add = true} : memref<10240xf32, #tpu.memory_space<vmem>>[vector<16xi32>], vector<16xf32>, vector<16xi1>
        %scan3A_2473 = arith.constant 0 : i32
        scf.yield %scan3A_2473 : i32
      }
      %scan3A_2413 = arith.constant 125 : i32
      %add3A_2414 = arith.constant 3 : i32
      %add3A_2415 = arith.addi %mul3A_2278, %add3A_2414 : i32
      %min3A_2416 = arith.constant 79 : i32
      %min3A_2417 = arith.minsi %add3A_2415, %min3A_2416 : i32
      %mul3A_2418 = arith.constant 2000 : i32
      %mul3A_2419 = arith.muli %min3A_2417, %mul3A_2418 : i32
      %jit3A_2420 = arith.constant 10000 : i32
      %div3A_2421 = arith.divsi %mul3A_2419, %jit3A_2420 : i32
      %sign3A_2422 = arith.constant 0 : i32
      %sign3A_2423 = arith.cmpi sgt, %mul3A_2419, %sign3A_2422 : i32
      %sign3A_2424 = arith.extui %sign3A_2423 : i1 to i32
      %sign3A_2425 = arith.constant 0 : i32
      %sign3A_2426 = arith.cmpi slt, %mul3A_2419, %sign3A_2425 : i32
      %sign3A_2427 = arith.extui %sign3A_2426 : i1 to i32
      %sign3A_2428 = arith.subi %sign3A_2424, %sign3A_2427 : i32
      %sign3A_2429 = arith.constant 0 : i32
      %sign3A_2430 = arith.cmpi sgt, %jit3A_2420, %sign3A_2429 : i32
      %sign3A_2431 = arith.extui %sign3A_2430 : i1 to i32
      %sign3A_2432 = arith.constant 0 : i32
      %sign3A_2433 = arith.cmpi slt, %jit3A_2420, %sign3A_2432 : i32
      %sign3A_2434 = arith.extui %sign3A_2433 : i1 to i32
      %sign3A_2435 = arith.subi %sign3A_2431, %sign3A_2434 : i32
      %ne3A_2436 = arith.cmpi ne, %sign3A_2428, %sign3A_2435 : i32
      %rem3A_2437 = arith.remsi %mul3A_2419, %jit3A_2420 : i32
      %ne3A_2438 = arith.constant 0 : i32
      %ne3A_2439 = arith.cmpi ne, %rem3A_2437, %ne3A_2438 : i32
      %and3A_2440 = arith.andi %ne3A_2436, %ne3A_2439 : i1
      %sub3A_2441 = arith.constant 1 : i32
      %sub3A_2442 = arith.subi %div3A_2421, %sub3A_2441 : i32
      %select_n3A_2443 = arith.select %and3A_2440, %sub3A_2442, %div3A_2421 : i32
      %mul3A_2444 = arith.constant 2 : i32
      %mul3A_2445 = arith.muli %select_n3A_2443, %mul3A_2444 : i32
      %add3A_2446 = arith.addi %mul3A_2445, %arg0 : i32
      %mul3A_2447 = arith.constant 10000 : i32
      %mul3A_2448 = arith.muli %add3A_2446, %mul3A_2447 : i32
      %mul3A_2449 = arith.constant 10000 : i32
      %mul3A_2450 = arith.muli %select_n3A_2443, %mul3A_2449 : i32
      %sub3A_2451 = arith.subi %mul3A_2419, %mul3A_2450 : i32
      %add3A_2452 = arith.addi %mul3A_2448, %sub3A_2451 : i32
      %dma_start3A_2453 = tpu.memref_slice %arg4[%add3A_2452] : memref<320000xi32, #tpu.memory_space<hbm>> -> memref<2000xi32, #tpu.memory_space<hbm>>
      %dma_start3A_2454 = tpu.memref_slice %arg4[%add3A_2452] : memref<320000xi32, #tpu.memory_space<hbm>> -> memref<2000xi32, #tpu.memory_space<hbm>>
      tpu.enqueue_dma source(%dma_start3A_2454 : memref<2000xi32, #tpu.memory_space<hbm>>) target(%arg17 : memref<2000xi32, #tpu.memory_space<vmem>>) target_semaphore(%arg26 : memref<!tpu.dma_semaphore, #tpu.memory_space<semaphore_mem>>)
      %scan3A_2455 = arith.constant 0 : i32
      scf.yield %scan3A_2455 : i32
    }
    %scan3A_143 = arith.constant 40 : i32
    %min3A_144 = arith.constant 80 : i32
    %min3A_145 = arith.constant 79 : i32
    %min3A_146 = arith.minsi %min3A_144, %min3A_145 : i32
    %mul3A_147 = arith.constant 2000 : i32
    %mul3A_148 = arith.muli %min3A_146, %mul3A_147 : i32
    %jit3A_149 = arith.constant 10000 : i32
    %div3A_150 = arith.divsi %mul3A_148, %jit3A_149 : i32
    %sign3A_151 = arith.constant 0 : i32
    %sign3A_152 = arith.cmpi sgt, %mul3A_148, %sign3A_151 : i32
    %sign3A_153 = arith.extui %sign3A_152 : i1 to i32
    %sign3A_154 = arith.constant 0 : i32
    %sign3A_155 = arith.cmpi slt, %mul3A_148, %sign3A_154 : i32
    %sign3A_156 = arith.extui %sign3A_155 : i1 to i32
    %sign3A_157 = arith.subi %sign3A_153, %sign3A_156 : i32
    %sign3A_158 = arith.constant 0 : i32
    %sign3A_159 = arith.cmpi sgt, %jit3A_149, %sign3A_158 : i32
    %sign3A_160 = arith.extui %sign3A_159 : i1 to i32
    %sign3A_161 = arith.constant 0 : i32
    %sign3A_162 = arith.cmpi slt, %jit3A_149, %sign3A_161 : i32
    %sign3A_163 = arith.extui %sign3A_162 : i1 to i32
    %sign3A_164 = arith.subi %sign3A_160, %sign3A_163 : i32
    %ne3A_165 = arith.cmpi ne, %sign3A_157, %sign3A_164 : i32
    %rem3A_166 = arith.remsi %mul3A_148, %jit3A_149 : i32
    %ne3A_167 = arith.constant 0 : i32
    %ne3A_168 = arith.cmpi ne, %rem3A_166, %ne3A_167 : i32
    %and3A_169 = arith.andi %ne3A_165, %ne3A_168 : i1
    %sub3A_170 = arith.constant 1 : i32
    %sub3A_171 = arith.subi %div3A_150, %sub3A_170 : i32
    %select_n3A_172 = arith.select %and3A_169, %sub3A_171, %div3A_150 : i32
    %mul3A_173 = arith.constant 2 : i32
    %mul3A_174 = arith.muli %select_n3A_172, %mul3A_173 : i32
    %add3A_175 = arith.addi %mul3A_174, %arg0 : i32
    %mul3A_176 = arith.constant 10000 : i32
    %mul3A_177 = arith.muli %add3A_175, %mul3A_176 : i32
    %mul3A_178 = arith.constant 10000 : i32
    %mul3A_179 = arith.muli %select_n3A_172, %mul3A_178 : i32
    %sub3A_180 = arith.subi %mul3A_148, %mul3A_179 : i32
    %add3A_181 = arith.addi %mul3A_177, %sub3A_180 : i32
    %dma_wait3A_182 = tpu.memref_slice %arg4[%add3A_181] : memref<320000xi32, #tpu.memory_space<hbm>> -> memref<2000xi32, #tpu.memory_space<hbm>>
    %dma_wait3A_183 = tpu.memref_slice %arg4[%add3A_181] : memref<320000xi32, #tpu.memory_space<hbm>> -> memref<2000xi32, #tpu.memory_space<hbm>>
    tpu.wait_dma2 semaphore(%arg25 : memref<!tpu.dma_semaphore, #tpu.memory_space<semaphore_mem>>) src(%dma_wait3A_183 : memref<2000xi32, #tpu.memory_space<hbm>>) dst(%arg16 : memref<2000xi32, #tpu.memory_space<vmem>>)
    %min3A_184 = arith.constant 81 : i32
    %min3A_185 = arith.constant 79 : i32
    %min3A_186 = arith.minsi %min3A_184, %min3A_185 : i32
    %mul3A_187 = arith.constant 2000 : i32
    %mul3A_188 = arith.muli %min3A_186, %mul3A_187 : i32
    %jit3A_189 = arith.constant 10000 : i32
    %div3A_190 = arith.divsi %mul3A_188, %jit3A_189 : i32
    %sign3A_191 = arith.constant 0 : i32
    %sign3A_192 = arith.cmpi sgt, %mul3A_188, %sign3A_191 : i32
    %sign3A_193 = arith.extui %sign3A_192 : i1 to i32
    %sign3A_194 = arith.constant 0 : i32
    %sign3A_195 = arith.cmpi slt, %mul3A_188, %sign3A_194 : i32
    %sign3A_196 = arith.extui %sign3A_195 : i1 to i32
    %sign3A_197 = arith.subi %sign3A_193, %sign3A_196 : i32
    %sign3A_198 = arith.constant 0 : i32
    %sign3A_199 = arith.cmpi sgt, %jit3A_189, %sign3A_198 : i32
    %sign3A_200 = arith.extui %sign3A_199 : i1 to i32
    %sign3A_201 = arith.constant 0 : i32
    %sign3A_202 = arith.cmpi slt, %jit3A_189, %sign3A_201 : i32
    %sign3A_203 = arith.extui %sign3A_202 : i1 to i32
    %sign3A_204 = arith.subi %sign3A_200, %sign3A_203 : i32
    %ne3A_205 = arith.cmpi ne, %sign3A_197, %sign3A_204 : i32
    %rem3A_206 = arith.remsi %mul3A_188, %jit3A_189 : i32
    %ne3A_207 = arith.constant 0 : i32
    %ne3A_208 = arith.cmpi ne, %rem3A_206, %ne3A_207 : i32
    %and3A_209 = arith.andi %ne3A_205, %ne3A_208 : i1
    %sub3A_210 = arith.constant 1 : i32
    %sub3A_211 = arith.subi %div3A_190, %sub3A_210 : i32
    %select_n3A_212 = arith.select %and3A_209, %sub3A_211, %div3A_190 : i32
    %mul3A_213 = arith.constant 2 : i32
    %mul3A_214 = arith.muli %select_n3A_212, %mul3A_213 : i32
    %add3A_215 = arith.addi %mul3A_214, %arg0 : i32
    %mul3A_216 = arith.constant 10000 : i32
    %mul3A_217 = arith.muli %add3A_215, %mul3A_216 : i32
    %mul3A_218 = arith.constant 10000 : i32
    %mul3A_219 = arith.muli %select_n3A_212, %mul3A_218 : i32
    %sub3A_220 = arith.subi %mul3A_188, %mul3A_219 : i32
    %add3A_221 = arith.addi %mul3A_217, %sub3A_220 : i32
    %dma_wait3A_222 = tpu.memref_slice %arg4[%add3A_221] : memref<320000xi32, #tpu.memory_space<hbm>> -> memref<2000xi32, #tpu.memory_space<hbm>>
    %dma_wait3A_223 = tpu.memref_slice %arg4[%add3A_221] : memref<320000xi32, #tpu.memory_space<hbm>> -> memref<2000xi32, #tpu.memory_space<hbm>>
    tpu.wait_dma2 semaphore(%arg26 : memref<!tpu.dma_semaphore, #tpu.memory_space<semaphore_mem>>) src(%dma_wait3A_223 : memref<2000xi32, #tpu.memory_space<hbm>>) dst(%arg17 : memref<2000xi32, #tpu.memory_space<vmem>>)
    %get3A = arith.constant 0 : index
    %get3A_224 = tpu.vector_load %arg15[%get3A] {strides = array<i32>} : memref<10240xf32, #tpu.memory_space<vmem>>, vector<16xf32>,
    %get3A_225 = arith.constant 640 : index
    %get3A_226 = tpu.vector_load %arg15[%get3A_225] {strides = array<i32>} : memref<10240xf32, #tpu.memory_space<vmem>>, vector<16xf32>,
    %add3A_227 = arith.addf %get3A_224, %get3A_226 : vector<16xf32>
    %get3A_228 = arith.constant 1280 : index
    %get3A_229 = tpu.vector_load %arg15[%get3A_228] {strides = array<i32>} : memref<10240xf32, #tpu.memory_space<vmem>>, vector<16xf32>,
    %add3A_230 = arith.addf %add3A_227, %get3A_229 : vector<16xf32>
    %get3A_231 = arith.constant 1920 : index
    %get3A_232 = tpu.vector_load %arg15[%get3A_231] {strides = array<i32>} : memref<10240xf32, #tpu.memory_space<vmem>>, vector<16xf32>,
    %add3A_233 = arith.addf %add3A_230, %get3A_232 : vector<16xf32>
    %get3A_234 = arith.constant 2560 : index
    %get3A_235 = tpu.vector_load %arg15[%get3A_234] {strides = array<i32>} : memref<10240xf32, #tpu.memory_space<vmem>>, vector<16xf32>,
    %add3A_236 = arith.addf %add3A_233, %get3A_235 : vector<16xf32>
    %get3A_237 = arith.constant 3200 : index
    %get3A_238 = tpu.vector_load %arg15[%get3A_237] {strides = array<i32>} : memref<10240xf32, #tpu.memory_space<vmem>>, vector<16xf32>,
    %add3A_239 = arith.addf %add3A_236, %get3A_238 : vector<16xf32>
    %get3A_240 = arith.constant 3840 : index
    %get3A_241 = tpu.vector_load %arg15[%get3A_240] {strides = array<i32>} : memref<10240xf32, #tpu.memory_space<vmem>>, vector<16xf32>,
    %add3A_242 = arith.addf %add3A_239, %get3A_241 : vector<16xf32>
    %get3A_243 = arith.constant 4480 : index
    %get3A_244 = tpu.vector_load %arg15[%get3A_243] {strides = array<i32>} : memref<10240xf32, #tpu.memory_space<vmem>>, vector<16xf32>,
    %add3A_245 = arith.addf %add3A_242, %get3A_244 : vector<16xf32>
    %get3A_246 = arith.constant 5120 : index
    %get3A_247 = tpu.vector_load %arg15[%get3A_246] {strides = array<i32>} : memref<10240xf32, #tpu.memory_space<vmem>>, vector<16xf32>,
    %add3A_248 = arith.addf %add3A_245, %get3A_247 : vector<16xf32>
    %get3A_249 = arith.constant 5760 : index
    %get3A_250 = tpu.vector_load %arg15[%get3A_249] {strides = array<i32>} : memref<10240xf32, #tpu.memory_space<vmem>>, vector<16xf32>,
    %add3A_251 = arith.addf %add3A_248, %get3A_250 : vector<16xf32>
    %get3A_252 = arith.constant 6400 : index
    %get3A_253 = tpu.vector_load %arg15[%get3A_252] {strides = array<i32>} : memref<10240xf32, #tpu.memory_space<vmem>>, vector<16xf32>,
    %add3A_254 = arith.addf %add3A_251, %get3A_253 : vector<16xf32>
    %get3A_255 = arith.constant 7040 : index
    %get3A_256 = tpu.vector_load %arg15[%get3A_255] {strides = array<i32>} : memref<10240xf32, #tpu.memory_space<vmem>>, vector<16xf32>,
    %add3A_257 = arith.addf %add3A_254, %get3A_256 : vector<16xf32>
    %get3A_258 = arith.constant 7680 : index
    %get3A_259 = tpu.vector_load %arg15[%get3A_258] {strides = array<i32>} : memref<10240xf32, #tpu.memory_space<vmem>>, vector<16xf32>,
    %add3A_260 = arith.addf %add3A_257, %get3A_259 : vector<16xf32>
    %get3A_261 = arith.constant 8320 : index
    %get3A_262 = tpu.vector_load %arg15[%get3A_261] {strides = array<i32>} : memref<10240xf32, #tpu.memory_space<vmem>>, vector<16xf32>,
    %add3A_263 = arith.addf %add3A_260, %get3A_262 : vector<16xf32>
    %get3A_264 = arith.constant 8960 : index
    %get3A_265 = tpu.vector_load %arg15[%get3A_264] {strides = array<i32>} : memref<10240xf32, #tpu.memory_space<vmem>>, vector<16xf32>,
    %add3A_266 = arith.addf %add3A_263, %get3A_265 : vector<16xf32>
    %get3A_267 = arith.constant 9600 : index
    %get3A_268 = tpu.vector_load %arg15[%get3A_267] {strides = array<i32>} : memref<10240xf32, #tpu.memory_space<vmem>>, vector<16xf32>,
    %add3A_269 = arith.addf %add3A_266, %get3A_268 : vector<16xf32>
    %swap3A = arith.constant 0 : i32
    %swap3A_270 = arith.index_cast %swap3A : i32 to index
    %swap3A_271 = arith.constant 0 : index
    %swap3A_272 = tpu.vector_load %arg18[%swap3A_270, %swap3A_271] {strides = array<i32>} : memref<5x128xf32, #tpu.memory_space<vmem>>, vector<16xf32>,
    tpu.vector_store %arg18[%swap3A_270, %swap3A_271], %add3A_269 {strides = array<i32>} : memref<5x128xf32, #tpu.memory_space<vmem>>, vector<16xf32>,
    %get3A_273 = arith.constant 16 : index
    %get3A_274 = tpu.vector_load %arg15[%get3A_273] {strides = array<i32>} : memref<10240xf32, #tpu.memory_space<vmem>>, vector<16xf32>,
    %get3A_275 = arith.constant 656 : index
    %get3A_276 = tpu.vector_load %arg15[%get3A_275] {strides = array<i32>} : memref<10240xf32, #tpu.memory_space<vmem>>, vector<16xf32>,
    %add3A_277 = arith.addf %get3A_274, %get3A_276 : vector<16xf32>
    %get3A_278 = arith.constant 1296 : index
    %get3A_279 = tpu.vector_load %arg15[%get3A_278] {strides = array<i32>} : memref<10240xf32, #tpu.memory_space<vmem>>, vector<16xf32>,
    %add3A_280 = arith.addf %add3A_277, %get3A_279 : vector<16xf32>
    %get3A_281 = arith.constant 1936 : index
    %get3A_282 = tpu.vector_load %arg15[%get3A_281] {strides = array<i32>} : memref<10240xf32, #tpu.memory_space<vmem>>, vector<16xf32>,
    %add3A_283 = arith.addf %add3A_280, %get3A_282 : vector<16xf32>
    %get3A_284 = arith.constant 2576 : index
    %get3A_285 = tpu.vector_load %arg15[%get3A_284] {strides = array<i32>} : memref<10240xf32, #tpu.memory_space<vmem>>, vector<16xf32>,
    %add3A_286 = arith.addf %add3A_283, %get3A_285 : vector<16xf32>
    %get3A_287 = arith.constant 3216 : index
    %get3A_288 = tpu.vector_load %arg15[%get3A_287] {strides = array<i32>} : memref<10240xf32, #tpu.memory_space<vmem>>, vector<16xf32>,
    %add3A_289 = arith.addf %add3A_286, %get3A_288 : vector<16xf32>
    %get3A_290 = arith.constant 3856 : index
    %get3A_291 = tpu.vector_load %arg15[%get3A_290] {strides = array<i32>} : memref<10240xf32, #tpu.memory_space<vmem>>, vector<16xf32>,
    %add3A_292 = arith.addf %add3A_289, %get3A_291 : vector<16xf32>
    %get3A_293 = arith.constant 4496 : index
    %get3A_294 = tpu.vector_load %arg15[%get3A_293] {strides = array<i32>} : memref<10240xf32, #tpu.memory_space<vmem>>, vector<16xf32>,
    %add3A_295 = arith.addf %add3A_292, %get3A_294 : vector<16xf32>
    %get3A_296 = arith.constant 5136 : index
    %get3A_297 = tpu.vector_load %arg15[%get3A_296] {strides = array<i32>} : memref<10240xf32, #tpu.memory_space<vmem>>, vector<16xf32>,
    %add3A_298 = arith.addf %add3A_295, %get3A_297 : vector<16xf32>
    %get3A_299 = arith.constant 5776 : index
    %get3A_300 = tpu.vector_load %arg15[%get3A_299] {strides = array<i32>} : memref<10240xf32, #tpu.memory_space<vmem>>, vector<16xf32>,
    %add3A_301 = arith.addf %add3A_298, %get3A_300 : vector<16xf32>
    %get3A_302 = arith.constant 6416 : index
    %get3A_303 = tpu.vector_load %arg15[%get3A_302] {strides = array<i32>} : memref<10240xf32, #tpu.memory_space<vmem>>, vector<16xf32>,
    %add3A_304 = arith.addf %add3A_301, %get3A_303 : vector<16xf32>
    %get3A_305 = arith.constant 7056 : index
    %get3A_306 = tpu.vector_load %arg15[%get3A_305] {strides = array<i32>} : memref<10240xf32, #tpu.memory_space<vmem>>, vector<16xf32>,
    %add3A_307 = arith.addf %add3A_304, %get3A_306 : vector<16xf32>
    %get3A_308 = arith.constant 7696 : index
    %get3A_309 = tpu.vector_load %arg15[%get3A_308] {strides = array<i32>} : memref<10240xf32, #tpu.memory_space<vmem>>, vector<16xf32>,
    %add3A_310 = arith.addf %add3A_307, %get3A_309 : vector<16xf32>
    %get3A_311 = arith.constant 8336 : index
    %get3A_312 = tpu.vector_load %arg15[%get3A_311] {strides = array<i32>} : memref<10240xf32, #tpu.memory_space<vmem>>, vector<16xf32>,
    %add3A_313 = arith.addf %add3A_310, %get3A_312 : vector<16xf32>
    %get3A_314 = arith.constant 8976 : index
    %get3A_315 = tpu.vector_load %arg15[%get3A_314] {strides = array<i32>} : memref<10240xf32, #tpu.memory_space<vmem>>, vector<16xf32>,
    %add3A_316 = arith.addf %add3A_313, %get3A_315 : vector<16xf32>
    %get3A_317 = arith.constant 9616 : index
    %get3A_318 = tpu.vector_load %arg15[%get3A_317] {strides = array<i32>} : memref<10240xf32, #tpu.memory_space<vmem>>, vector<16xf32>,
    %add3A_319 = arith.addf %add3A_316, %get3A_318 : vector<16xf32>
    %swap3A_320 = arith.constant 0 : i32
    %swap3A_321 = arith.index_cast %swap3A_320 : i32 to index
    %swap3A_322 = arith.constant 16 : index
    %swap3A_323 = tpu.vector_load %arg18[%swap3A_321, %swap3A_322] {strides = array<i32>} : memref<5x128xf32, #tpu.memory_space<vmem>>, vector<16xf32>,
    tpu.vector_store %arg18[%swap3A_321, %swap3A_322], %add3A_319 {strides = array<i32>} : memref<5x128xf32, #tpu.memory_space<vmem>>, vector<16xf32>,
    %get3A_324 = arith.constant 32 : index
    %get3A_325 = tpu.vector_load %arg15[%get3A_324] {strides = array<i32>} : memref<10240xf32, #tpu.memory_space<vmem>>, vector<16xf32>,
    %get3A_326 = arith.constant 672 : index
    %get3A_327 = tpu.vector_load %arg15[%get3A_326] {strides = array<i32>} : memref<10240xf32, #tpu.memory_space<vmem>>, vector<16xf32>,
    %add3A_328 = arith.addf %get3A_325, %get3A_327 : vector<16xf32>
    %get3A_329 = arith.constant 1312 : index
    %get3A_330 = tpu.vector_load %arg15[%get3A_329] {strides = array<i32>} : memref<10240xf32, #tpu.memory_space<vmem>>, vector<16xf32>,
    %add3A_331 = arith.addf %add3A_328, %get3A_330 : vector<16xf32>
    %get3A_332 = arith.constant 1952 : index
    %get3A_333 = tpu.vector_load %arg15[%get3A_332] {strides = array<i32>} : memref<10240xf32, #tpu.memory_space<vmem>>, vector<16xf32>,
    %add3A_334 = arith.addf %add3A_331, %get3A_333 : vector<16xf32>
    %get3A_335 = arith.constant 2592 : index
    %get3A_336 = tpu.vector_load %arg15[%get3A_335] {strides = array<i32>} : memref<10240xf32, #tpu.memory_space<vmem>>, vector<16xf32>,
    %add3A_337 = arith.addf %add3A_334, %get3A_336 : vector<16xf32>
    %get3A_338 = arith.constant 3232 : index
    %get3A_339 = tpu.vector_load %arg15[%get3A_338] {strides = array<i32>} : memref<10240xf32, #tpu.memory_space<vmem>>, vector<16xf32>,
    %add3A_340 = arith.addf %add3A_337, %get3A_339 : vector<16xf32>
    %get3A_341 = arith.constant 3872 : index
    %get3A_342 = tpu.vector_load %arg15[%get3A_341] {strides = array<i32>} : memref<10240xf32, #tpu.memory_space<vmem>>, vector<16xf32>,
    %add3A_343 = arith.addf %add3A_340, %get3A_342 : vector<16xf32>
    %get3A_344 = arith.constant 4512 : index
    %get3A_345 = tpu.vector_load %arg15[%get3A_344] {strides = array<i32>} : memref<10240xf32, #tpu.memory_space<vmem>>, vector<16xf32>,
    %add3A_346 = arith.addf %add3A_343, %get3A_345 : vector<16xf32>
    %get3A_347 = arith.constant 5152 : index
    %get3A_348 = tpu.vector_load %arg15[%get3A_347] {strides = array<i32>} : memref<10240xf32, #tpu.memory_space<vmem>>, vector<16xf32>,
    %add3A_349 = arith.addf %add3A_346, %get3A_348 : vector<16xf32>
    %get3A_350 = arith.constant 5792 : index
    %get3A_351 = tpu.vector_load %arg15[%get3A_350] {strides = array<i32>} : memref<10240xf32, #tpu.memory_space<vmem>>, vector<16xf32>,
    %add3A_352 = arith.addf %add3A_349, %get3A_351 : vector<16xf32>
    %get3A_353 = arith.constant 6432 : index
    %get3A_354 = tpu.vector_load %arg15[%get3A_353] {strides = array<i32>} : memref<10240xf32, #tpu.memory_space<vmem>>, vector<16xf32>,
    %add3A_355 = arith.addf %add3A_352, %get3A_354 : vector<16xf32>
    %get3A_356 = arith.constant 7072 : index
    %get3A_357 = tpu.vector_load %arg15[%get3A_356] {strides = array<i32>} : memref<10240xf32, #tpu.memory_space<vmem>>, vector<16xf32>,
    %add3A_358 = arith.addf %add3A_355, %get3A_357 : vector<16xf32>
    %get3A_359 = arith.constant 7712 : index
    %get3A_360 = tpu.vector_load %arg15[%get3A_359] {strides = array<i32>} : memref<10240xf32, #tpu.memory_space<vmem>>, vector<16xf32>,
    %add3A_361 = arith.addf %add3A_358, %get3A_360 : vector<16xf32>
    %get3A_362 = arith.constant 8352 : index
    %get3A_363 = tpu.vector_load %arg15[%get3A_362] {strides = array<i32>} : memref<10240xf32, #tpu.memory_space<vmem>>, vector<16xf32>,
    %add3A_364 = arith.addf %add3A_361, %get3A_363 : vector<16xf32>
    %get3A_365 = arith.constant 8992 : index
    %get3A_366 = tpu.vector_load %arg15[%get3A_365] {strides = array<i32>} : memref<10240xf32, #tpu.memory_space<vmem>>, vector<16xf32>,
    %add3A_367 = arith.addf %add3A_364, %get3A_366 : vector<16xf32>
    %get3A_368 = arith.constant 9632 : index
    %get3A_369 = tpu.vector_load %arg15[%get3A_368] {strides = array<i32>} : memref<10240xf32, #tpu.memory_space<vmem>>, vector<16xf32>,
    %add3A_370 = arith.addf %add3A_367, %get3A_369 : vector<16xf32>
    %swap3A_371 = arith.constant 0 : i32
    %swap3A_372 = arith.index_cast %swap3A_371 : i32 to index
    %swap3A_373 = arith.constant 32 : index
    %swap3A_374 = tpu.vector_load %arg18[%swap3A_372, %swap3A_373] {strides = array<i32>} : memref<5x128xf32, #tpu.memory_space<vmem>>, vector<16xf32>,
    tpu.vector_store %arg18[%swap3A_372, %swap3A_373], %add3A_370 {strides = array<i32>} : memref<5x128xf32, #tpu.memory_space<vmem>>, vector<16xf32>,
    %get3A_375 = arith.constant 48 : index
    %get3A_376 = tpu.vector_load %arg15[%get3A_375] {strides = array<i32>} : memref<10240xf32, #tpu.memory_space<vmem>>, vector<16xf32>,
    %get3A_377 = arith.constant 688 : index
    %get3A_378 = tpu.vector_load %arg15[%get3A_377] {strides = array<i32>} : memref<10240xf32, #tpu.memory_space<vmem>>, vector<16xf32>,
    %add3A_379 = arith.addf %get3A_376, %get3A_378 : vector<16xf32>
    %get3A_380 = arith.constant 1328 : index
    %get3A_381 = tpu.vector_load %arg15[%get3A_380] {strides = array<i32>} : memref<10240xf32, #tpu.memory_space<vmem>>, vector<16xf32>,
    %add3A_382 = arith.addf %add3A_379, %get3A_381 : vector<16xf32>
    %get3A_383 = arith.constant 1968 : index
    %get3A_384 = tpu.vector_load %arg15[%get3A_383] {strides = array<i32>} : memref<10240xf32, #tpu.memory_space<vmem>>, vector<16xf32>,
    %add3A_385 = arith.addf %add3A_382, %get3A_384 : vector<16xf32>
    %get3A_386 = arith.constant 2608 : index
    %get3A_387 = tpu.vector_load %arg15[%get3A_386] {strides = array<i32>} : memref<10240xf32, #tpu.memory_space<vmem>>, vector<16xf32>,
    %add3A_388 = arith.addf %add3A_385, %get3A_387 : vector<16xf32>
    %get3A_389 = arith.constant 3248 : index
    %get3A_390 = tpu.vector_load %arg15[%get3A_389] {strides = array<i32>} : memref<10240xf32, #tpu.memory_space<vmem>>, vector<16xf32>,
    %add3A_391 = arith.addf %add3A_388, %get3A_390 : vector<16xf32>
    %get3A_392 = arith.constant 3888 : index
    %get3A_393 = tpu.vector_load %arg15[%get3A_392] {strides = array<i32>} : memref<10240xf32, #tpu.memory_space<vmem>>, vector<16xf32>,
    %add3A_394 = arith.addf %add3A_391, %get3A_393 : vector<16xf32>
    %get3A_395 = arith.constant 4528 : index
    %get3A_396 = tpu.vector_load %arg15[%get3A_395] {strides = array<i32>} : memref<10240xf32, #tpu.memory_space<vmem>>, vector<16xf32>,
    %add3A_397 = arith.addf %add3A_394, %get3A_396 : vector<16xf32>
    %get3A_398 = arith.constant 5168 : index
    %get3A_399 = tpu.vector_load %arg15[%get3A_398] {strides = array<i32>} : memref<10240xf32, #tpu.memory_space<vmem>>, vector<16xf32>,
    %add3A_400 = arith.addf %add3A_397, %get3A_399 : vector<16xf32>
    %get3A_401 = arith.constant 5808 : index
    %get3A_402 = tpu.vector_load %arg15[%get3A_401] {strides = array<i32>} : memref<10240xf32, #tpu.memory_space<vmem>>, vector<16xf32>,
    %add3A_403 = arith.addf %add3A_400, %get3A_402 : vector<16xf32>
    %get3A_404 = arith.constant 6448 : index
    %get3A_405 = tpu.vector_load %arg15[%get3A_404] {strides = array<i32>} : memref<10240xf32, #tpu.memory_space<vmem>>, vector<16xf32>,
    %add3A_406 = arith.addf %add3A_403, %get3A_405 : vector<16xf32>
    %get3A_407 = arith.constant 7088 : index
    %get3A_408 = tpu.vector_load %arg15[%get3A_407] {strides = array<i32>} : memref<10240xf32, #tpu.memory_space<vmem>>, vector<16xf32>,
    %add3A_409 = arith.addf %add3A_406, %get3A_408 : vector<16xf32>
    %get3A_410 = arith.constant 7728 : index
    %get3A_411 = tpu.vector_load %arg15[%get3A_410] {strides = array<i32>} : memref<10240xf32, #tpu.memory_space<vmem>>, vector<16xf32>,
    %add3A_412 = arith.addf %add3A_409, %get3A_411 : vector<16xf32>
    %get3A_413 = arith.constant 8368 : index
    %get3A_414 = tpu.vector_load %arg15[%get3A_413] {strides = array<i32>} : memref<10240xf32, #tpu.memory_space<vmem>>, vector<16xf32>,
    %add3A_415 = arith.addf %add3A_412, %get3A_414 : vector<16xf32>
    %get3A_416 = arith.constant 9008 : index
    %get3A_417 = tpu.vector_load %arg15[%get3A_416] {strides = array<i32>} : memref<10240xf32, #tpu.memory_space<vmem>>, vector<16xf32>,
    %add3A_418 = arith.addf %add3A_415, %get3A_417 : vector<16xf32>
    %get3A_419 = arith.constant 9648 : index
    %get3A_420 = tpu.vector_load %arg15[%get3A_419] {strides = array<i32>} : memref<10240xf32, #tpu.memory_space<vmem>>, vector<16xf32>,
    %add3A_421 = arith.addf %add3A_418, %get3A_420 : vector<16xf32>
    %swap3A_422 = arith.constant 0 : i32
    %swap3A_423 = arith.index_cast %swap3A_422 : i32 to index
    %swap3A_424 = arith.constant 48 : index
    %swap3A_425 = tpu.vector_load %arg18[%swap3A_423, %swap3A_424] {strides = array<i32>} : memref<5x128xf32, #tpu.memory_space<vmem>>, vector<16xf32>,
    tpu.vector_store %arg18[%swap3A_423, %swap3A_424], %add3A_421 {strides = array<i32>} : memref<5x128xf32, #tpu.memory_space<vmem>>, vector<16xf32>,
    %get3A_426 = arith.constant 64 : index
    %get3A_427 = tpu.vector_load %arg15[%get3A_426] {strides = array<i32>} : memref<10240xf32, #tpu.memory_space<vmem>>, vector<16xf32>,
    %get3A_428 = arith.constant 704 : index
    %get3A_429 = tpu.vector_load %arg15[%get3A_428] {strides = array<i32>} : memref<10240xf32, #tpu.memory_space<vmem>>, vector<16xf32>,
    %add3A_430 = arith.addf %get3A_427, %get3A_429 : vector<16xf32>
    %get3A_431 = arith.constant 1344 : index
    %get3A_432 = tpu.vector_load %arg15[%get3A_431] {strides = array<i32>} : memref<10240xf32, #tpu.memory_space<vmem>>, vector<16xf32>,
    %add3A_433 = arith.addf %add3A_430, %get3A_432 : vector<16xf32>
    %get3A_434 = arith.constant 1984 : index
    %get3A_435 = tpu.vector_load %arg15[%get3A_434] {strides = array<i32>} : memref<10240xf32, #tpu.memory_space<vmem>>, vector<16xf32>,
    %add3A_436 = arith.addf %add3A_433, %get3A_435 : vector<16xf32>
    %get3A_437 = arith.constant 2624 : index
    %get3A_438 = tpu.vector_load %arg15[%get3A_437] {strides = array<i32>} : memref<10240xf32, #tpu.memory_space<vmem>>, vector<16xf32>,
    %add3A_439 = arith.addf %add3A_436, %get3A_438 : vector<16xf32>
    %get3A_440 = arith.constant 3264 : index
    %get3A_441 = tpu.vector_load %arg15[%get3A_440] {strides = array<i32>} : memref<10240xf32, #tpu.memory_space<vmem>>, vector<16xf32>,
    %add3A_442 = arith.addf %add3A_439, %get3A_441 : vector<16xf32>
    %get3A_443 = arith.constant 3904 : index
    %get3A_444 = tpu.vector_load %arg15[%get3A_443] {strides = array<i32>} : memref<10240xf32, #tpu.memory_space<vmem>>, vector<16xf32>,
    %add3A_445 = arith.addf %add3A_442, %get3A_444 : vector<16xf32>
    %get3A_446 = arith.constant 4544 : index
    %get3A_447 = tpu.vector_load %arg15[%get3A_446] {strides = array<i32>} : memref<10240xf32, #tpu.memory_space<vmem>>, vector<16xf32>,
    %add3A_448 = arith.addf %add3A_445, %get3A_447 : vector<16xf32>
    %get3A_449 = arith.constant 5184 : index
    %get3A_450 = tpu.vector_load %arg15[%get3A_449] {strides = array<i32>} : memref<10240xf32, #tpu.memory_space<vmem>>, vector<16xf32>,
    %add3A_451 = arith.addf %add3A_448, %get3A_450 : vector<16xf32>
    %get3A_452 = arith.constant 5824 : index
    %get3A_453 = tpu.vector_load %arg15[%get3A_452] {strides = array<i32>} : memref<10240xf32, #tpu.memory_space<vmem>>, vector<16xf32>,
    %add3A_454 = arith.addf %add3A_451, %get3A_453 : vector<16xf32>
    %get3A_455 = arith.constant 6464 : index
    %get3A_456 = tpu.vector_load %arg15[%get3A_455] {strides = array<i32>} : memref<10240xf32, #tpu.memory_space<vmem>>, vector<16xf32>,
    %add3A_457 = arith.addf %add3A_454, %get3A_456 : vector<16xf32>
    %get3A_458 = arith.constant 7104 : index
    %get3A_459 = tpu.vector_load %arg15[%get3A_458] {strides = array<i32>} : memref<10240xf32, #tpu.memory_space<vmem>>, vector<16xf32>,
    %add3A_460 = arith.addf %add3A_457, %get3A_459 : vector<16xf32>
    %get3A_461 = arith.constant 7744 : index
    %get3A_462 = tpu.vector_load %arg15[%get3A_461] {strides = array<i32>} : memref<10240xf32, #tpu.memory_space<vmem>>, vector<16xf32>,
    %add3A_463 = arith.addf %add3A_460, %get3A_462 : vector<16xf32>
    %get3A_464 = arith.constant 8384 : index
    %get3A_465 = tpu.vector_load %arg15[%get3A_464] {strides = array<i32>} : memref<10240xf32, #tpu.memory_space<vmem>>, vector<16xf32>,
    %add3A_466 = arith.addf %add3A_463, %get3A_465 : vector<16xf32>
    %get3A_467 = arith.constant 9024 : index
    %get3A_468 = tpu.vector_load %arg15[%get3A_467] {strides = array<i32>} : memref<10240xf32, #tpu.memory_space<vmem>>, vector<16xf32>,
    %add3A_469 = arith.addf %add3A_466, %get3A_468 : vector<16xf32>
    %get3A_470 = arith.constant 9664 : index
    %get3A_471 = tpu.vector_load %arg15[%get3A_470] {strides = array<i32>} : memref<10240xf32, #tpu.memory_space<vmem>>, vector<16xf32>,
    %add3A_472 = arith.addf %add3A_469, %get3A_471 : vector<16xf32>
    %swap3A_473 = arith.constant 0 : i32
    %swap3A_474 = arith.index_cast %swap3A_473 : i32 to index
    %swap3A_475 = arith.constant 64 : index
    %swap3A_476 = tpu.vector_load %arg18[%swap3A_474, %swap3A_475] {strides = array<i32>} : memref<5x128xf32, #tpu.memory_space<vmem>>, vector<16xf32>,
    tpu.vector_store %arg18[%swap3A_474, %swap3A_475], %add3A_472 {strides = array<i32>} : memref<5x128xf32, #tpu.memory_space<vmem>>, vector<16xf32>,
    %get3A_477 = arith.constant 80 : index
    %get3A_478 = tpu.vector_load %arg15[%get3A_477] {strides = array<i32>} : memref<10240xf32, #tpu.memory_space<vmem>>, vector<16xf32>,
    %get3A_479 = arith.constant 720 : index
    %get3A_480 = tpu.vector_load %arg15[%get3A_479] {strides = array<i32>} : memref<10240xf32, #tpu.memory_space<vmem>>, vector<16xf32>,
    %add3A_481 = arith.addf %get3A_478, %get3A_480 : vector<16xf32>
    %get3A_482 = arith.constant 1360 : index
    %get3A_483 = tpu.vector_load %arg15[%get3A_482] {strides = array<i32>} : memref<10240xf32, #tpu.memory_space<vmem>>, vector<16xf32>,
    %add3A_484 = arith.addf %add3A_481, %get3A_483 : vector<16xf32>
    %get3A_485 = arith.constant 2000 : index
    %get3A_486 = tpu.vector_load %arg15[%get3A_485] {strides = array<i32>} : memref<10240xf32, #tpu.memory_space<vmem>>, vector<16xf32>,
    %add3A_487 = arith.addf %add3A_484, %get3A_486 : vector<16xf32>
    %get3A_488 = arith.constant 2640 : index
    %get3A_489 = tpu.vector_load %arg15[%get3A_488] {strides = array<i32>} : memref<10240xf32, #tpu.memory_space<vmem>>, vector<16xf32>,
    %add3A_490 = arith.addf %add3A_487, %get3A_489 : vector<16xf32>
    %get3A_491 = arith.constant 3280 : index
    %get3A_492 = tpu.vector_load %arg15[%get3A_491] {strides = array<i32>} : memref<10240xf32, #tpu.memory_space<vmem>>, vector<16xf32>,
    %add3A_493 = arith.addf %add3A_490, %get3A_492 : vector<16xf32>
    %get3A_494 = arith.constant 3920 : index
    %get3A_495 = tpu.vector_load %arg15[%get3A_494] {strides = array<i32>} : memref<10240xf32, #tpu.memory_space<vmem>>, vector<16xf32>,
    %add3A_496 = arith.addf %add3A_493, %get3A_495 : vector<16xf32>
    %get3A_497 = arith.constant 4560 : index
    %get3A_498 = tpu.vector_load %arg15[%get3A_497] {strides = array<i32>} : memref<10240xf32, #tpu.memory_space<vmem>>, vector<16xf32>,
    %add3A_499 = arith.addf %add3A_496, %get3A_498 : vector<16xf32>
    %get3A_500 = arith.constant 5200 : index
    %get3A_501 = tpu.vector_load %arg15[%get3A_500] {strides = array<i32>} : memref<10240xf32, #tpu.memory_space<vmem>>, vector<16xf32>,
    %add3A_502 = arith.addf %add3A_499, %get3A_501 : vector<16xf32>
    %get3A_503 = arith.constant 5840 : index
    %get3A_504 = tpu.vector_load %arg15[%get3A_503] {strides = array<i32>} : memref<10240xf32, #tpu.memory_space<vmem>>, vector<16xf32>,
    %add3A_505 = arith.addf %add3A_502, %get3A_504 : vector<16xf32>
    %get3A_506 = arith.constant 6480 : index
    %get3A_507 = tpu.vector_load %arg15[%get3A_506] {strides = array<i32>} : memref<10240xf32, #tpu.memory_space<vmem>>, vector<16xf32>,
    %add3A_508 = arith.addf %add3A_505, %get3A_507 : vector<16xf32>
    %get3A_509 = arith.constant 7120 : index
    %get3A_510 = tpu.vector_load %arg15[%get3A_509] {strides = array<i32>} : memref<10240xf32, #tpu.memory_space<vmem>>, vector<16xf32>,
    %add3A_511 = arith.addf %add3A_508, %get3A_510 : vector<16xf32>
    %get3A_512 = arith.constant 7760 : index
    %get3A_513 = tpu.vector_load %arg15[%get3A_512] {strides = array<i32>} : memref<10240xf32, #tpu.memory_space<vmem>>, vector<16xf32>,
    %add3A_514 = arith.addf %add3A_511, %get3A_513 : vector<16xf32>
    %get3A_515 = arith.constant 8400 : index
    %get3A_516 = tpu.vector_load %arg15[%get3A_515] {strides = array<i32>} : memref<10240xf32, #tpu.memory_space<vmem>>, vector<16xf32>,
    %add3A_517 = arith.addf %add3A_514, %get3A_516 : vector<16xf32>
    %get3A_518 = arith.constant 9040 : index
    %get3A_519 = tpu.vector_load %arg15[%get3A_518] {strides = array<i32>} : memref<10240xf32, #tpu.memory_space<vmem>>, vector<16xf32>,
    %add3A_520 = arith.addf %add3A_517, %get3A_519 : vector<16xf32>
    %get3A_521 = arith.constant 9680 : index
    %get3A_522 = tpu.vector_load %arg15[%get3A_521] {strides = array<i32>} : memref<10240xf32, #tpu.memory_space<vmem>>, vector<16xf32>,
    %add3A_523 = arith.addf %add3A_520, %get3A_522 : vector<16xf32>
    %swap3A_524 = arith.constant 0 : i32
    %swap3A_525 = arith.index_cast %swap3A_524 : i32 to index
    %swap3A_526 = arith.constant 80 : index
    %swap3A_527 = tpu.vector_load %arg18[%swap3A_525, %swap3A_526] {strides = array<i32>} : memref<5x128xf32, #tpu.memory_space<vmem>>, vector<16xf32>,
    tpu.vector_store %arg18[%swap3A_525, %swap3A_526], %add3A_523 {strides = array<i32>} : memref<5x128xf32, #tpu.memory_space<vmem>>, vector<16xf32>,
    %get3A_528 = arith.constant 96 : index
    %get3A_529 = tpu.vector_load %arg15[%get3A_528] {strides = array<i32>} : memref<10240xf32, #tpu.memory_space<vmem>>, vector<16xf32>,
    %get3A_530 = arith.constant 736 : index
    %get3A_531 = tpu.vector_load %arg15[%get3A_530] {strides = array<i32>} : memref<10240xf32, #tpu.memory_space<vmem>>, vector<16xf32>,
    %add3A_532 = arith.addf %get3A_529, %get3A_531 : vector<16xf32>
    %get3A_533 = arith.constant 1376 : index
    %get3A_534 = tpu.vector_load %arg15[%get3A_533] {strides = array<i32>} : memref<10240xf32, #tpu.memory_space<vmem>>, vector<16xf32>,
    %add3A_535 = arith.addf %add3A_532, %get3A_534 : vector<16xf32>
    %get3A_536 = arith.constant 2016 : index
    %get3A_537 = tpu.vector_load %arg15[%get3A_536] {strides = array<i32>} : memref<10240xf32, #tpu.memory_space<vmem>>, vector<16xf32>,
    %add3A_538 = arith.addf %add3A_535, %get3A_537 : vector<16xf32>
    %get3A_539 = arith.constant 2656 : index
    %get3A_540 = tpu.vector_load %arg15[%get3A_539] {strides = array<i32>} : memref<10240xf32, #tpu.memory_space<vmem>>, vector<16xf32>,
    %add3A_541 = arith.addf %add3A_538, %get3A_540 : vector<16xf32>
    %get3A_542 = arith.constant 3296 : index
    %get3A_543 = tpu.vector_load %arg15[%get3A_542] {strides = array<i32>} : memref<10240xf32, #tpu.memory_space<vmem>>, vector<16xf32>,
    %add3A_544 = arith.addf %add3A_541, %get3A_543 : vector<16xf32>
    %get3A_545 = arith.constant 3936 : index
    %get3A_546 = tpu.vector_load %arg15[%get3A_545] {strides = array<i32>} : memref<10240xf32, #tpu.memory_space<vmem>>, vector<16xf32>,
    %add3A_547 = arith.addf %add3A_544, %get3A_546 : vector<16xf32>
    %get3A_548 = arith.constant 4576 : index
    %get3A_549 = tpu.vector_load %arg15[%get3A_548] {strides = array<i32>} : memref<10240xf32, #tpu.memory_space<vmem>>, vector<16xf32>,
    %add3A_550 = arith.addf %add3A_547, %get3A_549 : vector<16xf32>
    %get3A_551 = arith.constant 5216 : index
    %get3A_552 = tpu.vector_load %arg15[%get3A_551] {strides = array<i32>} : memref<10240xf32, #tpu.memory_space<vmem>>, vector<16xf32>,
    %add3A_553 = arith.addf %add3A_550, %get3A_552 : vector<16xf32>
    %get3A_554 = arith.constant 5856 : index
    %get3A_555 = tpu.vector_load %arg15[%get3A_554] {strides = array<i32>} : memref<10240xf32, #tpu.memory_space<vmem>>, vector<16xf32>,
    %add3A_556 = arith.addf %add3A_553, %get3A_555 : vector<16xf32>
    %get3A_557 = arith.constant 6496 : index
    %get3A_558 = tpu.vector_load %arg15[%get3A_557] {strides = array<i32>} : memref<10240xf32, #tpu.memory_space<vmem>>, vector<16xf32>,
    %add3A_559 = arith.addf %add3A_556, %get3A_558 : vector<16xf32>
    %get3A_560 = arith.constant 7136 : index
    %get3A_561 = tpu.vector_load %arg15[%get3A_560] {strides = array<i32>} : memref<10240xf32, #tpu.memory_space<vmem>>, vector<16xf32>,
    %add3A_562 = arith.addf %add3A_559, %get3A_561 : vector<16xf32>
    %get3A_563 = arith.constant 7776 : index
    %get3A_564 = tpu.vector_load %arg15[%get3A_563] {strides = array<i32>} : memref<10240xf32, #tpu.memory_space<vmem>>, vector<16xf32>,
    %add3A_565 = arith.addf %add3A_562, %get3A_564 : vector<16xf32>
    %get3A_566 = arith.constant 8416 : index
    %get3A_567 = tpu.vector_load %arg15[%get3A_566] {strides = array<i32>} : memref<10240xf32, #tpu.memory_space<vmem>>, vector<16xf32>,
    %add3A_568 = arith.addf %add3A_565, %get3A_567 : vector<16xf32>
    %get3A_569 = arith.constant 9056 : index
    %get3A_570 = tpu.vector_load %arg15[%get3A_569] {strides = array<i32>} : memref<10240xf32, #tpu.memory_space<vmem>>, vector<16xf32>,
    %add3A_571 = arith.addf %add3A_568, %get3A_570 : vector<16xf32>
    %get3A_572 = arith.constant 9696 : index
    %get3A_573 = tpu.vector_load %arg15[%get3A_572] {strides = array<i32>} : memref<10240xf32, #tpu.memory_space<vmem>>, vector<16xf32>,
    %add3A_574 = arith.addf %add3A_571, %get3A_573 : vector<16xf32>
    %swap3A_575 = arith.constant 0 : i32
    %swap3A_576 = arith.index_cast %swap3A_575 : i32 to index
    %swap3A_577 = arith.constant 96 : index
    %swap3A_578 = tpu.vector_load %arg18[%swap3A_576, %swap3A_577] {strides = array<i32>} : memref<5x128xf32, #tpu.memory_space<vmem>>, vector<16xf32>,
    tpu.vector_store %arg18[%swap3A_576, %swap3A_577], %add3A_574 {strides = array<i32>} : memref<5x128xf32, #tpu.memory_space<vmem>>, vector<16xf32>,
    %get3A_579 = arith.constant 112 : index
    %get3A_580 = tpu.vector_load %arg15[%get3A_579] {strides = array<i32>} : memref<10240xf32, #tpu.memory_space<vmem>>, vector<16xf32>,
    %get3A_581 = arith.constant 752 : index
    %get3A_582 = tpu.vector_load %arg15[%get3A_581] {strides = array<i32>} : memref<10240xf32, #tpu.memory_space<vmem>>, vector<16xf32>,
    %add3A_583 = arith.addf %get3A_580, %get3A_582 : vector<16xf32>
    %get3A_584 = arith.constant 1392 : index
    %get3A_585 = tpu.vector_load %arg15[%get3A_584] {strides = array<i32>} : memref<10240xf32, #tpu.memory_space<vmem>>, vector<16xf32>,
    %add3A_586 = arith.addf %add3A_583, %get3A_585 : vector<16xf32>
    %get3A_587 = arith.constant 2032 : index
    %get3A_588 = tpu.vector_load %arg15[%get3A_587] {strides = array<i32>} : memref<10240xf32, #tpu.memory_space<vmem>>, vector<16xf32>,
    %add3A_589 = arith.addf %add3A_586, %get3A_588 : vector<16xf32>
    %get3A_590 = arith.constant 2672 : index
    %get3A_591 = tpu.vector_load %arg15[%get3A_590] {strides = array<i32>} : memref<10240xf32, #tpu.memory_space<vmem>>, vector<16xf32>,
    %add3A_592 = arith.addf %add3A_589, %get3A_591 : vector<16xf32>
    %get3A_593 = arith.constant 3312 : index
    %get3A_594 = tpu.vector_load %arg15[%get3A_593] {strides = array<i32>} : memref<10240xf32, #tpu.memory_space<vmem>>, vector<16xf32>,
    %add3A_595 = arith.addf %add3A_592, %get3A_594 : vector<16xf32>
    %get3A_596 = arith.constant 3952 : index
    %get3A_597 = tpu.vector_load %arg15[%get3A_596] {strides = array<i32>} : memref<10240xf32, #tpu.memory_space<vmem>>, vector<16xf32>,
    %add3A_598 = arith.addf %add3A_595, %get3A_597 : vector<16xf32>
    %get3A_599 = arith.constant 4592 : index
    %get3A_600 = tpu.vector_load %arg15[%get3A_599] {strides = array<i32>} : memref<10240xf32, #tpu.memory_space<vmem>>, vector<16xf32>,
    %add3A_601 = arith.addf %add3A_598, %get3A_600 : vector<16xf32>
    %get3A_602 = arith.constant 5232 : index
    %get3A_603 = tpu.vector_load %arg15[%get3A_602] {strides = array<i32>} : memref<10240xf32, #tpu.memory_space<vmem>>, vector<16xf32>,
    %add3A_604 = arith.addf %add3A_601, %get3A_603 : vector<16xf32>
    %get3A_605 = arith.constant 5872 : index
    %get3A_606 = tpu.vector_load %arg15[%get3A_605] {strides = array<i32>} : memref<10240xf32, #tpu.memory_space<vmem>>, vector<16xf32>,
    %add3A_607 = arith.addf %add3A_604, %get3A_606 : vector<16xf32>
    %get3A_608 = arith.constant 6512 : index
    %get3A_609 = tpu.vector_load %arg15[%get3A_608] {strides = array<i32>} : memref<10240xf32, #tpu.memory_space<vmem>>, vector<16xf32>,
    %add3A_610 = arith.addf %add3A_607, %get3A_609 : vector<16xf32>
    %get3A_611 = arith.constant 7152 : index
    %get3A_612 = tpu.vector_load %arg15[%get3A_611] {strides = array<i32>} : memref<10240xf32, #tpu.memory_space<vmem>>, vector<16xf32>,
    %add3A_613 = arith.addf %add3A_610, %get3A_612 : vector<16xf32>
    %get3A_614 = arith.constant 7792 : index
    %get3A_615 = tpu.vector_load %arg15[%get3A_614] {strides = array<i32>} : memref<10240xf32, #tpu.memory_space<vmem>>, vector<16xf32>,
    %add3A_616 = arith.addf %add3A_613, %get3A_615 : vector<16xf32>
    %get3A_617 = arith.constant 8432 : index
    %get3A_618 = tpu.vector_load %arg15[%get3A_617] {strides = array<i32>} : memref<10240xf32, #tpu.memory_space<vmem>>, vector<16xf32>,
    %add3A_619 = arith.addf %add3A_616, %get3A_618 : vector<16xf32>
    %get3A_620 = arith.constant 9072 : index
    %get3A_621 = tpu.vector_load %arg15[%get3A_620] {strides = array<i32>} : memref<10240xf32, #tpu.memory_space<vmem>>, vector<16xf32>,
    %add3A_622 = arith.addf %add3A_619, %get3A_621 : vector<16xf32>
    %get3A_623 = arith.constant 9712 : index
    %get3A_624 = tpu.vector_load %arg15[%get3A_623] {strides = array<i32>} : memref<10240xf32, #tpu.memory_space<vmem>>, vector<16xf32>,
    %add3A_625 = arith.addf %add3A_622, %get3A_624 : vector<16xf32>
    %swap3A_626 = arith.constant 0 : i32
    %swap3A_627 = arith.index_cast %swap3A_626 : i32 to index
    %swap3A_628 = arith.constant 112 : index
    %swap3A_629 = tpu.vector_load %arg18[%swap3A_627, %swap3A_628] {strides = array<i32>} : memref<5x128xf32, #tpu.memory_space<vmem>>, vector<16xf32>,
    tpu.vector_store %arg18[%swap3A_627, %swap3A_628], %add3A_625 {strides = array<i32>} : memref<5x128xf32, #tpu.memory_space<vmem>>, vector<16xf32>,
    %get3A_630 = arith.constant 128 : index
    %get3A_631 = tpu.vector_load %arg15[%get3A_630] {strides = array<i32>} : memref<10240xf32, #tpu.memory_space<vmem>>, vector<16xf32>,
    %get3A_632 = arith.constant 768 : index
    %get3A_633 = tpu.vector_load %arg15[%get3A_632] {strides = array<i32>} : memref<10240xf32, #tpu.memory_space<vmem>>, vector<16xf32>,
    %add3A_634 = arith.addf %get3A_631, %get3A_633 : vector<16xf32>
    %get3A_635 = arith.constant 1408 : index
    %get3A_636 = tpu.vector_load %arg15[%get3A_635] {strides = array<i32>} : memref<10240xf32, #tpu.memory_space<vmem>>, vector<16xf32>,
    %add3A_637 = arith.addf %add3A_634, %get3A_636 : vector<16xf32>
    %get3A_638 = arith.constant 2048 : index
    %get3A_639 = tpu.vector_load %arg15[%get3A_638] {strides = array<i32>} : memref<10240xf32, #tpu.memory_space<vmem>>, vector<16xf32>,
    %add3A_640 = arith.addf %add3A_637, %get3A_639 : vector<16xf32>
    %get3A_641 = arith.constant 2688 : index
    %get3A_642 = tpu.vector_load %arg15[%get3A_641] {strides = array<i32>} : memref<10240xf32, #tpu.memory_space<vmem>>, vector<16xf32>,
    %add3A_643 = arith.addf %add3A_640, %get3A_642 : vector<16xf32>
    %get3A_644 = arith.constant 3328 : index
    %get3A_645 = tpu.vector_load %arg15[%get3A_644] {strides = array<i32>} : memref<10240xf32, #tpu.memory_space<vmem>>, vector<16xf32>,
    %add3A_646 = arith.addf %add3A_643, %get3A_645 : vector<16xf32>
    %get3A_647 = arith.constant 3968 : index
    %get3A_648 = tpu.vector_load %arg15[%get3A_647] {strides = array<i32>} : memref<10240xf32, #tpu.memory_space<vmem>>, vector<16xf32>,
    %add3A_649 = arith.addf %add3A_646, %get3A_648 : vector<16xf32>
    %get3A_650 = arith.constant 4608 : index
    %get3A_651 = tpu.vector_load %arg15[%get3A_650] {strides = array<i32>} : memref<10240xf32, #tpu.memory_space<vmem>>, vector<16xf32>,
    %add3A_652 = arith.addf %add3A_649, %get3A_651 : vector<16xf32>
    %get3A_653 = arith.constant 5248 : index
    %get3A_654 = tpu.vector_load %arg15[%get3A_653] {strides = array<i32>} : memref<10240xf32, #tpu.memory_space<vmem>>, vector<16xf32>,
    %add3A_655 = arith.addf %add3A_652, %get3A_654 : vector<16xf32>
    %get3A_656 = arith.constant 5888 : index
    %get3A_657 = tpu.vector_load %arg15[%get3A_656] {strides = array<i32>} : memref<10240xf32, #tpu.memory_space<vmem>>, vector<16xf32>,
    %add3A_658 = arith.addf %add3A_655, %get3A_657 : vector<16xf32>
    %get3A_659 = arith.constant 6528 : index
    %get3A_660 = tpu.vector_load %arg15[%get3A_659] {strides = array<i32>} : memref<10240xf32, #tpu.memory_space<vmem>>, vector<16xf32>,
    %add3A_661 = arith.addf %add3A_658, %get3A_660 : vector<16xf32>
    %get3A_662 = arith.constant 7168 : index
    %get3A_663 = tpu.vector_load %arg15[%get3A_662] {strides = array<i32>} : memref<10240xf32, #tpu.memory_space<vmem>>, vector<16xf32>,
    %add3A_664 = arith.addf %add3A_661, %get3A_663 : vector<16xf32>
    %get3A_665 = arith.constant 7808 : index
    %get3A_666 = tpu.vector_load %arg15[%get3A_665] {strides = array<i32>} : memref<10240xf32, #tpu.memory_space<vmem>>, vector<16xf32>,
    %add3A_667 = arith.addf %add3A_664, %get3A_666 : vector<16xf32>
    %get3A_668 = arith.constant 8448 : index
    %get3A_669 = tpu.vector_load %arg15[%get3A_668] {strides = array<i32>} : memref<10240xf32, #tpu.memory_space<vmem>>, vector<16xf32>,
    %add3A_670 = arith.addf %add3A_667, %get3A_669 : vector<16xf32>
    %get3A_671 = arith.constant 9088 : index
    %get3A_672 = tpu.vector_load %arg15[%get3A_671] {strides = array<i32>} : memref<10240xf32, #tpu.memory_space<vmem>>, vector<16xf32>,
    %add3A_673 = arith.addf %add3A_670, %get3A_672 : vector<16xf32>
    %get3A_674 = arith.constant 9728 : index
    %get3A_675 = tpu.vector_load %arg15[%get3A_674] {strides = array<i32>} : memref<10240xf32, #tpu.memory_space<vmem>>, vector<16xf32>,
    %add3A_676 = arith.addf %add3A_673, %get3A_675 : vector<16xf32>
    %swap3A_677 = arith.constant 1 : i32
    %swap3A_678 = arith.index_cast %swap3A_677 : i32 to index
    %swap3A_679 = arith.constant 0 : index
    %swap3A_680 = tpu.vector_load %arg18[%swap3A_678, %swap3A_679] {strides = array<i32>} : memref<5x128xf32, #tpu.memory_space<vmem>>, vector<16xf32>,
    tpu.vector_store %arg18[%swap3A_678, %swap3A_679], %add3A_676 {strides = array<i32>} : memref<5x128xf32, #tpu.memory_space<vmem>>, vector<16xf32>,
    %get3A_681 = arith.constant 144 : index
    %get3A_682 = tpu.vector_load %arg15[%get3A_681] {strides = array<i32>} : memref<10240xf32, #tpu.memory_space<vmem>>, vector<16xf32>,
    %get3A_683 = arith.constant 784 : index
    %get3A_684 = tpu.vector_load %arg15[%get3A_683] {strides = array<i32>} : memref<10240xf32, #tpu.memory_space<vmem>>, vector<16xf32>,
    %add3A_685 = arith.addf %get3A_682, %get3A_684 : vector<16xf32>
    %get3A_686 = arith.constant 1424 : index
    %get3A_687 = tpu.vector_load %arg15[%get3A_686] {strides = array<i32>} : memref<10240xf32, #tpu.memory_space<vmem>>, vector<16xf32>,
    %add3A_688 = arith.addf %add3A_685, %get3A_687 : vector<16xf32>
    %get3A_689 = arith.constant 2064 : index
    %get3A_690 = tpu.vector_load %arg15[%get3A_689] {strides = array<i32>} : memref<10240xf32, #tpu.memory_space<vmem>>, vector<16xf32>,
    %add3A_691 = arith.addf %add3A_688, %get3A_690 : vector<16xf32>
    %get3A_692 = arith.constant 2704 : index
    %get3A_693 = tpu.vector_load %arg15[%get3A_692] {strides = array<i32>} : memref<10240xf32, #tpu.memory_space<vmem>>, vector<16xf32>,
    %add3A_694 = arith.addf %add3A_691, %get3A_693 : vector<16xf32>
    %get3A_695 = arith.constant 3344 : index
    %get3A_696 = tpu.vector_load %arg15[%get3A_695] {strides = array<i32>} : memref<10240xf32, #tpu.memory_space<vmem>>, vector<16xf32>,
    %add3A_697 = arith.addf %add3A_694, %get3A_696 : vector<16xf32>
    %get3A_698 = arith.constant 3984 : index
    %get3A_699 = tpu.vector_load %arg15[%get3A_698] {strides = array<i32>} : memref<10240xf32, #tpu.memory_space<vmem>>, vector<16xf32>,
    %add3A_700 = arith.addf %add3A_697, %get3A_699 : vector<16xf32>
    %get3A_701 = arith.constant 4624 : index
    %get3A_702 = tpu.vector_load %arg15[%get3A_701] {strides = array<i32>} : memref<10240xf32, #tpu.memory_space<vmem>>, vector<16xf32>,
    %add3A_703 = arith.addf %add3A_700, %get3A_702 : vector<16xf32>
    %get3A_704 = arith.constant 5264 : index
    %get3A_705 = tpu.vector_load %arg15[%get3A_704] {strides = array<i32>} : memref<10240xf32, #tpu.memory_space<vmem>>, vector<16xf32>,
    %add3A_706 = arith.addf %add3A_703, %get3A_705 : vector<16xf32>
    %get3A_707 = arith.constant 5904 : index
    %get3A_708 = tpu.vector_load %arg15[%get3A_707] {strides = array<i32>} : memref<10240xf32, #tpu.memory_space<vmem>>, vector<16xf32>,
    %add3A_709 = arith.addf %add3A_706, %get3A_708 : vector<16xf32>
    %get3A_710 = arith.constant 6544 : index
    %get3A_711 = tpu.vector_load %arg15[%get3A_710] {strides = array<i32>} : memref<10240xf32, #tpu.memory_space<vmem>>, vector<16xf32>,
    %add3A_712 = arith.addf %add3A_709, %get3A_711 : vector<16xf32>
    %get3A_713 = arith.constant 7184 : index
    %get3A_714 = tpu.vector_load %arg15[%get3A_713] {strides = array<i32>} : memref<10240xf32, #tpu.memory_space<vmem>>, vector<16xf32>,
    %add3A_715 = arith.addf %add3A_712, %get3A_714 : vector<16xf32>
    %get3A_716 = arith.constant 7824 : index
    %get3A_717 = tpu.vector_load %arg15[%get3A_716] {strides = array<i32>} : memref<10240xf32, #tpu.memory_space<vmem>>, vector<16xf32>,
    %add3A_718 = arith.addf %add3A_715, %get3A_717 : vector<16xf32>
    %get3A_719 = arith.constant 8464 : index
    %get3A_720 = tpu.vector_load %arg15[%get3A_719] {strides = array<i32>} : memref<10240xf32, #tpu.memory_space<vmem>>, vector<16xf32>,
    %add3A_721 = arith.addf %add3A_718, %get3A_720 : vector<16xf32>
    %get3A_722 = arith.constant 9104 : index
    %get3A_723 = tpu.vector_load %arg15[%get3A_722] {strides = array<i32>} : memref<10240xf32, #tpu.memory_space<vmem>>, vector<16xf32>,
    %add3A_724 = arith.addf %add3A_721, %get3A_723 : vector<16xf32>
    %get3A_725 = arith.constant 9744 : index
    %get3A_726 = tpu.vector_load %arg15[%get3A_725] {strides = array<i32>} : memref<10240xf32, #tpu.memory_space<vmem>>, vector<16xf32>,
    %add3A_727 = arith.addf %add3A_724, %get3A_726 : vector<16xf32>
    %swap3A_728 = arith.constant 1 : i32
    %swap3A_729 = arith.index_cast %swap3A_728 : i32 to index
    %swap3A_730 = arith.constant 16 : index
    %swap3A_731 = tpu.vector_load %arg18[%swap3A_729, %swap3A_730] {strides = array<i32>} : memref<5x128xf32, #tpu.memory_space<vmem>>, vector<16xf32>,
    tpu.vector_store %arg18[%swap3A_729, %swap3A_730], %add3A_727 {strides = array<i32>} : memref<5x128xf32, #tpu.memory_space<vmem>>, vector<16xf32>,
    %get3A_732 = arith.constant 160 : index
    %get3A_733 = tpu.vector_load %arg15[%get3A_732] {strides = array<i32>} : memref<10240xf32, #tpu.memory_space<vmem>>, vector<16xf32>,
    %get3A_734 = arith.constant 800 : index
    %get3A_735 = tpu.vector_load %arg15[%get3A_734] {strides = array<i32>} : memref<10240xf32, #tpu.memory_space<vmem>>, vector<16xf32>,
    %add3A_736 = arith.addf %get3A_733, %get3A_735 : vector<16xf32>
    %get3A_737 = arith.constant 1440 : index
    %get3A_738 = tpu.vector_load %arg15[%get3A_737] {strides = array<i32>} : memref<10240xf32, #tpu.memory_space<vmem>>, vector<16xf32>,
    %add3A_739 = arith.addf %add3A_736, %get3A_738 : vector<16xf32>
    %get3A_740 = arith.constant 2080 : index
    %get3A_741 = tpu.vector_load %arg15[%get3A_740] {strides = array<i32>} : memref<10240xf32, #tpu.memory_space<vmem>>, vector<16xf32>,
    %add3A_742 = arith.addf %add3A_739, %get3A_741 : vector<16xf32>
    %get3A_743 = arith.constant 2720 : index
    %get3A_744 = tpu.vector_load %arg15[%get3A_743] {strides = array<i32>} : memref<10240xf32, #tpu.memory_space<vmem>>, vector<16xf32>,
    %add3A_745 = arith.addf %add3A_742, %get3A_744 : vector<16xf32>
    %get3A_746 = arith.constant 3360 : index
    %get3A_747 = tpu.vector_load %arg15[%get3A_746] {strides = array<i32>} : memref<10240xf32, #tpu.memory_space<vmem>>, vector<16xf32>,
    %add3A_748 = arith.addf %add3A_745, %get3A_747 : vector<16xf32>
    %get3A_749 = arith.constant 4000 : index
    %get3A_750 = tpu.vector_load %arg15[%get3A_749] {strides = array<i32>} : memref<10240xf32, #tpu.memory_space<vmem>>, vector<16xf32>,
    %add3A_751 = arith.addf %add3A_748, %get3A_750 : vector<16xf32>
    %get3A_752 = arith.constant 4640 : index
    %get3A_753 = tpu.vector_load %arg15[%get3A_752] {strides = array<i32>} : memref<10240xf32, #tpu.memory_space<vmem>>, vector<16xf32>,
    %add3A_754 = arith.addf %add3A_751, %get3A_753 : vector<16xf32>
    %get3A_755 = arith.constant 5280 : index
    %get3A_756 = tpu.vector_load %arg15[%get3A_755] {strides = array<i32>} : memref<10240xf32, #tpu.memory_space<vmem>>, vector<16xf32>,
    %add3A_757 = arith.addf %add3A_754, %get3A_756 : vector<16xf32>
    %get3A_758 = arith.constant 5920 : index
    %get3A_759 = tpu.vector_load %arg15[%get3A_758] {strides = array<i32>} : memref<10240xf32, #tpu.memory_space<vmem>>, vector<16xf32>,
    %add3A_760 = arith.addf %add3A_757, %get3A_759 : vector<16xf32>
    %get3A_761 = arith.constant 6560 : index
    %get3A_762 = tpu.vector_load %arg15[%get3A_761] {strides = array<i32>} : memref<10240xf32, #tpu.memory_space<vmem>>, vector<16xf32>,
    %add3A_763 = arith.addf %add3A_760, %get3A_762 : vector<16xf32>
    %get3A_764 = arith.constant 7200 : index
    %get3A_765 = tpu.vector_load %arg15[%get3A_764] {strides = array<i32>} : memref<10240xf32, #tpu.memory_space<vmem>>, vector<16xf32>,
    %add3A_766 = arith.addf %add3A_763, %get3A_765 : vector<16xf32>
    %get3A_767 = arith.constant 7840 : index
    %get3A_768 = tpu.vector_load %arg15[%get3A_767] {strides = array<i32>} : memref<10240xf32, #tpu.memory_space<vmem>>, vector<16xf32>,
    %add3A_769 = arith.addf %add3A_766, %get3A_768 : vector<16xf32>
    %get3A_770 = arith.constant 8480 : index
    %get3A_771 = tpu.vector_load %arg15[%get3A_770] {strides = array<i32>} : memref<10240xf32, #tpu.memory_space<vmem>>, vector<16xf32>,
    %add3A_772 = arith.addf %add3A_769, %get3A_771 : vector<16xf32>
    %get3A_773 = arith.constant 9120 : index
    %get3A_774 = tpu.vector_load %arg15[%get3A_773] {strides = array<i32>} : memref<10240xf32, #tpu.memory_space<vmem>>, vector<16xf32>,
    %add3A_775 = arith.addf %add3A_772, %get3A_774 : vector<16xf32>
    %get3A_776 = arith.constant 9760 : index
    %get3A_777 = tpu.vector_load %arg15[%get3A_776] {strides = array<i32>} : memref<10240xf32, #tpu.memory_space<vmem>>, vector<16xf32>,
    %add3A_778 = arith.addf %add3A_775, %get3A_777 : vector<16xf32>
    %swap3A_779 = arith.constant 1 : i32
    %swap3A_780 = arith.index_cast %swap3A_779 : i32 to index
    %swap3A_781 = arith.constant 32 : index
    %swap3A_782 = tpu.vector_load %arg18[%swap3A_780, %swap3A_781] {strides = array<i32>} : memref<5x128xf32, #tpu.memory_space<vmem>>, vector<16xf32>,
    tpu.vector_store %arg18[%swap3A_780, %swap3A_781], %add3A_778 {strides = array<i32>} : memref<5x128xf32, #tpu.memory_space<vmem>>, vector<16xf32>,
    %get3A_783 = arith.constant 176 : index
    %get3A_784 = tpu.vector_load %arg15[%get3A_783] {strides = array<i32>} : memref<10240xf32, #tpu.memory_space<vmem>>, vector<16xf32>,
    %get3A_785 = arith.constant 816 : index
    %get3A_786 = tpu.vector_load %arg15[%get3A_785] {strides = array<i32>} : memref<10240xf32, #tpu.memory_space<vmem>>, vector<16xf32>,
    %add3A_787 = arith.addf %get3A_784, %get3A_786 : vector<16xf32>
    %get3A_788 = arith.constant 1456 : index
    %get3A_789 = tpu.vector_load %arg15[%get3A_788] {strides = array<i32>} : memref<10240xf32, #tpu.memory_space<vmem>>, vector<16xf32>,
    %add3A_790 = arith.addf %add3A_787, %get3A_789 : vector<16xf32>
    %get3A_791 = arith.constant 2096 : index
    %get3A_792 = tpu.vector_load %arg15[%get3A_791] {strides = array<i32>} : memref<10240xf32, #tpu.memory_space<vmem>>, vector<16xf32>,
    %add3A_793 = arith.addf %add3A_790, %get3A_792 : vector<16xf32>
    %get3A_794 = arith.constant 2736 : index
    %get3A_795 = tpu.vector_load %arg15[%get3A_794] {strides = array<i32>} : memref<10240xf32, #tpu.memory_space<vmem>>, vector<16xf32>,
    %add3A_796 = arith.addf %add3A_793, %get3A_795 : vector<16xf32>
    %get3A_797 = arith.constant 3376 : index
    %get3A_798 = tpu.vector_load %arg15[%get3A_797] {strides = array<i32>} : memref<10240xf32, #tpu.memory_space<vmem>>, vector<16xf32>,
    %add3A_799 = arith.addf %add3A_796, %get3A_798 : vector<16xf32>
    %get3A_800 = arith.constant 4016 : index
    %get3A_801 = tpu.vector_load %arg15[%get3A_800] {strides = array<i32>} : memref<10240xf32, #tpu.memory_space<vmem>>, vector<16xf32>,
    %add3A_802 = arith.addf %add3A_799, %get3A_801 : vector<16xf32>
    %get3A_803 = arith.constant 4656 : index
    %get3A_804 = tpu.vector_load %arg15[%get3A_803] {strides = array<i32>} : memref<10240xf32, #tpu.memory_space<vmem>>, vector<16xf32>,
    %add3A_805 = arith.addf %add3A_802, %get3A_804 : vector<16xf32>
    %get3A_806 = arith.constant 5296 : index
    %get3A_807 = tpu.vector_load %arg15[%get3A_806] {strides = array<i32>} : memref<10240xf32, #tpu.memory_space<vmem>>, vector<16xf32>,
    %add3A_808 = arith.addf %add3A_805, %get3A_807 : vector<16xf32>
    %get3A_809 = arith.constant 5936 : index
    %get3A_810 = tpu.vector_load %arg15[%get3A_809] {strides = array<i32>} : memref<10240xf32, #tpu.memory_space<vmem>>, vector<16xf32>,
    %add3A_811 = arith.addf %add3A_808, %get3A_810 : vector<16xf32>
    %get3A_812 = arith.constant 6576 : index
    %get3A_813 = tpu.vector_load %arg15[%get3A_812] {strides = array<i32>} : memref<10240xf32, #tpu.memory_space<vmem>>, vector<16xf32>,
    %add3A_814 = arith.addf %add3A_811, %get3A_813 : vector<16xf32>
    %get3A_815 = arith.constant 7216 : index
    %get3A_816 = tpu.vector_load %arg15[%get3A_815] {strides = array<i32>} : memref<10240xf32, #tpu.memory_space<vmem>>, vector<16xf32>,
    %add3A_817 = arith.addf %add3A_814, %get3A_816 : vector<16xf32>
    %get3A_818 = arith.constant 7856 : index
    %get3A_819 = tpu.vector_load %arg15[%get3A_818] {strides = array<i32>} : memref<10240xf32, #tpu.memory_space<vmem>>, vector<16xf32>,
    %add3A_820 = arith.addf %add3A_817, %get3A_819 : vector<16xf32>
    %get3A_821 = arith.constant 8496 : index
    %get3A_822 = tpu.vector_load %arg15[%get3A_821] {strides = array<i32>} : memref<10240xf32, #tpu.memory_space<vmem>>, vector<16xf32>,
    %add3A_823 = arith.addf %add3A_820, %get3A_822 : vector<16xf32>
    %get3A_824 = arith.constant 9136 : index
    %get3A_825 = tpu.vector_load %arg15[%get3A_824] {strides = array<i32>} : memref<10240xf32, #tpu.memory_space<vmem>>, vector<16xf32>,
    %add3A_826 = arith.addf %add3A_823, %get3A_825 : vector<16xf32>
    %get3A_827 = arith.constant 9776 : index
    %get3A_828 = tpu.vector_load %arg15[%get3A_827] {strides = array<i32>} : memref<10240xf32, #tpu.memory_space<vmem>>, vector<16xf32>,
    %add3A_829 = arith.addf %add3A_826, %get3A_828 : vector<16xf32>
    %swap3A_830 = arith.constant 1 : i32
    %swap3A_831 = arith.index_cast %swap3A_830 : i32 to index
    %swap3A_832 = arith.constant 48 : index
    %swap3A_833 = tpu.vector_load %arg18[%swap3A_831, %swap3A_832] {strides = array<i32>} : memref<5x128xf32, #tpu.memory_space<vmem>>, vector<16xf32>,
    tpu.vector_store %arg18[%swap3A_831, %swap3A_832], %add3A_829 {strides = array<i32>} : memref<5x128xf32, #tpu.memory_space<vmem>>, vector<16xf32>,
    %get3A_834 = arith.constant 192 : index
    %get3A_835 = tpu.vector_load %arg15[%get3A_834] {strides = array<i32>} : memref<10240xf32, #tpu.memory_space<vmem>>, vector<16xf32>,
    %get3A_836 = arith.constant 832 : index
    %get3A_837 = tpu.vector_load %arg15[%get3A_836] {strides = array<i32>} : memref<10240xf32, #tpu.memory_space<vmem>>, vector<16xf32>,
    %add3A_838 = arith.addf %get3A_835, %get3A_837 : vector<16xf32>
    %get3A_839 = arith.constant 1472 : index
    %get3A_840 = tpu.vector_load %arg15[%get3A_839] {strides = array<i32>} : memref<10240xf32, #tpu.memory_space<vmem>>, vector<16xf32>,
    %add3A_841 = arith.addf %add3A_838, %get3A_840 : vector<16xf32>
    %get3A_842 = arith.constant 2112 : index
    %get3A_843 = tpu.vector_load %arg15[%get3A_842] {strides = array<i32>} : memref<10240xf32, #tpu.memory_space<vmem>>, vector<16xf32>,
    %add3A_844 = arith.addf %add3A_841, %get3A_843 : vector<16xf32>
    %get3A_845 = arith.constant 2752 : index
    %get3A_846 = tpu.vector_load %arg15[%get3A_845] {strides = array<i32>} : memref<10240xf32, #tpu.memory_space<vmem>>, vector<16xf32>,
    %add3A_847 = arith.addf %add3A_844, %get3A_846 : vector<16xf32>
    %get3A_848 = arith.constant 3392 : index
    %get3A_849 = tpu.vector_load %arg15[%get3A_848] {strides = array<i32>} : memref<10240xf32, #tpu.memory_space<vmem>>, vector<16xf32>,
    %add3A_850 = arith.addf %add3A_847, %get3A_849 : vector<16xf32>
    %get3A_851 = arith.constant 4032 : index
    %get3A_852 = tpu.vector_load %arg15[%get3A_851] {strides = array<i32>} : memref<10240xf32, #tpu.memory_space<vmem>>, vector<16xf32>,
    %add3A_853 = arith.addf %add3A_850, %get3A_852 : vector<16xf32>
    %get3A_854 = arith.constant 4672 : index
    %get3A_855 = tpu.vector_load %arg15[%get3A_854] {strides = array<i32>} : memref<10240xf32, #tpu.memory_space<vmem>>, vector<16xf32>,
    %add3A_856 = arith.addf %add3A_853, %get3A_855 : vector<16xf32>
    %get3A_857 = arith.constant 5312 : index
    %get3A_858 = tpu.vector_load %arg15[%get3A_857] {strides = array<i32>} : memref<10240xf32, #tpu.memory_space<vmem>>, vector<16xf32>,
    %add3A_859 = arith.addf %add3A_856, %get3A_858 : vector<16xf32>
    %get3A_860 = arith.constant 5952 : index
    %get3A_861 = tpu.vector_load %arg15[%get3A_860] {strides = array<i32>} : memref<10240xf32, #tpu.memory_space<vmem>>, vector<16xf32>,
    %add3A_862 = arith.addf %add3A_859, %get3A_861 : vector<16xf32>
    %get3A_863 = arith.constant 6592 : index
    %get3A_864 = tpu.vector_load %arg15[%get3A_863] {strides = array<i32>} : memref<10240xf32, #tpu.memory_space<vmem>>, vector<16xf32>,
    %add3A_865 = arith.addf %add3A_862, %get3A_864 : vector<16xf32>
    %get3A_866 = arith.constant 7232 : index
    %get3A_867 = tpu.vector_load %arg15[%get3A_866] {strides = array<i32>} : memref<10240xf32, #tpu.memory_space<vmem>>, vector<16xf32>,
    %add3A_868 = arith.addf %add3A_865, %get3A_867 : vector<16xf32>
    %get3A_869 = arith.constant 7872 : index
    %get3A_870 = tpu.vector_load %arg15[%get3A_869] {strides = array<i32>} : memref<10240xf32, #tpu.memory_space<vmem>>, vector<16xf32>,
    %add3A_871 = arith.addf %add3A_868, %get3A_870 : vector<16xf32>
    %get3A_872 = arith.constant 8512 : index
    %get3A_873 = tpu.vector_load %arg15[%get3A_872] {strides = array<i32>} : memref<10240xf32, #tpu.memory_space<vmem>>, vector<16xf32>,
    %add3A_874 = arith.addf %add3A_871, %get3A_873 : vector<16xf32>
    %get3A_875 = arith.constant 9152 : index
    %get3A_876 = tpu.vector_load %arg15[%get3A_875] {strides = array<i32>} : memref<10240xf32, #tpu.memory_space<vmem>>, vector<16xf32>,
    %add3A_877 = arith.addf %add3A_874, %get3A_876 : vector<16xf32>
    %get3A_878 = arith.constant 9792 : index
    %get3A_879 = tpu.vector_load %arg15[%get3A_878] {strides = array<i32>} : memref<10240xf32, #tpu.memory_space<vmem>>, vector<16xf32>,
    %add3A_880 = arith.addf %add3A_877, %get3A_879 : vector<16xf32>
    %swap3A_881 = arith.constant 1 : i32
    %swap3A_882 = arith.index_cast %swap3A_881 : i32 to index
    %swap3A_883 = arith.constant 64 : index
    %swap3A_884 = tpu.vector_load %arg18[%swap3A_882, %swap3A_883] {strides = array<i32>} : memref<5x128xf32, #tpu.memory_space<vmem>>, vector<16xf32>,
    tpu.vector_store %arg18[%swap3A_882, %swap3A_883], %add3A_880 {strides = array<i32>} : memref<5x128xf32, #tpu.memory_space<vmem>>, vector<16xf32>,
    %get3A_885 = arith.constant 208 : index
    %get3A_886 = tpu.vector_load %arg15[%get3A_885] {strides = array<i32>} : memref<10240xf32, #tpu.memory_space<vmem>>, vector<16xf32>,
    %get3A_887 = arith.constant 848 : index
    %get3A_888 = tpu.vector_load %arg15[%get3A_887] {strides = array<i32>} : memref<10240xf32, #tpu.memory_space<vmem>>, vector<16xf32>,
    %add3A_889 = arith.addf %get3A_886, %get3A_888 : vector<16xf32>
    %get3A_890 = arith.constant 1488 : index
    %get3A_891 = tpu.vector_load %arg15[%get3A_890] {strides = array<i32>} : memref<10240xf32, #tpu.memory_space<vmem>>, vector<16xf32>,
    %add3A_892 = arith.addf %add3A_889, %get3A_891 : vector<16xf32>
    %get3A_893 = arith.constant 2128 : index
    %get3A_894 = tpu.vector_load %arg15[%get3A_893] {strides = array<i32>} : memref<10240xf32, #tpu.memory_space<vmem>>, vector<16xf32>,
    %add3A_895 = arith.addf %add3A_892, %get3A_894 : vector<16xf32>
    %get3A_896 = arith.constant 2768 : index
    %get3A_897 = tpu.vector_load %arg15[%get3A_896] {strides = array<i32>} : memref<10240xf32, #tpu.memory_space<vmem>>, vector<16xf32>,
    %add3A_898 = arith.addf %add3A_895, %get3A_897 : vector<16xf32>
    %get3A_899 = arith.constant 3408 : index
    %get3A_900 = tpu.vector_load %arg15[%get3A_899] {strides = array<i32>} : memref<10240xf32, #tpu.memory_space<vmem>>, vector<16xf32>,
    %add3A_901 = arith.addf %add3A_898, %get3A_900 : vector<16xf32>
    %get3A_902 = arith.constant 4048 : index
    %get3A_903 = tpu.vector_load %arg15[%get3A_902] {strides = array<i32>} : memref<10240xf32, #tpu.memory_space<vmem>>, vector<16xf32>,
    %add3A_904 = arith.addf %add3A_901, %get3A_903 : vector<16xf32>
    %get3A_905 = arith.constant 4688 : index
    %get3A_906 = tpu.vector_load %arg15[%get3A_905] {strides = array<i32>} : memref<10240xf32, #tpu.memory_space<vmem>>, vector<16xf32>,
    %add3A_907 = arith.addf %add3A_904, %get3A_906 : vector<16xf32>
    %get3A_908 = arith.constant 5328 : index
    %get3A_909 = tpu.vector_load %arg15[%get3A_908] {strides = array<i32>} : memref<10240xf32, #tpu.memory_space<vmem>>, vector<16xf32>,
    %add3A_910 = arith.addf %add3A_907, %get3A_909 : vector<16xf32>
    %get3A_911 = arith.constant 5968 : index
    %get3A_912 = tpu.vector_load %arg15[%get3A_911] {strides = array<i32>} : memref<10240xf32, #tpu.memory_space<vmem>>, vector<16xf32>,
    %add3A_913 = arith.addf %add3A_910, %get3A_912 : vector<16xf32>
    %get3A_914 = arith.constant 6608 : index
    %get3A_915 = tpu.vector_load %arg15[%get3A_914] {strides = array<i32>} : memref<10240xf32, #tpu.memory_space<vmem>>, vector<16xf32>,
    %add3A_916 = arith.addf %add3A_913, %get3A_915 : vector<16xf32>
    %get3A_917 = arith.constant 7248 : index
    %get3A_918 = tpu.vector_load %arg15[%get3A_917] {strides = array<i32>} : memref<10240xf32, #tpu.memory_space<vmem>>, vector<16xf32>,
    %add3A_919 = arith.addf %add3A_916, %get3A_918 : vector<16xf32>
    %get3A_920 = arith.constant 7888 : index
    %get3A_921 = tpu.vector_load %arg15[%get3A_920] {strides = array<i32>} : memref<10240xf32, #tpu.memory_space<vmem>>, vector<16xf32>,
    %add3A_922 = arith.addf %add3A_919, %get3A_921 : vector<16xf32>
    %get3A_923 = arith.constant 8528 : index
    %get3A_924 = tpu.vector_load %arg15[%get3A_923] {strides = array<i32>} : memref<10240xf32, #tpu.memory_space<vmem>>, vector<16xf32>,
    %add3A_925 = arith.addf %add3A_922, %get3A_924 : vector<16xf32>
    %get3A_926 = arith.constant 9168 : index
    %get3A_927 = tpu.vector_load %arg15[%get3A_926] {strides = array<i32>} : memref<10240xf32, #tpu.memory_space<vmem>>, vector<16xf32>,
    %add3A_928 = arith.addf %add3A_925, %get3A_927 : vector<16xf32>
    %get3A_929 = arith.constant 9808 : index
    %get3A_930 = tpu.vector_load %arg15[%get3A_929] {strides = array<i32>} : memref<10240xf32, #tpu.memory_space<vmem>>, vector<16xf32>,
    %add3A_931 = arith.addf %add3A_928, %get3A_930 : vector<16xf32>
    %swap3A_932 = arith.constant 1 : i32
    %swap3A_933 = arith.index_cast %swap3A_932 : i32 to index
    %swap3A_934 = arith.constant 80 : index
    %swap3A_935 = tpu.vector_load %arg18[%swap3A_933, %swap3A_934] {strides = array<i32>} : memref<5x128xf32, #tpu.memory_space<vmem>>, vector<16xf32>,
    tpu.vector_store %arg18[%swap3A_933, %swap3A_934], %add3A_931 {strides = array<i32>} : memref<5x128xf32, #tpu.memory_space<vmem>>, vector<16xf32>,
    %get3A_936 = arith.constant 224 : index
    %get3A_937 = tpu.vector_load %arg15[%get3A_936] {strides = array<i32>} : memref<10240xf32, #tpu.memory_space<vmem>>, vector<16xf32>,
    %get3A_938 = arith.constant 864 : index
    %get3A_939 = tpu.vector_load %arg15[%get3A_938] {strides = array<i32>} : memref<10240xf32, #tpu.memory_space<vmem>>, vector<16xf32>,
    %add3A_940 = arith.addf %get3A_937, %get3A_939 : vector<16xf32>
    %get3A_941 = arith.constant 1504 : index
    %get3A_942 = tpu.vector_load %arg15[%get3A_941] {strides = array<i32>} : memref<10240xf32, #tpu.memory_space<vmem>>, vector<16xf32>,
    %add3A_943 = arith.addf %add3A_940, %get3A_942 : vector<16xf32>
    %get3A_944 = arith.constant 2144 : index
    %get3A_945 = tpu.vector_load %arg15[%get3A_944] {strides = array<i32>} : memref<10240xf32, #tpu.memory_space<vmem>>, vector<16xf32>,
    %add3A_946 = arith.addf %add3A_943, %get3A_945 : vector<16xf32>
    %get3A_947 = arith.constant 2784 : index
    %get3A_948 = tpu.vector_load %arg15[%get3A_947] {strides = array<i32>} : memref<10240xf32, #tpu.memory_space<vmem>>, vector<16xf32>,
    %add3A_949 = arith.addf %add3A_946, %get3A_948 : vector<16xf32>
    %get3A_950 = arith.constant 3424 : index
    %get3A_951 = tpu.vector_load %arg15[%get3A_950] {strides = array<i32>} : memref<10240xf32, #tpu.memory_space<vmem>>, vector<16xf32>,
    %add3A_952 = arith.addf %add3A_949, %get3A_951 : vector<16xf32>
    %get3A_953 = arith.constant 4064 : index
    %get3A_954 = tpu.vector_load %arg15[%get3A_953] {strides = array<i32>} : memref<10240xf32, #tpu.memory_space<vmem>>, vector<16xf32>,
    %add3A_955 = arith.addf %add3A_952, %get3A_954 : vector<16xf32>
    %get3A_956 = arith.constant 4704 : index
    %get3A_957 = tpu.vector_load %arg15[%get3A_956] {strides = array<i32>} : memref<10240xf32, #tpu.memory_space<vmem>>, vector<16xf32>,
    %add3A_958 = arith.addf %add3A_955, %get3A_957 : vector<16xf32>
    %get3A_959 = arith.constant 5344 : index
    %get3A_960 = tpu.vector_load %arg15[%get3A_959] {strides = array<i32>} : memref<10240xf32, #tpu.memory_space<vmem>>, vector<16xf32>,
    %add3A_961 = arith.addf %add3A_958, %get3A_960 : vector<16xf32>
    %get3A_962 = arith.constant 5984 : index
    %get3A_963 = tpu.vector_load %arg15[%get3A_962] {strides = array<i32>} : memref<10240xf32, #tpu.memory_space<vmem>>, vector<16xf32>,
    %add3A_964 = arith.addf %add3A_961, %get3A_963 : vector<16xf32>
    %get3A_965 = arith.constant 6624 : index
    %get3A_966 = tpu.vector_load %arg15[%get3A_965] {strides = array<i32>} : memref<10240xf32, #tpu.memory_space<vmem>>, vector<16xf32>,
    %add3A_967 = arith.addf %add3A_964, %get3A_966 : vector<16xf32>
    %get3A_968 = arith.constant 7264 : index
    %get3A_969 = tpu.vector_load %arg15[%get3A_968] {strides = array<i32>} : memref<10240xf32, #tpu.memory_space<vmem>>, vector<16xf32>,
    %add3A_970 = arith.addf %add3A_967, %get3A_969 : vector<16xf32>
    %get3A_971 = arith.constant 7904 : index
    %get3A_972 = tpu.vector_load %arg15[%get3A_971] {strides = array<i32>} : memref<10240xf32, #tpu.memory_space<vmem>>, vector<16xf32>,
    %add3A_973 = arith.addf %add3A_970, %get3A_972 : vector<16xf32>
    %get3A_974 = arith.constant 8544 : index
    %get3A_975 = tpu.vector_load %arg15[%get3A_974] {strides = array<i32>} : memref<10240xf32, #tpu.memory_space<vmem>>, vector<16xf32>,
    %add3A_976 = arith.addf %add3A_973, %get3A_975 : vector<16xf32>
    %get3A_977 = arith.constant 9184 : index
    %get3A_978 = tpu.vector_load %arg15[%get3A_977] {strides = array<i32>} : memref<10240xf32, #tpu.memory_space<vmem>>, vector<16xf32>,
    %add3A_979 = arith.addf %add3A_976, %get3A_978 : vector<16xf32>
    %get3A_980 = arith.constant 9824 : index
    %get3A_981 = tpu.vector_load %arg15[%get3A_980] {strides = array<i32>} : memref<10240xf32, #tpu.memory_space<vmem>>, vector<16xf32>,
    %add3A_982 = arith.addf %add3A_979, %get3A_981 : vector<16xf32>
    %swap3A_983 = arith.constant 1 : i32
    %swap3A_984 = arith.index_cast %swap3A_983 : i32 to index
    %swap3A_985 = arith.constant 96 : index
    %swap3A_986 = tpu.vector_load %arg18[%swap3A_984, %swap3A_985] {strides = array<i32>} : memref<5x128xf32, #tpu.memory_space<vmem>>, vector<16xf32>,
    tpu.vector_store %arg18[%swap3A_984, %swap3A_985], %add3A_982 {strides = array<i32>} : memref<5x128xf32, #tpu.memory_space<vmem>>, vector<16xf32>,
    %get3A_987 = arith.constant 240 : index
    %get3A_988 = tpu.vector_load %arg15[%get3A_987] {strides = array<i32>} : memref<10240xf32, #tpu.memory_space<vmem>>, vector<16xf32>,
    %get3A_989 = arith.constant 880 : index
    %get3A_990 = tpu.vector_load %arg15[%get3A_989] {strides = array<i32>} : memref<10240xf32, #tpu.memory_space<vmem>>, vector<16xf32>,
    %add3A_991 = arith.addf %get3A_988, %get3A_990 : vector<16xf32>
    %get3A_992 = arith.constant 1520 : index
    %get3A_993 = tpu.vector_load %arg15[%get3A_992] {strides = array<i32>} : memref<10240xf32, #tpu.memory_space<vmem>>, vector<16xf32>,
    %add3A_994 = arith.addf %add3A_991, %get3A_993 : vector<16xf32>
    %get3A_995 = arith.constant 2160 : index
    %get3A_996 = tpu.vector_load %arg15[%get3A_995] {strides = array<i32>} : memref<10240xf32, #tpu.memory_space<vmem>>, vector<16xf32>,
    %add3A_997 = arith.addf %add3A_994, %get3A_996 : vector<16xf32>
    %get3A_998 = arith.constant 2800 : index
    %get3A_999 = tpu.vector_load %arg15[%get3A_998] {strides = array<i32>} : memref<10240xf32, #tpu.memory_space<vmem>>, vector<16xf32>,
    %add3A_1000 = arith.addf %add3A_997, %get3A_999 : vector<16xf32>
    %get3A_1001 = arith.constant 3440 : index
    %get3A_1002 = tpu.vector_load %arg15[%get3A_1001] {strides = array<i32>} : memref<10240xf32, #tpu.memory_space<vmem>>, vector<16xf32>,
    %add3A_1003 = arith.addf %add3A_1000, %get3A_1002 : vector<16xf32>
    %get3A_1004 = arith.constant 4080 : index
    %get3A_1005 = tpu.vector_load %arg15[%get3A_1004] {strides = array<i32>} : memref<10240xf32, #tpu.memory_space<vmem>>, vector<16xf32>,
    %add3A_1006 = arith.addf %add3A_1003, %get3A_1005 : vector<16xf32>
    %get3A_1007 = arith.constant 4720 : index
    %get3A_1008 = tpu.vector_load %arg15[%get3A_1007] {strides = array<i32>} : memref<10240xf32, #tpu.memory_space<vmem>>, vector<16xf32>,
    %add3A_1009 = arith.addf %add3A_1006, %get3A_1008 : vector<16xf32>
    %get3A_1010 = arith.constant 5360 : index
    %get3A_1011 = tpu.vector_load %arg15[%get3A_1010] {strides = array<i32>} : memref<10240xf32, #tpu.memory_space<vmem>>, vector<16xf32>,
    %add3A_1012 = arith.addf %add3A_1009, %get3A_1011 : vector<16xf32>
    %get3A_1013 = arith.constant 6000 : index
    %get3A_1014 = tpu.vector_load %arg15[%get3A_1013] {strides = array<i32>} : memref<10240xf32, #tpu.memory_space<vmem>>, vector<16xf32>,
    %add3A_1015 = arith.addf %add3A_1012, %get3A_1014 : vector<16xf32>
    %get3A_1016 = arith.constant 6640 : index
    %get3A_1017 = tpu.vector_load %arg15[%get3A_1016] {strides = array<i32>} : memref<10240xf32, #tpu.memory_space<vmem>>, vector<16xf32>,
    %add3A_1018 = arith.addf %add3A_1015, %get3A_1017 : vector<16xf32>
    %get3A_1019 = arith.constant 7280 : index
    %get3A_1020 = tpu.vector_load %arg15[%get3A_1019] {strides = array<i32>} : memref<10240xf32, #tpu.memory_space<vmem>>, vector<16xf32>,
    %add3A_1021 = arith.addf %add3A_1018, %get3A_1020 : vector<16xf32>
    %get3A_1022 = arith.constant 7920 : index
    %get3A_1023 = tpu.vector_load %arg15[%get3A_1022] {strides = array<i32>} : memref<10240xf32, #tpu.memory_space<vmem>>, vector<16xf32>,
    %add3A_1024 = arith.addf %add3A_1021, %get3A_1023 : vector<16xf32>
    %get3A_1025 = arith.constant 8560 : index
    %get3A_1026 = tpu.vector_load %arg15[%get3A_1025] {strides = array<i32>} : memref<10240xf32, #tpu.memory_space<vmem>>, vector<16xf32>,
    %add3A_1027 = arith.addf %add3A_1024, %get3A_1026 : vector<16xf32>
    %get3A_1028 = arith.constant 9200 : index
    %get3A_1029 = tpu.vector_load %arg15[%get3A_1028] {strides = array<i32>} : memref<10240xf32, #tpu.memory_space<vmem>>, vector<16xf32>,
    %add3A_1030 = arith.addf %add3A_1027, %get3A_1029 : vector<16xf32>
    %get3A_1031 = arith.constant 9840 : index
    %get3A_1032 = tpu.vector_load %arg15[%get3A_1031] {strides = array<i32>} : memref<10240xf32, #tpu.memory_space<vmem>>, vector<16xf32>,
    %add3A_1033 = arith.addf %add3A_1030, %get3A_1032 : vector<16xf32>
    %swap3A_1034 = arith.constant 1 : i32
    %swap3A_1035 = arith.index_cast %swap3A_1034 : i32 to index
    %swap3A_1036 = arith.constant 112 : index
    %swap3A_1037 = tpu.vector_load %arg18[%swap3A_1035, %swap3A_1036] {strides = array<i32>} : memref<5x128xf32, #tpu.memory_space<vmem>>, vector<16xf32>,
    tpu.vector_store %arg18[%swap3A_1035, %swap3A_1036], %add3A_1033 {strides = array<i32>} : memref<5x128xf32, #tpu.memory_space<vmem>>, vector<16xf32>,
    %get3A_1038 = arith.constant 256 : index
    %get3A_1039 = tpu.vector_load %arg15[%get3A_1038] {strides = array<i32>} : memref<10240xf32, #tpu.memory_space<vmem>>, vector<16xf32>,
    %get3A_1040 = arith.constant 896 : index
    %get3A_1041 = tpu.vector_load %arg15[%get3A_1040] {strides = array<i32>} : memref<10240xf32, #tpu.memory_space<vmem>>, vector<16xf32>,
    %add3A_1042 = arith.addf %get3A_1039, %get3A_1041 : vector<16xf32>
    %get3A_1043 = arith.constant 1536 : index
    %get3A_1044 = tpu.vector_load %arg15[%get3A_1043] {strides = array<i32>} : memref<10240xf32, #tpu.memory_space<vmem>>, vector<16xf32>,
    %add3A_1045 = arith.addf %add3A_1042, %get3A_1044 : vector<16xf32>
    %get3A_1046 = arith.constant 2176 : index
    %get3A_1047 = tpu.vector_load %arg15[%get3A_1046] {strides = array<i32>} : memref<10240xf32, #tpu.memory_space<vmem>>, vector<16xf32>,
    %add3A_1048 = arith.addf %add3A_1045, %get3A_1047 : vector<16xf32>
    %get3A_1049 = arith.constant 2816 : index
    %get3A_1050 = tpu.vector_load %arg15[%get3A_1049] {strides = array<i32>} : memref<10240xf32, #tpu.memory_space<vmem>>, vector<16xf32>,
    %add3A_1051 = arith.addf %add3A_1048, %get3A_1050 : vector<16xf32>
    %get3A_1052 = arith.constant 3456 : index
    %get3A_1053 = tpu.vector_load %arg15[%get3A_1052] {strides = array<i32>} : memref<10240xf32, #tpu.memory_space<vmem>>, vector<16xf32>,
    %add3A_1054 = arith.addf %add3A_1051, %get3A_1053 : vector<16xf32>
    %get3A_1055 = arith.constant 4096 : index
    %get3A_1056 = tpu.vector_load %arg15[%get3A_1055] {strides = array<i32>} : memref<10240xf32, #tpu.memory_space<vmem>>, vector<16xf32>,
    %add3A_1057 = arith.addf %add3A_1054, %get3A_1056 : vector<16xf32>
    %get3A_1058 = arith.constant 4736 : index
    %get3A_1059 = tpu.vector_load %arg15[%get3A_1058] {strides = array<i32>} : memref<10240xf32, #tpu.memory_space<vmem>>, vector<16xf32>,
    %add3A_1060 = arith.addf %add3A_1057, %get3A_1059 : vector<16xf32>
    %get3A_1061 = arith.constant 5376 : index
    %get3A_1062 = tpu.vector_load %arg15[%get3A_1061] {strides = array<i32>} : memref<10240xf32, #tpu.memory_space<vmem>>, vector<16xf32>,
    %add3A_1063 = arith.addf %add3A_1060, %get3A_1062 : vector<16xf32>
    %get3A_1064 = arith.constant 6016 : index
    %get3A_1065 = tpu.vector_load %arg15[%get3A_1064] {strides = array<i32>} : memref<10240xf32, #tpu.memory_space<vmem>>, vector<16xf32>,
    %add3A_1066 = arith.addf %add3A_1063, %get3A_1065 : vector<16xf32>
    %get3A_1067 = arith.constant 6656 : index
    %get3A_1068 = tpu.vector_load %arg15[%get3A_1067] {strides = array<i32>} : memref<10240xf32, #tpu.memory_space<vmem>>, vector<16xf32>,
    %add3A_1069 = arith.addf %add3A_1066, %get3A_1068 : vector<16xf32>
    %get3A_1070 = arith.constant 7296 : index
    %get3A_1071 = tpu.vector_load %arg15[%get3A_1070] {strides = array<i32>} : memref<10240xf32, #tpu.memory_space<vmem>>, vector<16xf32>,
    %add3A_1072 = arith.addf %add3A_1069, %get3A_1071 : vector<16xf32>
    %get3A_1073 = arith.constant 7936 : index
    %get3A_1074 = tpu.vector_load %arg15[%get3A_1073] {strides = array<i32>} : memref<10240xf32, #tpu.memory_space<vmem>>, vector<16xf32>,
    %add3A_1075 = arith.addf %add3A_1072, %get3A_1074 : vector<16xf32>
    %get3A_1076 = arith.constant 8576 : index
    %get3A_1077 = tpu.vector_load %arg15[%get3A_1076] {strides = array<i32>} : memref<10240xf32, #tpu.memory_space<vmem>>, vector<16xf32>,
    %add3A_1078 = arith.addf %add3A_1075, %get3A_1077 : vector<16xf32>
    %get3A_1079 = arith.constant 9216 : index
    %get3A_1080 = tpu.vector_load %arg15[%get3A_1079] {strides = array<i32>} : memref<10240xf32, #tpu.memory_space<vmem>>, vector<16xf32>,
    %add3A_1081 = arith.addf %add3A_1078, %get3A_1080 : vector<16xf32>
    %get3A_1082 = arith.constant 9856 : index
    %get3A_1083 = tpu.vector_load %arg15[%get3A_1082] {strides = array<i32>} : memref<10240xf32, #tpu.memory_space<vmem>>, vector<16xf32>,
    %add3A_1084 = arith.addf %add3A_1081, %get3A_1083 : vector<16xf32>
    %swap3A_1085 = arith.constant 2 : i32
    %swap3A_1086 = arith.index_cast %swap3A_1085 : i32 to index
    %swap3A_1087 = arith.constant 0 : index
    %swap3A_1088 = tpu.vector_load %arg18[%swap3A_1086, %swap3A_1087] {strides = array<i32>} : memref<5x128xf32, #tpu.memory_space<vmem>>, vector<16xf32>,
    tpu.vector_store %arg18[%swap3A_1086, %swap3A_1087], %add3A_1084 {strides = array<i32>} : memref<5x128xf32, #tpu.memory_space<vmem>>, vector<16xf32>,
    %get3A_1089 = arith.constant 272 : index
    %get3A_1090 = tpu.vector_load %arg15[%get3A_1089] {strides = array<i32>} : memref<10240xf32, #tpu.memory_space<vmem>>, vector<16xf32>,
    %get3A_1091 = arith.constant 912 : index
    %get3A_1092 = tpu.vector_load %arg15[%get3A_1091] {strides = array<i32>} : memref<10240xf32, #tpu.memory_space<vmem>>, vector<16xf32>,
    %add3A_1093 = arith.addf %get3A_1090, %get3A_1092 : vector<16xf32>
    %get3A_1094 = arith.constant 1552 : index
    %get3A_1095 = tpu.vector_load %arg15[%get3A_1094] {strides = array<i32>} : memref<10240xf32, #tpu.memory_space<vmem>>, vector<16xf32>,
    %add3A_1096 = arith.addf %add3A_1093, %get3A_1095 : vector<16xf32>
    %get3A_1097 = arith.constant 2192 : index
    %get3A_1098 = tpu.vector_load %arg15[%get3A_1097] {strides = array<i32>} : memref<10240xf32, #tpu.memory_space<vmem>>, vector<16xf32>,
    %add3A_1099 = arith.addf %add3A_1096, %get3A_1098 : vector<16xf32>
    %get3A_1100 = arith.constant 2832 : index
    %get3A_1101 = tpu.vector_load %arg15[%get3A_1100] {strides = array<i32>} : memref<10240xf32, #tpu.memory_space<vmem>>, vector<16xf32>,
    %add3A_1102 = arith.addf %add3A_1099, %get3A_1101 : vector<16xf32>
    %get3A_1103 = arith.constant 3472 : index
    %get3A_1104 = tpu.vector_load %arg15[%get3A_1103] {strides = array<i32>} : memref<10240xf32, #tpu.memory_space<vmem>>, vector<16xf32>,
    %add3A_1105 = arith.addf %add3A_1102, %get3A_1104 : vector<16xf32>
    %get3A_1106 = arith.constant 4112 : index
    %get3A_1107 = tpu.vector_load %arg15[%get3A_1106] {strides = array<i32>} : memref<10240xf32, #tpu.memory_space<vmem>>, vector<16xf32>,
    %add3A_1108 = arith.addf %add3A_1105, %get3A_1107 : vector<16xf32>
    %get3A_1109 = arith.constant 4752 : index
    %get3A_1110 = tpu.vector_load %arg15[%get3A_1109] {strides = array<i32>} : memref<10240xf32, #tpu.memory_space<vmem>>, vector<16xf32>,
    %add3A_1111 = arith.addf %add3A_1108, %get3A_1110 : vector<16xf32>
    %get3A_1112 = arith.constant 5392 : index
    %get3A_1113 = tpu.vector_load %arg15[%get3A_1112] {strides = array<i32>} : memref<10240xf32, #tpu.memory_space<vmem>>, vector<16xf32>,
    %add3A_1114 = arith.addf %add3A_1111, %get3A_1113 : vector<16xf32>
    %get3A_1115 = arith.constant 6032 : index
    %get3A_1116 = tpu.vector_load %arg15[%get3A_1115] {strides = array<i32>} : memref<10240xf32, #tpu.memory_space<vmem>>, vector<16xf32>,
    %add3A_1117 = arith.addf %add3A_1114, %get3A_1116 : vector<16xf32>
    %get3A_1118 = arith.constant 6672 : index
    %get3A_1119 = tpu.vector_load %arg15[%get3A_1118] {strides = array<i32>} : memref<10240xf32, #tpu.memory_space<vmem>>, vector<16xf32>,
    %add3A_1120 = arith.addf %add3A_1117, %get3A_1119 : vector<16xf32>
    %get3A_1121 = arith.constant 7312 : index
    %get3A_1122 = tpu.vector_load %arg15[%get3A_1121] {strides = array<i32>} : memref<10240xf32, #tpu.memory_space<vmem>>, vector<16xf32>,
    %add3A_1123 = arith.addf %add3A_1120, %get3A_1122 : vector<16xf32>
    %get3A_1124 = arith.constant 7952 : index
    %get3A_1125 = tpu.vector_load %arg15[%get3A_1124] {strides = array<i32>} : memref<10240xf32, #tpu.memory_space<vmem>>, vector<16xf32>,
    %add3A_1126 = arith.addf %add3A_1123, %get3A_1125 : vector<16xf32>
    %get3A_1127 = arith.constant 8592 : index
    %get3A_1128 = tpu.vector_load %arg15[%get3A_1127] {strides = array<i32>} : memref<10240xf32, #tpu.memory_space<vmem>>, vector<16xf32>,
    %add3A_1129 = arith.addf %add3A_1126, %get3A_1128 : vector<16xf32>
    %get3A_1130 = arith.constant 9232 : index
    %get3A_1131 = tpu.vector_load %arg15[%get3A_1130] {strides = array<i32>} : memref<10240xf32, #tpu.memory_space<vmem>>, vector<16xf32>,
    %add3A_1132 = arith.addf %add3A_1129, %get3A_1131 : vector<16xf32>
    %get3A_1133 = arith.constant 9872 : index
    %get3A_1134 = tpu.vector_load %arg15[%get3A_1133] {strides = array<i32>} : memref<10240xf32, #tpu.memory_space<vmem>>, vector<16xf32>,
    %add3A_1135 = arith.addf %add3A_1132, %get3A_1134 : vector<16xf32>
    %swap3A_1136 = arith.constant 2 : i32
    %swap3A_1137 = arith.index_cast %swap3A_1136 : i32 to index
    %swap3A_1138 = arith.constant 16 : index
    %swap3A_1139 = tpu.vector_load %arg18[%swap3A_1137, %swap3A_1138] {strides = array<i32>} : memref<5x128xf32, #tpu.memory_space<vmem>>, vector<16xf32>,
    tpu.vector_store %arg18[%swap3A_1137, %swap3A_1138], %add3A_1135 {strides = array<i32>} : memref<5x128xf32, #tpu.memory_space<vmem>>, vector<16xf32>,
    %get3A_1140 = arith.constant 288 : index
    %get3A_1141 = tpu.vector_load %arg15[%get3A_1140] {strides = array<i32>} : memref<10240xf32, #tpu.memory_space<vmem>>, vector<16xf32>,
    %get3A_1142 = arith.constant 928 : index
    %get3A_1143 = tpu.vector_load %arg15[%get3A_1142] {strides = array<i32>} : memref<10240xf32, #tpu.memory_space<vmem>>, vector<16xf32>,
    %add3A_1144 = arith.addf %get3A_1141, %get3A_1143 : vector<16xf32>
    %get3A_1145 = arith.constant 1568 : index
    %get3A_1146 = tpu.vector_load %arg15[%get3A_1145] {strides = array<i32>} : memref<10240xf32, #tpu.memory_space<vmem>>, vector<16xf32>,
    %add3A_1147 = arith.addf %add3A_1144, %get3A_1146 : vector<16xf32>
    %get3A_1148 = arith.constant 2208 : index
    %get3A_1149 = tpu.vector_load %arg15[%get3A_1148] {strides = array<i32>} : memref<10240xf32, #tpu.memory_space<vmem>>, vector<16xf32>,
    %add3A_1150 = arith.addf %add3A_1147, %get3A_1149 : vector<16xf32>
    %get3A_1151 = arith.constant 2848 : index
    %get3A_1152 = tpu.vector_load %arg15[%get3A_1151] {strides = array<i32>} : memref<10240xf32, #tpu.memory_space<vmem>>, vector<16xf32>,
    %add3A_1153 = arith.addf %add3A_1150, %get3A_1152 : vector<16xf32>
    %get3A_1154 = arith.constant 3488 : index
    %get3A_1155 = tpu.vector_load %arg15[%get3A_1154] {strides = array<i32>} : memref<10240xf32, #tpu.memory_space<vmem>>, vector<16xf32>,
    %add3A_1156 = arith.addf %add3A_1153, %get3A_1155 : vector<16xf32>
    %get3A_1157 = arith.constant 4128 : index
    %get3A_1158 = tpu.vector_load %arg15[%get3A_1157] {strides = array<i32>} : memref<10240xf32, #tpu.memory_space<vmem>>, vector<16xf32>,
    %add3A_1159 = arith.addf %add3A_1156, %get3A_1158 : vector<16xf32>
    %get3A_1160 = arith.constant 4768 : index
    %get3A_1161 = tpu.vector_load %arg15[%get3A_1160] {strides = array<i32>} : memref<10240xf32, #tpu.memory_space<vmem>>, vector<16xf32>,
    %add3A_1162 = arith.addf %add3A_1159, %get3A_1161 : vector<16xf32>
    %get3A_1163 = arith.constant 5408 : index
    %get3A_1164 = tpu.vector_load %arg15[%get3A_1163] {strides = array<i32>} : memref<10240xf32, #tpu.memory_space<vmem>>, vector<16xf32>,
    %add3A_1165 = arith.addf %add3A_1162, %get3A_1164 : vector<16xf32>
    %get3A_1166 = arith.constant 6048 : index
    %get3A_1167 = tpu.vector_load %arg15[%get3A_1166] {strides = array<i32>} : memref<10240xf32, #tpu.memory_space<vmem>>, vector<16xf32>,
    %add3A_1168 = arith.addf %add3A_1165, %get3A_1167 : vector<16xf32>
    %get3A_1169 = arith.constant 6688 : index
    %get3A_1170 = tpu.vector_load %arg15[%get3A_1169] {strides = array<i32>} : memref<10240xf32, #tpu.memory_space<vmem>>, vector<16xf32>,
    %add3A_1171 = arith.addf %add3A_1168, %get3A_1170 : vector<16xf32>
    %get3A_1172 = arith.constant 7328 : index
    %get3A_1173 = tpu.vector_load %arg15[%get3A_1172] {strides = array<i32>} : memref<10240xf32, #tpu.memory_space<vmem>>, vector<16xf32>,
    %add3A_1174 = arith.addf %add3A_1171, %get3A_1173 : vector<16xf32>
    %get3A_1175 = arith.constant 7968 : index
    %get3A_1176 = tpu.vector_load %arg15[%get3A_1175] {strides = array<i32>} : memref<10240xf32, #tpu.memory_space<vmem>>, vector<16xf32>,
    %add3A_1177 = arith.addf %add3A_1174, %get3A_1176 : vector<16xf32>
    %get3A_1178 = arith.constant 8608 : index
    %get3A_1179 = tpu.vector_load %arg15[%get3A_1178] {strides = array<i32>} : memref<10240xf32, #tpu.memory_space<vmem>>, vector<16xf32>,
    %add3A_1180 = arith.addf %add3A_1177, %get3A_1179 : vector<16xf32>
    %get3A_1181 = arith.constant 9248 : index
    %get3A_1182 = tpu.vector_load %arg15[%get3A_1181] {strides = array<i32>} : memref<10240xf32, #tpu.memory_space<vmem>>, vector<16xf32>,
    %add3A_1183 = arith.addf %add3A_1180, %get3A_1182 : vector<16xf32>
    %get3A_1184 = arith.constant 9888 : index
    %get3A_1185 = tpu.vector_load %arg15[%get3A_1184] {strides = array<i32>} : memref<10240xf32, #tpu.memory_space<vmem>>, vector<16xf32>,
    %add3A_1186 = arith.addf %add3A_1183, %get3A_1185 : vector<16xf32>
    %swap3A_1187 = arith.constant 2 : i32
    %swap3A_1188 = arith.index_cast %swap3A_1187 : i32 to index
    %swap3A_1189 = arith.constant 32 : index
    %swap3A_1190 = tpu.vector_load %arg18[%swap3A_1188, %swap3A_1189] {strides = array<i32>} : memref<5x128xf32, #tpu.memory_space<vmem>>, vector<16xf32>,
    tpu.vector_store %arg18[%swap3A_1188, %swap3A_1189], %add3A_1186 {strides = array<i32>} : memref<5x128xf32, #tpu.memory_space<vmem>>, vector<16xf32>,
    %get3A_1191 = arith.constant 304 : index
    %get3A_1192 = tpu.vector_load %arg15[%get3A_1191] {strides = array<i32>} : memref<10240xf32, #tpu.memory_space<vmem>>, vector<16xf32>,
    %get3A_1193 = arith.constant 944 : index
    %get3A_1194 = tpu.vector_load %arg15[%get3A_1193] {strides = array<i32>} : memref<10240xf32, #tpu.memory_space<vmem>>, vector<16xf32>,
    %add3A_1195 = arith.addf %get3A_1192, %get3A_1194 : vector<16xf32>
    %get3A_1196 = arith.constant 1584 : index
    %get3A_1197 = tpu.vector_load %arg15[%get3A_1196] {strides = array<i32>} : memref<10240xf32, #tpu.memory_space<vmem>>, vector<16xf32>,
    %add3A_1198 = arith.addf %add3A_1195, %get3A_1197 : vector<16xf32>
    %get3A_1199 = arith.constant 2224 : index
    %get3A_1200 = tpu.vector_load %arg15[%get3A_1199] {strides = array<i32>} : memref<10240xf32, #tpu.memory_space<vmem>>, vector<16xf32>,
    %add3A_1201 = arith.addf %add3A_1198, %get3A_1200 : vector<16xf32>
    %get3A_1202 = arith.constant 2864 : index
    %get3A_1203 = tpu.vector_load %arg15[%get3A_1202] {strides = array<i32>} : memref<10240xf32, #tpu.memory_space<vmem>>, vector<16xf32>,
    %add3A_1204 = arith.addf %add3A_1201, %get3A_1203 : vector<16xf32>
    %get3A_1205 = arith.constant 3504 : index
    %get3A_1206 = tpu.vector_load %arg15[%get3A_1205] {strides = array<i32>} : memref<10240xf32, #tpu.memory_space<vmem>>, vector<16xf32>,
    %add3A_1207 = arith.addf %add3A_1204, %get3A_1206 : vector<16xf32>
    %get3A_1208 = arith.constant 4144 : index
    %get3A_1209 = tpu.vector_load %arg15[%get3A_1208] {strides = array<i32>} : memref<10240xf32, #tpu.memory_space<vmem>>, vector<16xf32>,
    %add3A_1210 = arith.addf %add3A_1207, %get3A_1209 : vector<16xf32>
    %get3A_1211 = arith.constant 4784 : index
    %get3A_1212 = tpu.vector_load %arg15[%get3A_1211] {strides = array<i32>} : memref<10240xf32, #tpu.memory_space<vmem>>, vector<16xf32>,
    %add3A_1213 = arith.addf %add3A_1210, %get3A_1212 : vector<16xf32>
    %get3A_1214 = arith.constant 5424 : index
    %get3A_1215 = tpu.vector_load %arg15[%get3A_1214] {strides = array<i32>} : memref<10240xf32, #tpu.memory_space<vmem>>, vector<16xf32>,
    %add3A_1216 = arith.addf %add3A_1213, %get3A_1215 : vector<16xf32>
    %get3A_1217 = arith.constant 6064 : index
    %get3A_1218 = tpu.vector_load %arg15[%get3A_1217] {strides = array<i32>} : memref<10240xf32, #tpu.memory_space<vmem>>, vector<16xf32>,
    %add3A_1219 = arith.addf %add3A_1216, %get3A_1218 : vector<16xf32>
    %get3A_1220 = arith.constant 6704 : index
    %get3A_1221 = tpu.vector_load %arg15[%get3A_1220] {strides = array<i32>} : memref<10240xf32, #tpu.memory_space<vmem>>, vector<16xf32>,
    %add3A_1222 = arith.addf %add3A_1219, %get3A_1221 : vector<16xf32>
    %get3A_1223 = arith.constant 7344 : index
    %get3A_1224 = tpu.vector_load %arg15[%get3A_1223] {strides = array<i32>} : memref<10240xf32, #tpu.memory_space<vmem>>, vector<16xf32>,
    %add3A_1225 = arith.addf %add3A_1222, %get3A_1224 : vector<16xf32>
    %get3A_1226 = arith.constant 7984 : index
    %get3A_1227 = tpu.vector_load %arg15[%get3A_1226] {strides = array<i32>} : memref<10240xf32, #tpu.memory_space<vmem>>, vector<16xf32>,
    %add3A_1228 = arith.addf %add3A_1225, %get3A_1227 : vector<16xf32>
    %get3A_1229 = arith.constant 8624 : index
    %get3A_1230 = tpu.vector_load %arg15[%get3A_1229] {strides = array<i32>} : memref<10240xf32, #tpu.memory_space<vmem>>, vector<16xf32>,
    %add3A_1231 = arith.addf %add3A_1228, %get3A_1230 : vector<16xf32>
    %get3A_1232 = arith.constant 9264 : index
    %get3A_1233 = tpu.vector_load %arg15[%get3A_1232] {strides = array<i32>} : memref<10240xf32, #tpu.memory_space<vmem>>, vector<16xf32>,
    %add3A_1234 = arith.addf %add3A_1231, %get3A_1233 : vector<16xf32>
    %get3A_1235 = arith.constant 9904 : index
    %get3A_1236 = tpu.vector_load %arg15[%get3A_1235] {strides = array<i32>} : memref<10240xf32, #tpu.memory_space<vmem>>, vector<16xf32>,
    %add3A_1237 = arith.addf %add3A_1234, %get3A_1236 : vector<16xf32>
    %swap3A_1238 = arith.constant 2 : i32
    %swap3A_1239 = arith.index_cast %swap3A_1238 : i32 to index
    %swap3A_1240 = arith.constant 48 : index
    %swap3A_1241 = tpu.vector_load %arg18[%swap3A_1239, %swap3A_1240] {strides = array<i32>} : memref<5x128xf32, #tpu.memory_space<vmem>>, vector<16xf32>,
    tpu.vector_store %arg18[%swap3A_1239, %swap3A_1240], %add3A_1237 {strides = array<i32>} : memref<5x128xf32, #tpu.memory_space<vmem>>, vector<16xf32>,
    %get3A_1242 = arith.constant 320 : index
    %get3A_1243 = tpu.vector_load %arg15[%get3A_1242] {strides = array<i32>} : memref<10240xf32, #tpu.memory_space<vmem>>, vector<16xf32>,
    %get3A_1244 = arith.constant 960 : index
    %get3A_1245 = tpu.vector_load %arg15[%get3A_1244] {strides = array<i32>} : memref<10240xf32, #tpu.memory_space<vmem>>, vector<16xf32>,
    %add3A_1246 = arith.addf %get3A_1243, %get3A_1245 : vector<16xf32>
    %get3A_1247 = arith.constant 1600 : index
    %get3A_1248 = tpu.vector_load %arg15[%get3A_1247] {strides = array<i32>} : memref<10240xf32, #tpu.memory_space<vmem>>, vector<16xf32>,
    %add3A_1249 = arith.addf %add3A_1246, %get3A_1248 : vector<16xf32>
    %get3A_1250 = arith.constant 2240 : index
    %get3A_1251 = tpu.vector_load %arg15[%get3A_1250] {strides = array<i32>} : memref<10240xf32, #tpu.memory_space<vmem>>, vector<16xf32>,
    %add3A_1252 = arith.addf %add3A_1249, %get3A_1251 : vector<16xf32>
    %get3A_1253 = arith.constant 2880 : index
    %get3A_1254 = tpu.vector_load %arg15[%get3A_1253] {strides = array<i32>} : memref<10240xf32, #tpu.memory_space<vmem>>, vector<16xf32>,
    %add3A_1255 = arith.addf %add3A_1252, %get3A_1254 : vector<16xf32>
    %get3A_1256 = arith.constant 3520 : index
    %get3A_1257 = tpu.vector_load %arg15[%get3A_1256] {strides = array<i32>} : memref<10240xf32, #tpu.memory_space<vmem>>, vector<16xf32>,
    %add3A_1258 = arith.addf %add3A_1255, %get3A_1257 : vector<16xf32>
    %get3A_1259 = arith.constant 4160 : index
    %get3A_1260 = tpu.vector_load %arg15[%get3A_1259] {strides = array<i32>} : memref<10240xf32, #tpu.memory_space<vmem>>, vector<16xf32>,
    %add3A_1261 = arith.addf %add3A_1258, %get3A_1260 : vector<16xf32>
    %get3A_1262 = arith.constant 4800 : index
    %get3A_1263 = tpu.vector_load %arg15[%get3A_1262] {strides = array<i32>} : memref<10240xf32, #tpu.memory_space<vmem>>, vector<16xf32>,
    %add3A_1264 = arith.addf %add3A_1261, %get3A_1263 : vector<16xf32>
    %get3A_1265 = arith.constant 5440 : index
    %get3A_1266 = tpu.vector_load %arg15[%get3A_1265] {strides = array<i32>} : memref<10240xf32, #tpu.memory_space<vmem>>, vector<16xf32>,
    %add3A_1267 = arith.addf %add3A_1264, %get3A_1266 : vector<16xf32>
    %get3A_1268 = arith.constant 6080 : index
    %get3A_1269 = tpu.vector_load %arg15[%get3A_1268] {strides = array<i32>} : memref<10240xf32, #tpu.memory_space<vmem>>, vector<16xf32>,
    %add3A_1270 = arith.addf %add3A_1267, %get3A_1269 : vector<16xf32>
    %get3A_1271 = arith.constant 6720 : index
    %get3A_1272 = tpu.vector_load %arg15[%get3A_1271] {strides = array<i32>} : memref<10240xf32, #tpu.memory_space<vmem>>, vector<16xf32>,
    %add3A_1273 = arith.addf %add3A_1270, %get3A_1272 : vector<16xf32>
    %get3A_1274 = arith.constant 7360 : index
    %get3A_1275 = tpu.vector_load %arg15[%get3A_1274] {strides = array<i32>} : memref<10240xf32, #tpu.memory_space<vmem>>, vector<16xf32>,
    %add3A_1276 = arith.addf %add3A_1273, %get3A_1275 : vector<16xf32>
    %get3A_1277 = arith.constant 8000 : index
    %get3A_1278 = tpu.vector_load %arg15[%get3A_1277] {strides = array<i32>} : memref<10240xf32, #tpu.memory_space<vmem>>, vector<16xf32>,
    %add3A_1279 = arith.addf %add3A_1276, %get3A_1278 : vector<16xf32>
    %get3A_1280 = arith.constant 8640 : index
    %get3A_1281 = tpu.vector_load %arg15[%get3A_1280] {strides = array<i32>} : memref<10240xf32, #tpu.memory_space<vmem>>, vector<16xf32>,
    %add3A_1282 = arith.addf %add3A_1279, %get3A_1281 : vector<16xf32>
    %get3A_1283 = arith.constant 9280 : index
    %get3A_1284 = tpu.vector_load %arg15[%get3A_1283] {strides = array<i32>} : memref<10240xf32, #tpu.memory_space<vmem>>, vector<16xf32>,
    %add3A_1285 = arith.addf %add3A_1282, %get3A_1284 : vector<16xf32>
    %get3A_1286 = arith.constant 9920 : index
    %get3A_1287 = tpu.vector_load %arg15[%get3A_1286] {strides = array<i32>} : memref<10240xf32, #tpu.memory_space<vmem>>, vector<16xf32>,
    %add3A_1288 = arith.addf %add3A_1285, %get3A_1287 : vector<16xf32>
    %swap3A_1289 = arith.constant 2 : i32
    %swap3A_1290 = arith.index_cast %swap3A_1289 : i32 to index
    %swap3A_1291 = arith.constant 64 : index
    %swap3A_1292 = tpu.vector_load %arg18[%swap3A_1290, %swap3A_1291] {strides = array<i32>} : memref<5x128xf32, #tpu.memory_space<vmem>>, vector<16xf32>,
    tpu.vector_store %arg18[%swap3A_1290, %swap3A_1291], %add3A_1288 {strides = array<i32>} : memref<5x128xf32, #tpu.memory_space<vmem>>, vector<16xf32>,
    %get3A_1293 = arith.constant 336 : index
    %get3A_1294 = tpu.vector_load %arg15[%get3A_1293] {strides = array<i32>} : memref<10240xf32, #tpu.memory_space<vmem>>, vector<16xf32>,
    %get3A_1295 = arith.constant 976 : index
    %get3A_1296 = tpu.vector_load %arg15[%get3A_1295] {strides = array<i32>} : memref<10240xf32, #tpu.memory_space<vmem>>, vector<16xf32>,
    %add3A_1297 = arith.addf %get3A_1294, %get3A_1296 : vector<16xf32>
    %get3A_1298 = arith.constant 1616 : index
    %get3A_1299 = tpu.vector_load %arg15[%get3A_1298] {strides = array<i32>} : memref<10240xf32, #tpu.memory_space<vmem>>, vector<16xf32>,
    %add3A_1300 = arith.addf %add3A_1297, %get3A_1299 : vector<16xf32>
    %get3A_1301 = arith.constant 2256 : index
    %get3A_1302 = tpu.vector_load %arg15[%get3A_1301] {strides = array<i32>} : memref<10240xf32, #tpu.memory_space<vmem>>, vector<16xf32>,
    %add3A_1303 = arith.addf %add3A_1300, %get3A_1302 : vector<16xf32>
    %get3A_1304 = arith.constant 2896 : index
    %get3A_1305 = tpu.vector_load %arg15[%get3A_1304] {strides = array<i32>} : memref<10240xf32, #tpu.memory_space<vmem>>, vector<16xf32>,
    %add3A_1306 = arith.addf %add3A_1303, %get3A_1305 : vector<16xf32>
    %get3A_1307 = arith.constant 3536 : index
    %get3A_1308 = tpu.vector_load %arg15[%get3A_1307] {strides = array<i32>} : memref<10240xf32, #tpu.memory_space<vmem>>, vector<16xf32>,
    %add3A_1309 = arith.addf %add3A_1306, %get3A_1308 : vector<16xf32>
    %get3A_1310 = arith.constant 4176 : index
    %get3A_1311 = tpu.vector_load %arg15[%get3A_1310] {strides = array<i32>} : memref<10240xf32, #tpu.memory_space<vmem>>, vector<16xf32>,
    %add3A_1312 = arith.addf %add3A_1309, %get3A_1311 : vector<16xf32>
    %get3A_1313 = arith.constant 4816 : index
    %get3A_1314 = tpu.vector_load %arg15[%get3A_1313] {strides = array<i32>} : memref<10240xf32, #tpu.memory_space<vmem>>, vector<16xf32>,
    %add3A_1315 = arith.addf %add3A_1312, %get3A_1314 : vector<16xf32>
    %get3A_1316 = arith.constant 5456 : index
    %get3A_1317 = tpu.vector_load %arg15[%get3A_1316] {strides = array<i32>} : memref<10240xf32, #tpu.memory_space<vmem>>, vector<16xf32>,
    %add3A_1318 = arith.addf %add3A_1315, %get3A_1317 : vector<16xf32>
    %get3A_1319 = arith.constant 6096 : index
    %get3A_1320 = tpu.vector_load %arg15[%get3A_1319] {strides = array<i32>} : memref<10240xf32, #tpu.memory_space<vmem>>, vector<16xf32>,
    %add3A_1321 = arith.addf %add3A_1318, %get3A_1320 : vector<16xf32>
    %get3A_1322 = arith.constant 6736 : index
    %get3A_1323 = tpu.vector_load %arg15[%get3A_1322] {strides = array<i32>} : memref<10240xf32, #tpu.memory_space<vmem>>, vector<16xf32>,
    %add3A_1324 = arith.addf %add3A_1321, %get3A_1323 : vector<16xf32>
    %get3A_1325 = arith.constant 7376 : index
    %get3A_1326 = tpu.vector_load %arg15[%get3A_1325] {strides = array<i32>} : memref<10240xf32, #tpu.memory_space<vmem>>, vector<16xf32>,
    %add3A_1327 = arith.addf %add3A_1324, %get3A_1326 : vector<16xf32>
    %get3A_1328 = arith.constant 8016 : index
    %get3A_1329 = tpu.vector_load %arg15[%get3A_1328] {strides = array<i32>} : memref<10240xf32, #tpu.memory_space<vmem>>, vector<16xf32>,
    %add3A_1330 = arith.addf %add3A_1327, %get3A_1329 : vector<16xf32>
    %get3A_1331 = arith.constant 8656 : index
    %get3A_1332 = tpu.vector_load %arg15[%get3A_1331] {strides = array<i32>} : memref<10240xf32, #tpu.memory_space<vmem>>, vector<16xf32>,
    %add3A_1333 = arith.addf %add3A_1330, %get3A_1332 : vector<16xf32>
    %get3A_1334 = arith.constant 9296 : index
    %get3A_1335 = tpu.vector_load %arg15[%get3A_1334] {strides = array<i32>} : memref<10240xf32, #tpu.memory_space<vmem>>, vector<16xf32>,
    %add3A_1336 = arith.addf %add3A_1333, %get3A_1335 : vector<16xf32>
    %get3A_1337 = arith.constant 9936 : index
    %get3A_1338 = tpu.vector_load %arg15[%get3A_1337] {strides = array<i32>} : memref<10240xf32, #tpu.memory_space<vmem>>, vector<16xf32>,
    %add3A_1339 = arith.addf %add3A_1336, %get3A_1338 : vector<16xf32>
    %swap3A_1340 = arith.constant 2 : i32
    %swap3A_1341 = arith.index_cast %swap3A_1340 : i32 to index
    %swap3A_1342 = arith.constant 80 : index
    %swap3A_1343 = tpu.vector_load %arg18[%swap3A_1341, %swap3A_1342] {strides = array<i32>} : memref<5x128xf32, #tpu.memory_space<vmem>>, vector<16xf32>,
    tpu.vector_store %arg18[%swap3A_1341, %swap3A_1342], %add3A_1339 {strides = array<i32>} : memref<5x128xf32, #tpu.memory_space<vmem>>, vector<16xf32>,
    %get3A_1344 = arith.constant 352 : index
    %get3A_1345 = tpu.vector_load %arg15[%get3A_1344] {strides = array<i32>} : memref<10240xf32, #tpu.memory_space<vmem>>, vector<16xf32>,
    %get3A_1346 = arith.constant 992 : index
    %get3A_1347 = tpu.vector_load %arg15[%get3A_1346] {strides = array<i32>} : memref<10240xf32, #tpu.memory_space<vmem>>, vector<16xf32>,
    %add3A_1348 = arith.addf %get3A_1345, %get3A_1347 : vector<16xf32>
    %get3A_1349 = arith.constant 1632 : index
    %get3A_1350 = tpu.vector_load %arg15[%get3A_1349] {strides = array<i32>} : memref<10240xf32, #tpu.memory_space<vmem>>, vector<16xf32>,
    %add3A_1351 = arith.addf %add3A_1348, %get3A_1350 : vector<16xf32>
    %get3A_1352 = arith.constant 2272 : index
    %get3A_1353 = tpu.vector_load %arg15[%get3A_1352] {strides = array<i32>} : memref<10240xf32, #tpu.memory_space<vmem>>, vector<16xf32>,
    %add3A_1354 = arith.addf %add3A_1351, %get3A_1353 : vector<16xf32>
    %get3A_1355 = arith.constant 2912 : index
    %get3A_1356 = tpu.vector_load %arg15[%get3A_1355] {strides = array<i32>} : memref<10240xf32, #tpu.memory_space<vmem>>, vector<16xf32>,
    %add3A_1357 = arith.addf %add3A_1354, %get3A_1356 : vector<16xf32>
    %get3A_1358 = arith.constant 3552 : index
    %get3A_1359 = tpu.vector_load %arg15[%get3A_1358] {strides = array<i32>} : memref<10240xf32, #tpu.memory_space<vmem>>, vector<16xf32>,
    %add3A_1360 = arith.addf %add3A_1357, %get3A_1359 : vector<16xf32>
    %get3A_1361 = arith.constant 4192 : index
    %get3A_1362 = tpu.vector_load %arg15[%get3A_1361] {strides = array<i32>} : memref<10240xf32, #tpu.memory_space<vmem>>, vector<16xf32>,
    %add3A_1363 = arith.addf %add3A_1360, %get3A_1362 : vector<16xf32>
    %get3A_1364 = arith.constant 4832 : index
    %get3A_1365 = tpu.vector_load %arg15[%get3A_1364] {strides = array<i32>} : memref<10240xf32, #tpu.memory_space<vmem>>, vector<16xf32>,
    %add3A_1366 = arith.addf %add3A_1363, %get3A_1365 : vector<16xf32>
    %get3A_1367 = arith.constant 5472 : index
    %get3A_1368 = tpu.vector_load %arg15[%get3A_1367] {strides = array<i32>} : memref<10240xf32, #tpu.memory_space<vmem>>, vector<16xf32>,
    %add3A_1369 = arith.addf %add3A_1366, %get3A_1368 : vector<16xf32>
    %get3A_1370 = arith.constant 6112 : index
    %get3A_1371 = tpu.vector_load %arg15[%get3A_1370] {strides = array<i32>} : memref<10240xf32, #tpu.memory_space<vmem>>, vector<16xf32>,
    %add3A_1372 = arith.addf %add3A_1369, %get3A_1371 : vector<16xf32>
    %get3A_1373 = arith.constant 6752 : index
    %get3A_1374 = tpu.vector_load %arg15[%get3A_1373] {strides = array<i32>} : memref<10240xf32, #tpu.memory_space<vmem>>, vector<16xf32>,
    %add3A_1375 = arith.addf %add3A_1372, %get3A_1374 : vector<16xf32>
    %get3A_1376 = arith.constant 7392 : index
    %get3A_1377 = tpu.vector_load %arg15[%get3A_1376] {strides = array<i32>} : memref<10240xf32, #tpu.memory_space<vmem>>, vector<16xf32>,
    %add3A_1378 = arith.addf %add3A_1375, %get3A_1377 : vector<16xf32>
    %get3A_1379 = arith.constant 8032 : index
    %get3A_1380 = tpu.vector_load %arg15[%get3A_1379] {strides = array<i32>} : memref<10240xf32, #tpu.memory_space<vmem>>, vector<16xf32>,
    %add3A_1381 = arith.addf %add3A_1378, %get3A_1380 : vector<16xf32>
    %get3A_1382 = arith.constant 8672 : index
    %get3A_1383 = tpu.vector_load %arg15[%get3A_1382] {strides = array<i32>} : memref<10240xf32, #tpu.memory_space<vmem>>, vector<16xf32>,
    %add3A_1384 = arith.addf %add3A_1381, %get3A_1383 : vector<16xf32>
    %get3A_1385 = arith.constant 9312 : index
    %get3A_1386 = tpu.vector_load %arg15[%get3A_1385] {strides = array<i32>} : memref<10240xf32, #tpu.memory_space<vmem>>, vector<16xf32>,
    %add3A_1387 = arith.addf %add3A_1384, %get3A_1386 : vector<16xf32>
    %get3A_1388 = arith.constant 9952 : index
    %get3A_1389 = tpu.vector_load %arg15[%get3A_1388] {strides = array<i32>} : memref<10240xf32, #tpu.memory_space<vmem>>, vector<16xf32>,
    %add3A_1390 = arith.addf %add3A_1387, %get3A_1389 : vector<16xf32>
    %swap3A_1391 = arith.constant 2 : i32
    %swap3A_1392 = arith.index_cast %swap3A_1391 : i32 to index
    %swap3A_1393 = arith.constant 96 : index
    %swap3A_1394 = tpu.vector_load %arg18[%swap3A_1392, %swap3A_1393] {strides = array<i32>} : memref<5x128xf32, #tpu.memory_space<vmem>>, vector<16xf32>,
    tpu.vector_store %arg18[%swap3A_1392, %swap3A_1393], %add3A_1390 {strides = array<i32>} : memref<5x128xf32, #tpu.memory_space<vmem>>, vector<16xf32>,
    %get3A_1395 = arith.constant 368 : index
    %get3A_1396 = tpu.vector_load %arg15[%get3A_1395] {strides = array<i32>} : memref<10240xf32, #tpu.memory_space<vmem>>, vector<16xf32>,
    %get3A_1397 = arith.constant 1008 : index
    %get3A_1398 = tpu.vector_load %arg15[%get3A_1397] {strides = array<i32>} : memref<10240xf32, #tpu.memory_space<vmem>>, vector<16xf32>,
    %add3A_1399 = arith.addf %get3A_1396, %get3A_1398 : vector<16xf32>
    %get3A_1400 = arith.constant 1648 : index
    %get3A_1401 = tpu.vector_load %arg15[%get3A_1400] {strides = array<i32>} : memref<10240xf32, #tpu.memory_space<vmem>>, vector<16xf32>,
    %add3A_1402 = arith.addf %add3A_1399, %get3A_1401 : vector<16xf32>
    %get3A_1403 = arith.constant 2288 : index
    %get3A_1404 = tpu.vector_load %arg15[%get3A_1403] {strides = array<i32>} : memref<10240xf32, #tpu.memory_space<vmem>>, vector<16xf32>,
    %add3A_1405 = arith.addf %add3A_1402, %get3A_1404 : vector<16xf32>
    %get3A_1406 = arith.constant 2928 : index
    %get3A_1407 = tpu.vector_load %arg15[%get3A_1406] {strides = array<i32>} : memref<10240xf32, #tpu.memory_space<vmem>>, vector<16xf32>,
    %add3A_1408 = arith.addf %add3A_1405, %get3A_1407 : vector<16xf32>
    %get3A_1409 = arith.constant 3568 : index
    %get3A_1410 = tpu.vector_load %arg15[%get3A_1409] {strides = array<i32>} : memref<10240xf32, #tpu.memory_space<vmem>>, vector<16xf32>,
    %add3A_1411 = arith.addf %add3A_1408, %get3A_1410 : vector<16xf32>
    %get3A_1412 = arith.constant 4208 : index
    %get3A_1413 = tpu.vector_load %arg15[%get3A_1412] {strides = array<i32>} : memref<10240xf32, #tpu.memory_space<vmem>>, vector<16xf32>,
    %add3A_1414 = arith.addf %add3A_1411, %get3A_1413 : vector<16xf32>
    %get3A_1415 = arith.constant 4848 : index
    %get3A_1416 = tpu.vector_load %arg15[%get3A_1415] {strides = array<i32>} : memref<10240xf32, #tpu.memory_space<vmem>>, vector<16xf32>,
    %add3A_1417 = arith.addf %add3A_1414, %get3A_1416 : vector<16xf32>
    %get3A_1418 = arith.constant 5488 : index
    %get3A_1419 = tpu.vector_load %arg15[%get3A_1418] {strides = array<i32>} : memref<10240xf32, #tpu.memory_space<vmem>>, vector<16xf32>,
    %add3A_1420 = arith.addf %add3A_1417, %get3A_1419 : vector<16xf32>
    %get3A_1421 = arith.constant 6128 : index
    %get3A_1422 = tpu.vector_load %arg15[%get3A_1421] {strides = array<i32>} : memref<10240xf32, #tpu.memory_space<vmem>>, vector<16xf32>,
    %add3A_1423 = arith.addf %add3A_1420, %get3A_1422 : vector<16xf32>
    %get3A_1424 = arith.constant 6768 : index
    %get3A_1425 = tpu.vector_load %arg15[%get3A_1424] {strides = array<i32>} : memref<10240xf32, #tpu.memory_space<vmem>>, vector<16xf32>,
    %add3A_1426 = arith.addf %add3A_1423, %get3A_1425 : vector<16xf32>
    %get3A_1427 = arith.constant 7408 : index
    %get3A_1428 = tpu.vector_load %arg15[%get3A_1427] {strides = array<i32>} : memref<10240xf32, #tpu.memory_space<vmem>>, vector<16xf32>,
    %add3A_1429 = arith.addf %add3A_1426, %get3A_1428 : vector<16xf32>
    %get3A_1430 = arith.constant 8048 : index
    %get3A_1431 = tpu.vector_load %arg15[%get3A_1430] {strides = array<i32>} : memref<10240xf32, #tpu.memory_space<vmem>>, vector<16xf32>,
    %add3A_1432 = arith.addf %add3A_1429, %get3A_1431 : vector<16xf32>
    %get3A_1433 = arith.constant 8688 : index
    %get3A_1434 = tpu.vector_load %arg15[%get3A_1433] {strides = array<i32>} : memref<10240xf32, #tpu.memory_space<vmem>>, vector<16xf32>,
    %add3A_1435 = arith.addf %add3A_1432, %get3A_1434 : vector<16xf32>
    %get3A_1436 = arith.constant 9328 : index
    %get3A_1437 = tpu.vector_load %arg15[%get3A_1436] {strides = array<i32>} : memref<10240xf32, #tpu.memory_space<vmem>>, vector<16xf32>,
    %add3A_1438 = arith.addf %add3A_1435, %get3A_1437 : vector<16xf32>
    %get3A_1439 = arith.constant 9968 : index
    %get3A_1440 = tpu.vector_load %arg15[%get3A_1439] {strides = array<i32>} : memref<10240xf32, #tpu.memory_space<vmem>>, vector<16xf32>,
    %add3A_1441 = arith.addf %add3A_1438, %get3A_1440 : vector<16xf32>
    %swap3A_1442 = arith.constant 2 : i32
    %swap3A_1443 = arith.index_cast %swap3A_1442 : i32 to index
    %swap3A_1444 = arith.constant 112 : index
    %swap3A_1445 = tpu.vector_load %arg18[%swap3A_1443, %swap3A_1444] {strides = array<i32>} : memref<5x128xf32, #tpu.memory_space<vmem>>, vector<16xf32>,
    tpu.vector_store %arg18[%swap3A_1443, %swap3A_1444], %add3A_1441 {strides = array<i32>} : memref<5x128xf32, #tpu.memory_space<vmem>>, vector<16xf32>,
    %get3A_1446 = arith.constant 384 : index
    %get3A_1447 = tpu.vector_load %arg15[%get3A_1446] {strides = array<i32>} : memref<10240xf32, #tpu.memory_space<vmem>>, vector<16xf32>,
    %get3A_1448 = arith.constant 1024 : index
    %get3A_1449 = tpu.vector_load %arg15[%get3A_1448] {strides = array<i32>} : memref<10240xf32, #tpu.memory_space<vmem>>, vector<16xf32>,
    %add3A_1450 = arith.addf %get3A_1447, %get3A_1449 : vector<16xf32>
    %get3A_1451 = arith.constant 1664 : index
    %get3A_1452 = tpu.vector_load %arg15[%get3A_1451] {strides = array<i32>} : memref<10240xf32, #tpu.memory_space<vmem>>, vector<16xf32>,
    %add3A_1453 = arith.addf %add3A_1450, %get3A_1452 : vector<16xf32>
    %get3A_1454 = arith.constant 2304 : index
    %get3A_1455 = tpu.vector_load %arg15[%get3A_1454] {strides = array<i32>} : memref<10240xf32, #tpu.memory_space<vmem>>, vector<16xf32>,
    %add3A_1456 = arith.addf %add3A_1453, %get3A_1455 : vector<16xf32>
    %get3A_1457 = arith.constant 2944 : index
    %get3A_1458 = tpu.vector_load %arg15[%get3A_1457] {strides = array<i32>} : memref<10240xf32, #tpu.memory_space<vmem>>, vector<16xf32>,
    %add3A_1459 = arith.addf %add3A_1456, %get3A_1458 : vector<16xf32>
    %get3A_1460 = arith.constant 3584 : index
    %get3A_1461 = tpu.vector_load %arg15[%get3A_1460] {strides = array<i32>} : memref<10240xf32, #tpu.memory_space<vmem>>, vector<16xf32>,
    %add3A_1462 = arith.addf %add3A_1459, %get3A_1461 : vector<16xf32>
    %get3A_1463 = arith.constant 4224 : index
    %get3A_1464 = tpu.vector_load %arg15[%get3A_1463] {strides = array<i32>} : memref<10240xf32, #tpu.memory_space<vmem>>, vector<16xf32>,
    %add3A_1465 = arith.addf %add3A_1462, %get3A_1464 : vector<16xf32>
    %get3A_1466 = arith.constant 4864 : index
    %get3A_1467 = tpu.vector_load %arg15[%get3A_1466] {strides = array<i32>} : memref<10240xf32, #tpu.memory_space<vmem>>, vector<16xf32>,
    %add3A_1468 = arith.addf %add3A_1465, %get3A_1467 : vector<16xf32>
    %get3A_1469 = arith.constant 5504 : index
    %get3A_1470 = tpu.vector_load %arg15[%get3A_1469] {strides = array<i32>} : memref<10240xf32, #tpu.memory_space<vmem>>, vector<16xf32>,
    %add3A_1471 = arith.addf %add3A_1468, %get3A_1470 : vector<16xf32>
    %get3A_1472 = arith.constant 6144 : index
    %get3A_1473 = tpu.vector_load %arg15[%get3A_1472] {strides = array<i32>} : memref<10240xf32, #tpu.memory_space<vmem>>, vector<16xf32>,
    %add3A_1474 = arith.addf %add3A_1471, %get3A_1473 : vector<16xf32>
    %get3A_1475 = arith.constant 6784 : index
    %get3A_1476 = tpu.vector_load %arg15[%get3A_1475] {strides = array<i32>} : memref<10240xf32, #tpu.memory_space<vmem>>, vector<16xf32>,
    %add3A_1477 = arith.addf %add3A_1474, %get3A_1476 : vector<16xf32>
    %get3A_1478 = arith.constant 7424 : index
    %get3A_1479 = tpu.vector_load %arg15[%get3A_1478] {strides = array<i32>} : memref<10240xf32, #tpu.memory_space<vmem>>, vector<16xf32>,
    %add3A_1480 = arith.addf %add3A_1477, %get3A_1479 : vector<16xf32>
    %get3A_1481 = arith.constant 8064 : index
    %get3A_1482 = tpu.vector_load %arg15[%get3A_1481] {strides = array<i32>} : memref<10240xf32, #tpu.memory_space<vmem>>, vector<16xf32>,
    %add3A_1483 = arith.addf %add3A_1480, %get3A_1482 : vector<16xf32>
    %get3A_1484 = arith.constant 8704 : index
    %get3A_1485 = tpu.vector_load %arg15[%get3A_1484] {strides = array<i32>} : memref<10240xf32, #tpu.memory_space<vmem>>, vector<16xf32>,
    %add3A_1486 = arith.addf %add3A_1483, %get3A_1485 : vector<16xf32>
    %get3A_1487 = arith.constant 9344 : index
    %get3A_1488 = tpu.vector_load %arg15[%get3A_1487] {strides = array<i32>} : memref<10240xf32, #tpu.memory_space<vmem>>, vector<16xf32>,
    %add3A_1489 = arith.addf %add3A_1486, %get3A_1488 : vector<16xf32>
    %get3A_1490 = arith.constant 9984 : index
    %get3A_1491 = tpu.vector_load %arg15[%get3A_1490] {strides = array<i32>} : memref<10240xf32, #tpu.memory_space<vmem>>, vector<16xf32>,
    %add3A_1492 = arith.addf %add3A_1489, %get3A_1491 : vector<16xf32>
    %swap3A_1493 = arith.constant 3 : i32
    %swap3A_1494 = arith.index_cast %swap3A_1493 : i32 to index
    %swap3A_1495 = arith.constant 0 : index
    %swap3A_1496 = tpu.vector_load %arg18[%swap3A_1494, %swap3A_1495] {strides = array<i32>} : memref<5x128xf32, #tpu.memory_space<vmem>>, vector<16xf32>,
    tpu.vector_store %arg18[%swap3A_1494, %swap3A_1495], %add3A_1492 {strides = array<i32>} : memref<5x128xf32, #tpu.memory_space<vmem>>, vector<16xf32>,
    %get3A_1497 = arith.constant 400 : index
    %get3A_1498 = tpu.vector_load %arg15[%get3A_1497] {strides = array<i32>} : memref<10240xf32, #tpu.memory_space<vmem>>, vector<16xf32>,
    %get3A_1499 = arith.constant 1040 : index
    %get3A_1500 = tpu.vector_load %arg15[%get3A_1499] {strides = array<i32>} : memref<10240xf32, #tpu.memory_space<vmem>>, vector<16xf32>,
    %add3A_1501 = arith.addf %get3A_1498, %get3A_1500 : vector<16xf32>
    %get3A_1502 = arith.constant 1680 : index
    %get3A_1503 = tpu.vector_load %arg15[%get3A_1502] {strides = array<i32>} : memref<10240xf32, #tpu.memory_space<vmem>>, vector<16xf32>,
    %add3A_1504 = arith.addf %add3A_1501, %get3A_1503 : vector<16xf32>
    %get3A_1505 = arith.constant 2320 : index
    %get3A_1506 = tpu.vector_load %arg15[%get3A_1505] {strides = array<i32>} : memref<10240xf32, #tpu.memory_space<vmem>>, vector<16xf32>,
    %add3A_1507 = arith.addf %add3A_1504, %get3A_1506 : vector<16xf32>
    %get3A_1508 = arith.constant 2960 : index
    %get3A_1509 = tpu.vector_load %arg15[%get3A_1508] {strides = array<i32>} : memref<10240xf32, #tpu.memory_space<vmem>>, vector<16xf32>,
    %add3A_1510 = arith.addf %add3A_1507, %get3A_1509 : vector<16xf32>
    %get3A_1511 = arith.constant 3600 : index
    %get3A_1512 = tpu.vector_load %arg15[%get3A_1511] {strides = array<i32>} : memref<10240xf32, #tpu.memory_space<vmem>>, vector<16xf32>,
    %add3A_1513 = arith.addf %add3A_1510, %get3A_1512 : vector<16xf32>
    %get3A_1514 = arith.constant 4240 : index
    %get3A_1515 = tpu.vector_load %arg15[%get3A_1514] {strides = array<i32>} : memref<10240xf32, #tpu.memory_space<vmem>>, vector<16xf32>,
    %add3A_1516 = arith.addf %add3A_1513, %get3A_1515 : vector<16xf32>
    %get3A_1517 = arith.constant 4880 : index
    %get3A_1518 = tpu.vector_load %arg15[%get3A_1517] {strides = array<i32>} : memref<10240xf32, #tpu.memory_space<vmem>>, vector<16xf32>,
    %add3A_1519 = arith.addf %add3A_1516, %get3A_1518 : vector<16xf32>
    %get3A_1520 = arith.constant 5520 : index
    %get3A_1521 = tpu.vector_load %arg15[%get3A_1520] {strides = array<i32>} : memref<10240xf32, #tpu.memory_space<vmem>>, vector<16xf32>,
    %add3A_1522 = arith.addf %add3A_1519, %get3A_1521 : vector<16xf32>
    %get3A_1523 = arith.constant 6160 : index
    %get3A_1524 = tpu.vector_load %arg15[%get3A_1523] {strides = array<i32>} : memref<10240xf32, #tpu.memory_space<vmem>>, vector<16xf32>,
    %add3A_1525 = arith.addf %add3A_1522, %get3A_1524 : vector<16xf32>
    %get3A_1526 = arith.constant 6800 : index
    %get3A_1527 = tpu.vector_load %arg15[%get3A_1526] {strides = array<i32>} : memref<10240xf32, #tpu.memory_space<vmem>>, vector<16xf32>,
    %add3A_1528 = arith.addf %add3A_1525, %get3A_1527 : vector<16xf32>
    %get3A_1529 = arith.constant 7440 : index
    %get3A_1530 = tpu.vector_load %arg15[%get3A_1529] {strides = array<i32>} : memref<10240xf32, #tpu.memory_space<vmem>>, vector<16xf32>,
    %add3A_1531 = arith.addf %add3A_1528, %get3A_1530 : vector<16xf32>
    %get3A_1532 = arith.constant 8080 : index
    %get3A_1533 = tpu.vector_load %arg15[%get3A_1532] {strides = array<i32>} : memref<10240xf32, #tpu.memory_space<vmem>>, vector<16xf32>,
    %add3A_1534 = arith.addf %add3A_1531, %get3A_1533 : vector<16xf32>
    %get3A_1535 = arith.constant 8720 : index
    %get3A_1536 = tpu.vector_load %arg15[%get3A_1535] {strides = array<i32>} : memref<10240xf32, #tpu.memory_space<vmem>>, vector<16xf32>,
    %add3A_1537 = arith.addf %add3A_1534, %get3A_1536 : vector<16xf32>
    %get3A_1538 = arith.constant 9360 : index
    %get3A_1539 = tpu.vector_load %arg15[%get3A_1538] {strides = array<i32>} : memref<10240xf32, #tpu.memory_space<vmem>>, vector<16xf32>,
    %add3A_1540 = arith.addf %add3A_1537, %get3A_1539 : vector<16xf32>
    %get3A_1541 = arith.constant 10000 : index
    %get3A_1542 = tpu.vector_load %arg15[%get3A_1541] {strides = array<i32>} : memref<10240xf32, #tpu.memory_space<vmem>>, vector<16xf32>,
    %add3A_1543 = arith.addf %add3A_1540, %get3A_1542 : vector<16xf32>
    %swap3A_1544 = arith.constant 3 : i32
    %swap3A_1545 = arith.index_cast %swap3A_1544 : i32 to index
    %swap3A_1546 = arith.constant 16 : index
    %swap3A_1547 = tpu.vector_load %arg18[%swap3A_1545, %swap3A_1546] {strides = array<i32>} : memref<5x128xf32, #tpu.memory_space<vmem>>, vector<16xf32>,
    tpu.vector_store %arg18[%swap3A_1545, %swap3A_1546], %add3A_1543 {strides = array<i32>} : memref<5x128xf32, #tpu.memory_space<vmem>>, vector<16xf32>,
    %get3A_1548 = arith.constant 416 : index
    %get3A_1549 = tpu.vector_load %arg15[%get3A_1548] {strides = array<i32>} : memref<10240xf32, #tpu.memory_space<vmem>>, vector<16xf32>,
    %get3A_1550 = arith.constant 1056 : index
    %get3A_1551 = tpu.vector_load %arg15[%get3A_1550] {strides = array<i32>} : memref<10240xf32, #tpu.memory_space<vmem>>, vector<16xf32>,
    %add3A_1552 = arith.addf %get3A_1549, %get3A_1551 : vector<16xf32>
    %get3A_1553 = arith.constant 1696 : index
    %get3A_1554 = tpu.vector_load %arg15[%get3A_1553] {strides = array<i32>} : memref<10240xf32, #tpu.memory_space<vmem>>, vector<16xf32>,
    %add3A_1555 = arith.addf %add3A_1552, %get3A_1554 : vector<16xf32>
    %get3A_1556 = arith.constant 2336 : index
    %get3A_1557 = tpu.vector_load %arg15[%get3A_1556] {strides = array<i32>} : memref<10240xf32, #tpu.memory_space<vmem>>, vector<16xf32>,
    %add3A_1558 = arith.addf %add3A_1555, %get3A_1557 : vector<16xf32>
    %get3A_1559 = arith.constant 2976 : index
    %get3A_1560 = tpu.vector_load %arg15[%get3A_1559] {strides = array<i32>} : memref<10240xf32, #tpu.memory_space<vmem>>, vector<16xf32>,
    %add3A_1561 = arith.addf %add3A_1558, %get3A_1560 : vector<16xf32>
    %get3A_1562 = arith.constant 3616 : index
    %get3A_1563 = tpu.vector_load %arg15[%get3A_1562] {strides = array<i32>} : memref<10240xf32, #tpu.memory_space<vmem>>, vector<16xf32>,
    %add3A_1564 = arith.addf %add3A_1561, %get3A_1563 : vector<16xf32>
    %get3A_1565 = arith.constant 4256 : index
    %get3A_1566 = tpu.vector_load %arg15[%get3A_1565] {strides = array<i32>} : memref<10240xf32, #tpu.memory_space<vmem>>, vector<16xf32>,
    %add3A_1567 = arith.addf %add3A_1564, %get3A_1566 : vector<16xf32>
    %get3A_1568 = arith.constant 4896 : index
    %get3A_1569 = tpu.vector_load %arg15[%get3A_1568] {strides = array<i32>} : memref<10240xf32, #tpu.memory_space<vmem>>, vector<16xf32>,
    %add3A_1570 = arith.addf %add3A_1567, %get3A_1569 : vector<16xf32>
    %get3A_1571 = arith.constant 5536 : index
    %get3A_1572 = tpu.vector_load %arg15[%get3A_1571] {strides = array<i32>} : memref<10240xf32, #tpu.memory_space<vmem>>, vector<16xf32>,
    %add3A_1573 = arith.addf %add3A_1570, %get3A_1572 : vector<16xf32>
    %get3A_1574 = arith.constant 6176 : index
    %get3A_1575 = tpu.vector_load %arg15[%get3A_1574] {strides = array<i32>} : memref<10240xf32, #tpu.memory_space<vmem>>, vector<16xf32>,
    %add3A_1576 = arith.addf %add3A_1573, %get3A_1575 : vector<16xf32>
    %get3A_1577 = arith.constant 6816 : index
    %get3A_1578 = tpu.vector_load %arg15[%get3A_1577] {strides = array<i32>} : memref<10240xf32, #tpu.memory_space<vmem>>, vector<16xf32>,
    %add3A_1579 = arith.addf %add3A_1576, %get3A_1578 : vector<16xf32>
    %get3A_1580 = arith.constant 7456 : index
    %get3A_1581 = tpu.vector_load %arg15[%get3A_1580] {strides = array<i32>} : memref<10240xf32, #tpu.memory_space<vmem>>, vector<16xf32>,
    %add3A_1582 = arith.addf %add3A_1579, %get3A_1581 : vector<16xf32>
    %get3A_1583 = arith.constant 8096 : index
    %get3A_1584 = tpu.vector_load %arg15[%get3A_1583] {strides = array<i32>} : memref<10240xf32, #tpu.memory_space<vmem>>, vector<16xf32>,
    %add3A_1585 = arith.addf %add3A_1582, %get3A_1584 : vector<16xf32>
    %get3A_1586 = arith.constant 8736 : index
    %get3A_1587 = tpu.vector_load %arg15[%get3A_1586] {strides = array<i32>} : memref<10240xf32, #tpu.memory_space<vmem>>, vector<16xf32>,
    %add3A_1588 = arith.addf %add3A_1585, %get3A_1587 : vector<16xf32>
    %get3A_1589 = arith.constant 9376 : index
    %get3A_1590 = tpu.vector_load %arg15[%get3A_1589] {strides = array<i32>} : memref<10240xf32, #tpu.memory_space<vmem>>, vector<16xf32>,
    %add3A_1591 = arith.addf %add3A_1588, %get3A_1590 : vector<16xf32>
    %get3A_1592 = arith.constant 10016 : index
    %get3A_1593 = tpu.vector_load %arg15[%get3A_1592] {strides = array<i32>} : memref<10240xf32, #tpu.memory_space<vmem>>, vector<16xf32>,
    %add3A_1594 = arith.addf %add3A_1591, %get3A_1593 : vector<16xf32>
    %swap3A_1595 = arith.constant 3 : i32
    %swap3A_1596 = arith.index_cast %swap3A_1595 : i32 to index
    %swap3A_1597 = arith.constant 32 : index
    %swap3A_1598 = tpu.vector_load %arg18[%swap3A_1596, %swap3A_1597] {strides = array<i32>} : memref<5x128xf32, #tpu.memory_space<vmem>>, vector<16xf32>,
    tpu.vector_store %arg18[%swap3A_1596, %swap3A_1597], %add3A_1594 {strides = array<i32>} : memref<5x128xf32, #tpu.memory_space<vmem>>, vector<16xf32>,
    %get3A_1599 = arith.constant 432 : index
    %get3A_1600 = tpu.vector_load %arg15[%get3A_1599] {strides = array<i32>} : memref<10240xf32, #tpu.memory_space<vmem>>, vector<16xf32>,
    %get3A_1601 = arith.constant 1072 : index
    %get3A_1602 = tpu.vector_load %arg15[%get3A_1601] {strides = array<i32>} : memref<10240xf32, #tpu.memory_space<vmem>>, vector<16xf32>,
    %add3A_1603 = arith.addf %get3A_1600, %get3A_1602 : vector<16xf32>
    %get3A_1604 = arith.constant 1712 : index
    %get3A_1605 = tpu.vector_load %arg15[%get3A_1604] {strides = array<i32>} : memref<10240xf32, #tpu.memory_space<vmem>>, vector<16xf32>,
    %add3A_1606 = arith.addf %add3A_1603, %get3A_1605 : vector<16xf32>
    %get3A_1607 = arith.constant 2352 : index
    %get3A_1608 = tpu.vector_load %arg15[%get3A_1607] {strides = array<i32>} : memref<10240xf32, #tpu.memory_space<vmem>>, vector<16xf32>,
    %add3A_1609 = arith.addf %add3A_1606, %get3A_1608 : vector<16xf32>
    %get3A_1610 = arith.constant 2992 : index
    %get3A_1611 = tpu.vector_load %arg15[%get3A_1610] {strides = array<i32>} : memref<10240xf32, #tpu.memory_space<vmem>>, vector<16xf32>,
    %add3A_1612 = arith.addf %add3A_1609, %get3A_1611 : vector<16xf32>
    %get3A_1613 = arith.constant 3632 : index
    %get3A_1614 = tpu.vector_load %arg15[%get3A_1613] {strides = array<i32>} : memref<10240xf32, #tpu.memory_space<vmem>>, vector<16xf32>,
    %add3A_1615 = arith.addf %add3A_1612, %get3A_1614 : vector<16xf32>
    %get3A_1616 = arith.constant 4272 : index
    %get3A_1617 = tpu.vector_load %arg15[%get3A_1616] {strides = array<i32>} : memref<10240xf32, #tpu.memory_space<vmem>>, vector<16xf32>,
    %add3A_1618 = arith.addf %add3A_1615, %get3A_1617 : vector<16xf32>
    %get3A_1619 = arith.constant 4912 : index
    %get3A_1620 = tpu.vector_load %arg15[%get3A_1619] {strides = array<i32>} : memref<10240xf32, #tpu.memory_space<vmem>>, vector<16xf32>,
    %add3A_1621 = arith.addf %add3A_1618, %get3A_1620 : vector<16xf32>
    %get3A_1622 = arith.constant 5552 : index
    %get3A_1623 = tpu.vector_load %arg15[%get3A_1622] {strides = array<i32>} : memref<10240xf32, #tpu.memory_space<vmem>>, vector<16xf32>,
    %add3A_1624 = arith.addf %add3A_1621, %get3A_1623 : vector<16xf32>
    %get3A_1625 = arith.constant 6192 : index
    %get3A_1626 = tpu.vector_load %arg15[%get3A_1625] {strides = array<i32>} : memref<10240xf32, #tpu.memory_space<vmem>>, vector<16xf32>,
    %add3A_1627 = arith.addf %add3A_1624, %get3A_1626 : vector<16xf32>
    %get3A_1628 = arith.constant 6832 : index
    %get3A_1629 = tpu.vector_load %arg15[%get3A_1628] {strides = array<i32>} : memref<10240xf32, #tpu.memory_space<vmem>>, vector<16xf32>,
    %add3A_1630 = arith.addf %add3A_1627, %get3A_1629 : vector<16xf32>
    %get3A_1631 = arith.constant 7472 : index
    %get3A_1632 = tpu.vector_load %arg15[%get3A_1631] {strides = array<i32>} : memref<10240xf32, #tpu.memory_space<vmem>>, vector<16xf32>,
    %add3A_1633 = arith.addf %add3A_1630, %get3A_1632 : vector<16xf32>
    %get3A_1634 = arith.constant 8112 : index
    %get3A_1635 = tpu.vector_load %arg15[%get3A_1634] {strides = array<i32>} : memref<10240xf32, #tpu.memory_space<vmem>>, vector<16xf32>,
    %add3A_1636 = arith.addf %add3A_1633, %get3A_1635 : vector<16xf32>
    %get3A_1637 = arith.constant 8752 : index
    %get3A_1638 = tpu.vector_load %arg15[%get3A_1637] {strides = array<i32>} : memref<10240xf32, #tpu.memory_space<vmem>>, vector<16xf32>,
    %add3A_1639 = arith.addf %add3A_1636, %get3A_1638 : vector<16xf32>
    %get3A_1640 = arith.constant 9392 : index
    %get3A_1641 = tpu.vector_load %arg15[%get3A_1640] {strides = array<i32>} : memref<10240xf32, #tpu.memory_space<vmem>>, vector<16xf32>,
    %add3A_1642 = arith.addf %add3A_1639, %get3A_1641 : vector<16xf32>
    %get3A_1643 = arith.constant 10032 : index
    %get3A_1644 = tpu.vector_load %arg15[%get3A_1643] {strides = array<i32>} : memref<10240xf32, #tpu.memory_space<vmem>>, vector<16xf32>,
    %add3A_1645 = arith.addf %add3A_1642, %get3A_1644 : vector<16xf32>
    %swap3A_1646 = arith.constant 3 : i32
    %swap3A_1647 = arith.index_cast %swap3A_1646 : i32 to index
    %swap3A_1648 = arith.constant 48 : index
    %swap3A_1649 = tpu.vector_load %arg18[%swap3A_1647, %swap3A_1648] {strides = array<i32>} : memref<5x128xf32, #tpu.memory_space<vmem>>, vector<16xf32>,
    tpu.vector_store %arg18[%swap3A_1647, %swap3A_1648], %add3A_1645 {strides = array<i32>} : memref<5x128xf32, #tpu.memory_space<vmem>>, vector<16xf32>,
    %get3A_1650 = arith.constant 448 : index
    %get3A_1651 = tpu.vector_load %arg15[%get3A_1650] {strides = array<i32>} : memref<10240xf32, #tpu.memory_space<vmem>>, vector<16xf32>,
    %get3A_1652 = arith.constant 1088 : index
    %get3A_1653 = tpu.vector_load %arg15[%get3A_1652] {strides = array<i32>} : memref<10240xf32, #tpu.memory_space<vmem>>, vector<16xf32>,
    %add3A_1654 = arith.addf %get3A_1651, %get3A_1653 : vector<16xf32>
    %get3A_1655 = arith.constant 1728 : index
    %get3A_1656 = tpu.vector_load %arg15[%get3A_1655] {strides = array<i32>} : memref<10240xf32, #tpu.memory_space<vmem>>, vector<16xf32>,
    %add3A_1657 = arith.addf %add3A_1654, %get3A_1656 : vector<16xf32>
    %get3A_1658 = arith.constant 2368 : index
    %get3A_1659 = tpu.vector_load %arg15[%get3A_1658] {strides = array<i32>} : memref<10240xf32, #tpu.memory_space<vmem>>, vector<16xf32>,
    %add3A_1660 = arith.addf %add3A_1657, %get3A_1659 : vector<16xf32>
    %get3A_1661 = arith.constant 3008 : index
    %get3A_1662 = tpu.vector_load %arg15[%get3A_1661] {strides = array<i32>} : memref<10240xf32, #tpu.memory_space<vmem>>, vector<16xf32>,
    %add3A_1663 = arith.addf %add3A_1660, %get3A_1662 : vector<16xf32>
    %get3A_1664 = arith.constant 3648 : index
    %get3A_1665 = tpu.vector_load %arg15[%get3A_1664] {strides = array<i32>} : memref<10240xf32, #tpu.memory_space<vmem>>, vector<16xf32>,
    %add3A_1666 = arith.addf %add3A_1663, %get3A_1665 : vector<16xf32>
    %get3A_1667 = arith.constant 4288 : index
    %get3A_1668 = tpu.vector_load %arg15[%get3A_1667] {strides = array<i32>} : memref<10240xf32, #tpu.memory_space<vmem>>, vector<16xf32>,
    %add3A_1669 = arith.addf %add3A_1666, %get3A_1668 : vector<16xf32>
    %get3A_1670 = arith.constant 4928 : index
    %get3A_1671 = tpu.vector_load %arg15[%get3A_1670] {strides = array<i32>} : memref<10240xf32, #tpu.memory_space<vmem>>, vector<16xf32>,
    %add3A_1672 = arith.addf %add3A_1669, %get3A_1671 : vector<16xf32>
    %get3A_1673 = arith.constant 5568 : index
    %get3A_1674 = tpu.vector_load %arg15[%get3A_1673] {strides = array<i32>} : memref<10240xf32, #tpu.memory_space<vmem>>, vector<16xf32>,
    %add3A_1675 = arith.addf %add3A_1672, %get3A_1674 : vector<16xf32>
    %get3A_1676 = arith.constant 6208 : index
    %get3A_1677 = tpu.vector_load %arg15[%get3A_1676] {strides = array<i32>} : memref<10240xf32, #tpu.memory_space<vmem>>, vector<16xf32>,
    %add3A_1678 = arith.addf %add3A_1675, %get3A_1677 : vector<16xf32>
    %get3A_1679 = arith.constant 6848 : index
    %get3A_1680 = tpu.vector_load %arg15[%get3A_1679] {strides = array<i32>} : memref<10240xf32, #tpu.memory_space<vmem>>, vector<16xf32>,
    %add3A_1681 = arith.addf %add3A_1678, %get3A_1680 : vector<16xf32>
    %get3A_1682 = arith.constant 7488 : index
    %get3A_1683 = tpu.vector_load %arg15[%get3A_1682] {strides = array<i32>} : memref<10240xf32, #tpu.memory_space<vmem>>, vector<16xf32>,
    %add3A_1684 = arith.addf %add3A_1681, %get3A_1683 : vector<16xf32>
    %get3A_1685 = arith.constant 8128 : index
    %get3A_1686 = tpu.vector_load %arg15[%get3A_1685] {strides = array<i32>} : memref<10240xf32, #tpu.memory_space<vmem>>, vector<16xf32>,
    %add3A_1687 = arith.addf %add3A_1684, %get3A_1686 : vector<16xf32>
    %get3A_1688 = arith.constant 8768 : index
    %get3A_1689 = tpu.vector_load %arg15[%get3A_1688] {strides = array<i32>} : memref<10240xf32, #tpu.memory_space<vmem>>, vector<16xf32>,
    %add3A_1690 = arith.addf %add3A_1687, %get3A_1689 : vector<16xf32>
    %get3A_1691 = arith.constant 9408 : index
    %get3A_1692 = tpu.vector_load %arg15[%get3A_1691] {strides = array<i32>} : memref<10240xf32, #tpu.memory_space<vmem>>, vector<16xf32>,
    %add3A_1693 = arith.addf %add3A_1690, %get3A_1692 : vector<16xf32>
    %get3A_1694 = arith.constant 10048 : index
    %get3A_1695 = tpu.vector_load %arg15[%get3A_1694] {strides = array<i32>} : memref<10240xf32, #tpu.memory_space<vmem>>, vector<16xf32>,
    %add3A_1696 = arith.addf %add3A_1693, %get3A_1695 : vector<16xf32>
    %swap3A_1697 = arith.constant 3 : i32
    %swap3A_1698 = arith.index_cast %swap3A_1697 : i32 to index
    %swap3A_1699 = arith.constant 64 : index
    %swap3A_1700 = tpu.vector_load %arg18[%swap3A_1698, %swap3A_1699] {strides = array<i32>} : memref<5x128xf32, #tpu.memory_space<vmem>>, vector<16xf32>,
    tpu.vector_store %arg18[%swap3A_1698, %swap3A_1699], %add3A_1696 {strides = array<i32>} : memref<5x128xf32, #tpu.memory_space<vmem>>, vector<16xf32>,
    %get3A_1701 = arith.constant 464 : index
    %get3A_1702 = tpu.vector_load %arg15[%get3A_1701] {strides = array<i32>} : memref<10240xf32, #tpu.memory_space<vmem>>, vector<16xf32>,
    %get3A_1703 = arith.constant 1104 : index
    %get3A_1704 = tpu.vector_load %arg15[%get3A_1703] {strides = array<i32>} : memref<10240xf32, #tpu.memory_space<vmem>>, vector<16xf32>,
    %add3A_1705 = arith.addf %get3A_1702, %get3A_1704 : vector<16xf32>
    %get3A_1706 = arith.constant 1744 : index
    %get3A_1707 = tpu.vector_load %arg15[%get3A_1706] {strides = array<i32>} : memref<10240xf32, #tpu.memory_space<vmem>>, vector<16xf32>,
    %add3A_1708 = arith.addf %add3A_1705, %get3A_1707 : vector<16xf32>
    %get3A_1709 = arith.constant 2384 : index
    %get3A_1710 = tpu.vector_load %arg15[%get3A_1709] {strides = array<i32>} : memref<10240xf32, #tpu.memory_space<vmem>>, vector<16xf32>,
    %add3A_1711 = arith.addf %add3A_1708, %get3A_1710 : vector<16xf32>
    %get3A_1712 = arith.constant 3024 : index
    %get3A_1713 = tpu.vector_load %arg15[%get3A_1712] {strides = array<i32>} : memref<10240xf32, #tpu.memory_space<vmem>>, vector<16xf32>,
    %add3A_1714 = arith.addf %add3A_1711, %get3A_1713 : vector<16xf32>
    %get3A_1715 = arith.constant 3664 : index
    %get3A_1716 = tpu.vector_load %arg15[%get3A_1715] {strides = array<i32>} : memref<10240xf32, #tpu.memory_space<vmem>>, vector<16xf32>,
    %add3A_1717 = arith.addf %add3A_1714, %get3A_1716 : vector<16xf32>
    %get3A_1718 = arith.constant 4304 : index
    %get3A_1719 = tpu.vector_load %arg15[%get3A_1718] {strides = array<i32>} : memref<10240xf32, #tpu.memory_space<vmem>>, vector<16xf32>,
    %add3A_1720 = arith.addf %add3A_1717, %get3A_1719 : vector<16xf32>
    %get3A_1721 = arith.constant 4944 : index
    %get3A_1722 = tpu.vector_load %arg15[%get3A_1721] {strides = array<i32>} : memref<10240xf32, #tpu.memory_space<vmem>>, vector<16xf32>,
    %add3A_1723 = arith.addf %add3A_1720, %get3A_1722 : vector<16xf32>
    %get3A_1724 = arith.constant 5584 : index
    %get3A_1725 = tpu.vector_load %arg15[%get3A_1724] {strides = array<i32>} : memref<10240xf32, #tpu.memory_space<vmem>>, vector<16xf32>,
    %add3A_1726 = arith.addf %add3A_1723, %get3A_1725 : vector<16xf32>
    %get3A_1727 = arith.constant 6224 : index
    %get3A_1728 = tpu.vector_load %arg15[%get3A_1727] {strides = array<i32>} : memref<10240xf32, #tpu.memory_space<vmem>>, vector<16xf32>,
    %add3A_1729 = arith.addf %add3A_1726, %get3A_1728 : vector<16xf32>
    %get3A_1730 = arith.constant 6864 : index
    %get3A_1731 = tpu.vector_load %arg15[%get3A_1730] {strides = array<i32>} : memref<10240xf32, #tpu.memory_space<vmem>>, vector<16xf32>,
    %add3A_1732 = arith.addf %add3A_1729, %get3A_1731 : vector<16xf32>
    %get3A_1733 = arith.constant 7504 : index
    %get3A_1734 = tpu.vector_load %arg15[%get3A_1733] {strides = array<i32>} : memref<10240xf32, #tpu.memory_space<vmem>>, vector<16xf32>,
    %add3A_1735 = arith.addf %add3A_1732, %get3A_1734 : vector<16xf32>
    %get3A_1736 = arith.constant 8144 : index
    %get3A_1737 = tpu.vector_load %arg15[%get3A_1736] {strides = array<i32>} : memref<10240xf32, #tpu.memory_space<vmem>>, vector<16xf32>,
    %add3A_1738 = arith.addf %add3A_1735, %get3A_1737 : vector<16xf32>
    %get3A_1739 = arith.constant 8784 : index
    %get3A_1740 = tpu.vector_load %arg15[%get3A_1739] {strides = array<i32>} : memref<10240xf32, #tpu.memory_space<vmem>>, vector<16xf32>,
    %add3A_1741 = arith.addf %add3A_1738, %get3A_1740 : vector<16xf32>
    %get3A_1742 = arith.constant 9424 : index
    %get3A_1743 = tpu.vector_load %arg15[%get3A_1742] {strides = array<i32>} : memref<10240xf32, #tpu.memory_space<vmem>>, vector<16xf32>,
    %add3A_1744 = arith.addf %add3A_1741, %get3A_1743 : vector<16xf32>
    %get3A_1745 = arith.constant 10064 : index
    %get3A_1746 = tpu.vector_load %arg15[%get3A_1745] {strides = array<i32>} : memref<10240xf32, #tpu.memory_space<vmem>>, vector<16xf32>,
    %add3A_1747 = arith.addf %add3A_1744, %get3A_1746 : vector<16xf32>
    %swap3A_1748 = arith.constant 3 : i32
    %swap3A_1749 = arith.index_cast %swap3A_1748 : i32 to index
    %swap3A_1750 = arith.constant 80 : index
    %swap3A_1751 = tpu.vector_load %arg18[%swap3A_1749, %swap3A_1750] {strides = array<i32>} : memref<5x128xf32, #tpu.memory_space<vmem>>, vector<16xf32>,
    tpu.vector_store %arg18[%swap3A_1749, %swap3A_1750], %add3A_1747 {strides = array<i32>} : memref<5x128xf32, #tpu.memory_space<vmem>>, vector<16xf32>,
    %get3A_1752 = arith.constant 480 : index
    %get3A_1753 = tpu.vector_load %arg15[%get3A_1752] {strides = array<i32>} : memref<10240xf32, #tpu.memory_space<vmem>>, vector<16xf32>,
    %get3A_1754 = arith.constant 1120 : index
    %get3A_1755 = tpu.vector_load %arg15[%get3A_1754] {strides = array<i32>} : memref<10240xf32, #tpu.memory_space<vmem>>, vector<16xf32>,
    %add3A_1756 = arith.addf %get3A_1753, %get3A_1755 : vector<16xf32>
    %get3A_1757 = arith.constant 1760 : index
    %get3A_1758 = tpu.vector_load %arg15[%get3A_1757] {strides = array<i32>} : memref<10240xf32, #tpu.memory_space<vmem>>, vector<16xf32>,
    %add3A_1759 = arith.addf %add3A_1756, %get3A_1758 : vector<16xf32>
    %get3A_1760 = arith.constant 2400 : index
    %get3A_1761 = tpu.vector_load %arg15[%get3A_1760] {strides = array<i32>} : memref<10240xf32, #tpu.memory_space<vmem>>, vector<16xf32>,
    %add3A_1762 = arith.addf %add3A_1759, %get3A_1761 : vector<16xf32>
    %get3A_1763 = arith.constant 3040 : index
    %get3A_1764 = tpu.vector_load %arg15[%get3A_1763] {strides = array<i32>} : memref<10240xf32, #tpu.memory_space<vmem>>, vector<16xf32>,
    %add3A_1765 = arith.addf %add3A_1762, %get3A_1764 : vector<16xf32>
    %get3A_1766 = arith.constant 3680 : index
    %get3A_1767 = tpu.vector_load %arg15[%get3A_1766] {strides = array<i32>} : memref<10240xf32, #tpu.memory_space<vmem>>, vector<16xf32>,
    %add3A_1768 = arith.addf %add3A_1765, %get3A_1767 : vector<16xf32>
    %get3A_1769 = arith.constant 4320 : index
    %get3A_1770 = tpu.vector_load %arg15[%get3A_1769] {strides = array<i32>} : memref<10240xf32, #tpu.memory_space<vmem>>, vector<16xf32>,
    %add3A_1771 = arith.addf %add3A_1768, %get3A_1770 : vector<16xf32>
    %get3A_1772 = arith.constant 4960 : index
    %get3A_1773 = tpu.vector_load %arg15[%get3A_1772] {strides = array<i32>} : memref<10240xf32, #tpu.memory_space<vmem>>, vector<16xf32>,
    %add3A_1774 = arith.addf %add3A_1771, %get3A_1773 : vector<16xf32>
    %get3A_1775 = arith.constant 5600 : index
    %get3A_1776 = tpu.vector_load %arg15[%get3A_1775] {strides = array<i32>} : memref<10240xf32, #tpu.memory_space<vmem>>, vector<16xf32>,
    %add3A_1777 = arith.addf %add3A_1774, %get3A_1776 : vector<16xf32>
    %get3A_1778 = arith.constant 6240 : index
    %get3A_1779 = tpu.vector_load %arg15[%get3A_1778] {strides = array<i32>} : memref<10240xf32, #tpu.memory_space<vmem>>, vector<16xf32>,
    %add3A_1780 = arith.addf %add3A_1777, %get3A_1779 : vector<16xf32>
    %get3A_1781 = arith.constant 6880 : index
    %get3A_1782 = tpu.vector_load %arg15[%get3A_1781] {strides = array<i32>} : memref<10240xf32, #tpu.memory_space<vmem>>, vector<16xf32>,
    %add3A_1783 = arith.addf %add3A_1780, %get3A_1782 : vector<16xf32>
    %get3A_1784 = arith.constant 7520 : index
    %get3A_1785 = tpu.vector_load %arg15[%get3A_1784] {strides = array<i32>} : memref<10240xf32, #tpu.memory_space<vmem>>, vector<16xf32>,
    %add3A_1786 = arith.addf %add3A_1783, %get3A_1785 : vector<16xf32>
    %get3A_1787 = arith.constant 8160 : index
    %get3A_1788 = tpu.vector_load %arg15[%get3A_1787] {strides = array<i32>} : memref<10240xf32, #tpu.memory_space<vmem>>, vector<16xf32>,
    %add3A_1789 = arith.addf %add3A_1786, %get3A_1788 : vector<16xf32>
    %get3A_1790 = arith.constant 8800 : index
    %get3A_1791 = tpu.vector_load %arg15[%get3A_1790] {strides = array<i32>} : memref<10240xf32, #tpu.memory_space<vmem>>, vector<16xf32>,
    %add3A_1792 = arith.addf %add3A_1789, %get3A_1791 : vector<16xf32>
    %get3A_1793 = arith.constant 9440 : index
    %get3A_1794 = tpu.vector_load %arg15[%get3A_1793] {strides = array<i32>} : memref<10240xf32, #tpu.memory_space<vmem>>, vector<16xf32>,
    %add3A_1795 = arith.addf %add3A_1792, %get3A_1794 : vector<16xf32>
    %get3A_1796 = arith.constant 10080 : index
    %get3A_1797 = tpu.vector_load %arg15[%get3A_1796] {strides = array<i32>} : memref<10240xf32, #tpu.memory_space<vmem>>, vector<16xf32>,
    %add3A_1798 = arith.addf %add3A_1795, %get3A_1797 : vector<16xf32>
    %swap3A_1799 = arith.constant 3 : i32
    %swap3A_1800 = arith.index_cast %swap3A_1799 : i32 to index
    %swap3A_1801 = arith.constant 96 : index
    %swap3A_1802 = tpu.vector_load %arg18[%swap3A_1800, %swap3A_1801] {strides = array<i32>} : memref<5x128xf32, #tpu.memory_space<vmem>>, vector<16xf32>,
    tpu.vector_store %arg18[%swap3A_1800, %swap3A_1801], %add3A_1798 {strides = array<i32>} : memref<5x128xf32, #tpu.memory_space<vmem>>, vector<16xf32>,
    %get3A_1803 = arith.constant 496 : index
    %get3A_1804 = tpu.vector_load %arg15[%get3A_1803] {strides = array<i32>} : memref<10240xf32, #tpu.memory_space<vmem>>, vector<16xf32>,
    %get3A_1805 = arith.constant 1136 : index
    %get3A_1806 = tpu.vector_load %arg15[%get3A_1805] {strides = array<i32>} : memref<10240xf32, #tpu.memory_space<vmem>>, vector<16xf32>,
    %add3A_1807 = arith.addf %get3A_1804, %get3A_1806 : vector<16xf32>
    %get3A_1808 = arith.constant 1776 : index
    %get3A_1809 = tpu.vector_load %arg15[%get3A_1808] {strides = array<i32>} : memref<10240xf32, #tpu.memory_space<vmem>>, vector<16xf32>,
    %add3A_1810 = arith.addf %add3A_1807, %get3A_1809 : vector<16xf32>
    %get3A_1811 = arith.constant 2416 : index
    %get3A_1812 = tpu.vector_load %arg15[%get3A_1811] {strides = array<i32>} : memref<10240xf32, #tpu.memory_space<vmem>>, vector<16xf32>,
    %add3A_1813 = arith.addf %add3A_1810, %get3A_1812 : vector<16xf32>
    %get3A_1814 = arith.constant 3056 : index
    %get3A_1815 = tpu.vector_load %arg15[%get3A_1814] {strides = array<i32>} : memref<10240xf32, #tpu.memory_space<vmem>>, vector<16xf32>,
    %add3A_1816 = arith.addf %add3A_1813, %get3A_1815 : vector<16xf32>
    %get3A_1817 = arith.constant 3696 : index
    %get3A_1818 = tpu.vector_load %arg15[%get3A_1817] {strides = array<i32>} : memref<10240xf32, #tpu.memory_space<vmem>>, vector<16xf32>,
    %add3A_1819 = arith.addf %add3A_1816, %get3A_1818 : vector<16xf32>
    %get3A_1820 = arith.constant 4336 : index
    %get3A_1821 = tpu.vector_load %arg15[%get3A_1820] {strides = array<i32>} : memref<10240xf32, #tpu.memory_space<vmem>>, vector<16xf32>,
    %add3A_1822 = arith.addf %add3A_1819, %get3A_1821 : vector<16xf32>
    %get3A_1823 = arith.constant 4976 : index
    %get3A_1824 = tpu.vector_load %arg15[%get3A_1823] {strides = array<i32>} : memref<10240xf32, #tpu.memory_space<vmem>>, vector<16xf32>,
    %add3A_1825 = arith.addf %add3A_1822, %get3A_1824 : vector<16xf32>
    %get3A_1826 = arith.constant 5616 : index
    %get3A_1827 = tpu.vector_load %arg15[%get3A_1826] {strides = array<i32>} : memref<10240xf32, #tpu.memory_space<vmem>>, vector<16xf32>,
    %add3A_1828 = arith.addf %add3A_1825, %get3A_1827 : vector<16xf32>
    %get3A_1829 = arith.constant 6256 : index
    %get3A_1830 = tpu.vector_load %arg15[%get3A_1829] {strides = array<i32>} : memref<10240xf32, #tpu.memory_space<vmem>>, vector<16xf32>,
    %add3A_1831 = arith.addf %add3A_1828, %get3A_1830 : vector<16xf32>
    %get3A_1832 = arith.constant 6896 : index
    %get3A_1833 = tpu.vector_load %arg15[%get3A_1832] {strides = array<i32>} : memref<10240xf32, #tpu.memory_space<vmem>>, vector<16xf32>,
    %add3A_1834 = arith.addf %add3A_1831, %get3A_1833 : vector<16xf32>
    %get3A_1835 = arith.constant 7536 : index
    %get3A_1836 = tpu.vector_load %arg15[%get3A_1835] {strides = array<i32>} : memref<10240xf32, #tpu.memory_space<vmem>>, vector<16xf32>,
    %add3A_1837 = arith.addf %add3A_1834, %get3A_1836 : vector<16xf32>
    %get3A_1838 = arith.constant 8176 : index
    %get3A_1839 = tpu.vector_load %arg15[%get3A_1838] {strides = array<i32>} : memref<10240xf32, #tpu.memory_space<vmem>>, vector<16xf32>,
    %add3A_1840 = arith.addf %add3A_1837, %get3A_1839 : vector<16xf32>
    %get3A_1841 = arith.constant 8816 : index
    %get3A_1842 = tpu.vector_load %arg15[%get3A_1841] {strides = array<i32>} : memref<10240xf32, #tpu.memory_space<vmem>>, vector<16xf32>,
    %add3A_1843 = arith.addf %add3A_1840, %get3A_1842 : vector<16xf32>
    %get3A_1844 = arith.constant 9456 : index
    %get3A_1845 = tpu.vector_load %arg15[%get3A_1844] {strides = array<i32>} : memref<10240xf32, #tpu.memory_space<vmem>>, vector<16xf32>,
    %add3A_1846 = arith.addf %add3A_1843, %get3A_1845 : vector<16xf32>
    %get3A_1847 = arith.constant 10096 : index
    %get3A_1848 = tpu.vector_load %arg15[%get3A_1847] {strides = array<i32>} : memref<10240xf32, #tpu.memory_space<vmem>>, vector<16xf32>,
    %add3A_1849 = arith.addf %add3A_1846, %get3A_1848 : vector<16xf32>
    %swap3A_1850 = arith.constant 3 : i32
    %swap3A_1851 = arith.index_cast %swap3A_1850 : i32 to index
    %swap3A_1852 = arith.constant 112 : index
    %swap3A_1853 = tpu.vector_load %arg18[%swap3A_1851, %swap3A_1852] {strides = array<i32>} : memref<5x128xf32, #tpu.memory_space<vmem>>, vector<16xf32>,
    tpu.vector_store %arg18[%swap3A_1851, %swap3A_1852], %add3A_1849 {strides = array<i32>} : memref<5x128xf32, #tpu.memory_space<vmem>>, vector<16xf32>,
    %get3A_1854 = arith.constant 512 : index
    %get3A_1855 = tpu.vector_load %arg15[%get3A_1854] {strides = array<i32>} : memref<10240xf32, #tpu.memory_space<vmem>>, vector<16xf32>,
    %get3A_1856 = arith.constant 1152 : index
    %get3A_1857 = tpu.vector_load %arg15[%get3A_1856] {strides = array<i32>} : memref<10240xf32, #tpu.memory_space<vmem>>, vector<16xf32>,
    %add3A_1858 = arith.addf %get3A_1855, %get3A_1857 : vector<16xf32>
    %get3A_1859 = arith.constant 1792 : index
    %get3A_1860 = tpu.vector_load %arg15[%get3A_1859] {strides = array<i32>} : memref<10240xf32, #tpu.memory_space<vmem>>, vector<16xf32>,
    %add3A_1861 = arith.addf %add3A_1858, %get3A_1860 : vector<16xf32>
    %get3A_1862 = arith.constant 2432 : index
    %get3A_1863 = tpu.vector_load %arg15[%get3A_1862] {strides = array<i32>} : memref<10240xf32, #tpu.memory_space<vmem>>, vector<16xf32>,
    %add3A_1864 = arith.addf %add3A_1861, %get3A_1863 : vector<16xf32>
    %get3A_1865 = arith.constant 3072 : index
    %get3A_1866 = tpu.vector_load %arg15[%get3A_1865] {strides = array<i32>} : memref<10240xf32, #tpu.memory_space<vmem>>, vector<16xf32>,
    %add3A_1867 = arith.addf %add3A_1864, %get3A_1866 : vector<16xf32>
    %get3A_1868 = arith.constant 3712 : index
    %get3A_1869 = tpu.vector_load %arg15[%get3A_1868] {strides = array<i32>} : memref<10240xf32, #tpu.memory_space<vmem>>, vector<16xf32>,
    %add3A_1870 = arith.addf %add3A_1867, %get3A_1869 : vector<16xf32>
    %get3A_1871 = arith.constant 4352 : index
    %get3A_1872 = tpu.vector_load %arg15[%get3A_1871] {strides = array<i32>} : memref<10240xf32, #tpu.memory_space<vmem>>, vector<16xf32>,
    %add3A_1873 = arith.addf %add3A_1870, %get3A_1872 : vector<16xf32>
    %get3A_1874 = arith.constant 4992 : index
    %get3A_1875 = tpu.vector_load %arg15[%get3A_1874] {strides = array<i32>} : memref<10240xf32, #tpu.memory_space<vmem>>, vector<16xf32>,
    %add3A_1876 = arith.addf %add3A_1873, %get3A_1875 : vector<16xf32>
    %get3A_1877 = arith.constant 5632 : index
    %get3A_1878 = tpu.vector_load %arg15[%get3A_1877] {strides = array<i32>} : memref<10240xf32, #tpu.memory_space<vmem>>, vector<16xf32>,
    %add3A_1879 = arith.addf %add3A_1876, %get3A_1878 : vector<16xf32>
    %get3A_1880 = arith.constant 6272 : index
    %get3A_1881 = tpu.vector_load %arg15[%get3A_1880] {strides = array<i32>} : memref<10240xf32, #tpu.memory_space<vmem>>, vector<16xf32>,
    %add3A_1882 = arith.addf %add3A_1879, %get3A_1881 : vector<16xf32>
    %get3A_1883 = arith.constant 6912 : index
    %get3A_1884 = tpu.vector_load %arg15[%get3A_1883] {strides = array<i32>} : memref<10240xf32, #tpu.memory_space<vmem>>, vector<16xf32>,
    %add3A_1885 = arith.addf %add3A_1882, %get3A_1884 : vector<16xf32>
    %get3A_1886 = arith.constant 7552 : index
    %get3A_1887 = tpu.vector_load %arg15[%get3A_1886] {strides = array<i32>} : memref<10240xf32, #tpu.memory_space<vmem>>, vector<16xf32>,
    %add3A_1888 = arith.addf %add3A_1885, %get3A_1887 : vector<16xf32>
    %get3A_1889 = arith.constant 8192 : index
    %get3A_1890 = tpu.vector_load %arg15[%get3A_1889] {strides = array<i32>} : memref<10240xf32, #tpu.memory_space<vmem>>, vector<16xf32>,
    %add3A_1891 = arith.addf %add3A_1888, %get3A_1890 : vector<16xf32>
    %get3A_1892 = arith.constant 8832 : index
    %get3A_1893 = tpu.vector_load %arg15[%get3A_1892] {strides = array<i32>} : memref<10240xf32, #tpu.memory_space<vmem>>, vector<16xf32>,
    %add3A_1894 = arith.addf %add3A_1891, %get3A_1893 : vector<16xf32>
    %get3A_1895 = arith.constant 9472 : index
    %get3A_1896 = tpu.vector_load %arg15[%get3A_1895] {strides = array<i32>} : memref<10240xf32, #tpu.memory_space<vmem>>, vector<16xf32>,
    %add3A_1897 = arith.addf %add3A_1894, %get3A_1896 : vector<16xf32>
    %get3A_1898 = arith.constant 10112 : index
    %get3A_1899 = tpu.vector_load %arg15[%get3A_1898] {strides = array<i32>} : memref<10240xf32, #tpu.memory_space<vmem>>, vector<16xf32>,
    %add3A_1900 = arith.addf %add3A_1897, %get3A_1899 : vector<16xf32>
    %swap3A_1901 = arith.constant 4 : i32
    %swap3A_1902 = arith.index_cast %swap3A_1901 : i32 to index
    %swap3A_1903 = arith.constant 0 : index
    %swap3A_1904 = tpu.vector_load %arg18[%swap3A_1902, %swap3A_1903] {strides = array<i32>} : memref<5x128xf32, #tpu.memory_space<vmem>>, vector<16xf32>,
    tpu.vector_store %arg18[%swap3A_1902, %swap3A_1903], %add3A_1900 {strides = array<i32>} : memref<5x128xf32, #tpu.memory_space<vmem>>, vector<16xf32>,
    %get3A_1905 = arith.constant 528 : index
    %get3A_1906 = tpu.vector_load %arg15[%get3A_1905] {strides = array<i32>} : memref<10240xf32, #tpu.memory_space<vmem>>, vector<16xf32>,
    %get3A_1907 = arith.constant 1168 : index
    %get3A_1908 = tpu.vector_load %arg15[%get3A_1907] {strides = array<i32>} : memref<10240xf32, #tpu.memory_space<vmem>>, vector<16xf32>,
    %add3A_1909 = arith.addf %get3A_1906, %get3A_1908 : vector<16xf32>
    %get3A_1910 = arith.constant 1808 : index
    %get3A_1911 = tpu.vector_load %arg15[%get3A_1910] {strides = array<i32>} : memref<10240xf32, #tpu.memory_space<vmem>>, vector<16xf32>,
    %add3A_1912 = arith.addf %add3A_1909, %get3A_1911 : vector<16xf32>
    %get3A_1913 = arith.constant 2448 : index
    %get3A_1914 = tpu.vector_load %arg15[%get3A_1913] {strides = array<i32>} : memref<10240xf32, #tpu.memory_space<vmem>>, vector<16xf32>,
    %add3A_1915 = arith.addf %add3A_1912, %get3A_1914 : vector<16xf32>
    %get3A_1916 = arith.constant 3088 : index
    %get3A_1917 = tpu.vector_load %arg15[%get3A_1916] {strides = array<i32>} : memref<10240xf32, #tpu.memory_space<vmem>>, vector<16xf32>,
    %add3A_1918 = arith.addf %add3A_1915, %get3A_1917 : vector<16xf32>
    %get3A_1919 = arith.constant 3728 : index
    %get3A_1920 = tpu.vector_load %arg15[%get3A_1919] {strides = array<i32>} : memref<10240xf32, #tpu.memory_space<vmem>>, vector<16xf32>,
    %add3A_1921 = arith.addf %add3A_1918, %get3A_1920 : vector<16xf32>
    %get3A_1922 = arith.constant 4368 : index
    %get3A_1923 = tpu.vector_load %arg15[%get3A_1922] {strides = array<i32>} : memref<10240xf32, #tpu.memory_space<vmem>>, vector<16xf32>,
    %add3A_1924 = arith.addf %add3A_1921, %get3A_1923 : vector<16xf32>
    %get3A_1925 = arith.constant 5008 : index
    %get3A_1926 = tpu.vector_load %arg15[%get3A_1925] {strides = array<i32>} : memref<10240xf32, #tpu.memory_space<vmem>>, vector<16xf32>,
    %add3A_1927 = arith.addf %add3A_1924, %get3A_1926 : vector<16xf32>
    %get3A_1928 = arith.constant 5648 : index
    %get3A_1929 = tpu.vector_load %arg15[%get3A_1928] {strides = array<i32>} : memref<10240xf32, #tpu.memory_space<vmem>>, vector<16xf32>,
    %add3A_1930 = arith.addf %add3A_1927, %get3A_1929 : vector<16xf32>
    %get3A_1931 = arith.constant 6288 : index
    %get3A_1932 = tpu.vector_load %arg15[%get3A_1931] {strides = array<i32>} : memref<10240xf32, #tpu.memory_space<vmem>>, vector<16xf32>,
    %add3A_1933 = arith.addf %add3A_1930, %get3A_1932 : vector<16xf32>
    %get3A_1934 = arith.constant 6928 : index
    %get3A_1935 = tpu.vector_load %arg15[%get3A_1934] {strides = array<i32>} : memref<10240xf32, #tpu.memory_space<vmem>>, vector<16xf32>,
    %add3A_1936 = arith.addf %add3A_1933, %get3A_1935 : vector<16xf32>
    %get3A_1937 = arith.constant 7568 : index
    %get3A_1938 = tpu.vector_load %arg15[%get3A_1937] {strides = array<i32>} : memref<10240xf32, #tpu.memory_space<vmem>>, vector<16xf32>,
    %add3A_1939 = arith.addf %add3A_1936, %get3A_1938 : vector<16xf32>
    %get3A_1940 = arith.constant 8208 : index
    %get3A_1941 = tpu.vector_load %arg15[%get3A_1940] {strides = array<i32>} : memref<10240xf32, #tpu.memory_space<vmem>>, vector<16xf32>,
    %add3A_1942 = arith.addf %add3A_1939, %get3A_1941 : vector<16xf32>
    %get3A_1943 = arith.constant 8848 : index
    %get3A_1944 = tpu.vector_load %arg15[%get3A_1943] {strides = array<i32>} : memref<10240xf32, #tpu.memory_space<vmem>>, vector<16xf32>,
    %add3A_1945 = arith.addf %add3A_1942, %get3A_1944 : vector<16xf32>
    %get3A_1946 = arith.constant 9488 : index
    %get3A_1947 = tpu.vector_load %arg15[%get3A_1946] {strides = array<i32>} : memref<10240xf32, #tpu.memory_space<vmem>>, vector<16xf32>,
    %add3A_1948 = arith.addf %add3A_1945, %get3A_1947 : vector<16xf32>
    %get3A_1949 = arith.constant 10128 : index
    %get3A_1950 = tpu.vector_load %arg15[%get3A_1949] {strides = array<i32>} : memref<10240xf32, #tpu.memory_space<vmem>>, vector<16xf32>,
    %add3A_1951 = arith.addf %add3A_1948, %get3A_1950 : vector<16xf32>
    %swap3A_1952 = arith.constant 4 : i32
    %swap3A_1953 = arith.index_cast %swap3A_1952 : i32 to index
    %swap3A_1954 = arith.constant 16 : index
    %swap3A_1955 = tpu.vector_load %arg18[%swap3A_1953, %swap3A_1954] {strides = array<i32>} : memref<5x128xf32, #tpu.memory_space<vmem>>, vector<16xf32>,
    tpu.vector_store %arg18[%swap3A_1953, %swap3A_1954], %add3A_1951 {strides = array<i32>} : memref<5x128xf32, #tpu.memory_space<vmem>>, vector<16xf32>,
    %get3A_1956 = arith.constant 544 : index
    %get3A_1957 = tpu.vector_load %arg15[%get3A_1956] {strides = array<i32>} : memref<10240xf32, #tpu.memory_space<vmem>>, vector<16xf32>,
    %get3A_1958 = arith.constant 1184 : index
    %get3A_1959 = tpu.vector_load %arg15[%get3A_1958] {strides = array<i32>} : memref<10240xf32, #tpu.memory_space<vmem>>, vector<16xf32>,
    %add3A_1960 = arith.addf %get3A_1957, %get3A_1959 : vector<16xf32>
    %get3A_1961 = arith.constant 1824 : index
    %get3A_1962 = tpu.vector_load %arg15[%get3A_1961] {strides = array<i32>} : memref<10240xf32, #tpu.memory_space<vmem>>, vector<16xf32>,
    %add3A_1963 = arith.addf %add3A_1960, %get3A_1962 : vector<16xf32>
    %get3A_1964 = arith.constant 2464 : index
    %get3A_1965 = tpu.vector_load %arg15[%get3A_1964] {strides = array<i32>} : memref<10240xf32, #tpu.memory_space<vmem>>, vector<16xf32>,
    %add3A_1966 = arith.addf %add3A_1963, %get3A_1965 : vector<16xf32>
    %get3A_1967 = arith.constant 3104 : index
    %get3A_1968 = tpu.vector_load %arg15[%get3A_1967] {strides = array<i32>} : memref<10240xf32, #tpu.memory_space<vmem>>, vector<16xf32>,
    %add3A_1969 = arith.addf %add3A_1966, %get3A_1968 : vector<16xf32>
    %get3A_1970 = arith.constant 3744 : index
    %get3A_1971 = tpu.vector_load %arg15[%get3A_1970] {strides = array<i32>} : memref<10240xf32, #tpu.memory_space<vmem>>, vector<16xf32>,
    %add3A_1972 = arith.addf %add3A_1969, %get3A_1971 : vector<16xf32>
    %get3A_1973 = arith.constant 4384 : index
    %get3A_1974 = tpu.vector_load %arg15[%get3A_1973] {strides = array<i32>} : memref<10240xf32, #tpu.memory_space<vmem>>, vector<16xf32>,
    %add3A_1975 = arith.addf %add3A_1972, %get3A_1974 : vector<16xf32>
    %get3A_1976 = arith.constant 5024 : index
    %get3A_1977 = tpu.vector_load %arg15[%get3A_1976] {strides = array<i32>} : memref<10240xf32, #tpu.memory_space<vmem>>, vector<16xf32>,
    %add3A_1978 = arith.addf %add3A_1975, %get3A_1977 : vector<16xf32>
    %get3A_1979 = arith.constant 5664 : index
    %get3A_1980 = tpu.vector_load %arg15[%get3A_1979] {strides = array<i32>} : memref<10240xf32, #tpu.memory_space<vmem>>, vector<16xf32>,
    %add3A_1981 = arith.addf %add3A_1978, %get3A_1980 : vector<16xf32>
    %get3A_1982 = arith.constant 6304 : index
    %get3A_1983 = tpu.vector_load %arg15[%get3A_1982] {strides = array<i32>} : memref<10240xf32, #tpu.memory_space<vmem>>, vector<16xf32>,
    %add3A_1984 = arith.addf %add3A_1981, %get3A_1983 : vector<16xf32>
    %get3A_1985 = arith.constant 6944 : index
    %get3A_1986 = tpu.vector_load %arg15[%get3A_1985] {strides = array<i32>} : memref<10240xf32, #tpu.memory_space<vmem>>, vector<16xf32>,
    %add3A_1987 = arith.addf %add3A_1984, %get3A_1986 : vector<16xf32>
    %get3A_1988 = arith.constant 7584 : index
    %get3A_1989 = tpu.vector_load %arg15[%get3A_1988] {strides = array<i32>} : memref<10240xf32, #tpu.memory_space<vmem>>, vector<16xf32>,
    %add3A_1990 = arith.addf %add3A_1987, %get3A_1989 : vector<16xf32>
    %get3A_1991 = arith.constant 8224 : index
    %get3A_1992 = tpu.vector_load %arg15[%get3A_1991] {strides = array<i32>} : memref<10240xf32, #tpu.memory_space<vmem>>, vector<16xf32>,
    %add3A_1993 = arith.addf %add3A_1990, %get3A_1992 : vector<16xf32>
    %get3A_1994 = arith.constant 8864 : index
    %get3A_1995 = tpu.vector_load %arg15[%get3A_1994] {strides = array<i32>} : memref<10240xf32, #tpu.memory_space<vmem>>, vector<16xf32>,
    %add3A_1996 = arith.addf %add3A_1993, %get3A_1995 : vector<16xf32>
    %get3A_1997 = arith.constant 9504 : index
    %get3A_1998 = tpu.vector_load %arg15[%get3A_1997] {strides = array<i32>} : memref<10240xf32, #tpu.memory_space<vmem>>, vector<16xf32>,
    %add3A_1999 = arith.addf %add3A_1996, %get3A_1998 : vector<16xf32>
    %get3A_2000 = arith.constant 10144 : index
    %get3A_2001 = tpu.vector_load %arg15[%get3A_2000] {strides = array<i32>} : memref<10240xf32, #tpu.memory_space<vmem>>, vector<16xf32>,
    %add3A_2002 = arith.addf %add3A_1999, %get3A_2001 : vector<16xf32>
    %swap3A_2003 = arith.constant 4 : i32
    %swap3A_2004 = arith.index_cast %swap3A_2003 : i32 to index
    %swap3A_2005 = arith.constant 32 : index
    %swap3A_2006 = tpu.vector_load %arg18[%swap3A_2004, %swap3A_2005] {strides = array<i32>} : memref<5x128xf32, #tpu.memory_space<vmem>>, vector<16xf32>,
    tpu.vector_store %arg18[%swap3A_2004, %swap3A_2005], %add3A_2002 {strides = array<i32>} : memref<5x128xf32, #tpu.memory_space<vmem>>, vector<16xf32>,
    %get3A_2007 = arith.constant 560 : index
    %get3A_2008 = tpu.vector_load %arg15[%get3A_2007] {strides = array<i32>} : memref<10240xf32, #tpu.memory_space<vmem>>, vector<16xf32>,
    %get3A_2009 = arith.constant 1200 : index
    %get3A_2010 = tpu.vector_load %arg15[%get3A_2009] {strides = array<i32>} : memref<10240xf32, #tpu.memory_space<vmem>>, vector<16xf32>,
    %add3A_2011 = arith.addf %get3A_2008, %get3A_2010 : vector<16xf32>
    %get3A_2012 = arith.constant 1840 : index
    %get3A_2013 = tpu.vector_load %arg15[%get3A_2012] {strides = array<i32>} : memref<10240xf32, #tpu.memory_space<vmem>>, vector<16xf32>,
    %add3A_2014 = arith.addf %add3A_2011, %get3A_2013 : vector<16xf32>
    %get3A_2015 = arith.constant 2480 : index
    %get3A_2016 = tpu.vector_load %arg15[%get3A_2015] {strides = array<i32>} : memref<10240xf32, #tpu.memory_space<vmem>>, vector<16xf32>,
    %add3A_2017 = arith.addf %add3A_2014, %get3A_2016 : vector<16xf32>
    %get3A_2018 = arith.constant 3120 : index
    %get3A_2019 = tpu.vector_load %arg15[%get3A_2018] {strides = array<i32>} : memref<10240xf32, #tpu.memory_space<vmem>>, vector<16xf32>,
    %add3A_2020 = arith.addf %add3A_2017, %get3A_2019 : vector<16xf32>
    %get3A_2021 = arith.constant 3760 : index
    %get3A_2022 = tpu.vector_load %arg15[%get3A_2021] {strides = array<i32>} : memref<10240xf32, #tpu.memory_space<vmem>>, vector<16xf32>,
    %add3A_2023 = arith.addf %add3A_2020, %get3A_2022 : vector<16xf32>
    %get3A_2024 = arith.constant 4400 : index
    %get3A_2025 = tpu.vector_load %arg15[%get3A_2024] {strides = array<i32>} : memref<10240xf32, #tpu.memory_space<vmem>>, vector<16xf32>,
    %add3A_2026 = arith.addf %add3A_2023, %get3A_2025 : vector<16xf32>
    %get3A_2027 = arith.constant 5040 : index
    %get3A_2028 = tpu.vector_load %arg15[%get3A_2027] {strides = array<i32>} : memref<10240xf32, #tpu.memory_space<vmem>>, vector<16xf32>,
    %add3A_2029 = arith.addf %add3A_2026, %get3A_2028 : vector<16xf32>
    %get3A_2030 = arith.constant 5680 : index
    %get3A_2031 = tpu.vector_load %arg15[%get3A_2030] {strides = array<i32>} : memref<10240xf32, #tpu.memory_space<vmem>>, vector<16xf32>,
    %add3A_2032 = arith.addf %add3A_2029, %get3A_2031 : vector<16xf32>
    %get3A_2033 = arith.constant 6320 : index
    %get3A_2034 = tpu.vector_load %arg15[%get3A_2033] {strides = array<i32>} : memref<10240xf32, #tpu.memory_space<vmem>>, vector<16xf32>,
    %add3A_2035 = arith.addf %add3A_2032, %get3A_2034 : vector<16xf32>
    %get3A_2036 = arith.constant 6960 : index
    %get3A_2037 = tpu.vector_load %arg15[%get3A_2036] {strides = array<i32>} : memref<10240xf32, #tpu.memory_space<vmem>>, vector<16xf32>,
    %add3A_2038 = arith.addf %add3A_2035, %get3A_2037 : vector<16xf32>
    %get3A_2039 = arith.constant 7600 : index
    %get3A_2040 = tpu.vector_load %arg15[%get3A_2039] {strides = array<i32>} : memref<10240xf32, #tpu.memory_space<vmem>>, vector<16xf32>,
    %add3A_2041 = arith.addf %add3A_2038, %get3A_2040 : vector<16xf32>
    %get3A_2042 = arith.constant 8240 : index
    %get3A_2043 = tpu.vector_load %arg15[%get3A_2042] {strides = array<i32>} : memref<10240xf32, #tpu.memory_space<vmem>>, vector<16xf32>,
    %add3A_2044 = arith.addf %add3A_2041, %get3A_2043 : vector<16xf32>
    %get3A_2045 = arith.constant 8880 : index
    %get3A_2046 = tpu.vector_load %arg15[%get3A_2045] {strides = array<i32>} : memref<10240xf32, #tpu.memory_space<vmem>>, vector<16xf32>,
    %add3A_2047 = arith.addf %add3A_2044, %get3A_2046 : vector<16xf32>
    %get3A_2048 = arith.constant 9520 : index
    %get3A_2049 = tpu.vector_load %arg15[%get3A_2048] {strides = array<i32>} : memref<10240xf32, #tpu.memory_space<vmem>>, vector<16xf32>,
    %add3A_2050 = arith.addf %add3A_2047, %get3A_2049 : vector<16xf32>
    %get3A_2051 = arith.constant 10160 : index
    %get3A_2052 = tpu.vector_load %arg15[%get3A_2051] {strides = array<i32>} : memref<10240xf32, #tpu.memory_space<vmem>>, vector<16xf32>,
    %add3A_2053 = arith.addf %add3A_2050, %get3A_2052 : vector<16xf32>
    %swap3A_2054 = arith.constant 4 : i32
    %swap3A_2055 = arith.index_cast %swap3A_2054 : i32 to index
    %swap3A_2056 = arith.constant 48 : index
    %swap3A_2057 = tpu.vector_load %arg18[%swap3A_2055, %swap3A_2056] {strides = array<i32>} : memref<5x128xf32, #tpu.memory_space<vmem>>, vector<16xf32>,
    tpu.vector_store %arg18[%swap3A_2055, %swap3A_2056], %add3A_2053 {strides = array<i32>} : memref<5x128xf32, #tpu.memory_space<vmem>>, vector<16xf32>,
    %get3A_2058 = arith.constant 576 : index
    %get3A_2059 = tpu.vector_load %arg15[%get3A_2058] {strides = array<i32>} : memref<10240xf32, #tpu.memory_space<vmem>>, vector<16xf32>,
    %get3A_2060 = arith.constant 1216 : index
    %get3A_2061 = tpu.vector_load %arg15[%get3A_2060] {strides = array<i32>} : memref<10240xf32, #tpu.memory_space<vmem>>, vector<16xf32>,
    %add3A_2062 = arith.addf %get3A_2059, %get3A_2061 : vector<16xf32>
    %get3A_2063 = arith.constant 1856 : index
    %get3A_2064 = tpu.vector_load %arg15[%get3A_2063] {strides = array<i32>} : memref<10240xf32, #tpu.memory_space<vmem>>, vector<16xf32>,
    %add3A_2065 = arith.addf %add3A_2062, %get3A_2064 : vector<16xf32>
    %get3A_2066 = arith.constant 2496 : index
    %get3A_2067 = tpu.vector_load %arg15[%get3A_2066] {strides = array<i32>} : memref<10240xf32, #tpu.memory_space<vmem>>, vector<16xf32>,
    %add3A_2068 = arith.addf %add3A_2065, %get3A_2067 : vector<16xf32>
    %get3A_2069 = arith.constant 3136 : index
    %get3A_2070 = tpu.vector_load %arg15[%get3A_2069] {strides = array<i32>} : memref<10240xf32, #tpu.memory_space<vmem>>, vector<16xf32>,
    %add3A_2071 = arith.addf %add3A_2068, %get3A_2070 : vector<16xf32>
    %get3A_2072 = arith.constant 3776 : index
    %get3A_2073 = tpu.vector_load %arg15[%get3A_2072] {strides = array<i32>} : memref<10240xf32, #tpu.memory_space<vmem>>, vector<16xf32>,
    %add3A_2074 = arith.addf %add3A_2071, %get3A_2073 : vector<16xf32>
    %get3A_2075 = arith.constant 4416 : index
    %get3A_2076 = tpu.vector_load %arg15[%get3A_2075] {strides = array<i32>} : memref<10240xf32, #tpu.memory_space<vmem>>, vector<16xf32>,
    %add3A_2077 = arith.addf %add3A_2074, %get3A_2076 : vector<16xf32>
    %get3A_2078 = arith.constant 5056 : index
    %get3A_2079 = tpu.vector_load %arg15[%get3A_2078] {strides = array<i32>} : memref<10240xf32, #tpu.memory_space<vmem>>, vector<16xf32>,
    %add3A_2080 = arith.addf %add3A_2077, %get3A_2079 : vector<16xf32>
    %get3A_2081 = arith.constant 5696 : index
    %get3A_2082 = tpu.vector_load %arg15[%get3A_2081] {strides = array<i32>} : memref<10240xf32, #tpu.memory_space<vmem>>, vector<16xf32>,
    %add3A_2083 = arith.addf %add3A_2080, %get3A_2082 : vector<16xf32>
    %get3A_2084 = arith.constant 6336 : index
    %get3A_2085 = tpu.vector_load %arg15[%get3A_2084] {strides = array<i32>} : memref<10240xf32, #tpu.memory_space<vmem>>, vector<16xf32>,
    %add3A_2086 = arith.addf %add3A_2083, %get3A_2085 : vector<16xf32>
    %get3A_2087 = arith.constant 6976 : index
    %get3A_2088 = tpu.vector_load %arg15[%get3A_2087] {strides = array<i32>} : memref<10240xf32, #tpu.memory_space<vmem>>, vector<16xf32>,
    %add3A_2089 = arith.addf %add3A_2086, %get3A_2088 : vector<16xf32>
    %get3A_2090 = arith.constant 7616 : index
    %get3A_2091 = tpu.vector_load %arg15[%get3A_2090] {strides = array<i32>} : memref<10240xf32, #tpu.memory_space<vmem>>, vector<16xf32>,
    %add3A_2092 = arith.addf %add3A_2089, %get3A_2091 : vector<16xf32>
    %get3A_2093 = arith.constant 8256 : index
    %get3A_2094 = tpu.vector_load %arg15[%get3A_2093] {strides = array<i32>} : memref<10240xf32, #tpu.memory_space<vmem>>, vector<16xf32>,
    %add3A_2095 = arith.addf %add3A_2092, %get3A_2094 : vector<16xf32>
    %get3A_2096 = arith.constant 8896 : index
    %get3A_2097 = tpu.vector_load %arg15[%get3A_2096] {strides = array<i32>} : memref<10240xf32, #tpu.memory_space<vmem>>, vector<16xf32>,
    %add3A_2098 = arith.addf %add3A_2095, %get3A_2097 : vector<16xf32>
    %get3A_2099 = arith.constant 9536 : index
    %get3A_2100 = tpu.vector_load %arg15[%get3A_2099] {strides = array<i32>} : memref<10240xf32, #tpu.memory_space<vmem>>, vector<16xf32>,
    %add3A_2101 = arith.addf %add3A_2098, %get3A_2100 : vector<16xf32>
    %get3A_2102 = arith.constant 10176 : index
    %get3A_2103 = tpu.vector_load %arg15[%get3A_2102] {strides = array<i32>} : memref<10240xf32, #tpu.memory_space<vmem>>, vector<16xf32>,
    %add3A_2104 = arith.addf %add3A_2101, %get3A_2103 : vector<16xf32>
    %swap3A_2105 = arith.constant 4 : i32
    %swap3A_2106 = arith.index_cast %swap3A_2105 : i32 to index
    %swap3A_2107 = arith.constant 64 : index
    %swap3A_2108 = tpu.vector_load %arg18[%swap3A_2106, %swap3A_2107] {strides = array<i32>} : memref<5x128xf32, #tpu.memory_space<vmem>>, vector<16xf32>,
    tpu.vector_store %arg18[%swap3A_2106, %swap3A_2107], %add3A_2104 {strides = array<i32>} : memref<5x128xf32, #tpu.memory_space<vmem>>, vector<16xf32>,
    %get3A_2109 = arith.constant 592 : index
    %get3A_2110 = tpu.vector_load %arg15[%get3A_2109] {strides = array<i32>} : memref<10240xf32, #tpu.memory_space<vmem>>, vector<16xf32>,
    %get3A_2111 = arith.constant 1232 : index
    %get3A_2112 = tpu.vector_load %arg15[%get3A_2111] {strides = array<i32>} : memref<10240xf32, #tpu.memory_space<vmem>>, vector<16xf32>,
    %add3A_2113 = arith.addf %get3A_2110, %get3A_2112 : vector<16xf32>
    %get3A_2114 = arith.constant 1872 : index
    %get3A_2115 = tpu.vector_load %arg15[%get3A_2114] {strides = array<i32>} : memref<10240xf32, #tpu.memory_space<vmem>>, vector<16xf32>,
    %add3A_2116 = arith.addf %add3A_2113, %get3A_2115 : vector<16xf32>
    %get3A_2117 = arith.constant 2512 : index
    %get3A_2118 = tpu.vector_load %arg15[%get3A_2117] {strides = array<i32>} : memref<10240xf32, #tpu.memory_space<vmem>>, vector<16xf32>,
    %add3A_2119 = arith.addf %add3A_2116, %get3A_2118 : vector<16xf32>
    %get3A_2120 = arith.constant 3152 : index
    %get3A_2121 = tpu.vector_load %arg15[%get3A_2120] {strides = array<i32>} : memref<10240xf32, #tpu.memory_space<vmem>>, vector<16xf32>,
    %add3A_2122 = arith.addf %add3A_2119, %get3A_2121 : vector<16xf32>
    %get3A_2123 = arith.constant 3792 : index
    %get3A_2124 = tpu.vector_load %arg15[%get3A_2123] {strides = array<i32>} : memref<10240xf32, #tpu.memory_space<vmem>>, vector<16xf32>,
    %add3A_2125 = arith.addf %add3A_2122, %get3A_2124 : vector<16xf32>
    %get3A_2126 = arith.constant 4432 : index
    %get3A_2127 = tpu.vector_load %arg15[%get3A_2126] {strides = array<i32>} : memref<10240xf32, #tpu.memory_space<vmem>>, vector<16xf32>,
    %add3A_2128 = arith.addf %add3A_2125, %get3A_2127 : vector<16xf32>
    %get3A_2129 = arith.constant 5072 : index
    %get3A_2130 = tpu.vector_load %arg15[%get3A_2129] {strides = array<i32>} : memref<10240xf32, #tpu.memory_space<vmem>>, vector<16xf32>,
    %add3A_2131 = arith.addf %add3A_2128, %get3A_2130 : vector<16xf32>
    %get3A_2132 = arith.constant 5712 : index
    %get3A_2133 = tpu.vector_load %arg15[%get3A_2132] {strides = array<i32>} : memref<10240xf32, #tpu.memory_space<vmem>>, vector<16xf32>,
    %add3A_2134 = arith.addf %add3A_2131, %get3A_2133 : vector<16xf32>
    %get3A_2135 = arith.constant 6352 : index
    %get3A_2136 = tpu.vector_load %arg15[%get3A_2135] {strides = array<i32>} : memref<10240xf32, #tpu.memory_space<vmem>>, vector<16xf32>,
    %add3A_2137 = arith.addf %add3A_2134, %get3A_2136 : vector<16xf32>
    %get3A_2138 = arith.constant 6992 : index
    %get3A_2139 = tpu.vector_load %arg15[%get3A_2138] {strides = array<i32>} : memref<10240xf32, #tpu.memory_space<vmem>>, vector<16xf32>,
    %add3A_2140 = arith.addf %add3A_2137, %get3A_2139 : vector<16xf32>
    %get3A_2141 = arith.constant 7632 : index
    %get3A_2142 = tpu.vector_load %arg15[%get3A_2141] {strides = array<i32>} : memref<10240xf32, #tpu.memory_space<vmem>>, vector<16xf32>,
    %add3A_2143 = arith.addf %add3A_2140, %get3A_2142 : vector<16xf32>
    %get3A_2144 = arith.constant 8272 : index
    %get3A_2145 = tpu.vector_load %arg15[%get3A_2144] {strides = array<i32>} : memref<10240xf32, #tpu.memory_space<vmem>>, vector<16xf32>,
    %add3A_2146 = arith.addf %add3A_2143, %get3A_2145 : vector<16xf32>
    %get3A_2147 = arith.constant 8912 : index
    %get3A_2148 = tpu.vector_load %arg15[%get3A_2147] {strides = array<i32>} : memref<10240xf32, #tpu.memory_space<vmem>>, vector<16xf32>,
    %add3A_2149 = arith.addf %add3A_2146, %get3A_2148 : vector<16xf32>
    %get3A_2150 = arith.constant 9552 : index
    %get3A_2151 = tpu.vector_load %arg15[%get3A_2150] {strides = array<i32>} : memref<10240xf32, #tpu.memory_space<vmem>>, vector<16xf32>,
    %add3A_2152 = arith.addf %add3A_2149, %get3A_2151 : vector<16xf32>
    %get3A_2153 = arith.constant 10192 : index
    %get3A_2154 = tpu.vector_load %arg15[%get3A_2153] {strides = array<i32>} : memref<10240xf32, #tpu.memory_space<vmem>>, vector<16xf32>,
    %add3A_2155 = arith.addf %add3A_2152, %get3A_2154 : vector<16xf32>
    %swap3A_2156 = arith.constant 4 : i32
    %swap3A_2157 = arith.index_cast %swap3A_2156 : i32 to index
    %swap3A_2158 = arith.constant 80 : index
    %swap3A_2159 = tpu.vector_load %arg18[%swap3A_2157, %swap3A_2158] {strides = array<i32>} : memref<5x128xf32, #tpu.memory_space<vmem>>, vector<16xf32>,
    tpu.vector_store %arg18[%swap3A_2157, %swap3A_2158], %add3A_2155 {strides = array<i32>} : memref<5x128xf32, #tpu.memory_space<vmem>>, vector<16xf32>,
    %get3A_2160 = arith.constant 608 : index
    %get3A_2161 = tpu.vector_load %arg15[%get3A_2160] {strides = array<i32>} : memref<10240xf32, #tpu.memory_space<vmem>>, vector<16xf32>,
    %get3A_2162 = arith.constant 1248 : index
    %get3A_2163 = tpu.vector_load %arg15[%get3A_2162] {strides = array<i32>} : memref<10240xf32, #tpu.memory_space<vmem>>, vector<16xf32>,
    %add3A_2164 = arith.addf %get3A_2161, %get3A_2163 : vector<16xf32>
    %get3A_2165 = arith.constant 1888 : index
    %get3A_2166 = tpu.vector_load %arg15[%get3A_2165] {strides = array<i32>} : memref<10240xf32, #tpu.memory_space<vmem>>, vector<16xf32>,
    %add3A_2167 = arith.addf %add3A_2164, %get3A_2166 : vector<16xf32>
    %get3A_2168 = arith.constant 2528 : index
    %get3A_2169 = tpu.vector_load %arg15[%get3A_2168] {strides = array<i32>} : memref<10240xf32, #tpu.memory_space<vmem>>, vector<16xf32>,
    %add3A_2170 = arith.addf %add3A_2167, %get3A_2169 : vector<16xf32>
    %get3A_2171 = arith.constant 3168 : index
    %get3A_2172 = tpu.vector_load %arg15[%get3A_2171] {strides = array<i32>} : memref<10240xf32, #tpu.memory_space<vmem>>, vector<16xf32>,
    %add3A_2173 = arith.addf %add3A_2170, %get3A_2172 : vector<16xf32>
    %get3A_2174 = arith.constant 3808 : index
    %get3A_2175 = tpu.vector_load %arg15[%get3A_2174] {strides = array<i32>} : memref<10240xf32, #tpu.memory_space<vmem>>, vector<16xf32>,
    %add3A_2176 = arith.addf %add3A_2173, %get3A_2175 : vector<16xf32>
    %get3A_2177 = arith.constant 4448 : index
    %get3A_2178 = tpu.vector_load %arg15[%get3A_2177] {strides = array<i32>} : memref<10240xf32, #tpu.memory_space<vmem>>, vector<16xf32>,
    %add3A_2179 = arith.addf %add3A_2176, %get3A_2178 : vector<16xf32>
    %get3A_2180 = arith.constant 5088 : index
    %get3A_2181 = tpu.vector_load %arg15[%get3A_2180] {strides = array<i32>} : memref<10240xf32, #tpu.memory_space<vmem>>, vector<16xf32>,
    %add3A_2182 = arith.addf %add3A_2179, %get3A_2181 : vector<16xf32>
    %get3A_2183 = arith.constant 5728 : index
    %get3A_2184 = tpu.vector_load %arg15[%get3A_2183] {strides = array<i32>} : memref<10240xf32, #tpu.memory_space<vmem>>, vector<16xf32>,
    %add3A_2185 = arith.addf %add3A_2182, %get3A_2184 : vector<16xf32>
    %get3A_2186 = arith.constant 6368 : index
    %get3A_2187 = tpu.vector_load %arg15[%get3A_2186] {strides = array<i32>} : memref<10240xf32, #tpu.memory_space<vmem>>, vector<16xf32>,
    %add3A_2188 = arith.addf %add3A_2185, %get3A_2187 : vector<16xf32>
    %get3A_2189 = arith.constant 7008 : index
    %get3A_2190 = tpu.vector_load %arg15[%get3A_2189] {strides = array<i32>} : memref<10240xf32, #tpu.memory_space<vmem>>, vector<16xf32>,
    %add3A_2191 = arith.addf %add3A_2188, %get3A_2190 : vector<16xf32>
    %get3A_2192 = arith.constant 7648 : index
    %get3A_2193 = tpu.vector_load %arg15[%get3A_2192] {strides = array<i32>} : memref<10240xf32, #tpu.memory_space<vmem>>, vector<16xf32>,
    %add3A_2194 = arith.addf %add3A_2191, %get3A_2193 : vector<16xf32>
    %get3A_2195 = arith.constant 8288 : index
    %get3A_2196 = tpu.vector_load %arg15[%get3A_2195] {strides = array<i32>} : memref<10240xf32, #tpu.memory_space<vmem>>, vector<16xf32>,
    %add3A_2197 = arith.addf %add3A_2194, %get3A_2196 : vector<16xf32>
    %get3A_2198 = arith.constant 8928 : index
    %get3A_2199 = tpu.vector_load %arg15[%get3A_2198] {strides = array<i32>} : memref<10240xf32, #tpu.memory_space<vmem>>, vector<16xf32>,
    %add3A_2200 = arith.addf %add3A_2197, %get3A_2199 : vector<16xf32>
    %get3A_2201 = arith.constant 9568 : index
    %get3A_2202 = tpu.vector_load %arg15[%get3A_2201] {strides = array<i32>} : memref<10240xf32, #tpu.memory_space<vmem>>, vector<16xf32>,
    %add3A_2203 = arith.addf %add3A_2200, %get3A_2202 : vector<16xf32>
    %get3A_2204 = arith.constant 10208 : index
    %get3A_2205 = tpu.vector_load %arg15[%get3A_2204] {strides = array<i32>} : memref<10240xf32, #tpu.memory_space<vmem>>, vector<16xf32>,
    %add3A_2206 = arith.addf %add3A_2203, %get3A_2205 : vector<16xf32>
    %swap3A_2207 = arith.constant 4 : i32
    %swap3A_2208 = arith.index_cast %swap3A_2207 : i32 to index
    %swap3A_2209 = arith.constant 96 : index
    %swap3A_2210 = tpu.vector_load %arg18[%swap3A_2208, %swap3A_2209] {strides = array<i32>} : memref<5x128xf32, #tpu.memory_space<vmem>>, vector<16xf32>,
    tpu.vector_store %arg18[%swap3A_2208, %swap3A_2209], %add3A_2206 {strides = array<i32>} : memref<5x128xf32, #tpu.memory_space<vmem>>, vector<16xf32>,
    %get3A_2211 = arith.constant 624 : index
    %get3A_2212 = tpu.vector_load %arg15[%get3A_2211] {strides = array<i32>} : memref<10240xf32, #tpu.memory_space<vmem>>, vector<16xf32>,
    %get3A_2213 = arith.constant 1264 : index
    %get3A_2214 = tpu.vector_load %arg15[%get3A_2213] {strides = array<i32>} : memref<10240xf32, #tpu.memory_space<vmem>>, vector<16xf32>,
    %add3A_2215 = arith.addf %get3A_2212, %get3A_2214 : vector<16xf32>
    %get3A_2216 = arith.constant 1904 : index
    %get3A_2217 = tpu.vector_load %arg15[%get3A_2216] {strides = array<i32>} : memref<10240xf32, #tpu.memory_space<vmem>>, vector<16xf32>,
    %add3A_2218 = arith.addf %add3A_2215, %get3A_2217 : vector<16xf32>
    %get3A_2219 = arith.constant 2544 : index
    %get3A_2220 = tpu.vector_load %arg15[%get3A_2219] {strides = array<i32>} : memref<10240xf32, #tpu.memory_space<vmem>>, vector<16xf32>,
    %add3A_2221 = arith.addf %add3A_2218, %get3A_2220 : vector<16xf32>
    %get3A_2222 = arith.constant 3184 : index
    %get3A_2223 = tpu.vector_load %arg15[%get3A_2222] {strides = array<i32>} : memref<10240xf32, #tpu.memory_space<vmem>>, vector<16xf32>,
    %add3A_2224 = arith.addf %add3A_2221, %get3A_2223 : vector<16xf32>
    %get3A_2225 = arith.constant 3824 : index
    %get3A_2226 = tpu.vector_load %arg15[%get3A_2225] {strides = array<i32>} : memref<10240xf32, #tpu.memory_space<vmem>>, vector<16xf32>,
    %add3A_2227 = arith.addf %add3A_2224, %get3A_2226 : vector<16xf32>
    %get3A_2228 = arith.constant 4464 : index
    %get3A_2229 = tpu.vector_load %arg15[%get3A_2228] {strides = array<i32>} : memref<10240xf32, #tpu.memory_space<vmem>>, vector<16xf32>,
    %add3A_2230 = arith.addf %add3A_2227, %get3A_2229 : vector<16xf32>
    %get3A_2231 = arith.constant 5104 : index
    %get3A_2232 = tpu.vector_load %arg15[%get3A_2231] {strides = array<i32>} : memref<10240xf32, #tpu.memory_space<vmem>>, vector<16xf32>,
    %add3A_2233 = arith.addf %add3A_2230, %get3A_2232 : vector<16xf32>
    %get3A_2234 = arith.constant 5744 : index
    %get3A_2235 = tpu.vector_load %arg15[%get3A_2234] {strides = array<i32>} : memref<10240xf32, #tpu.memory_space<vmem>>, vector<16xf32>,
    %add3A_2236 = arith.addf %add3A_2233, %get3A_2235 : vector<16xf32>
    %get3A_2237 = arith.constant 6384 : index
    %get3A_2238 = tpu.vector_load %arg15[%get3A_2237] {strides = array<i32>} : memref<10240xf32, #tpu.memory_space<vmem>>, vector<16xf32>,
    %add3A_2239 = arith.addf %add3A_2236, %get3A_2238 : vector<16xf32>
    %get3A_2240 = arith.constant 7024 : index
    %get3A_2241 = tpu.vector_load %arg15[%get3A_2240] {strides = array<i32>} : memref<10240xf32, #tpu.memory_space<vmem>>, vector<16xf32>,
    %add3A_2242 = arith.addf %add3A_2239, %get3A_2241 : vector<16xf32>
    %get3A_2243 = arith.constant 7664 : index
    %get3A_2244 = tpu.vector_load %arg15[%get3A_2243] {strides = array<i32>} : memref<10240xf32, #tpu.memory_space<vmem>>, vector<16xf32>,
    %add3A_2245 = arith.addf %add3A_2242, %get3A_2244 : vector<16xf32>
    %get3A_2246 = arith.constant 8304 : index
    %get3A_2247 = tpu.vector_load %arg15[%get3A_2246] {strides = array<i32>} : memref<10240xf32, #tpu.memory_space<vmem>>, vector<16xf32>,
    %add3A_2248 = arith.addf %add3A_2245, %get3A_2247 : vector<16xf32>
    %get3A_2249 = arith.constant 8944 : index
    %get3A_2250 = tpu.vector_load %arg15[%get3A_2249] {strides = array<i32>} : memref<10240xf32, #tpu.memory_space<vmem>>, vector<16xf32>,
    %add3A_2251 = arith.addf %add3A_2248, %get3A_2250 : vector<16xf32>
    %get3A_2252 = arith.constant 9584 : index
    %get3A_2253 = tpu.vector_load %arg15[%get3A_2252] {strides = array<i32>} : memref<10240xf32, #tpu.memory_space<vmem>>, vector<16xf32>,
    %add3A_2254 = arith.addf %add3A_2251, %get3A_2253 : vector<16xf32>
    %get3A_2255 = arith.constant 10224 : index
    %get3A_2256 = tpu.vector_load %arg15[%get3A_2255] {strides = array<i32>} : memref<10240xf32, #tpu.memory_space<vmem>>, vector<16xf32>,
    %add3A_2257 = arith.addf %add3A_2254, %get3A_2256 : vector<16xf32>
    %swap3A_2258 = arith.constant 4 : i32
    %swap3A_2259 = arith.index_cast %swap3A_2258 : i32 to index
    %swap3A_2260 = arith.constant 112 : index
    %swap3A_2261 = tpu.vector_load %arg18[%swap3A_2259, %swap3A_2260] {strides = array<i32>} : memref<5x128xf32, #tpu.memory_space<vmem>>, vector<16xf32>,
    tpu.vector_store %arg18[%swap3A_2259, %swap3A_2260], %add3A_2257 {strides = array<i32>} : memref<5x128xf32, #tpu.memory_space<vmem>>, vector<16xf32>,
    %mul3A_2262 = arith.constant 5 : i32
    %mul3A_2263 = arith.muli %arg1, %mul3A_2262 : i32
    "tpu.region"() ({
      %run_scoped3A = tpu.sem_alloc : memref<!tpu.dma_semaphore, #tpu.memory_space<semaphore_mem>>
      %dma_start3A_2275 = arith.constant 0 : i32
      %dma_start3A_2276 = tpu.memref_slice %arg8[%mul3A_2263, %dma_start3A_2275] : memref<80x128xf32, #tpu.memory_space<vmem_shared>> -> memref<5x128xf32, #tpu.memory_space<vmem_shared>>
      %dma_start3A_2277 = arith.constant 0 : i32
      %dma_start3A_2278 = tpu.memref_slice %arg8[%mul3A_2263, %dma_start3A_2277] : memref<80x128xf32, #tpu.memory_space<vmem_shared>> -> memref<5x128xf32, #tpu.memory_space<vmem_shared>>
      tpu.enqueue_dma source(%arg18 : memref<5x128xf32, #tpu.memory_space<vmem>>) target(%dma_start3A_2278 : memref<5x128xf32, #tpu.memory_space<vmem_shared>>) target_semaphore(%run_scoped3A : memref<!tpu.dma_semaphore, #tpu.memory_space<semaphore_mem>>)
      %dma_wait3A_2279 = arith.constant 0 : i32
      %dma_wait3A_2280 = tpu.memref_slice %arg8[%mul3A_2263, %dma_wait3A_2279] : memref<80x128xf32, #tpu.memory_space<vmem_shared>> -> memref<5x128xf32, #tpu.memory_space<vmem_shared>>
      %dma_wait3A_2281 = arith.constant 0 : i32
      %dma_wait3A_2282 = tpu.memref_slice %arg8[%mul3A_2263, %dma_wait3A_2281] : memref<80x128xf32, #tpu.memory_space<vmem_shared>> -> memref<5x128xf32, #tpu.memory_space<vmem_shared>>
      tpu.wait_dma2 semaphore(%run_scoped3A : memref<!tpu.dma_semaphore, #tpu.memory_space<semaphore_mem>>) src(%arg18 : memref<5x128xf32, #tpu.memory_space<vmem>>) dst(%dma_wait3A_2282 : memref<5x128xf32, #tpu.memory_space<vmem_shared>>)
      tpu.yield
    }) : () -> ()
    %barrier3A_2264 = arith.constant 0 : index
    tpu.barrier barrier_id(%barrier3A_2264)
    "tpu.region"() ({
      %run_scoped3A = tpu.sem_alloc : memref<!tpu.dma_semaphore, #tpu.memory_space<semaphore_mem>>
      %dma_start3A_2275 = arith.constant 0 : i32
      %dma_start3A_2276 = tpu.memref_slice %arg5[%arg0, %mul3A_16, %dma_start3A_2275] : memref<2x10000x128xf32, #tpu.memory_space<hbm>> -> memref<1x624x128xf32, #tpu.memory_space<hbm>>
      %dma_start3A_2277 = tpu.memref_squeeze %dma_start3A_2276 : memref<1x624x128xf32, #tpu.memory_space<hbm>> -> memref<624x128xf32, #tpu.memory_space<hbm>>
      %dma_start3A_2278 = arith.constant 0 : i32
      %dma_start3A_2279 = tpu.memref_slice %arg7[%mul3A_16, %dma_start3A_2278] : memref<10000x128xf32, #tpu.memory_space<vmem_shared>> -> memref<624x128xf32, #tpu.memory_space<vmem_shared>>
      tpu.enqueue_dma source(%dma_start3A_2279 : memref<624x128xf32, #tpu.memory_space<vmem_shared>>) target(%dma_start3A_2277 : memref<624x128xf32, #tpu.memory_space<hbm>>) target_semaphore(%run_scoped3A : memref<!tpu.dma_semaphore, #tpu.memory_space<semaphore_mem>>)
      %dma_wait3A_2280 = arith.constant 0 : i32
      %dma_wait3A_2281 = tpu.memref_slice %arg5[%arg0, %mul3A_16, %dma_wait3A_2280] : memref<2x10000x128xf32, #tpu.memory_space<hbm>> -> memref<1x624x128xf32, #tpu.memory_space<hbm>>
      %dma_wait3A_2282 = tpu.memref_squeeze %dma_wait3A_2281 : memref<1x624x128xf32, #tpu.memory_space<hbm>> -> memref<624x128xf32, #tpu.memory_space<hbm>>
      %dma_wait3A_2283 = arith.constant 0 : i32
      %dma_wait3A_2284 = tpu.memref_slice %arg7[%mul3A_16, %dma_wait3A_2283] : memref<10000x128xf32, #tpu.memory_space<vmem_shared>> -> memref<624x128xf32, #tpu.memory_space<vmem_shared>>
      tpu.wait_dma2 semaphore(%run_scoped3A : memref<!tpu.dma_semaphore, #tpu.memory_space<semaphore_mem>>) src(%dma_wait3A_2284 : memref<624x128xf32, #tpu.memory_space<vmem_shared>>) dst(%dma_wait3A_2282 : memref<624x128xf32, #tpu.memory_space<hbm>>)
      tpu.yield
    }) : () -> ()
    %eq3A_2265 = arith.constant 15 : i32
    %eq3A_2266 = arith.cmpi eq, %arg1, %eq3A_2265 : i32
    %convert_element_type3A_2267 = arith.extui %eq3A_2266 : i1 to i32
    %cond3A_2268 = arith.constant 0 : i32
    %cond3A_2269 = arith.cmpi ne, %convert_element_type3A_2267, %cond3A_2268 : i32
    scf.if %cond3A_2269 {
      "tpu.region"() ({
        %run_scoped3A = tpu.sem_alloc : memref<!tpu.dma_semaphore, #tpu.memory_space<semaphore_mem>>
        %dma_start3A_2275 = arith.constant 9984 : i32
        %dma_start3A_2276 = arith.constant 0 : i32
        %dma_start3A_2277 = tpu.memref_slice %arg5[%arg0, %dma_start3A_2275, %dma_start3A_2276] : memref<2x10000x128xf32, #tpu.memory_space<hbm>> -> memref<1x16x128xf32, #tpu.memory_space<hbm>>
        %dma_start3A_2278 = tpu.memref_squeeze %dma_start3A_2277 : memref<1x16x128xf32, #tpu.memory_space<hbm>> -> memref<16x128xf32, #tpu.memory_space<hbm>>
        %dma_start3A_2279 = arith.constant 9984 : i32
        %dma_start3A_2280 = arith.constant 0 : i32
        %dma_start3A_2281 = tpu.memref_slice %arg7[%dma_start3A_2279, %dma_start3A_2280] : memref<10000x128xf32, #tpu.memory_space<vmem_shared>> -> memref<16x128xf32, #tpu.memory_space<vmem_shared>>
        tpu.enqueue_dma source(%dma_start3A_2281 : memref<16x128xf32, #tpu.memory_space<vmem_shared>>) target(%dma_start3A_2278 : memref<16x128xf32, #tpu.memory_space<hbm>>) target_semaphore(%run_scoped3A : memref<!tpu.dma_semaphore, #tpu.memory_space<semaphore_mem>>)
        %dma_wait3A_2282 = arith.constant 9984 : i32
        %dma_wait3A_2283 = arith.constant 0 : i32
        %dma_wait3A_2284 = tpu.memref_slice %arg5[%arg0, %dma_wait3A_2282, %dma_wait3A_2283] : memref<2x10000x128xf32, #tpu.memory_space<hbm>> -> memref<1x16x128xf32, #tpu.memory_space<hbm>>
        %dma_wait3A_2285 = tpu.memref_squeeze %dma_wait3A_2284 : memref<1x16x128xf32, #tpu.memory_space<hbm>> -> memref<16x128xf32, #tpu.memory_space<hbm>>
        %dma_wait3A_2286 = arith.constant 9984 : i32
        %dma_wait3A_2287 = arith.constant 0 : i32
        %dma_wait3A_2288 = tpu.memref_slice %arg7[%dma_wait3A_2286, %dma_wait3A_2287] : memref<10000x128xf32, #tpu.memory_space<vmem_shared>> -> memref<16x128xf32, #tpu.memory_space<vmem_shared>>
        tpu.wait_dma2 semaphore(%run_scoped3A : memref<!tpu.dma_semaphore, #tpu.memory_space<semaphore_mem>>) src(%dma_wait3A_2288 : memref<16x128xf32, #tpu.memory_space<vmem_shared>>) dst(%dma_wait3A_2285 : memref<16x128xf32, #tpu.memory_space<hbm>>)
        tpu.yield
      }) : () -> ()
    } else {
    }
    %eq3A_2270 = arith.constant 0 : i32
    %eq3A_2271 = arith.cmpi eq, %arg1, %eq3A_2270 : i32
    %convert_element_type3A_2272 = arith.extui %eq3A_2271 : i1 to i32
    %cond3A_2273 = arith.constant 0 : i32
    %cond3A_2274 = arith.cmpi ne, %convert_element_type3A_2272, %cond3A_2273 : i32
    scf.if %cond3A_2274 {
      "tpu.region"() ({
        %run_scoped3A = tpu.sem_alloc : memref<!tpu.dma_semaphore, #tpu.memory_space<semaphore_mem>>
        %dma_start3A_2275 = arith.constant 0 : i32
        %dma_start3A_2276 = arith.constant 0 : i32
        %dma_start3A_2277 = tpu.memref_slice %arg6[%arg0, %dma_start3A_2275, %dma_start3A_2276] : memref<2x80x128xf32, #tpu.memory_space<hbm>> -> memref<1x80x128xf32, #tpu.memory_space<hbm>>
        %dma_start3A_2278 = tpu.memref_squeeze %dma_start3A_2277 : memref<1x80x128xf32, #tpu.memory_space<hbm>> -> memref<80x128xf32, #tpu.memory_space<hbm>>
        tpu.enqueue_dma source(%arg8 : memref<80x128xf32, #tpu.memory_space<vmem_shared>>) target(%dma_start3A_2278 : memref<80x128xf32, #tpu.memory_space<hbm>>) target_semaphore(%run_scoped3A : memref<!tpu.dma_semaphore, #tpu.memory_space<semaphore_mem>>)
        %dma_wait3A_2279 = arith.constant 0 : i32
        %dma_wait3A_2280 = arith.constant 0 : i32
        %dma_wait3A_2281 = tpu.memref_slice %arg6[%arg0, %dma_wait3A_2279, %dma_wait3A_2280] : memref<2x80x128xf32, #tpu.memory_space<hbm>> -> memref<1x80x128xf32, #tpu.memory_space<hbm>>
        %dma_wait3A_2282 = tpu.memref_squeeze %dma_wait3A_2281 : memref<1x80x128xf32, #tpu.memory_space<hbm>> -> memref<80x128xf32, #tpu.memory_space<hbm>>
        tpu.wait_dma2 semaphore(%run_scoped3A : memref<!tpu.dma_semaphore, #tpu.memory_space<semaphore_mem>>) src(%arg8 : memref<80x128xf32, #tpu.memory_space<vmem_shared>>) dst(%dma_wait3A_2282 : memref<80x128xf32, #tpu.memory_space<hbm>>)
        tpu.yield
      }) : () -> ()
    } else {
    }
    return
  }
}

module attributes {stable_mosaic.version = 14 : i64} {
  func.func @_tc_body(%arg0: i32, %arg1: memref<1000x128xf32, #tpu.memory_space<vmem>>, %arg2: memref<128x128xf32, #tpu.memory_space<vmem>>, %arg3: memref<128x128xf32, #tpu.memory_space<vmem>>, %arg4: memref<1x128xf32, #tpu.memory_space<vmem>>, %arg5: memref<2x1000x128xf32, #tpu.memory_space<vmem>>, %arg6: memref<2x1000x1xf32, #tpu.memory_space<vmem>>, %arg7: memref<1000x128xf32, #tpu.memory_space<vmem>>) attributes {dimension_semantics = [#tpu.dimension_semantics<arbitrary>], iteration_bounds = array<i64: 10>, scalar_prefetch = 0 : i64, scratch_operands = 0 : i64, tpu.core_type = #tpu.core_type<tc>, window_params = [{transform_indices = @transform_0, window_bounds = array<i64: 1000, 128>}, {pipeline_mode = #tpu.pipeline_mode<synchronous>, transform_indices = @transform_1, window_bounds = array<i64: 128, 128>}, {pipeline_mode = #tpu.pipeline_mode<synchronous>, transform_indices = @transform_2, window_bounds = array<i64: 128, 128>}, {pipeline_mode = #tpu.pipeline_mode<synchronous>, transform_indices = @transform_3, window_bounds = array<i64: 1, 128>}, {transform_indices = @transform_4, window_bounds = array<i64: 2, 1000, 128>}, {transform_indices = @transform_5, window_bounds = array<i64: 2, 1000, 1>}, {transform_indices = @transform_6, window_bounds = array<i64: 1000, 128>}]} {
    %get3A = arith.constant 0 : index
    %get3A_0 = arith.constant 0 : index
    %get3A_1 = arith.constant 0 : index
    %get3A_2 = vector.load %arg5[%get3A, %get3A_0, %get3A_1] : memref<2x1000x128xf32, #tpu.memory_space<vmem>>, vector<1x1000x128xf32>
    %get3A_3 = vector.shape_cast %get3A_2 : vector<1x1000x128xf32> to vector<1000x128xf32>
    %get3A_4 = arith.constant 1 : index
    %get3A_5 = arith.constant 0 : index
    %get3A_6 = arith.constant 0 : index
    %get3A_7 = vector.load %arg5[%get3A_4, %get3A_5, %get3A_6] : memref<2x1000x128xf32, #tpu.memory_space<vmem>>, vector<1x1000x128xf32>
    %get3A_8 = vector.shape_cast %get3A_7 : vector<1x1000x128xf32> to vector<1000x128xf32>
    %add3A = arith.addf %get3A_3, %get3A_8 : vector<1000x128xf32>
    %get3A_9 = arith.constant 0 : index
    %get3A_10 = arith.constant 0 : index
    %get3A_11 = arith.constant 0 : index
    %get3A_12 = vector.load %arg6[%get3A_9, %get3A_10, %get3A_11] : memref<2x1000x1xf32, #tpu.memory_space<vmem>>, vector<1x1000x1xf32>
    %get3A_13 = vector.shape_cast %get3A_12 : vector<1x1000x1xf32> to vector<1000x1xf32>
    %get3A_14 = arith.constant 1 : index
    %get3A_15 = arith.constant 0 : index
    %get3A_16 = arith.constant 0 : index
    %get3A_17 = vector.load %arg6[%get3A_14, %get3A_15, %get3A_16] : memref<2x1000x1xf32, #tpu.memory_space<vmem>>, vector<1x1000x1xf32>
    %get3A_18 = vector.shape_cast %get3A_17 : vector<1x1000x1xf32> to vector<1000x1xf32>
    %add3A_19 = arith.addf %get3A_13, %get3A_18 : vector<1000x1xf32>
    %max3A = arith.constant 1.000000e+00 : f32
    %max3A_20 = vector.broadcast %max3A : f32 to vector<1000x1xf32>
    %max3A_21 = arith.maximumf %add3A_19, %max3A_20 : vector<1000x1xf32>
    %div3A = vector.broadcast %max3A_21 : vector<1000x1xf32> to vector<1000x128xf32>
    %div3A_22 = arith.divf %add3A, %div3A : vector<1000x128xf32>
    %get3A_23 = arith.constant 0 : index
    %get3A_24 = arith.constant 0 : index
    %get3A_25 = vector.load %arg2[%get3A_23, %get3A_24] : memref<128x128xf32, #tpu.memory_space<vmem>>, vector<128x128xf32>
    %dot_general3A = arith.constant dense<0.000000e+00> : vector<1000x128xf32>
    %dot_general3A_26 = tpu.matmul %div3A_22, %get3A_25, %dot_general3A {dimension_numbers = #tpu.dot_dimension_numbers<[1], [0], [0], [1], [0, 0, 1, 1], [], []>, transpose_lhs_hint = false} : vector<1000x128xf32>, vector<128x128xf32>, vector<1000x128xf32> -> vector<1000x128xf32>
    %get3A_27 = arith.constant 0 : index
    %get3A_28 = arith.constant 0 : index
    %get3A_29 = vector.load %arg1[%get3A_27, %get3A_28] : memref<1000x128xf32, #tpu.memory_space<vmem>>, vector<1000x128xf32>
    %get3A_30 = arith.constant 0 : index
    %get3A_31 = arith.constant 0 : index
    %get3A_32 = vector.load %arg3[%get3A_30, %get3A_31] : memref<128x128xf32, #tpu.memory_space<vmem>>, vector<128x128xf32>
    %dot_general3A_33 = arith.constant dense<0.000000e+00> : vector<1000x128xf32>
    %dot_general3A_34 = tpu.matmul %get3A_29, %get3A_32, %dot_general3A_33 {dimension_numbers = #tpu.dot_dimension_numbers<[1], [0], [0], [1], [0, 0, 1, 1], [], []>, transpose_lhs_hint = false} : vector<1000x128xf32>, vector<128x128xf32>, vector<1000x128xf32> -> vector<1000x128xf32>
    %add3A_35 = arith.addf %dot_general3A_26, %dot_general3A_34 : vector<1000x128xf32>
    %get3A_36 = arith.constant 0 : index
    %get3A_37 = arith.constant 0 : index
    %get3A_38 = vector.load %arg4[%get3A_36, %get3A_37] : memref<1x128xf32, #tpu.memory_space<vmem>>, vector<1x128xf32>
    %add3A_39 = vector.broadcast %get3A_38 : vector<1x128xf32> to vector<1000x128xf32>
    %add3A_40 = arith.addf %add3A_35, %add3A_39 : vector<1000x128xf32>
    %ge3A = arith.constant 0.000000e+00 : f32
    %ge3A_41 = vector.broadcast %ge3A : f32 to vector<1000x128xf32>
    %ge3A_42 = arith.cmpf oge, %add3A_40, %ge3A_41 : vector<1000x128xf32>
    %mul3A = arith.constant 0.00999999977 : f32
    %mul3A_43 = vector.broadcast %mul3A : f32 to vector<1000x128xf32>
    %mul3A_44 = arith.mulf %mul3A_43, %add3A_40 : vector<1000x128xf32>
    %select_n3A = arith.select %ge3A_42, %add3A_40, %mul3A_44 : vector<1000x128xi1>, vector<1000x128xf32>
    %mul3A_45 = arith.mulf %select_n3A, %select_n3A : vector<1000x128xf32>
    %reduce_sum3A = arith.constant dense<0.000000e+00> : vector<1000xf32>
    %reduce_sum3A_46 = vector.multi_reduction <add>, %mul3A_45, %reduce_sum3A [1] : vector<1000x128xf32> to vector<1000xf32>
    %broadcast_in_dim3A = vector.shape_cast %reduce_sum3A_46 : vector<1000xf32> to vector<1000x1xf32>
    %sqrt3A = math.sqrt %broadcast_in_dim3A : vector<1000x1xf32>
    %max3A_47 = arith.constant 9.99999996E-13 : f32
    %max3A_48 = vector.broadcast %max3A_47 : f32 to vector<1000x1xf32>
    %max3A_49 = arith.maximumf %sqrt3A, %max3A_48 : vector<1000x1xf32>
    %div3A_50 = vector.broadcast %max3A_49 : vector<1000x1xf32> to vector<1000x128xf32>
    %div3A_51 = arith.divf %select_n3A, %div3A_50 : vector<1000x128xf32>
    %swap3A = arith.constant 0 : index
    %swap3A_52 = arith.constant 0 : index
    %swap3A_53 = vector.load %arg7[%swap3A, %swap3A_52] : memref<1000x128xf32, #tpu.memory_space<vmem>>, vector<1000x128xf32>
    tpu.vector_store %arg7[%swap3A, %swap3A_52], %div3A_51 {strides = array<i32>} : memref<1000x128xf32, #tpu.memory_space<vmem>>, vector<1000x128xf32>,
    return
  }
  func.func @transform_0(%arg0: i32) -> (i32, i32) {
    %c0_i32 = arith.constant 0 : i32
    %c0_i32_0 = arith.constant 0 : i32
    return %arg0, %c0_i32 : i32, i32
  }
  func.func @transform_1(%arg0: i32) -> (i32, i32) {
    %c0_i32 = arith.constant 0 : i32
    %c0_i32_0 = arith.constant 0 : i32
    %c0_i32_1 = arith.constant 0 : i32
    return %c0_i32, %c0_i32_0 : i32, i32
  }
  func.func @transform_2(%arg0: i32) -> (i32, i32) {
    %c0_i32 = arith.constant 0 : i32
    %c0_i32_0 = arith.constant 0 : i32
    %c0_i32_1 = arith.constant 0 : i32
    return %c0_i32, %c0_i32_0 : i32, i32
  }
  func.func @transform_3(%arg0: i32) -> (i32, i32) {
    %c0_i32 = arith.constant 0 : i32
    %c0_i32_0 = arith.constant 0 : i32
    %c0_i32_1 = arith.constant 0 : i32
    return %c0_i32, %c0_i32_0 : i32, i32
  }
  func.func @transform_4(%arg0: i32) -> (i32, i32, i32) {
    %c0_i32 = arith.constant 0 : i32
    %c0_i32_0 = arith.constant 0 : i32
    %c0_i32_1 = arith.constant 0 : i32
    return %c0_i32, %arg0, %c0_i32_0 : i32, i32, i32
  }
  func.func @transform_5(%arg0: i32) -> (i32, i32, i32) {
    %c0_i32 = arith.constant 0 : i32
    %c0_i32_0 = arith.constant 0 : i32
    %c0_i32_1 = arith.constant 0 : i32
    return %c0_i32, %arg0, %c0_i32_0 : i32, i32, i32
  }
  func.func @transform_6(%arg0: i32) -> (i32, i32) {
    %c0_i32 = arith.constant 0 : i32
    %c0_i32_0 = arith.constant 0 : i32
    return %arg0, %c0_i32 : i32, i32
  }
}

</mosaic_0001>

<sc_bundles>
// kernel: kernel.4.cloned.1.call-start
scs
__scs_entry_jumppad:
0x0: {  	(pc) =	sbr.rel $0x88, $3  }
0x1: {  	(tag) =	ssettag $0x0;
	lr =	simm.s32 $0x1  }
0x2: {  	[smem:$0x3F9C] =	sst lr;
	_ =	strace $0xD0000000  }
0x3: {  	_ = 	snop  }
0x4: {  	_ = 	snop  }
0x5: {  	_ = 	snop  }
0x6: {  	_ = 	snop  }
0x7: {  	_ = 	snop  }
__scs_overlays_trampoline_lowered:
0x8: {  	[smem:$0x3FAB] =	sst s0  }
0x9: {  	[smem:$0x3FAC] =	sst s1  }
0xa: {  	[smem:$0x3FAD] =	sst s2  }
0xb: {  	[smem:$0x3FAE] =	sst s3  }
0xc: {  	[smem:$0x3FAF] =	sst s4  }
0xd: {  	[smem:$0x3FB0] =	sst s5  }
0xe: {  	[smem:$0x3FB1] =	sst s6  }
0xf: {  	[smem:$0x3FB2] =	sst s7  }
0x10: {  	[smem:$0x3FB3] =	sst s8  }
0x11: {  	[smem:$0x3FB4] =	sst s9;
	s0 =	simm.s32 @!p0 $0x0  }
0x12: {  	s1 =	sld [smem:$0x3F9A];
	s0 =	simm.s32 @p0 $0x1  }
0x13: {  	[smem:$0x3FB5] =	sst s0;
	s0 =	simm.s32 @!p1 $0x0  }
0x14: {  	s2 =	sld [smem:$0x3F99];
	s0 =	simm.s32 @p1 $0x1  }
0x15: {  	[smem:$0x3FB6] =	sst s0;
	s0 =	simm.s32 @!p2 $0x0  }
0x16: {  	s3 =	sld [smem:$0x3FDB];
	s0 =	simm.s32 @p2 $0x1  }
0x17: {  	s4 =	simm.s32 $0x1BF5;
	[smem:$0x3FB8] =	sst s0  }
0x18: {  	s0 =	sld [smem:$0x3F9B];
	_ =	swait.ge [sflag:s4], $0x0  }
0x19: {  	s7 =	sld [smem:$0x3F9C]  }
0x1a: {  	s8 =	sadd.s32 $0xFFFFE003, lr  }
0x1b: {  	s9 =	sadd.s32 $0xFFFFFEF7, lr;
	s5 =	simm.s32 $0xFFFFFFFF;
	p2 =	slt.u32 s8, $0xFFFFF086  }
0x1c: {  	p1 =	slt.u32 s9, $0xF7A;
	s5 =	simm.s32 @!p2 $0x0  }
0x1d: {  	s5 =	simm.s32 @p1 $0x1;
	p0 =	seq.s32 s7, s2  }
0x1e: {  	s7 =	smul.u32 @!p0 $0xF7A, s2;
	p2 =	seq.s32 @!p0 s5, $0x0  }
0x1f: {  	s9 =	smul.u32 $0xF7A, s1;
	s8 =	simm.s32 @!p0 $0x1BF5;
	p2 =	por !p2, p0  }
0x20: {  	[sflag:s8] =	ssyncset.s32 @!p0 $0xFFFFF086;
	s6 =	sadd.s32 @!p0 s3, s7;
	s7 =	simm.s32 @!p0 $0x108  }
0x21: {  	s3 =	sadd.s32 s3, s9;
	s6 =	sadd.s32 @!p0 $0x88, s6;
	s7 =	simm.s32 @p2 $0x1082  }
0x22: {  	[simem:s7], [sflag:s8] =	dma.local @!p0 [hbm:s6], $0xF7A  }
0x23: {  	s9 =	sor.u32 $0xD0000000, s2;
	s6 =	simm.s32 $0x108;
	_ =	swait.ge @!p0 [sflag:s8], $0x0  }
0x24: {  	s3 =	sadd.s32 $0x88, s3;
	s6 =	simm.s32 @!p1 $0x1082;
	[sflag:s4] =	ssyncset.s32 $0xFFFFF086  }
0x25: {  	[simem:s6], [sflag:s4] =	dma.local [hbm:s3], $0xF7A  }
0x26: {  	[smem:$0x3F9C] =	sst s1;
	(tag) =	ssettag s2;
	_ =	strace s9  }
0x27: {  	s1 =	sld [smem:$0x3FAC]  }
0x28: {  	s2 =	sld [smem:$0x3FAD]  }
0x29: {  	s4 =	sld [smem:$0x3FAF]  }
0x2a: {  	p0 =	seq.s32 s5, $0x0;
	s5 =	sld [smem:$0x3FB0]  }
0x2b: {  	s6 =	sld [smem:$0x3FB1]  }
0x2c: {  	s7 =	sld [smem:$0x3FB2]  }
0x2d: {  	s3 =	simm.s32 $0x108;
	s8 =	sld [smem:$0x3FB3]  }
0x2e: {  	s3 =	simm.s32 @!p0 $0x1082;
	s9 =	sld [smem:$0x3FB4]  }
0x2f: {  	lr =	sadd.s32 s0, s3;
	s0 =	sld [smem:$0x3FAB]  }
0x30: {  	s3 =	sld [smem:$0x3FAE]  }
0x31: {  	[smem:$0x3FB7] =	sst s10  }
0x32: {  	s10 =	sld [smem:$0x3FB5];
	_ =	sdelay $0x3  }
0x33: {  	p0 =	seq.s32 s10, $0x1;
	s10 =	sld [smem:$0x3FB7];
	_ =	sdelay $0x3  }
0x34: {  	[smem:$0x3FB7] =	sst s10  }
0x35: {  	s10 =	sld [smem:$0x3FB6];
	_ =	sdelay $0x3  }
0x36: {  	p1 =	seq.s32 s10, $0x1;
	s10 =	sld [smem:$0x3FB7];
	_ =	sdelay $0x3  }
0x37: {  	[smem:$0x3FB7] =	sst s10  }
0x38: {  	s10 =	sld [smem:$0x3FB8]  }
0x39: {  	_ = 	snop;
	(pc) =	sbr.ind lr, $3  }
0x3a: {  	_ = 	snop  }
0x3b: {  	_ = 	snop  }
0x3c: {  	p2 =	seq.s32 s10, $0x1;
	s10 =	sld [smem:$0x3FB7]  }
0x3d: {  	_ =	shalt  }
0x3e: {  	_ =	shalt  }
0x3f: {  	_ =	shalt  }
0x40: {  	_ =	shalt  }
0x41: {  	_ =	shalt  }
0x42: {  	_ =	shalt  }
0x43: {  	_ =	shalt  }
0x44: {  	_ =	shalt  }
0x45: {  	_ =	shalt  }
0x46: {  	_ =	shalt  }
0x47: {  	_ =	shalt  }
0x48: {  	_ =	shalt  }
0x49: {  	_ =	shalt  }
0x4a: {  	_ =	shalt  }
0x4b: {  	_ =	shalt  }
0x4c: {  	_ =	shalt  }
0x4d: {  	_ =	shalt  }
0x4e: {  	_ =	shalt  }
0x4f: {  	_ =	shalt  }
0x50: {  	_ =	shalt  }
0x51: {  	_ =	shalt  }
0x52: {  	_ =	shalt  }
0x53: {  	_ =	shalt  }
0x54: {  	_ =	shalt  }
0x55: {  	_ =	shalt  }
0x56: {  	_ =	shalt  }
0x57: {  	_ =	shalt  }
0x58: {  	_ =	shalt  }
0x59: {  	_ =	shalt  }
0x5a: {  	_ =	shalt  }
0x5b: {  	_ =	shalt  }
0x5c: {  	_ =	shalt  }
0x5d: {  	_ =	shalt  }
0x5e: {  	_ =	shalt  }
0x5f: {  	_ =	shalt  }
0x60: {  	_ =	shalt  }
0x61: {  	_ =	shalt  }
0x62: {  	_ =	shalt  }
0x63: {  	_ =	shalt  }
0x64: {  	_ =	shalt  }
0x65: {  	_ =	shalt  }
0x66: {  	_ =	shalt  }
0x67: {  	_ =	shalt  }
0x68: {  	_ =	shalt  }
0x69: {  	_ =	shalt  }
0x6a: {  	_ =	shalt  }
0x6b: {  	_ =	shalt  }
0x6c: {  	_ =	shalt  }
0x6d: {  	_ =	shalt  }
0x6e: {  	_ =	shalt  }
0x6f: {  	_ =	shalt  }
0x70: {  	_ =	shalt  }
0x71: {  	_ =	shalt  }
0x72: {  	_ =	shalt  }
0x73: {  	_ =	shalt  }
0x74: {  	_ =	shalt  }
0x75: {  	_ =	shalt  }
0x76: {  	_ =	shalt  }
0x77: {  	_ =	shalt  }
0x78: {  	_ =	shalt  }
0x79: {  	_ =	shalt  }
0x7a: {  	_ =	shalt  }
0x7b: {  	_ =	shalt  }
0x7c: {  	_ =	shalt  }
0x7d: {  	_ =	shalt  }
0x7e: {  	_ =	shalt  }
0x7f: {  	_ =	shalt  }
0x80: {  	_ =	shalt  }
0x81: {  	_ =	shalt  }
0x82: {  	_ =	shalt  }
0x83: {  	_ =	shalt  }
0x84: {  	_ =	shalt  }
0x85: {  	_ =	shalt  }
0x86: {  	_ =	shalt  }
0x87: {  	_ =	shalt  }
.Lfunc_end0:
.L_simem_size_0:
called_computation_lowered:
.L_overlay_start_0:
0x88: {  	s2 =	sld [smem:$0x3FD9]  }
0x89: {  	s3 =	sld [smem:$0x3FFE];
	_ =	sdelay $0x1  }
0x8a: {  	s1 =	srdreg.scid  }
0x8b: {  	s0 =	sand.u32 $0x1, s1  }
0x8c: {  	s17 =	sshll.u32 s0, $0xA;
	s2 =	sadd.s32 s3, s2  }
0x8d: {  	s2 =	sadd.s32 s2, s17  }
0x8e: {  	[smem:$0x3FC3] =	sst s2  }
0x8f: {  	_ = 	snop  }
0x90: {  	s2 =	sld [smem:$0x3FC9]  }
0x91: {  	s18 =	sld [smem:$0x3FD0];
	(tm) =	ssettm $0x1  }
0x92: {  	s4 =	sld [smem:$0x3FFB];
	_ =	sdelay $0x3  }
0x93: {  	_ =	strace s4  }
0x94: {  	s4 =	sld [smem:$0x3FFC];
	_ =	sdelay $0x3  }
0x95: {  	_ =	strace s4  }
0x96: {  	s4 =	sld [smem:$0x3FFD];
	_ =	sdelay $0x3  }
0x97: {  	_ =	strace s4  }
0x98: {  	_ =	strace $0x8FFFFFFF  }
0x99: {  	s19 =	sld [smem:$0x3FDB];
	_ =	sdelay $0x1  }
0x9a: {  	s5 =	simm.s32 $_scs_section_size  }
0x9b: {  	s6 =	simm.s32 $_size__tile_overlayer_lowered;
	s7 =	simm.s32 $_tile_overlayer_lowered  }
0x9c: {  	s22 =	simm.s32 $0x1BFF;
	s21 =	sshll.u32 s7, $0x1;
	s4 =	sadd.s32 s5, s19  }
0x9d: {  	s8 =	simm.s32 $0x0;
	s20 =	sshll.u32 s6, $0x1;
	s6 =	sadd.s32 s21, s4  }
0x9e: {  	[timem:s8], [sflag:s22] =	dma.local [hbm:s6], s20  }
0x9f: {  	_ =	swait.ge [sflag:s22], s20  }
0xa0: {  	s5 =	ssub.s32 $0x0, s20;
	[sflag:s22] =	ssyncset.done $0x0  }
0xa1: {  	[sflag:s22] =	ssyncadd.s32 s5;
	_ =	sdelay $0x1  }
0xa2: {  	s23 =	simm.s32 $0x1B8B  }
0xa3: {  	_ =	swait.ge [sflag:s23], $0x1  }
0xa4: {  	[sflag:s23] =	ssyncset.done $0x0  }
0xa5: {  	s25 =	simm.s32 $0x1B8E;
	s24 =	sld [smem:$0x3FFE];
	[sflag:s23] =	ssyncadd.s32 $0xFFFFFFFF  }
0xa6: {  	s26 =	simm.s32 $execute0_lowered;
	[smem:$0x3FD2] =	sst s25  }
0xa7: {  	s6 =	sshll.u32 s26, $0x1;
	_ =	strace $0x80000046;
	[dreg:$0x1] =	wrdreg $0xFFFFFFFF  }
0xa8: {  	s28 =	simm.s32 $_size_execute0_lowered;
	s4 =	sadd.s32 s4, s6;
	[dreg:$0x0] =	wrdreg $0x0  }
0xa9: {  	s6 =	sshll.u32 s28, $0x1;
	[dreg:$0x2] =	wrdreg s4  }
0xaa: {  	[dreg:$0x3] =	wrdreg s6  }
0xab: {  	[dreg:$0x4] =	wrdreg $0xC0  }
0xac: {  	_ =	task [dreg:s8], $0x5FFFF  }
0xad: {  	[dreg:$0x1] =	wrdreg $0xFFFFFFFF  }
0xae: {  	[dreg:$0x0] =	wrdreg $0x60  }
0xaf: {  	[dreg:$0x2] =	wrdreg s2  }
0xb0: {  	[dreg:$0x3] =	wrdreg s24  }
0xb1: {  	[dreg:$0x4] =	wrdreg s18  }
0xb2: {  	[dreg:$0x5] =	wrdreg $0x0  }
0xb3: {  	[dreg:$0x6] =	wrdreg $0x138800  }
0xb4: {  	[dreg:$0x7] =	wrdreg $0x9  }
0xb5: {  	_ =	task.clear_ibuf [dreg:s8], $0x8FFFF;
	_ =	strace $0x90000046  }
0xb6: {  	s29 =	simm.s32 $0x9;
	_ =	strace $0x80000048  }
0xb7: {  	_ =	swait.ge [sflag:s29], $0x1  }
0xb8: {  	[sflag:s29] =	ssyncadd.s32 $0xFFFFFFFF  }
0xb9: {  	_ =	strace $0x90000048  }
0xba: {  	_ =	sfence  }
0xbb: {  	s30 =	sld [smem:$0x0];
	_ =	sdelay $0x2  }
0xbc: {  	s31 =	sshll.u32 s1, $0xD;
	s1 =	sshrl.u32 s1, $0x2  }
0xbd: {  	s3 =	sand.u32 $0x4000, s31;
	s1 =	sadd.s32 s1, s30  }
0xbe: {  	s0 =	sor.u32 s3, s0;
	s1 =	sshll.u32 s1, $0x11  }
0xbf: {  	s0 =	sor.u32 s1, s0  }
0xc0: {  	s0 =	sadd.s32 $0x8F2B, s0  }
0xc1: {  	[sflag:s0] =	ssyncadd.remote.s32 $0x1  }
0xc2: {  	_ =	sfence.sel $0xFFFF  }
0xc3: {  	[dreg:$0x0] =	wrdreg $0xFFFFFFFF;
	(pc) =	sbr.abs _section_cstart, $3  }
0xc4: {  	[dreg:$0x1] =	wrdreg $0xFFFFFFFF  }
0xc5: {  	_ =	task.clear_ibuf [dreg:s8], $0x2FFFF;
	_ =	strace $0x9FFFFFFF  }
0xc6: {  	(tm) =	ssettm $0x7FFFFFFF  }
0xc7: {  	_ =	shalt  }
tec
execute0_lowered:
.L_overlay_start_1:
0x0: {  	(tag) =	ssettag $0x1  }
0x1: {  	s1 =	rddreg [dreg:$0x0]  }
0x2: {  	s0 =	rddreg [dreg:$0x1]  }
0x3: {  	s2 =	rddreg [dreg:$0x2]  }
0x4: {  	s3 =	rddreg [dreg:$0x3]  }
0x5: {  	s15 =	rddreg [dreg:$0x4];
	s5 =	simm.s32 $0x0  }
0x6: {  	s4 =	srdreg.scid;
	s16 =	stileid.u32;
	s31 =	simm.s32 $0x13D00  }
0x7: {  	s29 =	simm.s32 $0x0;
	[smem:$0x7FF] =	sst s5;
	s6 =	smul.u32 $0x4E000, s16  }
0x8: {  	s7 =	sand.u32 $0x1, s4;
	s8 =	sadd.s32 $0x1000, s0;
	s24 =	smul.u32 $0x13800, s16  }
0x9: {  	s9 =	sadd.s32 $0xB800, s0;
	s11 =	sshll.u32 s16, $0x1;
	s13 =	smul.u32 $0xA00, s16  }
0xa: {  	p1 =	sne.s32 s16, $0xF;
	s30 =	sadd.s32 $0x138000, s3;
	s4 =	smul.u32 $0x500, s7  }
0xb: {  	p0 =	seq.s32 s16, $0x0;
	_ =	strace $0x80000047;
	s22 =	smul.u32 $0x138800, s7  }
0xc: {  	s14 =	ssub.s32 $0x2, s7;
	s17 =	sor.u32 s7, s11;
	s26 =	smul.u32 $0x2710, s7  }
0xd: {  	p2 =	sne.s32 @!p0 s16, $0xF;
	[dreg:$0x18] =	wrdreg s30;
	s10 =	sshrl.u32 s14, $0x1  }
0xe: {  	s6 =	sshrl.u32 s6, $0x2;
	s19 =	smul.u32 $0x2710, s17;
	s17 =	sshrl.u32 s13, $0x2  }
0xf: {  	p2 =	por p2, p0;
	s13 =	simm.s32 $0x5;
	s0 =	sadd.s32 s4, s0  }
0x10: {  	s4 =	ssub.s32 s14, s10;
	s28 =	sadd.s32 s6, s3;
	s11 =	sadd.s32 s24, s22  }
0x11: {  	s10 =	sshrl.u32 s22, $0x3;
	s6 =	sadd.s32 $0x2800, s28;
	[dreg:$0x6] =	wrdreg s28  }
0x12: {  	s14 =	smul.u32 $0x4E20, s16;
	s18 =	sadd.s32 $0x5000, s28;
	[dreg:$0x7] =	wrdreg s6  }
0x13: {  	s20 =	sadd.s32 $0x7800, s28;
	s21 =	sadd.s32 $0xA000, s28;
	[dreg:$0x8] =	wrdreg s18  }
0x14: {  	s23 =	sadd.s32 $0xC800, s28;
	s11 =	sshrl.u32 s11, $0x3;
	[dreg:$0x9] =	wrdreg s20  }
0x15: {  	s0 =	sadd.s32 $0xAE00, s0;
	s22 =	smax.u32 s4, $0x1;
	[dreg:$0xa] =	wrdreg s21  }
0x16: {  	s24 =	sadd.s32 $0x11800, s28;
	s4 =	simm.s32 $0x13B00;
	[dreg:$0xb] =	wrdreg s23  }
0x17: {  	s6 =	sshrl.u32 s19, $0x3;
	s11 =	sadd.s32 s9, s11;
	s9 =	sadd.s32 s9, s10  }
0x18: {  	s19 =	sadd.s32 s26, s14;
	s14 =	sshrl.u32 s26, $0x3;
	[dreg:$0x13] =	wrdreg s0  }
0x19: {  	s20 =	sadd.s32 s17, s15;
	[dreg:$0x15] =	wrdreg s22;
	s23 =	sadd.s32 $0xF000, s28  }
0x1a: {  	[dreg:$0x17] =	wrdreg s24;
	s0 =	simm.s32 $0x9;
	s10 =	simm.s32 $0x50  }
0x1b: {  	s15 =	simm.s32 $0x16500;
	s17 =	simm.s32 $0x2;
	[dreg:$0xe] =	wrdreg s11  }
0x1c: {  	s22 =	simm.s32 $0x1B500;
	s24 =	simm.s32 $0x7;
	[dreg:$0x12] =	wrdreg s20  }
0x1d: {  	s12 =	sadd.s32 s8, s6;
	s25 =	sadd.s32 s2, s6;
	[dreg:$0x16] =	wrdreg s23  }
0x1e: {  	s6 =	sadd.s32 $0xA, s6;
	s18 =	sadd.s32 s2, s14;
	[dreg:$0xc] =	wrdreg s12  }
0x1f: {  	s21 =	sadd.s32 $0x27000, s9;
	s14 =	simm.s32 $0x6;
	[dreg:$0xd] =	wrdreg s25  }
0x20: {  	s20 =	simm.s32 $0x4;
	s23 =	simm.s32 $0x1BD00;
	[dreg:$0x14] =	wrdreg s21  }
0x21: {  	s11 =	sadd.s32 s8, s6;
	s6 =	sadd.s32 s2, s6;
	[dreg:$0x11] =	wrdreg s18  }
0x22: {  	s25 =	smul.u32 $0x280, s16;
	s26 =	sadd.s32 $0xFA, s18;
	[dreg:$0xf] =	wrdreg s11  }
0x23: {  	s12 =	simm.s32 $0x13C80;
	s16 =	simm.s32 $0x1;
	[dreg:$0x10] =	wrdreg s6  }
0x24: {  	v2 =	vlaneseq.u32;
	v1 =	vimm.f32 $0.0e+00;
	s18 =	simm.s32 $0x3;
	[dreg:$0x19] =	wrdreg s26;
	s6 =	simm.s32 $0x13B80  }
0x25: {  	v3 =	vimm.f32 $1.000000000e+00;
	v2 =	vmul.u32 $0x280, v2;
	s11 =	simm.s32 $0x13C00;
	s26 =	simm.s32 $0x8;
	v0 =	vmov s25;
	s25 =	simm.s32 $0x18D00  }
.LBB2_1:
0x26: {  	[dreg:$0x1a] =	wrdreg s29;
	s21 =	simm.s32 $0x0;
	s29 =	simm.s32 $0x200  }
.LBB2_2:
0x27: {  	p3 =	sne.s32 s29, $0x9E00;
	[tilespmem:s21+$0x13D70] =	vst v1  }
0x28: {  	[tilespmem:s21+$0x13D00] =	vst v1  }
0x29: {  	[tilespmem:s21+$0x13D10] =	vst v1  }
.Ltmp0:
0x2a: {  	[tilespmem:s21+$0x13D20] =	vst v1;
	(pc) =	sbr.rel @p3 .LBB2_2-.Ltmp0, $4  }
0x2b: {  	[tilespmem:s21+$0x13D30] =	vst v1  }
0x2c: {  	[tilespmem:s21+$0x13D40] =	vst v1  }
0x2d: {  	[tilespmem:s21+$0x13D50] =	vst v1  }
0x2e: {  	[tilespmem:s21+$0x13D60] =	vst v1;
	s21 =	sshra.s32 s29, $0x2;
	s29 =	sadd.s32 $0x200, s29  }
0x2f: {  	[tilespmem:s21+$0x13D70] =	vst v1  }
0x30: {  	[tilespmem:s21+$0x13D00] =	vst v1  }
0x31: {  	[tilespmem:s21+$0x13D10] =	vst v1  }
0x32: {  	[tilespmem:s21+$0x13D20] =	vst v1  }
0x33: {  	[tilespmem:s21+$0x13D30] =	vst v1  }
0x34: {  	[tilespmem:s21+$0x13D40] =	vst v1  }
0x35: {  	[tilespmem:s21+$0x13D50] =	vst v1  }
0x36: {  	[tilespmem:s21+$0x13D60] =	vst v1;
	s21 =	simm.s32 $0x40;
	s9 =	simm.s32 $0x0  }
.LBB2_4:
0x37: {  	p3 =	sne.s32 s21, $0x9FC0;
	[tilespmem:s9+$0x18D00] =	vst v1;
	s9 =	smov.u32 s21;
	s21 =	sadd.s32 $0x40, s21  }
.Ltmp1:
0x38: {  	(pc) =	sbr.rel @p3 .LBB2_4-.Ltmp1, $2  }
0x39: {  	_ =	sdelay $0x2  }
0x3a: {  	s9 =	sshra.s32 s9, $0x2  }
0x3b: {  	[tilespmem:s9+$0x18D00] =	vst v1  }
0x3c: {  	[spmem:s28] =	stream.linear.scatter [tilespmem:s31], [sflag:$0x9], $0x2800, $0x38;
	[tilespmem:$0x1C900] =	vst v63  }
0x3d: {  	_ =	swait.ge [sflag:s0], $0x2800  }
0x3e: {  	[sflag:s0] =	ssyncset.done $0x0  }
0x3f: {  	s29 =	rddreg [dreg:$0x7];
	[sflag:s0] =	ssyncadd.s32 $0xFFFFD800  }
0x40: {  	[spmem:s29] =	stream.linear.scatter [tilespmem:s31], [sflag:$0x9], $0x2800, $0x38;
	[tilespmem:$0x1C900] =	vst v63  }
0x41: {  	_ =	swait.ge [sflag:s0], $0x2800  }
0x42: {  	[sflag:s0] =	ssyncset.done $0x0  }
0x43: {  	s21 =	rddreg [dreg:$0x8];
	[sflag:s0] =	ssyncadd.s32 $0xFFFFD800  }
0x44: {  	[spmem:s21] =	stream.linear.scatter [tilespmem:s31], [sflag:$0x9], $0x2800, $0x38;
	[tilespmem:$0x1C900] =	vst v63  }
0x45: {  	_ =	swait.ge [sflag:s0], $0x2800  }
0x46: {  	[sflag:s0] =	ssyncset.done $0x0  }
0x47: {  	s28 =	rddreg [dreg:$0x9];
	[sflag:s0] =	ssyncadd.s32 $0xFFFFD800  }
0x48: {  	[spmem:s28] =	stream.linear.scatter [tilespmem:s31], [sflag:$0x9], $0x2800, $0x38;
	[tilespmem:$0x1C900] =	vst v63  }
0x49: {  	_ =	swait.ge [sflag:s0], $0x2800  }
0x4a: {  	[sflag:s0] =	ssyncset.done $0x0  }
0x4b: {  	s29 =	rddreg [dreg:$0xa];
	[sflag:s0] =	ssyncadd.s32 $0xFFFFD800  }
0x4c: {  	[spmem:s29] =	stream.linear.scatter [tilespmem:s31], [sflag:$0x9], $0x2800, $0x38;
	[tilespmem:$0x1C900] =	vst v63  }
0x4d: {  	_ =	swait.ge [sflag:s0], $0x2800  }
0x4e: {  	[sflag:s0] =	ssyncset.done $0x0  }
0x4f: {  	s21 =	rddreg [dreg:$0xb];
	[sflag:s0] =	ssyncadd.s32 $0xFFFFD800  }
0x50: {  	[spmem:s21] =	stream.linear.scatter [tilespmem:s31], [sflag:$0x9], $0x2800, $0x38;
	[tilespmem:$0x1C900] =	vst v63  }
0x51: {  	_ =	swait.ge [sflag:s0], $0x2800  }
0x52: {  	[sflag:s0] =	ssyncset.done $0x0  }
0x53: {  	s28 =	rddreg [dreg:$0x16];
	[sflag:s0] =	ssyncadd.s32 $0xFFFFD800  }
0x54: {  	[spmem:s28] =	stream.linear.scatter [tilespmem:s31], [sflag:$0x9], $0x2800, $0x38;
	[tilespmem:$0x1C900] =	vst v63  }
0x55: {  	_ =	swait.ge [sflag:s0], $0x2800  }
0x56: {  	[sflag:s0] =	ssyncset.done $0x0  }
0x57: {  	s29 =	rddreg [dreg:$0x17];
	[sflag:s0] =	ssyncadd.s32 $0xFFFFD800  }
0x58: {  	[spmem:s29] =	stream.linear.scatter [tilespmem:s31], [sflag:$0x9], $0x2000, $0x38;
	[tilespmem:$0x1C900] =	vst v63  }
0x59: {  	_ =	swait.ge [sflag:s0], $0x2000  }
0x5a: {  	[sflag:s0] =	ssyncset.done $0x0  }
0x5b: {  	s9 =	simm.s32 @!p1 $0x13D00;
	[sflag:s0] =	ssyncadd.s32 $0xFFFFE000  }
0x5c: {  	[spmem:s30] =	stream.linear.scatter @!p1 [tilespmem:s9], [sflag:$0x9], $0x800, $0x38;
	[tilespmem:$0x1C900] =	vst v63  }
0x5d: {  	s9 =	simm.s32 @!p1 $0x9  }
0x5e: {  	_ =	swait.ge @!p1 [sflag:s9], $0x800  }
0x5f: {  	[sflag:s9] =	ssyncset.done @!p1 $0x0  }
0x60: {  	[sflag:s9] =	ssyncadd.s32 @!p1 $0xFFFFF800  }
0x61: {  	[bflag:$0x0] =	sbarrier.arrive $0xFFFF  }
0x62: {  	s21 =	rddreg [dreg:$0xc]  }
0x63: {  	[tilespmem:s4], [sflag:$0x9] =	stream.linear.gather [hbm4b:s21+s5], $0x50, $0x38;
	[tilespmem:$0x1C900] =	vst v63  }
0x64: {  	_ =	swait.ge [sflag:s0], $0x50  }
0x65: {  	[sflag:s0] =	ssyncset.done $0x0  }
0x66: {  	s28 =	rddreg [dreg:$0xd];
	[sflag:s0] =	ssyncadd.s32 $0xFFFFFFB0  }
0x67: {  	[tilespmem:s6], [sflag:$0x9] =	stream.linear.gather [hbm4b:s28+s5], $0x50, $0x38;
	[tilespmem:$0x1C900] =	vst v63  }
0x68: {  	_ =	swait.ge [sflag:s0], $0x50  }
0x69: {  	[sflag:s0] =	ssyncset.done $0x0  }
0x6a: {  	[sflag:s0] =	ssyncadd.s32 $0xFFFFFFB0  }
0x6b: {  	[tilespmem:s31], [sflag:$0x1] =	stream.indirect.gather [hbm4b:s1+s10], $0x80, s4, s10, $0xb8;
	[tilespmem:$0x1C900] =	vst v63  }
0x6c: {  	s29 =	rddreg [dreg:$0xf]  }
0x6d: {  	[tilespmem:s11], [sflag:$0x5] =	stream.linear.gather [hbm4b:s29+s5], $0x50, $0x38;
	[tilespmem:$0x1C900] =	vst v63  }
0x6e: {  	s21 =	rddreg [dreg:$0x10]  }
0x6f: {  	[tilespmem:s12], [sflag:$0x6] =	stream.linear.gather [hbm4b:s21+s5], $0x50, $0x38;
	[tilespmem:$0x1C900] =	vst v63  }
0x70: {  	_ =	swait.ge [sflag:s13], $0x50  }
0x71: {  	[sflag:s13] =	ssyncset.done $0x0  }
0x72: {  	[sflag:s13] =	ssyncadd.s32 $0xFFFFFFB0  }
0x73: {  	_ =	swait.ge [sflag:s14], $0x50  }
0x74: {  	[sflag:s14] =	ssyncset.done $0x0  }
0x75: {  	[sflag:s14] =	ssyncadd.s32 $0xFFFFFFB0  }
0x76: {  	[tilespmem:s15], [sflag:$0x2] =	stream.indirect.gather [hbm4b:s1+s10], $0x80, s11, s10, $0xb8;
	[tilespmem:$0x1C900] =	vst v63  }
0x77: {  	_ =	swait.ge [sflag:s16], $0x2800  }
0x78: {  	[sflag:s16] =	ssyncset.done $0x0  }
0x79: {  	s28 =	sadd.s32 $0xFFFFD940, s19;
	[sflag:s16] =	ssyncadd.s32 $0xFFFFD800  }
0x7a: {  	[spmem:s3] =	stream.indirect.scatter.add.f32 [tilespmem:s31], [sflag:$0x9], $0x80, s6, s10, $0xb8;
	[tilespmem:$0x1C900] =	vst v63  }
0x7b: {  	s21 =	sadd.s32 $0x2760, s28;
	_ =	swait.ge [sflag:s0], $0x2800  }
0x7c: {  	s21 =	sshrl.u32 s21, $0x3;
	[sflag:s0] =	ssyncset.done $0x0  }
0x7d: {  	s29 =	sadd.s32 s8, s21;
	[sflag:s0] =	ssyncadd.s32 $0xFFFFD800  }
0x7e: {  	[tilespmem:s4], [sflag:$0x3] =	stream.linear.gather [hbm4b:s29+s5], $0x50, $0x38;
	[tilespmem:$0x1C900] =	vst v63  }
0x7f: {  	s21 =	sadd.s32 s2, s21  }
0x80: {  	[tilespmem:s6], [sflag:$0x4] =	stream.linear.gather [hbm4b:s21+s5], $0x50, $0x38;
	[tilespmem:$0x1C900] =	vst v63  }
0x81: {  	_ =	swait.ge [sflag:s17], $0x2800  }
0x82: {  	s9 =	sadd.s32 $0x27B0, s28;
	[sflag:s17] =	ssyncset.done $0x0  }
0x83: {  	p3 =	slt.s32 s9, $0x4E1B0;
	[sflag:s17] =	ssyncadd.s32 $0xFFFFD800  }
0x84: {  	[spmem:s3] =	stream.indirect.scatter.add.f32 [tilespmem:s15], [sflag:$0x9], $0x80, s12, s10, $0xb8;
	[tilespmem:$0x1C900] =	vst v63  }
0x85: {  	s9 =	simm.s32 @!p3 $0x4E1B0;
	_ =	swait.ge [sflag:s0], $0x2800  }
0x86: {  	s9 =	sshrl.u32 s9, $0x3;
	[sflag:s0] =	ssyncset.done $0x0  }
0x87: {  	s29 =	sadd.s32 s8, s9;
	[sflag:s0] =	ssyncadd.s32 $0xFFFFD800  }
0x88: {  	[tilespmem:s11], [sflag:$0x5] =	stream.linear.gather [hbm4b:s29+s5], $0x50, $0x38;
	[tilespmem:$0x1C900] =	vst v63  }
0x89: {  	s9 =	sadd.s32 s2, s9  }
0x8a: {  	[tilespmem:s12], [sflag:$0x6] =	stream.linear.gather [hbm4b:s9+s5], $0x50, $0x38;
	[tilespmem:$0x1C900] =	vst v63  }
0x8b: {  	_ =	swait.ge [sflag:s18], $0x50  }
0x8c: {  	[sflag:s18] =	ssyncset.done $0x0  }
0x8d: {  	[sflag:s18] =	ssyncadd.s32 $0xFFFFFFB0  }
0x8e: {  	_ =	swait.ge [sflag:s20], $0x50  }
0x8f: {  	[sflag:s20] =	ssyncset.done $0x0  }
0x90: {  	s30 =	simm.s32 $0xFFFFD9E0;
	[sflag:s20] =	ssyncadd.s32 $0xFFFFFFB0  }
.LBB2_6:
0x91: {  	[tilespmem:s31], [sflag:$0x1] =	stream.indirect.gather [hbm4b:s1+s10], $0x80, s4, s10, $0xb8;
	[tilespmem:$0x1C900] =	vst v63  }
0x92: {  	s9 =	smov.u32 s30  }
0x93: {  	p3 =	sne.s32 s30, $0xFFFFFF60;
	s30 =	sadd.s32 $0xA0, s30;
	_ =	swait.ge [sflag:s13], $0x50  }
0x94: {  	[sflag:s13] =	ssyncset.done $0x0  }
0x95: {  	[sflag:s13] =	ssyncadd.s32 $0xFFFFFFB0  }
0x96: {  	_ =	swait.ge [sflag:s14], $0x50  }
0x97: {  	[sflag:s14] =	ssyncset.done $0x0  }
0x98: {  	[sflag:s14] =	ssyncadd.s32 $0xFFFFFFB0  }
0x99: {  	[tilespmem:s15], [sflag:$0x2] =	stream.indirect.gather [hbm4b:s1+s10], $0x80, s11, s10, $0xb8;
	[tilespmem:$0x1C900] =	vst v63  }
0x9a: {  	_ =	swait.ge [sflag:s16], $0x2800  }
0x9b: {  	[sflag:s16] =	ssyncset.done $0x0  }
0x9c: {  	s9 =	sadd.s32 s9, s19;
	[sflag:s16] =	ssyncadd.s32 $0xFFFFD800  }
0x9d: {  	[spmem:s3] =	stream.indirect.scatter.add.f32 [tilespmem:s31], [sflag:$0x9], $0x80, s6, s10, $0xb8;
	[tilespmem:$0x1C900] =	vst v63  }
0x9e: {  	s21 =	sadd.s32 $0x2760, s9;
	s9 =	sadd.s32 $0x27B0, s9;
	_ =	swait.ge [sflag:s0], $0x2800  }
0x9f: {  	s21 =	sshrl.u32 s21, $0x3;
	p4 =	slt.s32 s9, $0x4E1B0;
	[sflag:s0] =	ssyncset.done $0x0  }
0xa0: {  	s29 =	sadd.s32 s8, s21;
	s9 =	simm.s32 @!p4 $0x4E1B0;
	[sflag:s0] =	ssyncadd.s32 $0xFFFFD800  }
0xa1: {  	[tilespmem:s4], [sflag:$0x3] =	stream.linear.gather [hbm4b:s29+s5], $0x50, $0x38;
	[tilespmem:$0x1C900] =	vst v63  }
0xa2: {  	s21 =	sadd.s32 s2, s21;
	s9 =	sshrl.u32 s9, $0x3  }
0xa3: {  	[tilespmem:s6], [sflag:$0x4] =	stream.linear.gather [hbm4b:s21+s5], $0x50, $0x38;
	[tilespmem:$0x1C900] =	vst v63  }
0xa4: {  	_ =	swait.ge [sflag:s17], $0x2800  }
0xa5: {  	[sflag:s17] =	ssyncset.done $0x0  }
0xa6: {  	[sflag:s17] =	ssyncadd.s32 $0xFFFFD800  }
0xa7: {  	[spmem:s3] =	stream.indirect.scatter.add.f32 [tilespmem:s15], [sflag:$0x9], $0x80, s12, s10, $0xb8;
	[tilespmem:$0x1C900] =	vst v63  }
0xa8: {  	_ =	swait.ge [sflag:s0], $0x2800  }
0xa9: {  	[sflag:s0] =	ssyncset.done $0x0  }
0xaa: {  	s21 =	sadd.s32 s8, s9;
	[sflag:s0] =	ssyncadd.s32 $0xFFFFD800  }
0xab: {  	[tilespmem:s11], [sflag:$0x5] =	stream.linear.gather [hbm4b:s21+s5], $0x50, $0x38;
	[tilespmem:$0x1C900] =	vst v63  }
0xac: {  	s9 =	sadd.s32 s2, s9  }
0xad: {  	[tilespmem:s12], [sflag:$0x6] =	stream.linear.gather [hbm4b:s9+s5], $0x50, $0x38;
	[tilespmem:$0x1C900] =	vst v63  }
0xae: {  	_ =	swait.ge [sflag:s18], $0x50  }
.Ltmp2:
0xaf: {  	[sflag:s18] =	ssyncset.done $0x0;
	(pc) =	sbr.rel @p3 .LBB2_6-.Ltmp2, $4  }
0xb0: {  	[sflag:s18] =	ssyncadd.s32 $0xFFFFFFB0  }
0xb1: {  	_ =	swait.ge [sflag:s20], $0x50  }
0xb2: {  	[sflag:s20] =	ssyncset.done $0x0  }
0xb3: {  	[sflag:s20] =	ssyncadd.s32 $0xFFFFFFB0  }
0xb4: {  	[tilespmem:s31], [sflag:$0x1] =	stream.indirect.gather [hbm4b:s1+s10], $0x80, s4, s10, $0xb8;
	[tilespmem:$0x1C900] =	vst v63  }
0xb5: {  	_ =	swait.ge [sflag:s13], $0x50  }
0xb6: {  	[sflag:s13] =	ssyncset.done $0x0  }
0xb7: {  	[sflag:s13] =	ssyncadd.s32 $0xFFFFFFB0  }
0xb8: {  	_ =	swait.ge [sflag:s14], $0x50  }
0xb9: {  	[sflag:s14] =	ssyncset.done $0x0  }
0xba: {  	[sflag:s14] =	ssyncadd.s32 $0xFFFFFFB0  }
0xbb: {  	_ =	swait.ge [sflag:s16], $0x2800  }
0xbc: {  	[sflag:s16] =	ssyncset.done $0x0  }
0xbd: {  	[sflag:s16] =	ssyncadd.s32 $0xFFFFD800  }
0xbe: {  	[spmem:s3] =	stream.indirect.scatter.add.f32 [tilespmem:s31], [sflag:$0x9], $0x80, s6, s10, $0xb8;
	[tilespmem:$0x1C900] =	vst v63  }
0xbf: {  	_ =	swait.ge [sflag:s0], $0x2800  }
0xc0: {  	[sflag:s0] =	ssyncset.done $0x0  }
0xc1: {  	s30 =	simm.s32 $0x0;
	s9 =	rddreg [dreg:$0x11];
	[sflag:s0] =	ssyncadd.s32 $0xFFFFD800  }
0xc2: {  	[tilespmem:s22], [sflag:$0x7] =	stream.linear.gather [hbm4b:s9+s30], $0x7D0, $0x38;
	[tilespmem:$0x1C900] =	vst v63  }
0xc3: {  	s29 =	rddreg [dreg:$0x19]  }
0xc4: {  	[tilespmem:s23], [sflag:$0x8] =	stream.linear.gather [hbm4b:s29+s30], $0x7D0, $0x38;
	[tilespmem:$0x1C900] =	vst v63  }
.LBB2_8:
0xc5: {  	_ =	swait.ge [sflag:s24], $0x7D0  }
0xc6: {  	[sflag:s24] =	ssyncset.done $0x0  }
0xc7: {  	s29 =	simm.s32 $0x0;
	s21 =	simm.s32 $0x40;
	[sflag:s24] =	ssyncadd.s32 $0xFFFFF830  }
.LBB2_9:
0xc8: {  	p3 =	sne.s32 s21, $0x1F00;
	v4 =	vld [tilespmem:s29+$0x1B500];
	_ =	sdelay $0x4  }
0xc9: {  	v5 =	vsub.s32 v4, v0  }
0xca: {  	v6 =	vadd.s32 v2, v5  }
0xcb: {  	v4 =	vand.u32 $0x7F, v4;
	vm0 =	vlt.u32 v5, $0x280;
	v5 =	vand.u32 $0xFFFFFF80, v6  }
0xcc: {  	v4 =	vor.u32 v4, v5  }
.Ltmp3:
0xcd: {  	(pc) =	sbr.rel @p3 .LBB2_9-.Ltmp3, $2  }
0xce: {  	_ =	sdelay $0x2  }
0xcf: {  	s29 =	sshra.s32 s21, $0x2;
	s21 =	sadd.s32 $0x40, s21;
	[tilespmem:v4+s25+$0x0] =	vst.idx.add.f32.msk vm0, v3  }
0xd0: {  	v4 =	vld [tilespmem:s29+$0x1B500];
	s21 =	sshll.u32 s30, $0x1  }
0xd1: {  	s9 =	smin.u32 s21, $0x4D  }
0xd2: {  	s9 =	smul.u32 $0x7D0, s9;
	_ =	sdelay $0x1  }
0xd3: {  	s9 =	sadd.s32 $0xFA0, s9  }
0xd4: {  	v5 =	vsub.s32 v4, v0;
	s29 =	smulhi.u32 $0x68DB9, s9  }
0xd5: {  	v6 =	vadd.s32 v2, v5  }
0xd6: {  	v4 =	vand.u32 $0x7F, v4;
	vm0 =	vlt.u32 v5, $0x280;
	v5 =	vand.u32 $0xFFFFFF80, v6;
	s28 =	sshll.u32 s29, $0x1;
	s29 =	ssub.s32 s7, s29  }
0xd7: {  	v4 =	vor.u32 v4, v5;
	s28 =	sadd.s32 s28, s29  }
0xd8: {  	s28 =	smul.u32 $0x2710, s28;
	_ =	sdelay $0x1  }
0xd9: {  	s9 =	sadd.s32 s9, s28  }
0xda: {  	s9 =	sshrl.u32 s9, $0x3  }
0xdb: {  	s28 =	simm.s32 $0x0;
	[tilespmem:v4+s25+$0x0] =	vst.idx.add.f32.msk vm0, v3;
	s9 =	sadd.s32 s2, s9  }
0xdc: {  	[tilespmem:s22], [sflag:$0x7] =	stream.linear.gather [hbm4b:s9+s28], $0x7D0, $0x38;
	[tilespmem:$0x1C900] =	vst v63  }
0xdd: {  	_ =	swait.ge [sflag:s26], $0x7D0  }
0xde: {  	[sflag:s26] =	ssyncset.done $0x0  }
0xdf: {  	s29 =	simm.s32 $0x40;
	s9 =	simm.s32 $0x0;
	[sflag:s26] =	ssyncadd.s32 $0xFFFFF830  }
.LBB2_11:
0xe0: {  	p3 =	sne.s32 s29, $0x1F00;
	v4 =	vld [tilespmem:s9+$0x1BD00];
	_ =	sdelay $0x4  }
0xe1: {  	v5 =	vsub.s32 v4, v0  }
0xe2: {  	v6 =	vadd.s32 v2, v5  }
0xe3: {  	v4 =	vand.u32 $0x7F, v4;
	vm0 =	vlt.u32 v5, $0x280;
	v5 =	vand.u32 $0xFFFFFF80, v6  }
0xe4: {  	v4 =	vor.u32 v4, v5  }
.Ltmp4:
0xe5: {  	(pc) =	sbr.rel @p3 .LBB2_11-.Ltmp4, $2  }
0xe6: {  	_ =	sdelay $0x2  }
0xe7: {  	s9 =	sshra.s32 s29, $0x2;
	s29 =	sadd.s32 $0x40, s29;
	[tilespmem:v4+s25+$0x0] =	vst.idx.add.f32.msk vm0, v3  }
0xe8: {  	v4 =	vld [tilespmem:s9+$0x1BD00]  }
0xe9: {  	s28 =	smin.u32 s21, $0x4C  }
0xea: {  	s9 =	smul.u32 $0x7D0, s28;
	_ =	sdelay $0x1  }
0xeb: {  	s9 =	sadd.s32 $0x1770, s9  }
0xec: {  	s29 =	smulhi.u32 $0x68DB9, s9;
	v5 =	vsub.s32 v4, v0  }
0xed: {  	v6 =	vadd.s32 v2, v5  }
0xee: {  	v4 =	vand.u32 $0x7F, v4;
	vm0 =	vlt.u32 v5, $0x280;
	s28 =	sshll.u32 s29, $0x1;
	s21 =	ssub.s32 s7, s29;
	v5 =	vand.u32 $0xFFFFFF80, v6  }
0xef: {  	s30 =	sadd.s32 $0x1, s30;
	s21 =	sadd.s32 s28, s21;
	v4 =	vor.u32 v4, v5  }
0xf0: {  	p3 =	sne.s32 s30, $0x28;
	s21 =	smul.u32 $0x2710, s21  }
.Ltmp5:
0xf1: {  	_ = 	snop;
	(pc) =	sbr.rel @p3 .LBB2_8-.Ltmp5, $4  }
0xf2: {  	s9 =	sadd.s32 s9, s21  }
0xf3: {  	s9 =	sshrl.u32 s9, $0x3  }
0xf4: {  	s9 =	sadd.s32 s2, s9;
	[tilespmem:v4+s25+$0x0] =	vst.idx.add.f32.msk vm0, v3  }
0xf5: {  	[tilespmem:s23], [sflag:$0x8] =	stream.linear.gather [hbm4b:s9+s5], $0x7D0, $0x38;
	[tilespmem:$0x1C900] =	vst v63  }
0xf6: {  	_ =	swait.ge [sflag:s24], $0x7D0  }
0xf7: {  	[sflag:s24] =	ssyncset.done $0x0  }
0xf8: {  	[sflag:s24] =	ssyncadd.s32 $0xFFFFF830  }
0xf9: {  	_ =	swait.ge [sflag:s26], $0x7D0  }
0xfa: {  	[sflag:s26] =	ssyncset.done $0x0  }
0xfb: {  	[sflag:s26] =	ssyncadd.s32 $0xFFFFF830  }
0xfc: {  	v36 =	vld [tilespmem:$0x18D00]  }
0xfd: {  	v23 =	vld [tilespmem:$0x18F80]  }
0xfe: {  	v27 =	vld [tilespmem:$0x19200]  }
0xff: {  	v30 =	vld [tilespmem:$0x19480]  }
0x100: {  	v33 =	vld [tilespmem:$0x19700]  }
0x101: {  	v35 =	vld [tilespmem:$0x19980]  }
0x102: {  	v38 =	vld [tilespmem:$0x19C00]  }
0x103: {  	v39 =	vld [tilespmem:$0x19E80]  }
0x104: {  	v40 =	vld [tilespmem:$0x1A100]  }
0x105: {  	v41 =	vld [tilespmem:$0x1A380]  }
0x106: {  	v4 =	vld [tilespmem:$0x1A600]  }
0x107: {  	v29 =	vld [tilespmem:$0x18D10]  }
0x108: {  	v32 =	vld [tilespmem:$0x18F90]  }
0x109: {  	v44 =	vld [tilespmem:$0x19210]  }
0x10a: {  	v45 =	vld [tilespmem:$0x19490]  }
0x10b: {  	v46 =	vld [tilespmem:$0x19710]  }
0x10c: {  	v47 =	vld [tilespmem:$0x19990]  }
0x10d: {  	v48 =	vld [tilespmem:$0x19C10]  }
0x10e: {  	v49 =	vld [tilespmem:$0x19E90]  }
0x10f: {  	v50 =	vld [tilespmem:$0x1A110]  }
0x110: {  	v51 =	vld [tilespmem:$0x1A390]  }
0x111: {  	v52 =	vld [tilespmem:$0x1A610]  }
0x112: {  	v53 =	vld [tilespmem:$0x1A890]  }
0x113: {  	v5 =	vld [tilespmem:$0x19730]  }
0x114: {  	v54 =	vld [tilespmem:$0x1AB10]  }
0x115: {  	v55 =	vld [tilespmem:$0x1AD90]  }
0x116: {  	v57 =	vld [tilespmem:$0x18D20]  }
0x117: {  	v58 =	vld [tilespmem:$0x18FA0]  }
0x118: {  	[tilespmem:$0x1EDA0] =	vst v5;
	v5 =	vld [tilespmem:$0x199B0]  }
0x119: {  	v59 =	vld [tilespmem:$0x19220]  }
0x11a: {  	v60 =	vld [tilespmem:$0x194A0]  }
0x11b: {  	v61 =	vld [tilespmem:$0x19720]  }
0x11c: {  	v62 =	vld [tilespmem:$0x199A0]  }
0x11d: {  	[tilespmem:$0x1EDB0] =	vst v5;
	v5 =	vld [tilespmem:$0x19C30]  }
0x11e: {  	v63 =	vld [tilespmem:$0x19C20]  }
0x11f: {  	v6 =	vld [tilespmem:$0x1A120]  }
0x120: {  	v8 =	vld [tilespmem:$0x1A3A0]  }
0x121: {  	v9 =	vld [tilespmem:$0x1A620]  }
0x122: {  	[tilespmem:$0x1EDC0] =	vst v5;
	v5 =	vld [tilespmem:$0x19EB0]  }
0x123: {  	v12 =	vld [tilespmem:$0x1A8A0]  }
0x124: {  	v16 =	vld [tilespmem:$0x1AB20]  }
0x125: {  	v19 =	vld [tilespmem:$0x1ADA0]  }
0x126: {  	v22 =	vld [tilespmem:$0x1B020]  }
0x127: {  	[tilespmem:$0x1EDE0] =	vst v5;
	v5 =	vld [tilespmem:$0x1A130]  }
0x128: {  	v31 =	vld [tilespmem:$0x1B2A0]  }
0x129: {  	v25 =	vld [tilespmem:$0x18D30]  }
0x12a: {  	v24 =	vld [tilespmem:$0x18FB0]  }
0x12b: {  	v28 =	vld [tilespmem:$0x19230]  }
0x12c: {  	[tilespmem:$0x1EE00] =	vst v5;
	v5 =	vld [tilespmem:$0x1A3B0]  }
0x12d: {  	v42 =	vld [tilespmem:$0x194B0]  }
0x12e: {  	v13 =	vld [tilespmem:$0x18D40]  }
0x12f: {  	v11 =	vld [tilespmem:$0x18FC0]  }
0x130: {  	v15 =	vld [tilespmem:$0x19240]  }
0x131: {  	[tilespmem:$0x1EE20] =	vst v5;
	v5 =	vld [tilespmem:$0x1A630]  }
0x132: {  	v18 =	vld [tilespmem:$0x194C0]  }
0x133: {  	v26 =	vld [tilespmem:$0x19740]  }
0x134: {  	v37 =	vld [tilespmem:$0x199C0]  }
0x135: {  	v20 =	vld [tilespmem:$0x18FD0]  }
0x136: {  	[tilespmem:$0x1EE40] =	vst v5;
	v5 =	vld [tilespmem:$0x1A8B0]  }
0x137: {  	v7 =	vld [tilespmem:$0x19250]  }
0x138: {  	v10 =	vld [tilespmem:$0x194D0]  }
0x139: {  	v14 =	vld [tilespmem:$0x19750]  }
0x13a: {  	v17 =	vld [tilespmem:$0x199D0]  }
0x13b: {  	[tilespmem:$0x1EE70] =	vst v5;
	v5 =	vld [tilespmem:$0x1AB30]  }
0x13c: {  	v21 =	vld [tilespmem:$0x19C50]  }
0x13d: {  	[tilespmem:$0x1ED20] =	vst v4;
	v4 =	vld [tilespmem:$0x1A880]  }
0x13e: {  	v34 =	vld [tilespmem:$0x19ED0]  }
0x13f: {  	v43 =	vld [tilespmem:$0x1A150]  }
0x140: {  	[tilespmem:$0x1EE90] =	vst v5;
	v5 =	vld [tilespmem:$0x1ADB0]  }
0x141: {  	v56 =	vld [tilespmem:$0x1A3D0]  }
0x142: {  	[tilespmem:$0x1ED30] =	vst v4;
	v4 =	vld [tilespmem:$0x1AB00]  }
0x143: {  	v23 =	vadd.f32 v23, v36;
	v36 =	vld [tilespmem:$0x1A650]  }
0x144: {  	v29 =	vadd.f32 v32, v29;
	v32 =	vld [tilespmem:$0x1A8D0]  }
0x145: {  	[tilespmem:$0x1EEB0] =	vst v5;
	v5 =	vld [tilespmem:$0x1B030]  }
0x146: {  	v58 =	vadd.f32 v58, v57;
	v57 =	vld [tilespmem:$0x1AB50]  }
0x147: {  	[tilespmem:$0x1ED40] =	vst v4;
	v4 =	vld [tilespmem:$0x1AD80]  }
0x148: {  	[tilespmem:$0x1EE50] =	vst v56;
	v56 =	vld [tilespmem:$0x1B060]  }
0x149: {  	v23 =	vadd.f32 v27, v23;
	v27 =	vld [tilespmem:$0x1ADD0]  }
0x14a: {  	[tilespmem:$0x1EED0] =	vst v5;
	v5 =	vld [tilespmem:$0x1B2B0]  }
0x14b: {  	v58 =	vadd.f32 v59, v58;
	v59 =	vld [tilespmem:$0x19760]  }
0x14c: {  	v29 =	vadd.f32 v44, v29;
	[tilespmem:$0x1ED50] =	vst v4;
	v4 =	vld [tilespmem:$0x1B000]  }
0x14d: {  	v30 =	vadd.f32 v30, v23;
	v23 =	vld [tilespmem:$0x1B050]  }
0x14e: {  	v29 =	vadd.f32 v45, v29;
	v45 =	vld [tilespmem:$0x18D60]  }
0x14f: {  	[tilespmem:$0x1EEF0] =	vst v5;
	v5 =	vld [tilespmem:$0x19C40]  }
0x150: {  	v60 =	vadd.f32 v60, v58;
	v58 =	vld [tilespmem:$0x19260]  }
0x151: {  	[tilespmem:$0x1ED60] =	vst v4;
	v4 =	vld [tilespmem:$0x1B280]  }
0x152: {  	v29 =	vadd.f32 v46, v29;
	v46 =	vld [tilespmem:$0x18FE0]  }
0x153: {  	v30 =	vadd.f32 v33, v30;
	v33 =	vadd.f32 v61, v60;
	v60 =	vld [tilespmem:$0x199F0]  }
0x154: {  	[tilespmem:$0x1EDD0] =	vst v5;
	v5 =	vld [tilespmem:$0x19EC0]  }
0x155: {  	v29 =	vadd.f32 v47, v29;
	v47 =	vld [tilespmem:$0x194E0]  }
0x156: {  	[tilespmem:$0x1ED80] =	vst v4;
	v4 =	vld [tilespmem:$0x1B010]  }
0x157: {  	v33 =	vadd.f32 v62, v33;
	v62 =	vld [tilespmem:$0x1ED20]  }
0x158: {  	v30 =	vadd.f32 v35, v30;
	v29 =	vadd.f32 v48, v29;
	v48 =	vld [tilespmem:$0x199E0]  }
0x159: {  	[tilespmem:$0x1EDF0] =	vst v5;
	v5 =	vld [tilespmem:$0x1A140]  }
0x15a: {  	v30 =	vadd.f32 v38, v30;
	v33 =	vadd.f32 v63, v33;
	v63 =	vld [tilespmem:$0x1ED30]  }
0x15b: {  	[tilespmem:$0x1ED70] =	vst v4;
	v4 =	vld [tilespmem:$0x1B290]  }
0x15c: {  	v30 =	vadd.f32 v39, v30;
	v39 =	vld [tilespmem:$0x19C60]  }
0x15d: {  	v29 =	vadd.f32 v49, v29;
	v49 =	vld [tilespmem:$0x19EE0]  }
0x15e: {  	[tilespmem:$0x1EE10] =	vst v5;
	v5 =	vld [tilespmem:$0x1A3C0]  }
0x15f: {  	v30 =	vadd.f32 v40, v30;
	v40 =	vld [tilespmem:$0x1A160]  }
0x160: {  	[tilespmem:$0x1ED90] =	vst v4;
	v4 =	vld [tilespmem:$0x19EA0]  }
0x161: {  	v29 =	vadd.f32 v50, v29;
	v50 =	vld [tilespmem:$0x1A3E0]  }
0x162: {  	v30 =	vadd.f32 v41, v30;
	v41 =	vld [tilespmem:$0x1A660]  }
0x163: {  	[tilespmem:$0x1EE30] =	vst v5;
	v5 =	vld [tilespmem:$0x1A640]  }
0x164: {  	v61 =	vadd.f32 v51, v29;
	v29 =	vld [tilespmem:$0x1A8E0]  }
0x165: {  	v51 =	vld [tilespmem:$0x1AB60];
	v4 =	vadd.f32 v4, v33  }
0x166: {  	v30 =	vadd.f32 v62, v30;
	v62 =	vadd.f32 v24, v25;
	v25 =	vld [tilespmem:$0x1EDA0]  }
0x167: {  	v35 =	vld [tilespmem:$0x1ED60];
	v4 =	vadd.f32 v6, v4  }
0x168: {  	[tilespmem:$0x1EE60] =	vst v5;
	v5 =	vld [tilespmem:$0x1A8C0]  }
0x169: {  	v33 =	vld [tilespmem:$0x1ED50];
	v4 =	vadd.f32 v8, v4  }
0x16a: {  	v6 =	vadd.f32 v52, v61;
	v52 =	vld [tilespmem:$0x1ADE0]  }
0x16b: {  	v61 =	vld [tilespmem:$0x1ED90];
	v4 =	vadd.f32 v9, v4  }
0x16c: {  	v8 =	vadd.f32 v63, v30;
	v6 =	vadd.f32 v53, v6;
	v30 =	vld [tilespmem:$0x1ED40]  }
0x16d: {  	v4 =	vadd.f32 v12, v4;
	[tilespmem:$0x1EE80] =	vst v5;
	v5 =	vld [tilespmem:$0x1AB40]  }
0x16e: {  	v6 =	vadd.f32 v54, v6;
	v54 =	vld [tilespmem:$0x18FF0]  }
0x16f: {  	v12 =	vld [tilespmem:$0x18D70];
	v4 =	vadd.f32 v16, v4  }
0x170: {  	v16 =	vld [tilespmem:$0x19270]  }
0x171: {  	v38 =	vadd.f32 v19, v4;
	v4 =	vld [tilespmem:$0x1ED70]  }
0x172: {  	[tilespmem:$0x1EEA0] =	vst v5;
	v5 =	vld [tilespmem:$0x1ADC0]  }
0x173: {  	v53 =	vld [tilespmem:$0x1B2E0]  }
0x174: {  	v6 =	vadd.f32 v55, v6;
	v55 =	vld [tilespmem:$0x194F0]  }
0x175: {  	v8 =	vadd.f32 v30, v8;
	v19 =	vld [tilespmem:$0x19770];
	v12 =	vadd.f32 v54, v12  }
0x176: {  	v6 =	vadd.f32 v4, v6;
	v4 =	vld [tilespmem:$0x1ED80]  }
0x177: {  	v8 =	vadd.f32 v33, v8;
	v12 =	vadd.f32 v16, v12;
	[tilespmem:$0x1EEC0] =	vst v5;
	v5 =	vld [tilespmem:$0x1B040]  }
0x178: {  	v63 =	vadd.f32 v46, v45;
	v46 =	vld [tilespmem:$0x1EE00];
	v9 =	vadd.f32 v22, v38  }
0x179: {  	v8 =	vadd.f32 v35, v8;
	v54 =	vld [tilespmem:$0x19A20];
	v12 =	vadd.f32 v55, v12  }
0x17a: {  	v9 =	vadd.f32 v31, v9;
	v31 =	vld [tilespmem:$0x1EDC0]  }
0x17b: {  	v55 =	vld [tilespmem:$0x19C90];
	v12 =	vadd.f32 v19, v12;
	v4 =	vadd.f32 v4, v8  }
0x17c: {  	v8 =	vadd.f32 v61, v6;
	v6 =	vadd.f32 v28, v62;
	[tilespmem:$0x1EEE0] =	vst v5;
	v5 =	vld [tilespmem:$0x1B2C0]  }
0x17d: {  	v11 =	vadd.f32 v11, v13;
	v28 =	vld [tilespmem:$0x1EDB0]  }
0x17e: {  	v12 =	vadd.f32 v60, v12;
	v60 =	vld [tilespmem:$0x1A1A0];
	v6 =	vadd.f32 v42, v6  }
0x17f: {  	v62 =	vld [tilespmem:$0x1EE70]  }
0x180: {  	v11 =	vadd.f32 v15, v11;
	v42 =	vld [tilespmem:$0x1EDE0];
	v15 =	vadd.f32 v25, v6  }
0x181: {  	[tilespmem:$0x1EF00] =	vst v5;
	v5 =	vld [tilespmem:$0x18D50]  }
0x182: {  	v45 =	vld [tilespmem:$0x1EDF0];
	v15 =	vadd.f32 v28, v15  }
0x183: {  	v25 =	vld [tilespmem:$0x19780]  }
0x184: {  	v28 =	vld [tilespmem:$0x19C80];
	v15 =	vadd.f32 v31, v15  }
0x185: {  	v31 =	vld [tilespmem:$0x19F00]  }
0x186: {  	v15 =	vadd.f32 v42, v15;
	v42 =	vld [tilespmem:$0x18D90];
	v5 =	vadd.f32 v20, v5  }
0x187: {  	v18 =	vadd.f32 v18, v11;
	v61 =	vld [tilespmem:$0x1EE60]  }
0x188: {  	v15 =	vadd.f32 v46, v15;
	v46 =	vld [tilespmem:$0x1EEA0];
	v5 =	vadd.f32 v7, v5  }
0x189: {  	v20 =	vadd.f32 v58, v63;
	v58 =	vld [tilespmem:$0x1EE40]  }
0x18a: {  	v63 =	vld [tilespmem:$0x1EE80];
	v7 =	vadd.f32 v26, v18;
	v10 =	vadd.f32 v10, v5  }
0x18b: {  	v11 =	vadd.f32 v47, v20;
	v20 =	vld [tilespmem:$0x19280]  }
0x18c: {  	v7 =	vadd.f32 v37, v7;
	v37 =	vld [tilespmem:$0x1EDD0];
	v10 =	vadd.f32 v14, v10  }
0x18d: {  	v26 =	vld [tilespmem:$0x19A00];
	v11 =	vadd.f32 v59, v11  }
0x18e: {  	v47 =	vld [tilespmem:$0x1EE10];
	v10 =	vadd.f32 v17, v10  }
0x18f: {  	v11 =	vadd.f32 v48, v11;
	v48 =	vld [tilespmem:$0x1EE20]  }
0x190: {  	v59 =	vld [tilespmem:$0x1EE50];
	v10 =	vadd.f32 v21, v10  }
0x191: {  	v14 =	vld [tilespmem:$0x18D80];
	v11 =	vadd.f32 v39, v11;
	v7 =	vadd.f32 v37, v7  }
0x192: {  	v17 =	vld [tilespmem:$0x19000];
	v10 =	vadd.f32 v34, v10  }
0x193: {  	v11 =	vadd.f32 v49, v11;
	v49 =	vld [tilespmem:$0x1EE30];
	v7 =	vadd.f32 v45, v7  }
0x194: {  	v39 =	vld [tilespmem:$0x1A680];
	v15 =	vadd.f32 v48, v15;
	v10 =	vadd.f32 v43, v10  }
0x195: {  	v21 =	vld [tilespmem:$0x19500];
	v11 =	vadd.f32 v40, v11;
	v7 =	vadd.f32 v47, v7  }
0x196: {  	v45 =	vld [tilespmem:$0x1EE90];
	v15 =	vadd.f32 v58, v15;
	v10 =	vadd.f32 v59, v10  }
0x197: {  	v48 =	vld [tilespmem:$0x1EEC0];
	v14 =	vadd.f32 v17, v14;
	v11 =	vadd.f32 v50, v11  }
0x198: {  	v47 =	vld [tilespmem:$0x1EEB0];
	v7 =	vadd.f32 v49, v7;
	v10 =	vadd.f32 v36, v10  }
0x199: {  	v50 =	vld [tilespmem:$0x19010];
	v15 =	vadd.f32 v62, v15;
	v14 =	vadd.f32 v20, v14  }
0x19a: {  	v49 =	vld [tilespmem:$0x1EED0];
	v11 =	vadd.f32 v41, v11;
	v10 =	vadd.f32 v32, v10  }
0x19b: {  	v59 =	vld [tilespmem:$0x19020];
	v7 =	vadd.f32 v61, v7;
	v15 =	vadd.f32 v45, v15  }
0x19c: {  	v14 =	vadd.f32 v21, v14;
	v10 =	vadd.f32 v57, v10;
	v57 =	vld [tilespmem:$0x18DA0]  }
0x19d: {  	v58 =	vld [tilespmem:$0x1EEF0];
	v11 =	vadd.f32 v29, v11;
	v7 =	vadd.f32 v63, v7  }
0x19e: {  	v15 =	vadd.f32 v47, v15;
	v63 =	vld [tilespmem:$0x192A0];
	v14 =	vadd.f32 v25, v14  }
0x19f: {  	v62 =	vld [tilespmem:$0x19290];
	v11 =	vadd.f32 v51, v11;
	v10 =	vadd.f32 v27, v10  }
0x1a0: {  	v15 =	vadd.f32 v49, v15;
	v49 =	vadd.f32 v50, v42;
	v50 =	vld [tilespmem:$0x19520]  }
0x1a1: {  	v51 =	vld [tilespmem:$0x1EEE0];
	v10 =	vadd.f32 v23, v10;
	v23 =	vadd.f32 v59, v57  }
0x1a2: {  	v7 =	vadd.f32 v46, v7;
	v11 =	vadd.f32 v52, v11;
	v52 =	vld [tilespmem:$0x197A0]  }
0x1a3: {  	v34 =	vld [tilespmem:$0x1A180];
	v23 =	vadd.f32 v63, v23  }
0x1a4: {  	v14 =	vadd.f32 v26, v14;
	v7 =	vadd.f32 v48, v7;
	v48 =	vld [tilespmem:$0x19510]  }
0x1a5: {  	v11 =	vadd.f32 v56, v11;
	v56 =	vld [tilespmem:$0x19CA0];
	v23 =	vadd.f32 v50, v23  }
0x1a6: {  	v15 =	vadd.f32 v58, v15;
	v7 =	vadd.f32 v51, v7;
	v51 =	vld [tilespmem:$0x19790]  }
0x1a7: {  	v16 =	vadd.f32 v62, v49;
	v58 =	vld [tilespmem:$0x19F20];
	v23 =	vadd.f32 v52, v23  }
0x1a8: {  	v14 =	vadd.f32 v28, v14;
	v11 =	vadd.f32 v53, v11;
	v53 =	vld [tilespmem:$0x19A10]  }
0x1a9: {  	v37 =	vld [tilespmem:$0x1A400];
	v16 =	vadd.f32 v48, v16;
	v17 =	vadd.f32 v54, v23  }
0x1aa: {  	v40 =	vld [tilespmem:$0x1AB80];
	v14 =	vadd.f32 v31, v14  }
0x1ab: {  	v57 =	vld [tilespmem:$0x19F10];
	v16 =	vadd.f32 v51, v16;
	v17 =	vadd.f32 v56, v17  }
0x1ac: {  	v14 =	vadd.f32 v34, v14;
	v63 =	vld [tilespmem:$0x1A420]  }
0x1ad: {  	v36 =	vld [tilespmem:$0x1A900];
	v16 =	vadd.f32 v53, v16;
	v17 =	vadd.f32 v58, v17  }
0x1ae: {  	v25 =	vld [tilespmem:$0x1A6A0];
	v14 =	vadd.f32 v37, v14  }
0x1af: {  	v61 =	vld [tilespmem:$0x1EF00];
	v16 =	vadd.f32 v55, v16;
	v17 =	vadd.f32 v60, v17  }
0x1b0: {  	v27 =	vld [tilespmem:$0x1A920];
	v14 =	vadd.f32 v39, v14  }
0x1b1: {  	v32 =	vld [tilespmem:$0x1AE00];
	v62 =	vadd.f32 v57, v16;
	v16 =	vadd.f32 v63, v17  }
0x1b2: {  	v31 =	vld [tilespmem:$0x1ABA0]  }
0x1b3: {  	v29 =	vld [tilespmem:$0x1B080];
	v14 =	vadd.f32 v36, v14;
	v16 =	vadd.f32 v25, v16  }
0x1b4: {  	v34 =	vld [tilespmem:$0x1AE20]  }
0x1b5: {  	[tilespmem:$0x1C500] =	vst v4;
	v41 =	vld [tilespmem:$0x1B300];
	v4 =	vadd.f32 v40, v14;
	v16 =	vadd.f32 v27, v16  }
0x1b6: {  	v37 =	vld [tilespmem:$0x1B0A0]  }
0x1b7: {  	v4 =	vadd.f32 v32, v4;
	v39 =	vadd.f32 v31, v16  }
0x1b8: {  	v42 =	vld [tilespmem:$0x1B320];
	v7 =	vadd.f32 v61, v7  }
0x1b9: {  	v4 =	vadd.f32 v29, v4;
	v43 =	vadd.f32 v34, v39;
	_ =	sdelay $0x1  }
0x1ba: {  	[tilespmem:$0x1C540] =	vst v7;
	v4 =	vadd.f32 v41, v4;
	v7 =	vadd.f32 v37, v43;
	_ =	sdelay $0x1  }
0x1bb: {  	[tilespmem:$0x1C580] =	vst v4;
	v4 =	vadd.f32 v42, v7;
	_ =	sdelay $0x1  }
0x1bc: {  	[tilespmem:$0x1C5A0] =	vst v4;
	v4 =	vld [tilespmem:$0x197C0];
	_ =	sdelay $0x4  }
0x1bd: {  	[tilespmem:$0x1EF10] =	vst v4;
	v4 =	vld [tilespmem:$0x19A40];
	_ =	sdelay $0x2  }
0x1be: {  	v22 =	vld [tilespmem:$0x19C70]  }
0x1bf: {  	v24 =	vld [tilespmem:$0x19EF0]  }
0x1c0: {  	[tilespmem:$0x1EF20] =	vst v4;
	v4 =	vld [tilespmem:$0x19CC0];
	_ =	sdelay $0x1  }
0x1c1: {  	v13 =	vld [tilespmem:$0x1A170]  }
0x1c2: {  	v44 =	vld [tilespmem:$0x1B2D0];
	v12 =	vadd.f32 v22, v12  }
0x1c3: {  	v38 =	vld [tilespmem:$0x1A3F0]  }
0x1c4: {  	v12 =	vadd.f32 v24, v12;
	[tilespmem:$0x1EF30] =	vst v4;
	v4 =	vld [tilespmem:$0x19F40]  }
0x1c5: {  	v35 =	vld [tilespmem:$0x1A670]  }
0x1c6: {  	v30 =	vld [tilespmem:$0x1AB70];
	v12 =	vadd.f32 v13, v12  }
0x1c7: {  	v33 =	vld [tilespmem:$0x1A8F0]  }
0x1c8: {  	v22 =	vld [tilespmem:$0x19F30];
	v12 =	vadd.f32 v38, v12  }
0x1c9: {  	[tilespmem:$0x1EF40] =	vst v4;
	v4 =	vld [tilespmem:$0x1A1C0]  }
0x1ca: {  	v24 =	vld [tilespmem:$0x1A690];
	v12 =	vadd.f32 v35, v12  }
0x1cb: {  	v6 =	vld [tilespmem:$0x1ADF0]  }
0x1cc: {  	v38 =	vld [tilespmem:$0x1B310];
	v12 =	vadd.f32 v33, v12  }
0x1cd: {  	v5 =	vld [tilespmem:$0x1B070]  }
0x1ce: {  	v12 =	vadd.f32 v30, v12;
	[tilespmem:$0x1EF60] =	vst v4;
	v4 =	vld [tilespmem:$0x1A440]  }
0x1cf: {  	v18 =	vld [tilespmem:$0x1B2F0]  }
0x1d0: {  	v35 =	vld [tilespmem:$0x1B090];
	v6 =	vadd.f32 v6, v12  }
0x1d1: {  	v33 =	vld [tilespmem:$0x1AE10]  }
0x1d2: {  	v12 =	vld [tilespmem:$0x18DB0];
	v5 =	vadd.f32 v5, v6  }
0x1d3: {  	[tilespmem:$0x1EF80] =	vst v4;
	v4 =	vld [tilespmem:$0x1A6C0]  }
0x1d4: {  	v5 =	vadd.f32 v18, v5;
	v18 =	vld [tilespmem:$0x19A30]  }
0x1d5: {  	v20 =	vld [tilespmem:$0x19CB0]  }
0x1d6: {  	v45 =	vld [tilespmem:$0x1B0B0]  }
0x1d7: {  	v26 =	vld [tilespmem:$0x1A910]  }
0x1d8: {  	[tilespmem:$0x1EFA0] =	vst v4;
	v4 =	vld [tilespmem:$0x1A940]  }
0x1d9: {  	v46 =	vld [tilespmem:$0x197D0]  }
0x1da: {  	v28 =	vld [tilespmem:$0x1AB90]  }
0x1db: {  	v49 =	vld [tilespmem:$0x1AE30]  }
0x1dc: {  	v59 =	vld [tilespmem:$0x1A190]  }
0x1dd: {  	v10 =	vadd.f32 v44, v10;
	[tilespmem:$0x1EFD0] =	vst v4;
	v4 =	vld [tilespmem:$0x1ABC0]  }
0x1de: {  	v61 =	vld [tilespmem:$0x1A410]  }
0x1df: {  	[tilespmem:$0x1C550] =	vst v10;
	v10 =	vld [tilespmem:$0x19030]  }
0x1e0: {  	v50 =	vld [tilespmem:$0x1B330]  }
0x1e1: {  	v52 =	vld [tilespmem:$0x192C0]  }
0x1e2: {  	[tilespmem:$0x1F000] =	vst v4;
	v4 =	vld [tilespmem:$0x1AE40]  }
0x1e3: {  	v14 =	vld [tilespmem:$0x19530]  }
0x1e4: {  	v23 =	vld [tilespmem:$0x19050]  }
0x1e5: {  	v54 =	vld [tilespmem:$0x19A50];
	v13 =	vadd.f32 v59, v62  }
0x1e6: {  	v62 =	vld [tilespmem:$0x18DC0]  }
0x1e7: {  	v13 =	vadd.f32 v61, v13;
	[tilespmem:$0x1F030] =	vst v4;
	v4 =	vld [tilespmem:$0x1B0C0]  }
0x1e8: {  	v59 =	vld [tilespmem:$0x19540]  }
0x1e9: {  	v29 =	vld [tilespmem:$0x192D0];
	v13 =	vadd.f32 v24, v13  }
0x1ea: {  	v60 =	vld [tilespmem:$0x19CD0]  }
0x1eb: {  	v13 =	vadd.f32 v26, v13;
	v26 =	vld [tilespmem:$0x18DD0]  }
0x1ec: {  	[tilespmem:$0x1F070] =	vst v4;
	v4 =	vld [tilespmem:$0x1B340]  }
0x1ed: {  	v36 =	vadd.f32 v28, v13;
	v13 =	vld [tilespmem:$0x192B0]  }
0x1ee: {  	v28 =	vld [tilespmem:$0x1A1B0]  }
0x1ef: {  	[tilespmem:$0x1C520] =	vst v9;
	v40 =	vadd.f32 v33, v36;
	v33 =	vld [tilespmem:$0x1A6B0]  }
0x1f0: {  	[tilespmem:$0x1C510] =	vst v8;
	v36 =	vld [tilespmem:$0x19550]  }
0x1f1: {  	v6 =	vadd.f32 v35, v40;
	[tilespmem:$0x1F0B0] =	vst v4;
	v4 =	vld [tilespmem:$0x19F50]  }
0x1f2: {  	[tilespmem:$0x1C570] =	vst v5;
	v16 =	vld [tilespmem:$0x197B0]  }
0x1f3: {  	[tilespmem:$0x1C530] =	vst v15;
	v31 =	vld [tilespmem:$0x1A430];
	v5 =	vadd.f32 v38, v6  }
0x1f4: {  	[tilespmem:$0x1C560] =	vst v11;
	v35 =	vld [tilespmem:$0x1A930]  }
0x1f5: {  	v38 =	vld [tilespmem:$0x1ABB0];
	[tilespmem:$0x1C590] =	vst v5  }
0x1f6: {  	v42 =	vld [tilespmem:$0x19040];
	[tilespmem:$0x1EF50] =	vst v4  }
0x1f7: {  	v4 =	vld [tilespmem:$0x1A1D0]  }
0x1f8: {  	v63 =	vld [tilespmem:$0x19300];
	_ =	sdelay $0x4  }
0x1f9: {  	[tilespmem:$0x1F150] =	vst v63;
	v63 =	vld [tilespmem:$0x1AC00];
	_ =	sdelay $0x4  }
0x1fa: {  	[tilespmem:$0x1F340] =	vst v63;
	v63 =	vld [tilespmem:$0x19D10];
	_ =	sdelay $0x4  }
0x1fb: {  	[tilespmem:$0x1F200] =	vst v63;
	v63 =	vld [tilespmem:$0x19820];
	_ =	sdelay $0x4  }
0x1fc: {  	[tilespmem:$0x1F1C0] =	vst v63;
	v63 =	vld [tilespmem:$0x1A720];
	_ =	sdelay $0x4  }
0x1fd: {  	[tilespmem:$0x1F310] =	vst v63;
	v63 =	vld [tilespmem:$0x19FB0];
	_ =	sdelay $0x4  }
0x1fe: {  	[tilespmem:$0x1F270] =	vst v63;
	v63 =	vld [tilespmem:$0x1A230];
	_ =	sdelay $0x4  }
0x1ff: {  	[tilespmem:$0x1F2B0] =	vst v63;
	v63 =	vld [tilespmem:$0x1A4B0];
	_ =	sdelay $0x4  }
0x200: {  	[tilespmem:$0x1F2F0] =	vst v63;
	v63 =	vld [tilespmem:$0x1A730];
	_ =	sdelay $0x4  }
0x201: {  	[tilespmem:$0x1F330] =	vst v63;
	v63 =	vld [tilespmem:$0x1A9B0];
	_ =	sdelay $0x4  }
0x202: {  	[tilespmem:$0x1F370] =	vst v63;
	v63 =	vld [tilespmem:$0x1AC30];
	_ =	sdelay $0x4  }
0x203: {  	[tilespmem:$0x1F3B0] =	vst v63;
	v63 =	vld [tilespmem:$0x1AEB0];
	_ =	sdelay $0x4  }
0x204: {  	[tilespmem:$0x1F3F0] =	vst v63;
	v63 =	vld [tilespmem:$0x1B130];
	_ =	sdelay $0x4  }
0x205: {  	[tilespmem:$0x1F430] =	vst v63;
	v63 =	vld [tilespmem:$0x1B3B0];
	_ =	sdelay $0x4  }
0x206: {  	[tilespmem:$0x1F470] =	vst v63;
	v63 =	vld [tilespmem:$0x18E40];
	_ =	sdelay $0x4  }
0x207: {  	[tilespmem:$0x1F450] =	vst v63;
	v63 =	vld [tilespmem:$0x190C0];
	_ =	sdelay $0x4  }
0x208: {  	[tilespmem:$0x1F460] =	vst v63;
	v63 =	vld [tilespmem:$0x19340];
	_ =	sdelay $0x4  }
0x209: {  	[tilespmem:$0x1F4A0] =	vst v63;
	v63 =	vld [tilespmem:$0x195C0];
	_ =	sdelay $0x4  }
0x20a: {  	[tilespmem:$0x1F500] =	vst v63;
	v63 =	vld [tilespmem:$0x19840];
	_ =	sdelay $0x4  }
0x20b: {  	[tilespmem:$0x1F540] =	vst v63;
	v63 =	vld [tilespmem:$0x19AC0];
	_ =	sdelay $0x4  }
0x20c: {  	[tilespmem:$0x1F580] =	vst v63;
	v63 =	vld [tilespmem:$0x19D40];
	_ =	sdelay $0x4  }
0x20d: {  	[tilespmem:$0x1F5C0] =	vst v63;
	v63 =	vld [tilespmem:$0x19FC0];
	_ =	sdelay $0x4  }
0x20e: {  	[tilespmem:$0x1F600] =	vst v63;
	v63 =	vld [tilespmem:$0x1A240];
	_ =	sdelay $0x4  }
0x20f: {  	[tilespmem:$0x1F640] =	vst v63;
	v63 =	vld [tilespmem:$0x1A4C0];
	_ =	sdelay $0x4  }
0x210: {  	[tilespmem:$0x1F680] =	vst v63;
	v63 =	vld [tilespmem:$0x1A740];
	_ =	sdelay $0x4  }
0x211: {  	[tilespmem:$0x1F6C0] =	vst v63;
	v63 =	vld [tilespmem:$0x1A9C0];
	_ =	sdelay $0x4  }
0x212: {  	[tilespmem:$0x1F700] =	vst v63;
	v63 =	vld [tilespmem:$0x1AC40];
	_ =	sdelay $0x4  }
0x213: {  	[tilespmem:$0x1F740] =	vst v63;
	v63 =	vld [tilespmem:$0x1AEC0];
	_ =	sdelay $0x4  }
0x214: {  	[tilespmem:$0x1F780] =	vst v63;
	v63 =	vld [tilespmem:$0x1B140];
	_ =	sdelay $0x4  }
0x215: {  	[tilespmem:$0x1F7C0] =	vst v63;
	v63 =	vld [tilespmem:$0x1B3C0];
	_ =	sdelay $0x4  }
0x216: {  	[tilespmem:$0x1F800] =	vst v63;
	v63 =	vld [tilespmem:$0x18E50];
	_ =	sdelay $0x4  }
0x217: {  	[tilespmem:$0x1F480] =	vst v63;
	v63 =	vld [tilespmem:$0x190D0];
	_ =	sdelay $0x4  }
0x218: {  	[tilespmem:$0x1F490] =	vst v63;
	v63 =	vld [tilespmem:$0x19350];
	_ =	sdelay $0x4  }
0x219: {  	[tilespmem:$0x1F4D0] =	vst v63;
	v63 =	vld [tilespmem:$0x195D0];
	_ =	sdelay $0x4  }
0x21a: {  	[tilespmem:$0x1F520] =	vst v63;
	v63 =	vld [tilespmem:$0x19850];
	_ =	sdelay $0x4  }
0x21b: {  	[tilespmem:$0x1F560] =	vst v63;
	v63 =	vld [tilespmem:$0x19AD0];
	_ =	sdelay $0x4  }
0x21c: {  	[tilespmem:$0x1F5A0] =	vst v63;
	v63 =	vld [tilespmem:$0x19D50];
	_ =	sdelay $0x4  }
0x21d: {  	[tilespmem:$0x1F5E0] =	vst v63;
	v63 =	vld [tilespmem:$0x19FD0];
	_ =	sdelay $0x4  }
0x21e: {  	[tilespmem:$0x1F620] =	vst v63;
	v63 =	vld [tilespmem:$0x1A250];
	_ =	sdelay $0x4  }
0x21f: {  	[tilespmem:$0x1F660] =	vst v63;
	v63 =	vld [tilespmem:$0x1A4D0];
	_ =	sdelay $0x4  }
0x220: {  	[tilespmem:$0x1F6A0] =	vst v63;
	v63 =	vld [tilespmem:$0x1A750];
	_ =	sdelay $0x4  }
0x221: {  	[tilespmem:$0x1F6E0] =	vst v63;
	v63 =	vld [tilespmem:$0x1A9D0];
	_ =	sdelay $0x4  }
0x222: {  	[tilespmem:$0x1F720] =	vst v63;
	v63 =	vld [tilespmem:$0x1AC50];
	_ =	sdelay $0x4  }
0x223: {  	[tilespmem:$0x1F760] =	vst v63;
	v63 =	vld [tilespmem:$0x1AED0];
	_ =	sdelay $0x4  }
0x224: {  	[tilespmem:$0x1F7A0] =	vst v63;
	v63 =	vld [tilespmem:$0x1B150];
	_ =	sdelay $0x4  }
0x225: {  	[tilespmem:$0x1F7E0] =	vst v63;
	v63 =	vld [tilespmem:$0x1B3D0];
	_ =	sdelay $0x4  }
0x226: {  	[tilespmem:$0x1F820] =	vst v63;
	v63 =	vld [tilespmem:$0x18E60];
	_ =	sdelay $0x4  }
0x227: {  	[tilespmem:$0x1F4B0] =	vst v63;
	v63 =	vld [tilespmem:$0x190E0];
	_ =	sdelay $0x4  }
0x228: {  	[tilespmem:$0x1F4C0] =	vst v63;
	v63 =	vld [tilespmem:$0x19360];
	_ =	sdelay $0x4  }
0x229: {  	[tilespmem:$0x1F510] =	vst v63;
	v63 =	vld [tilespmem:$0x195E0];
	_ =	sdelay $0x4  }
0x22a: {  	[tilespmem:$0x1F550] =	vst v63;
	v63 =	vld [tilespmem:$0x19860];
	_ =	sdelay $0x4  }
0x22b: {  	[tilespmem:$0x1F590] =	vst v63;
	v63 =	vld [tilespmem:$0x19AE0];
	_ =	sdelay $0x4  }
0x22c: {  	[tilespmem:$0x1F5D0] =	vst v63;
	v63 =	vld [tilespmem:$0x19D60];
	_ =	sdelay $0x4  }
0x22d: {  	[tilespmem:$0x1F610] =	vst v63;
	v63 =	vld [tilespmem:$0x19FE0];
	_ =	sdelay $0x4  }
0x22e: {  	[tilespmem:$0x1F650] =	vst v63;
	v63 =	vld [tilespmem:$0x1A260];
	_ =	sdelay $0x4  }
0x22f: {  	[tilespmem:$0x1F690] =	vst v63;
	v63 =	vld [tilespmem:$0x1A4E0];
	_ =	sdelay $0x4  }
0x230: {  	[tilespmem:$0x1F6D0] =	vst v63;
	v63 =	vld [tilespmem:$0x1A760];
	_ =	sdelay $0x4  }
0x231: {  	[tilespmem:$0x1F710] =	vst v63;
	v63 =	vld [tilespmem:$0x1A9E0];
	_ =	sdelay $0x4  }
0x232: {  	[tilespmem:$0x1F750] =	vst v63;
	v63 =	vld [tilespmem:$0x1AC60];
	_ =	sdelay $0x4  }
0x233: {  	[tilespmem:$0x1F790] =	vst v63;
	v63 =	vld [tilespmem:$0x1AEE0];
	_ =	sdelay $0x4  }
0x234: {  	[tilespmem:$0x1F7D0] =	vst v63;
	v63 =	vld [tilespmem:$0x1B160];
	_ =	sdelay $0x4  }
0x235: {  	[tilespmem:$0x1F810] =	vst v63;
	v63 =	vld [tilespmem:$0x1B3E0];
	_ =	sdelay $0x4  }
0x236: {  	[tilespmem:$0x1F840] =	vst v63;
	v63 =	vld [tilespmem:$0x18E70];
	_ =	sdelay $0x4  }
0x237: {  	[tilespmem:$0x1F4E0] =	vst v63;
	v63 =	vld [tilespmem:$0x190F0];
	_ =	sdelay $0x4  }
0x238: {  	[tilespmem:$0x1F4F0] =	vst v63;
	v63 =	vld [tilespmem:$0x19370];
	_ =	sdelay $0x4  }
0x239: {  	[tilespmem:$0x1F530] =	vst v63;
	v63 =	vld [tilespmem:$0x195F0];
	_ =	sdelay $0x4  }
0x23a: {  	[tilespmem:$0x1F570] =	vst v63;
	v63 =	vld [tilespmem:$0x19870];
	_ =	sdelay $0x4  }
0x23b: {  	[tilespmem:$0x1F5B0] =	vst v63;
	v63 =	vld [tilespmem:$0x19AF0];
	_ =	sdelay $0x4  }
0x23c: {  	[tilespmem:$0x1F5F0] =	vst v63;
	v63 =	vld [tilespmem:$0x19D70];
	_ =	sdelay $0x4  }
0x23d: {  	[tilespmem:$0x1F630] =	vst v63;
	v63 =	vld [tilespmem:$0x19FF0];
	_ =	sdelay $0x4  }
0x23e: {  	[tilespmem:$0x1F670] =	vst v63;
	v63 =	vld [tilespmem:$0x1A270];
	_ =	sdelay $0x4  }
0x23f: {  	[tilespmem:$0x1F6B0] =	vst v63;
	v63 =	vld [tilespmem:$0x1A4F0];
	_ =	sdelay $0x4  }
0x240: {  	[tilespmem:$0x1F6F0] =	vst v63;
	v63 =	vld [tilespmem:$0x1A770];
	_ =	sdelay $0x4  }
0x241: {  	[tilespmem:$0x1F730] =	vst v63;
	v63 =	vld [tilespmem:$0x1A9F0]  }
0x242: {  	v9 =	vld [tilespmem:$0x18DE0]  }
0x243: {  	v8 =	vld [tilespmem:$0x19060]  }
0x244: {  	v15 =	vld [tilespmem:$0x192E0]  }
0x245: {  	v19 =	vld [tilespmem:$0x19560]  }
0x246: {  	[tilespmem:$0x1F770] =	vst v63;
	v63 =	vld [tilespmem:$0x1AC70]  }
0x247: {  	v27 =	vld [tilespmem:$0x197E0]  }
0x248: {  	v34 =	vld [tilespmem:$0x19A60]  }
0x249: {  	v40 =	vld [tilespmem:$0x19CE0]  }
0x24a: {  	v48 =	vld [tilespmem:$0x19F60]  }
0x24b: {  	[tilespmem:$0x1F7B0] =	vst v63;
	v63 =	vld [tilespmem:$0x1AEF0]  }
0x24c: {  	v56 =	vld [tilespmem:$0x1A1E0]  }
0x24d: {  	v5 =	vld [tilespmem:$0x18DF0]  }
0x24e: {  	v6 =	vld [tilespmem:$0x192F0]  }
0x24f: {  	v7 =	vld [tilespmem:$0x19570]  }
0x250: {  	[tilespmem:$0x1F7F0] =	vst v63;
	v63 =	vld [tilespmem:$0x1B170]  }
0x251: {  	v11 =	vld [tilespmem:$0x197F0]  }
0x252: {  	v17 =	vld [tilespmem:$0x19A70]  }
0x253: {  	v21 =	vld [tilespmem:$0x19CF0]  }
0x254: {  	v30 =	vld [tilespmem:$0x19F70]  }
0x255: {  	[tilespmem:$0x1F830] =	vst v63;
	v63 =	vld [tilespmem:$0x1B3F0]  }
0x256: {  	v37 =	vld [tilespmem:$0x1A1F0]  }
0x257: {  	v43 =	vld [tilespmem:$0x1A470]  }
0x258: {  	v53 =	vld [tilespmem:$0x1A6F0]  }
0x259: {  	v58 =	vld [tilespmem:$0x1A970]  }
0x25a: {  	v10 =	vadd.f32 v10, v12;
	[tilespmem:$0x1F870] =	vst v63;
	v63 =	vld [tilespmem:$0x18E80]  }
0x25b: {  	v44 =	vld [tilespmem:$0x1ABF0]  }
0x25c: {  	v10 =	vadd.f32 v13, v10;
	v47 =	vld [tilespmem:$0x1AE70]  }
0x25d: {  	v51 =	vld [tilespmem:$0x1B0F0]  }
0x25e: {  	v10 =	vadd.f32 v14, v10;
	v55 =	vld [tilespmem:$0x1B370]  }
0x25f: {  	[tilespmem:$0x1F850] =	vst v63;
	v63 =	vld [tilespmem:$0x19100]  }
0x260: {  	v10 =	vadd.f32 v16, v10;
	v57 =	vld [tilespmem:$0x18E00]  }
0x261: {  	v61 =	vld [tilespmem:$0x19080]  }
0x262: {  	v10 =	vadd.f32 v18, v10;
	v32 =	vld [tilespmem:$0x19580]  }
0x263: {  	v39 =	vld [tilespmem:$0x19800]  }
0x264: {  	v10 =	vadd.f32 v20, v10;
	[tilespmem:$0x1F860] =	vst v63;
	v63 =	vld [tilespmem:$0x19380]  }
0x265: {  	v41 =	vld [tilespmem:$0x19A80]  }
0x266: {  	v10 =	vadd.f32 v22, v10;
	v25 =	vld [tilespmem:$0x18E30]  }
0x267: {  	v24 =	vld [tilespmem:$0x190B0]  }
0x268: {  	v10 =	vadd.f32 v28, v10;
	v16 =	vld [tilespmem:$0x1AF10]  }
0x269: {  	[tilespmem:$0x1F8A0] =	vst v63;
	v63 =	vld [tilespmem:$0x19600]  }
0x26a: {  	v10 =	vadd.f32 v31, v10;
	v18 =	vld [tilespmem:$0x18EA0]  }
0x26b: {  	v20 =	vld [tilespmem:$0x19120]  }
0x26c: {  	v10 =	vadd.f32 v33, v10;
	v22 =	vld [tilespmem:$0x19DA0]  }
0x26d: {  	v28 =	vld [tilespmem:$0x1A020]  }
0x26e: {  	v10 =	vadd.f32 v35, v10;
	[tilespmem:$0x1F8E0] =	vst v63;
	v63 =	vld [tilespmem:$0x19880]  }
0x26f: {  	v31 =	vld [tilespmem:$0x1A2A0]  }
0x270: {  	v10 =	vadd.f32 v38, v10;
	v33 =	vld [tilespmem:$0x1A520]  }
0x271: {  	v35 =	vld [tilespmem:$0x1AA20]  }
0x272: {  	v10 =	vadd.f32 v49, v10;
	v38 =	vld [tilespmem:$0x1ACA0]  }
0x273: {  	[tilespmem:$0x1F910] =	vst v63;
	v63 =	vld [tilespmem:$0x19B00]  }
0x274: {  	v49 =	vadd.f32 v45, v10;
	v10 =	vld [tilespmem:$0x18EB0]  }
0x275: {  	v14 =	vld [tilespmem:$0x193B0]  }
0x276: {  	v45 =	vld [tilespmem:$0x19B30]  }
0x277: {  	v12 =	vadd.f32 v50, v49;
	v50 =	vld [tilespmem:$0x1A530]  }
0x278: {  	[tilespmem:$0x1F940] =	vst v63;
	v63 =	vld [tilespmem:$0x19D80]  }
0x279: {  	[tilespmem:$0x1FEF0] =	vst v12;
	v12 =	vld [tilespmem:$0x1ACB0]  }
0x27a: {  	[tilespmem:$0x1EF70] =	vst v4;
	v4 =	vld [tilespmem:$0x1A450]  }
0x27b: {  	[tilespmem:$0x1F060] =	vst v44;
	v44 =	vld [tilespmem:$0x19D00]  }
0x27c: {  	[tilespmem:$0x1F0A0] =	vst v47;
	v47 =	vld [tilespmem:$0x19F80]  }
0x27d: {  	[tilespmem:$0x1F970] =	vst v63;
	v63 =	vld [tilespmem:$0x1A000]  }
0x27e: {  	[tilespmem:$0x1F0E0] =	vst v51;
	v51 =	vld [tilespmem:$0x1A200]  }
0x27f: {  	[tilespmem:$0x1F120] =	vst v55;
	v55 =	vld [tilespmem:$0x1A480]  }
0x280: {  	[tilespmem:$0x1F100] =	vst v57;
	v57 =	vld [tilespmem:$0x1A700]  }
0x281: {  	[tilespmem:$0x1F110] =	vst v61;
	v61 =	vld [tilespmem:$0x1A980]  }
0x282: {  	[tilespmem:$0x1F9A0] =	vst v63;
	v63 =	vld [tilespmem:$0x1A280]  }
0x283: {  	[tilespmem:$0x1F170] =	vst v32;
	v32 =	vld [tilespmem:$0x1AE80]  }
0x284: {  	[tilespmem:$0x1F190] =	vst v39;
	v39 =	vld [tilespmem:$0x1B100]  }
0x285: {  	[tilespmem:$0x1F1B0] =	vst v41;
	v41 =	vld [tilespmem:$0x1B380]  }
0x286: {  	[tilespmem:$0x1FAF0] =	vst v16;
	v16 =	vld [tilespmem:$0x1B410]  }
0x287: {  	[tilespmem:$0x1F9E0] =	vst v63;
	v63 =	vld [tilespmem:$0x1A500]  }
0x288: {  	[tilespmem:$0x1F8B0] =	vst v18;
	v18 =	vld [tilespmem:$0x198A0]  }
0x289: {  	[tilespmem:$0x1F8C0] =	vst v20;
	v20 =	vld [tilespmem:$0x19B20]  }
0x28a: {  	[tilespmem:$0x1F9B0] =	vst v22;
	v22 =	vld [tilespmem:$0x1AF20]  }
0x28b: {  	[tilespmem:$0x1FA20] =	vst v31;
	v31 =	vld [tilespmem:$0x1B1A0]  }
0x28c: {  	[tilespmem:$0x1FA10] =	vst v63;
	v63 =	vld [tilespmem:$0x1A780]  }
0x28d: {  	[tilespmem:$0x1FAE0] =	vst v38;
	v38 =	vld [tilespmem:$0x19DB0]  }
0x28e: {  	[tilespmem:$0x1F9F0] =	vst v28;
	v28 =	vadd.f32 v23, v26;
	v8 =	vadd.f32 v8, v9;
	v23 =	vld [tilespmem:$0x1AF30]  }
0x28f: {  	v26 =	vld [tilespmem:$0x1EF60]  }
0x290: {  	v8 =	vadd.f32 v15, v8;
	v15 =	vld [tilespmem:$0x1EF40]  }
0x291: {  	[tilespmem:$0x1FA40] =	vst v63;
	v63 =	vld [tilespmem:$0x1AA00]  }
0x292: {  	[tilespmem:$0x1FA50] =	vst v33;
	v33 =	vadd.f32 v29, v28;
	v29 =	vld [tilespmem:$0x1B430]  }
0x293: {  	v28 =	vld [tilespmem:$0x1EF70]  }
0x294: {  	v8 =	vadd.f32 v19, v8;
	v19 =	vld [tilespmem:$0x1A7B0]  }
0x295: {  	[tilespmem:$0x1EF90] =	vst v4;
	v4 =	vld [tilespmem:$0x1A6D0]  }
0x296: {  	[tilespmem:$0x1FA80] =	vst v63;
	v63 =	vld [tilespmem:$0x1AC80]  }
0x297: {  	v9 =	vadd.f32 v36, v33;
	v33 =	vld [tilespmem:$0x18EC0]  }
0x298: {  	[tilespmem:$0x1F1E0] =	vst v44;
	v44 =	vld [tilespmem:$0x18E10]  }
0x299: {  	[tilespmem:$0x1F210] =	vst v47;
	v47 =	vld [tilespmem:$0x19090]  }
0x29a: {  	[tilespmem:$0x1EFC0] =	vst v4;
	v4 =	vld [tilespmem:$0x1A950]  }
0x29b: {  	[tilespmem:$0x1FAA0] =	vst v63;
	v63 =	vld [tilespmem:$0x1AF00]  }
0x29c: {  	[tilespmem:$0x1F240] =	vst v51;
	v51 =	vld [tilespmem:$0x19310]  }
0x29d: {  	[tilespmem:$0x1F280] =	vst v55;
	v55 =	vld [tilespmem:$0x19590]  }
0x29e: {  	[tilespmem:$0x1F2C0] =	vst v57;
	v57 =	vld [tilespmem:$0x19810]  }
0x29f: {  	[tilespmem:$0x1EFF0] =	vst v4;
	v4 =	vld [tilespmem:$0x1ABD0]  }
0x2a0: {  	[tilespmem:$0x1FAD0] =	vst v63;
	v63 =	vld [tilespmem:$0x1B180]  }
0x2a1: {  	[tilespmem:$0x1F300] =	vst v61;
	v61 =	vld [tilespmem:$0x19A90]  }
0x2a2: {  	[tilespmem:$0x1F380] =	vst v32;
	v32 =	vld [tilespmem:$0x19F90]  }
0x2a3: {  	[tilespmem:$0x1F3C0] =	vst v39;
	v39 =	vld [tilespmem:$0x1A210]  }
0x2a4: {  	[tilespmem:$0x1F020] =	vst v4;
	v4 =	vld [tilespmem:$0x1AE50]  }
0x2a5: {  	[tilespmem:$0x1FB00] =	vst v63;
	v63 =	vld [tilespmem:$0x1B400]  }
0x2a6: {  	[tilespmem:$0x1F400] =	vst v41;
	v41 =	vld [tilespmem:$0x1A490]  }
0x2a7: {  	[tilespmem:$0x1FB30] =	vst v16;
	v16 =	vld [tilespmem:$0x19620]  }
0x2a8: {  	[tilespmem:$0x1F950] =	vst v18;
	v18 =	vld [tilespmem:$0x1A7A0]  }
0x2a9: {  	[tilespmem:$0x1F050] =	vst v4;
	v4 =	vld [tilespmem:$0x1B0D0]  }
0x2aa: {  	[tilespmem:$0x1FB20] =	vst v63;
	v63 =	vld [tilespmem:$0x18E90]  }
0x2ab: {  	[tilespmem:$0x1F980] =	vst v20;
	v20 =	vld [tilespmem:$0x1B420]  }
0x2ac: {  	[tilespmem:$0x1F9D0] =	vst v38;
	v38 =	vld [tilespmem:$0x1EFA0]  }
0x2ad: {  	v9 =	vadd.f32 v46, v9;
	v46 =	vld [tilespmem:$0x1EF20]  }
0x2ae: {  	[tilespmem:$0x1F090] =	vst v4;
	v4 =	vld [tilespmem:$0x1B350]  }
0x2af: {  	[tilespmem:$0x1F880] =	vst v63;
	v63 =	vld [tilespmem:$0x19110]  }
0x2b0: {  	v49 =	vadd.f32 v27, v8;
	v27 =	vld [tilespmem:$0x1B1B0]  }
0x2b1: {  	v36 =	vld [tilespmem:$0x1EF90]  }
0x2b2: {  	[tilespmem:$0x1FB40] =	vst v33;
	v33 =	vld [tilespmem:$0x1A540]  }
0x2b3: {  	[tilespmem:$0x1F0D0] =	vst v4;
	v4 =	vld [tilespmem:$0x1A460]  }
0x2b4: {  	[tilespmem:$0x1F890] =	vst v63;
	v63 =	vld [tilespmem:$0x19390]  }
0x2b5: {  	[tilespmem:$0x1F130] =	vst v44;
	v44 =	vld [tilespmem:$0x1A710]  }
0x2b6: {  	[tilespmem:$0x1F140] =	vst v47;
	v47 =	vld [tilespmem:$0x1A990]  }
0x2b7: {  	[tilespmem:$0x1F160] =	vst v51;
	v51 =	vld [tilespmem:$0x1AC10]  }
0x2b8: {  	[tilespmem:$0x1EFB0] =	vst v4;
	v4 =	vld [tilespmem:$0x1A6E0]  }
0x2b9: {  	[tilespmem:$0x1F8D0] =	vst v63;
	v63 =	vld [tilespmem:$0x19610]  }
0x2ba: {  	[tilespmem:$0x1F180] =	vst v55;
	v55 =	vld [tilespmem:$0x1AE90]  }
0x2bb: {  	[tilespmem:$0x1F1A0] =	vst v57;
	v57 =	vld [tilespmem:$0x1B110]  }
0x2bc: {  	[tilespmem:$0x1F1D0] =	vst v61;
	v61 =	vld [tilespmem:$0x1B390]  }
0x2bd: {  	[tilespmem:$0x1EFE0] =	vst v4;
	v4 =	vld [tilespmem:$0x1A960]  }
0x2be: {  	[tilespmem:$0x1F900] =	vst v63;
	v63 =	vld [tilespmem:$0x19890]  }
0x2bf: {  	[tilespmem:$0x1F2A0] =	vst v41;
	v41 =	vld [tilespmem:$0x190A0]  }
0x2c0: {  	[tilespmem:$0x1F230] =	vst v32;
	v32 =	vld [tilespmem:$0x19AA0]  }
0x2c1: {  	[tilespmem:$0x1F260] =	vst v39;
	v39 =	vld [tilespmem:$0x19D20]  }
0x2c2: {  	[tilespmem:$0x1F010] =	vst v4;
	v4 =	vld [tilespmem:$0x1ABE0]  }
0x2c3: {  	[tilespmem:$0x1F930] =	vst v63;
	v63 =	vld [tilespmem:$0x19B10]  }
0x2c4: {  	[tilespmem:$0x1F920] =	vst v16;
	v16 =	vld [tilespmem:$0x19130]  }
0x2c5: {  	[tilespmem:$0x1F2E0] =	vst v44;
	v44 =	vld [tilespmem:$0x18E20]  }
0x2c6: {  	[tilespmem:$0x1F360] =	vst v51;
	v51 =	vld [tilespmem:$0x19320]  }
0x2c7: {  	[tilespmem:$0x1F040] =	vst v4;
	v4 =	vld [tilespmem:$0x1AE60]  }
0x2c8: {  	[tilespmem:$0x1F960] =	vst v63;
	v63 =	vld [tilespmem:$0x19D90]  }
0x2c9: {  	[tilespmem:$0x1F3E0] =	vst v57;
	v57 =	vld [tilespmem:$0x195A0]  }
0x2ca: {  	[tilespmem:$0x1F320] =	vst v47;
	v47 =	vld [tilespmem:$0x19FA0]  }
0x2cb: {  	[tilespmem:$0x1F3A0] =	vst v55;
	v55 =	vld [tilespmem:$0x1A220]  }
0x2cc: {  	[tilespmem:$0x1F080] =	vst v4;
	v4 =	vld [tilespmem:$0x1B0E0]  }
0x2cd: {  	[tilespmem:$0x1F990] =	vst v63;
	v63 =	vld [tilespmem:$0x1A010]  }
0x2ce: {  	[tilespmem:$0x1F420] =	vst v61;
	v61 =	vld [tilespmem:$0x1A4A0]  }
0x2cf: {  	[tilespmem:$0x1F1F0] =	vst v32;
	v32 =	vld [tilespmem:$0x1A9A0]  }
0x2d0: {  	[tilespmem:$0x1F220] =	vst v39;
	v39 =	vld [tilespmem:$0x1AC20]  }
0x2d1: {  	[tilespmem:$0x1F0C0] =	vst v4;
	v4 =	vld [tilespmem:$0x1B360]  }
0x2d2: {  	[tilespmem:$0x1F9C0] =	vst v63;
	v63 =	vld [tilespmem:$0x1A290]  }
0x2d3: {  	[tilespmem:$0x1F250] =	vst v47;
	v47 =	vld [tilespmem:$0x1AEA0]  }
0x2d4: {  	[tilespmem:$0x1F290] =	vst v55;
	v55 =	vld [tilespmem:$0x1B120]  }
0x2d5: {  	[tilespmem:$0x1F2D0] =	vst v61;
	v61 =	vld [tilespmem:$0x1B3A0]  }
0x2d6: {  	[tilespmem:$0x1F0F0] =	vst v4;
	v4 =	vld [tilespmem:$0x19070]  }
0x2d7: {  	[tilespmem:$0x1FA00] =	vst v63;
	v63 =	vld [tilespmem:$0x1A510]  }
0x2d8: {  	[tilespmem:$0x1F350] =	vst v32;
	v32 =	vld [tilespmem:$0x19330]  }
0x2d9: {  	[tilespmem:$0x1F390] =	vst v39;
	v39 =	vld [tilespmem:$0x195B0]  }
0x2da: {  	[tilespmem:$0x1F3D0] =	vst v47;
	v47 =	vld [tilespmem:$0x19830]  }
0x2db: {  	[tilespmem:$0x1F410] =	vst v55;
	v55 =	vld [tilespmem:$0x19AB0]  }
0x2dc: {  	v5 =	vadd.f32 v4, v5;
	[tilespmem:$0x1FA30] =	vst v63;
	v63 =	vld [tilespmem:$0x1A790]  }
0x2dd: {  	[tilespmem:$0x1F440] =	vst v61;
	v61 =	vld [tilespmem:$0x19D30]  }
0x2de: {  	[tilespmem:$0x1FA70] =	vst v50;
	v50 =	vld [tilespmem:$0x1EFE0];
	v5 =	vadd.f32 v6, v5  }
0x2df: {  	v4 =	vld [tilespmem:$0x198B0]  }
0x2e0: {  	v5 =	vadd.f32 v7, v5;
	v7 =	vadd.f32 v34, v49;
	v34 =	vld [tilespmem:$0x1EF80]  }
0x2e1: {  	[tilespmem:$0x1FA60] =	vst v63;
	v63 =	vld [tilespmem:$0x1AA10]  }
0x2e2: {  	v49 =	vld [tilespmem:$0x1EFD0]  }
0x2e3: {  	v5 =	vadd.f32 v11, v5;
	v7 =	vadd.f32 v40, v7;
	v40 =	vld [tilespmem:$0x1EFB0]  }
0x2e4: {  	v11 =	vld [tilespmem:$0x1F140]  }
0x2e5: {  	v5 =	vadd.f32 v17, v5;
	v17 =	vld [tilespmem:$0x1EF50]  }
0x2e6: {  	v7 =	vadd.f32 v48, v7;
	[tilespmem:$0x1FA90] =	vst v63;
	v63 =	vld [tilespmem:$0x1AC90]  }
0x2e7: {  	v48 =	vld [tilespmem:$0x198C0]  }
0x2e8: {  	v5 =	vadd.f32 v21, v5;
	v7 =	vadd.f32 v56, v7;
	v56 =	vld [tilespmem:$0x1EFF0]  }
0x2e9: {  	v21 =	vld [tilespmem:$0x1F020]  }
0x2ea: {  	v5 =	vadd.f32 v30, v5;
	v30 =	vld [tilespmem:$0x1F040]  }
0x2eb: {  	[tilespmem:$0x1FAC0] =	vst v63;
	v63 =	vld [tilespmem:$0x1B190]  }
0x2ec: {  	v7 =	vadd.f32 v40, v7;
	v40 =	vld [tilespmem:$0x1AA40]  }
0x2ed: {  	[tilespmem:$0x1FBC0] =	vst v48;
	v48 =	vld [tilespmem:$0x1F0B0]  }
0x2ee: {  	v5 =	vadd.f32 v37, v5;
	v37 =	vld [tilespmem:$0x193C0]  }
0x2ef: {  	v7 =	vadd.f32 v50, v7;
	v50 =	vld [tilespmem:$0x1AF40]  }
0x2f0: {  	v5 =	vadd.f32 v43, v5;
	[tilespmem:$0x1FB10] =	vst v63;
	v63 =	vld [tilespmem:$0x193A0]  }
0x2f1: {  	v43 =	vld [tilespmem:$0x1F0A0]  }
0x2f2: {  	v5 =	vadd.f32 v53, v5;
	v53 =	vld [tilespmem:$0x1F0D0]  }
0x2f3: {  	[tilespmem:$0x1FB80] =	vst v37;
	v37 =	vld [tilespmem:$0x1F070]  }
0x2f4: {  	v5 =	vadd.f32 v58, v5;
	v58 =	vld [tilespmem:$0x1F100]  }
0x2f5: {  	[tilespmem:$0x1F8F0] =	vst v63;
	v63 =	vadd.f32 v42, v62;
	v42 =	vld [tilespmem:$0x1EF10]  }
0x2f6: {  	v62 =	vld [tilespmem:$0x1A2B0]  }
0x2f7: {  	v13 =	vadd.f32 v52, v63;
	v52 =	vld [tilespmem:$0x19630]  }
0x2f8: {  	v63 =	vadd.f32 v54, v9;
	v54 =	vld [tilespmem:$0x19B40]  }
0x2f9: {  	v9 =	vld [tilespmem:$0x1F120]  }
0x2fa: {  	[tilespmem:$0x1FAB0] =	vst v35;
	v35 =	vadd.f32 v59, v13;
	v59 =	vld [tilespmem:$0x1A030]  }
0x2fb: {  	v13 =	vld [tilespmem:$0x1EF30]  }
0x2fc: {  	v8 =	vadd.f32 v60, v63;
	v60 =	vld [tilespmem:$0x19DC0]  }
0x2fd: {  	v63 =	vld [tilespmem:$0x1F000]  }
0x2fe: {  	v6 =	vadd.f32 v42, v35;
	v35 =	vld [tilespmem:$0x19140]  }
0x2ff: {  	v42 =	vld [tilespmem:$0x19640]  }
0x300: {  	v8 =	vadd.f32 v17, v8;
	v17 =	vld [tilespmem:$0x1A040]  }
0x301: {  	[tilespmem:$0x1FBE0] =	vst v54;
	v54 =	vld [tilespmem:$0x1F0E0];
	v6 =	vadd.f32 v46, v6  }
0x302: {  	v46 =	vld [tilespmem:$0x1EFC0]  }
0x303: {  	v8 =	vadd.f32 v28, v8;
	v28 =	vld [tilespmem:$0x1F030];
	v6 =	vadd.f32 v13, v6  }
0x304: {  	[tilespmem:$0x1FC00] =	vst v60;
	v60 =	vld [tilespmem:$0x1F110]  }
0x305: {  	v8 =	vadd.f32 v36, v8;
	v36 =	vld [tilespmem:$0x1A7C0];
	v6 =	vadd.f32 v15, v6  }
0x306: {  	[tilespmem:$0x1FB50] =	vst v35;
	v35 =	vld [tilespmem:$0x1F060]  }
0x307: {  	[tilespmem:$0x1FBA0] =	vst v42;
	v42 =	vld [tilespmem:$0x1F090];
	v6 =	vadd.f32 v26, v6  }
0x308: {  	[tilespmem:$0x1FC20] =	vst v17;
	v17 =	vld [tilespmem:$0x18ED0]  }
0x309: {  	v15 =	vld [tilespmem:$0x1F010];
	v6 =	vadd.f32 v34, v6  }
0x30a: {  	v8 =	vadd.f32 v46, v8;
	v46 =	vld [tilespmem:$0x1ACC0]  }
0x30b: {  	v34 =	vld [tilespmem:$0x1F050];
	v6 =	vadd.f32 v38, v6  }
0x30c: {  	[tilespmem:$0x1FC80] =	vst v33;
	v26 =	vld [tilespmem:$0x1A2C0];
	v8 =	vadd.f32 v56, v8;
	v5 =	vadd.f32 v35, v5  }
0x30d: {  	[tilespmem:$0x1FCB0] =	vst v36;
	v36 =	vld [tilespmem:$0x19650];
	v6 =	vadd.f32 v49, v6  }
0x30e: {  	[tilespmem:$0x1FCE0] =	vst v40;
	v8 =	vadd.f32 v21, v8;
	v38 =	vld [tilespmem:$0x1F080];
	v5 =	vadd.f32 v43, v5  }
0x30f: {  	[tilespmem:$0x1FD40] =	vst v50;
	v56 =	vld [tilespmem:$0x1F0F0];
	v7 =	vadd.f32 v15, v7;
	v6 =	vadd.f32 v63, v6  }
0x310: {  	[tilespmem:$0x1FB60] =	vst v17;
	v5 =	vadd.f32 v54, v5;
	v8 =	vadd.f32 v34, v8;
	v34 =	vld [tilespmem:$0x193D0]  }
0x311: {  	[tilespmem:$0x1FD10] =	vst v46;
	v7 =	vadd.f32 v30, v7;
	v63 =	vld [tilespmem:$0x1B440];
	v6 =	vadd.f32 v28, v6  }
0x312: {  	[tilespmem:$0x1FC50] =	vst v26;
	v49 =	vld [tilespmem:$0x1F0C0];
	v5 =	vadd.f32 v9, v5  }
0x313: {  	[tilespmem:$0x1FBB0] =	vst v36;
	v7 =	vadd.f32 v38, v7;
	v38 =	vld [tilespmem:$0x198D0];
	v6 =	vadd.f32 v37, v6  }
0x314: {  	[tilespmem:$0x1FF30] =	vst v5;
	v28 =	vld [tilespmem:$0x19150]  }
0x315: {  	v13 =	vld [tilespmem:$0x1AA30];
	[tilespmem:$0x1FB90] =	vst v34;
	v6 =	vadd.f32 v48, v6  }
0x316: {  	v35 =	vld [tilespmem:$0x1F170];
	v8 =	vadd.f32 v42, v8;
	[tilespmem:$0x1FD90] =	vst v63  }
0x317: {  	v15 =	vld [tilespmem:$0x1B1C0];
	[tilespmem:$0x1FF00] =	vst v6;
	v6 =	vadd.f32 v49, v7  }
0x318: {  	v21 =	vld [tilespmem:$0x1F150];
	[tilespmem:$0x1FBD0] =	vst v38;
	v7 =	vadd.f32 v53, v8  }
0x319: {  	v30 =	vld [tilespmem:$0x1F160];
	[tilespmem:$0x1FB70] =	vst v28;
	v6 =	vadd.f32 v56, v6  }
0x31a: {  	v5 =	vld [tilespmem:$0x1F130];
	[tilespmem:$0x1FF10] =	vst v7  }
0x31b: {  	v37 =	vld [tilespmem:$0x1F180];
	[tilespmem:$0x1FF20] =	vst v6  }
0x31c: {  	v9 =	vld [tilespmem:$0x1F190]  }
0x31d: {  	v40 =	vld [tilespmem:$0x19B50]  }
0x31e: {  	v26 =	vadd.f32 v41, v44;
	v41 =	vld [tilespmem:$0x1F1A0]  }
0x31f: {  	v42 =	vld [tilespmem:$0x19DD0]  }
0x320: {  	v43 =	vld [tilespmem:$0x1F1B0]  }
0x321: {  	v44 =	vld [tilespmem:$0x1F1C0]  }
0x322: {  	v46 =	vld [tilespmem:$0x1A050]  }
0x323: {  	v48 =	vld [tilespmem:$0x1F1D0]  }
0x324: {  	v49 =	vld [tilespmem:$0x1A2D0]  }
0x325: {  	v50 =	vld [tilespmem:$0x1F1E0]  }
0x326: {  	v7 =	vadd.f32 v51, v26;
	v51 =	vld [tilespmem:$0x1F1F0]  }
0x327: {  	v53 =	vld [tilespmem:$0x1A550]  }
0x328: {  	v54 =	vld [tilespmem:$0x1F200]  }
0x329: {  	v56 =	vld [tilespmem:$0x1A7D0]  }
0x32a: {  	v7 =	vadd.f32 v57, v7;
	v57 =	vld [tilespmem:$0x1F210]  }
0x32b: {  	v6 =	vadd.f32 v60, v58;
	v58 =	vld [tilespmem:$0x1F220]  }
0x32c: {  	v60 =	vld [tilespmem:$0x1AA50]  }
0x32d: {  	v63 =	vld [tilespmem:$0x1F230]  }
0x32e: {  	v17 =	vld [tilespmem:$0x1ACD0]  }
0x32f: {  	v33 =	vadd.f32 v24, v25;
	v24 =	vld [tilespmem:$0x1F250]  }
0x330: {  	v25 =	vld [tilespmem:$0x1AF50]  }
0x331: {  	v5 =	vadd.f32 v11, v5;
	v26 =	vld [tilespmem:$0x1F260]  }
0x332: {  	v8 =	vadd.f32 v32, v33;
	v28 =	vld [tilespmem:$0x1F270]  }
0x333: {  	v5 =	vadd.f32 v30, v5;
	v30 =	vld [tilespmem:$0x1B1D0]  }
0x334: {  	v8 =	vadd.f32 v39, v8;
	v32 =	vld [tilespmem:$0x1F280]  }
0x335: {  	v33 =	vld [tilespmem:$0x1F290]  }
0x336: {  	v8 =	vadd.f32 v47, v8;
	v47 =	vld [tilespmem:$0x1B450]  }
0x337: {  	v34 =	vld [tilespmem:$0x1F2A0]  }
0x338: {  	v36 =	vld [tilespmem:$0x1F2C0]  }
0x339: {  	v5 =	vadd.f32 v37, v5;
	v37 =	vld [tilespmem:$0x1F2D0]  }
0x33a: {  	v38 =	vld [tilespmem:$0x1F2E0]  }
0x33b: {  	v39 =	vld [tilespmem:$0x1F2F0]  }
0x33c: {  	v11 =	vld [tilespmem:$0x1AD00]  }
0x33d: {  	v6 =	vadd.f32 v21, v6;
	v21 =	vld [tilespmem:$0x1F240]  }
0x33e: {  	v8 =	vadd.f32 v55, v8;
	v55 =	vld [tilespmem:$0x1F390]  }
0x33f: {  	v6 =	vadd.f32 v35, v6;
	v35 =	vld [tilespmem:$0x1F2B0]  }
0x340: {  	v8 =	vadd.f32 v61, v8;
	v61 =	vld [tilespmem:$0x198E0]  }
0x341: {  	[tilespmem:$0x1FBF0] =	vst v40;
	v40 =	vld [tilespmem:$0x19160]  }
0x342: {  	v5 =	vadd.f32 v41, v5;
	v41 =	vld [tilespmem:$0x1F300]  }
0x343: {  	[tilespmem:$0x1FC10] =	vst v42;
	v42 =	vld [tilespmem:$0x1F310]  }
0x344: {  	[tilespmem:$0x1FCD0] =	vst v56;
	v56 =	vld [tilespmem:$0x19660]  }
0x345: {  	v7 =	vadd.f32 v44, v7;
	v44 =	vld [tilespmem:$0x1F330]  }
0x346: {  	[tilespmem:$0x1FC40] =	vst v46;
	v46 =	vld [tilespmem:$0x1F340]  }
0x347: {  	[tilespmem:$0x1FC70] =	vst v49;
	v49 =	vld [tilespmem:$0x1F350]  }
0x348: {  	[tilespmem:$0x1FCA0] =	vst v53;
	v53 =	vld [tilespmem:$0x19DE0]  }
0x349: {  	[tilespmem:$0x1FD00] =	vst v60;
	v60 =	vld [tilespmem:$0x1F3A0]  }
0x34a: {  	[tilespmem:$0x1FD30] =	vst v17;
	v17 =	vld [tilespmem:$0x1F3B0]  }
0x34b: {  	[tilespmem:$0x1FD60] =	vst v25;
	v25 =	vld [tilespmem:$0x1F3D0]  }
0x34c: {  	v8 =	vadd.f32 v28, v8;
	v28 =	vld [tilespmem:$0x1F3E0]  }
0x34d: {  	[tilespmem:$0x1FD80] =	vst v30;
	v30 =	vld [tilespmem:$0x1F3F0]  }
0x34e: {  	v6 =	vadd.f32 v9, v6;
	v9 =	vld [tilespmem:$0x18EF0]  }
0x34f: {  	v5 =	vadd.f32 v48, v5;
	v48 =	vld [tilespmem:$0x18EE0]  }
0x350: {  	v6 =	vadd.f32 v43, v6;
	v43 =	vld [tilespmem:$0x1F320]  }
0x351: {  	v7 =	vadd.f32 v51, v7;
	v51 =	vld [tilespmem:$0x1F370]  }
0x352: {  	v8 =	vadd.f32 v35, v8;
	v35 =	vld [tilespmem:$0x1AA60]  }
0x353: {  	v6 =	vadd.f32 v50, v6;
	v50 =	vld [tilespmem:$0x1F360]  }
0x354: {  	v5 =	vadd.f32 v54, v5;
	v54 =	vld [tilespmem:$0x1F380]  }
0x355: {  	v7 =	vadd.f32 v58, v7;
	v58 =	vld [tilespmem:$0x1A060]  }
0x356: {  	v8 =	vadd.f32 v39, v8;
	v39 =	vld [tilespmem:$0x1F450]  }
0x357: {  	[tilespmem:$0x1FC30] =	vst v53;
	v53 =	vld [tilespmem:$0x1B460]  }
0x358: {  	v6 =	vadd.f32 v57, v6;
	v57 =	vld [tilespmem:$0x193E0]  }
0x359: {  	v5 =	vadd.f32 v63, v5;
	v63 =	vld [tilespmem:$0x19B60]  }
0x35a: {  	v7 =	vadd.f32 v24, v7;
	v24 =	vld [tilespmem:$0x1F3C0]  }
0x35b: {  	v8 =	vadd.f32 v44, v8;
	v44 =	vld [tilespmem:$0x1F490]  }
0x35c: {  	v48 =	vadd.f32 v40, v48;
	v40 =	vld [tilespmem:$0x1AAA0]  }
0x35d: {  	v6 =	vadd.f32 v21, v6;
	v21 =	vld [tilespmem:$0x1A2E0]  }
0x35e: {  	v5 =	vadd.f32 v26, v5;
	v26 =	vld [tilespmem:$0x1A560]  }
0x35f: {  	v7 =	vadd.f32 v33, v7;
	v33 =	vld [tilespmem:$0x1F400]  }
0x360: {  	[tilespmem:$0x1FD20] =	vst v35;
	v35 =	vld [tilespmem:$0x1F5B0]  }
0x361: {  	v8 =	vadd.f32 v51, v8;
	v51 =	vld [tilespmem:$0x1F4C0]  }
0x362: {  	[tilespmem:$0x1FC60] =	vst v58;
	v58 =	vld [tilespmem:$0x1F4F0]  }
0x363: {  	v6 =	vadd.f32 v32, v6;
	v32 =	vld [tilespmem:$0x1A7E0]  }
0x364: {  	v5 =	vadd.f32 v34, v5;
	v34 =	vld [tilespmem:$0x1F410]  }
0x365: {  	v7 =	vadd.f32 v37, v7;
	v37 =	vld [tilespmem:$0x1ACE0]  }
0x366: {  	[tilespmem:$0x1FDC0] =	vst v53;
	v53 =	vld [tilespmem:$0x1F660]  }
0x367: {  	v8 =	vadd.f32 v17, v8;
	v17 =	vld [tilespmem:$0x1F510]  }
0x368: {  	v48 =	vadd.f32 v57, v48;
	v57 =	vld [tilespmem:$0x1AFA0]  }
0x369: {  	v6 =	vadd.f32 v36, v6;
	v36 =	vld [tilespmem:$0x1F420]  }
0x36a: {  	v5 =	vadd.f32 v38, v5;
	v38 =	vld [tilespmem:$0x1F440]  }
0x36b: {  	v7 =	vadd.f32 v42, v7;
	v42 =	vld [tilespmem:$0x1AF60]  }
0x36c: {  	[tilespmem:$0x1FC90] =	vst v21;
	v21 =	vld [tilespmem:$0x1F520]  }
0x36d: {  	[tilespmem:$0x1FCC0] =	vst v26;
	v26 =	vld [tilespmem:$0x1F550]  }
0x36e: {  	v8 =	vadd.f32 v30, v8;
	v30 =	vld [tilespmem:$0x1F570]  }
0x36f: {  	v56 =	vadd.f32 v56, v48;
	v48 =	vld [tilespmem:$0x1B4A0]  }
0x370: {  	v6 =	vadd.f32 v41, v6;
	v41 =	vld [tilespmem:$0x1F460]  }
0x371: {  	v5 =	vadd.f32 v43, v5;
	v43 =	vld [tilespmem:$0x1F470]  }
0x372: {  	v7 =	vadd.f32 v49, v7;
	v49 =	vld [tilespmem:$0x1F4A0]  }
0x373: {  	[tilespmem:$0x1FCF0] =	vst v32;
	v32 =	vld [tilespmem:$0x1F580]  }
0x374: {  	[tilespmem:$0x1FD50] =	vst v37;
	v37 =	vld [tilespmem:$0x1F5D0]  }
0x375: {  	v56 =	vadd.f32 v61, v56;
	v61 =	vld [tilespmem:$0x191B0]  }
0x376: {  	v6 =	vadd.f32 v46, v6;
	v46 =	vld [tilespmem:$0x1B1E0]  }
0x377: {  	v5 =	vadd.f32 v50, v5;
	v50 =	vld [tilespmem:$0x1F4B0]  }
0x378: {  	v7 =	vadd.f32 v55, v7;
	v55 =	vld [tilespmem:$0x1F4E0]  }
0x379: {  	[tilespmem:$0x1FD70] =	vst v42;
	v42 =	vld [tilespmem:$0x1F600]  }
0x37a: {  	v56 =	vadd.f32 v63, v56;
	v63 =	vld [tilespmem:$0x196B0]  }
0x37b: {  	v6 =	vadd.f32 v54, v6;
	v54 =	vld [tilespmem:$0x1F4D0]  }
0x37c: {  	v5 =	vadd.f32 v60, v5;
	v60 =	vld [tilespmem:$0x1F500]  }
0x37d: {  	v7 =	vadd.f32 v25, v7;
	v25 =	vld [tilespmem:$0x1F540]  }
0x37e: {  	v6 =	vadd.f32 v24, v6;
	v24 =	vld [tilespmem:$0x1F530]  }
0x37f: {  	v5 =	vadd.f32 v28, v5;
	v28 =	vld [tilespmem:$0x1F560]  }
0x380: {  	[tilespmem:$0x1FDA0] =	vst v46;
	v46 =	vld [tilespmem:$0x1F630]  }
0x381: {  	v6 =	vadd.f32 v33, v6;
	v5 =	vadd.f32 v36, v5;
	v33 =	vld [tilespmem:$0x1F590]  }
0x382: {  	v36 =	vld [tilespmem:$0x1F5C0]  }
0x383: {  	[tilespmem:$0x1FF50] =	vst v5;
	v5 =	vld [tilespmem:$0x1F430]  }
0x384: {  	[tilespmem:$0x1FF40] =	vst v6;
	v6 =	vadd.f32 v34, v7;
	v7 =	vadd.f32 v51, v50;
	v51 =	vld [tilespmem:$0x19170]  }
0x385: {  	v34 =	vld [tilespmem:$0x1F5A0]  }
0x386: {  	v50 =	vld [tilespmem:$0x1F650]  }
0x387: {  	v6 =	vadd.f32 v38, v6;
	v7 =	vadd.f32 v17, v7;
	v38 =	vld [tilespmem:$0x193F0]  }
0x388: {  	v17 =	vld [tilespmem:$0x1F6B0]  }
0x389: {  	v7 =	vadd.f32 v26, v7;
	v26 =	vld [tilespmem:$0x19670]  }
0x38a: {  	[tilespmem:$0x1FF60] =	vst v6;
	v6 =	vadd.f32 v41, v39;
	v39 =	vld [tilespmem:$0x1F5E0]  }
0x38b: {  	v41 =	vld [tilespmem:$0x1F5F0]  }
0x38c: {  	v5 =	vadd.f32 v5, v8;
	v8 =	vadd.f32 v58, v55;
	v55 =	vld [tilespmem:$0x1F680]  }
0x38d: {  	v58 =	vld [tilespmem:$0x1F690]  }
0x38e: {  	v51 =	vadd.f32 v51, v9;
	v9 =	vld [tilespmem:$0x1FBA0]  }
0x38f: {  	v6 =	vadd.f32 v49, v6;
	v49 =	vld [tilespmem:$0x1F640]  }
0x390: {  	v7 =	vadd.f32 v33, v7;
	v33 =	vld [tilespmem:$0x1B470]  }
0x391: {  	v5 =	vadd.f32 v43, v5;
	v43 =	vld [tilespmem:$0x1F610]  }
0x392: {  	v8 =	vadd.f32 v24, v8;
	v24 =	vld [tilespmem:$0x1F6C0]  }
0x393: {  	v51 =	vadd.f32 v38, v51;
	v38 =	vld [tilespmem:$0x1B220]  }
0x394: {  	v6 =	vadd.f32 v60, v6;
	v60 =	vld [tilespmem:$0x1F6A0]  }
0x395: {  	v7 =	vadd.f32 v37, v7;
	v37 =	vld [tilespmem:$0x1F6F0]  }
0x396: {  	[tilespmem:$0x1FF70] =	vst v5;
	v5 =	vld [tilespmem:$0x1F480]  }
0x397: {  	v8 =	vadd.f32 v30, v8;
	v30 =	vld [tilespmem:$0x19B70]  }
0x398: {  	v26 =	vadd.f32 v26, v51;
	v51 =	vld [tilespmem:$0x18F30]  }
0x399: {  	v6 =	vadd.f32 v25, v6;
	v25 =	vld [tilespmem:$0x1F6D0]  }
0x39a: {  	v8 =	vadd.f32 v35, v8;
	v35 =	vld [tilespmem:$0x1F6E0]  }
0x39b: {  	[tilespmem:$0x1FDE0] =	vst v33;
	v33 =	vld [tilespmem:$0x19900]  }
0x39c: {  	v6 =	vadd.f32 v32, v6;
	v32 =	vld [tilespmem:$0x19DF0]  }
0x39d: {  	v7 =	vadd.f32 v43, v7;
	v43 =	vld [tilespmem:$0x1F710]  }
0x39e: {  	v8 =	vadd.f32 v41, v8;
	v41 =	vld [tilespmem:$0x18F00]  }
0x39f: {  	v6 =	vadd.f32 v36, v6;
	v36 =	vld [tilespmem:$0x1A2F0]  }
0x3a0: {  	v5 =	vadd.f32 v44, v5;
	v44 =	vld [tilespmem:$0x1F620]  }
0x3a1: {  	v7 =	vadd.f32 v50, v7;
	v50 =	vld [tilespmem:$0x1ACF0]  }
0x3a2: {  	v8 =	vadd.f32 v46, v8;
	v46 =	vld [tilespmem:$0x1AA70]  }
0x3a3: {  	v5 =	vadd.f32 v54, v5;
	v54 =	vld [tilespmem:$0x1F670]  }
0x3a4: {  	v7 =	vadd.f32 v58, v7;
	v58 =	vld [tilespmem:$0x1AF70]  }
0x3a5: {  	v6 =	vadd.f32 v42, v6;
	v42 =	vld [tilespmem:$0x1F700]  }
0x3a6: {  	[tilespmem:$0x1FE10] =	vst v33;
	v33 =	vld [tilespmem:$0x1F810]  }
0x3a7: {  	v5 =	vadd.f32 v21, v5;
	v21 =	vld [tilespmem:$0x1B1F0]  }
0x3a8: {  	v6 =	vadd.f32 v49, v6;
	v49 =	vld [tilespmem:$0x1F720]  }
0x3a9: {  	v7 =	vadd.f32 v25, v7;
	v25 =	vld [tilespmem:$0x1F770]  }
0x3aa: {  	[tilespmem:$0x1FDD0] =	vst v41;
	v41 =	vld [tilespmem:$0x19B80]  }
0x3ab: {  	v5 =	vadd.f32 v28, v5;
	v28 =	vld [tilespmem:$0x198F0]  }
0x3ac: {  	v6 =	vadd.f32 v55, v6;
	v55 =	vld [tilespmem:$0x19400]  }
0x3ad: {  	v7 =	vadd.f32 v43, v7;
	v43 =	vld [tilespmem:$0x1F7B0]  }
0x3ae: {  	v8 =	vadd.f32 v54, v8;
	v54 =	vld [tilespmem:$0x1F730]  }
0x3af: {  	v5 =	vadd.f32 v34, v5;
	v34 =	vld [tilespmem:$0x1A070]  }
0x3b0: {  	v6 =	vadd.f32 v24, v6;
	v24 =	vld [tilespmem:$0x1F760]  }
0x3b1: {  	v8 =	vadd.f32 v17, v8;
	v17 =	vld [tilespmem:$0x1F750]  }
0x3b2: {  	[tilespmem:$0x1FDB0] =	vst v21;
	v21 =	vld [tilespmem:$0x19680]  }
0x3b3: {  	[tilespmem:$0x1FE20] =	vst v41;
	v41 =	vld [tilespmem:$0x1A800]  }
0x3b4: {  	v5 =	vadd.f32 v39, v5;
	v39 =	vld [tilespmem:$0x1A570]  }
0x3b5: {  	v6 =	vadd.f32 v42, v6;
	v42 =	vld [tilespmem:$0x1F7A0]  }
0x3b6: {  	v8 =	vadd.f32 v37, v8;
	v37 =	vld [tilespmem:$0x1F790]  }
0x3b7: {  	[tilespmem:$0x1FDF0] =	vst v55;
	v55 =	vld [tilespmem:$0x1F7D0]  }
0x3b8: {  	v26 =	vadd.f32 v28, v26;
	v28 =	vld [tilespmem:$0x19430]  }
0x3b9: {  	v5 =	vadd.f32 v44, v5;
	v44 =	vld [tilespmem:$0x1A7F0]  }
0x3ba: {  	v8 =	vadd.f32 v54, v8;
	v54 =	vld [tilespmem:$0x1F7C0]  }
0x3bb: {  	v26 =	vadd.f32 v30, v26;
	v30 =	vld [tilespmem:$0x19930]  }
0x3bc: {  	v5 =	vadd.f32 v53, v5;
	v53 =	vld [tilespmem:$0x19180]  }
0x3bd: {  	v7 =	vadd.f32 v17, v7;
	v17 =	vld [tilespmem:$0x1F7E0]  }
0x3be: {  	[tilespmem:$0x1FE00] =	vst v21;
	v21 =	vld [tilespmem:$0x1F7F0]  }
0x3bf: {  	[tilespmem:$0x1FE70] =	vst v41;
	v41 =	vld [tilespmem:$0x1F8E0]  }
0x3c0: {  	v8 =	vadd.f32 v25, v8;
	v25 =	vld [tilespmem:$0x1F800]  }
0x3c1: {  	v51 =	vadd.f32 v61, v51;
	v61 =	vld [tilespmem:$0x1FE00]  }
0x3c2: {  	v5 =	vadd.f32 v60, v5;
	v60 =	vld [tilespmem:$0x1F740]  }
0x3c3: {  	v26 =	vadd.f32 v32, v26;
	v7 =	vadd.f32 v37, v7;
	v37 =	vld [tilespmem:$0x1F820]  }
0x3c4: {  	v8 =	vadd.f32 v43, v8;
	v43 =	vld [tilespmem:$0x1F850]  }
0x3c5: {  	v26 =	vadd.f32 v34, v26;
	v34 =	vld [tilespmem:$0x1A330]  }
0x3c6: {  	v5 =	vadd.f32 v35, v5;
	v35 =	vld [tilespmem:$0x1F780]  }
0x3c7: {  	v7 =	vadd.f32 v55, v7;
	v55 =	vld [tilespmem:$0x1F870]  }
0x3c8: {  	v8 =	vadd.f32 v21, v8;
	v21 =	vld [tilespmem:$0x1F8B0]  }
0x3c9: {  	v26 =	vadd.f32 v36, v26;
	v36 =	vld [tilespmem:$0x1A830]  }
0x3ca: {  	v5 =	vadd.f32 v49, v5;
	v49 =	vld [tilespmem:$0x19E00]  }
0x3cb: {  	v6 =	vadd.f32 v60, v6;
	v60 =	vld [tilespmem:$0x1A080]  }
0x3cc: {  	v26 =	vadd.f32 v39, v26;
	v39 =	vld [tilespmem:$0x1AD30]  }
0x3cd: {  	v5 =	vadd.f32 v24, v5;
	v24 =	vld [tilespmem:$0x1A300]  }
0x3ce: {  	v6 =	vadd.f32 v35, v6;
	v35 =	vld [tilespmem:$0x1A580]  }
0x3cf: {  	v26 =	vadd.f32 v44, v26;
	v44 =	vld [tilespmem:$0x1B230]  }
0x3d0: {  	v5 =	vadd.f32 v42, v5;
	v42 =	vld [tilespmem:$0x1F840]  }
0x3d1: {  	[tilespmem:$0x1FE30] =	vst v49;
	v49 =	vld [tilespmem:$0x1F860]  }
0x3d2: {  	v6 =	vadd.f32 v54, v6;
	v54 =	vld [tilespmem:$0x1AA80]  }
0x3d3: {  	v26 =	vadd.f32 v46, v26;
	v46 =	vld [tilespmem:$0x18F40]  }
0x3d4: {  	[tilespmem:$0x1FE40] =	vst v60;
	v60 =	vld [tilespmem:$0x1F890]  }
0x3d5: {  	v5 =	vadd.f32 v17, v5;
	v17 =	vld [tilespmem:$0x1F8A0]  }
0x3d6: {  	[tilespmem:$0x1FE50] =	vst v24;
	v24 =	vld [tilespmem:$0x1F8C0]  }
0x3d7: {  	v6 =	vadd.f32 v25, v6;
	v25 =	vld [tilespmem:$0x1AF80]  }
0x3d8: {  	v26 =	vadd.f32 v50, v26;
	v50 =	vld [tilespmem:$0x1FD70]  }
0x3d9: {  	v5 =	vadd.f32 v37, v5;
	v37 =	vld [tilespmem:$0x1B200]  }
0x3da: {  	[tilespmem:$0x1FE60] =	vst v35;
	v35 =	vadd.f32 v16, v10;
	v16 =	vld [tilespmem:$0x1F950]  }
0x3db: {  	[tilespmem:$0x1FF80] =	vst v6;
	v6 =	vadd.f32 v33, v7;
	v33 =	vld [tilespmem:$0x1F8D0]  }
0x3dc: {  	[tilespmem:$0x1FF90] =	vst v5;
	v5 =	vld [tilespmem:$0x1F830]  }
0x3dd: {  	[tilespmem:$0x1FE80] =	vst v54;
	v54 =	vld [tilespmem:$0x1F910]  }
0x3de: {  	v6 =	vadd.f32 v42, v6;
	v42 =	vld [tilespmem:$0x1F8F0]  }
0x3df: {  	v7 =	vadd.f32 v24, v21;
	v21 =	vld [tilespmem:$0x1F970]  }
0x3e0: {  	v24 =	vld [tilespmem:$0x1F980]  }
0x3e1: {  	[tilespmem:$0x1FEA0] =	vst v25;
	v25 =	vld [tilespmem:$0x1F990]  }
0x3e2: {  	[tilespmem:$0x1FFA0] =	vst v6;
	v6 =	vadd.f32 v49, v43;
	v43 =	vld [tilespmem:$0x1B480]  }
0x3e3: {  	v49 =	vld [tilespmem:$0x1F900]  }
0x3e4: {  	[tilespmem:$0x1FEB0] =	vst v37;
	v37 =	vld [tilespmem:$0x18F10]  }
0x3e5: {  	v5 =	vadd.f32 v5, v8;
	v8 =	vadd.f32 v14, v35;
	v35 =	vld [tilespmem:$0x19410]  }
0x3e6: {  	v14 =	vld [tilespmem:$0x1F940]  }
0x3e7: {  	v6 =	vadd.f32 v17, v6;
	v17 =	vld [tilespmem:$0x1F960]  }
0x3e8: {  	v7 =	vadd.f32 v42, v7;
	v42 =	vld [tilespmem:$0x19910]  }
0x3e9: {  	v5 =	vadd.f32 v55, v5;
	v55 =	vld [tilespmem:$0x1F920]  }
0x3ea: {  	v6 =	vadd.f32 v41, v6;
	v41 =	vld [tilespmem:$0x19690]  }
0x3eb: {  	v8 =	vadd.f32 v52, v8;
	v52 =	vld [tilespmem:$0x1F9B0]  }
0x3ec: {  	[tilespmem:$0x1FED0] =	vst v43;
	v43 =	vld [tilespmem:$0x19B90]  }
0x3ed: {  	[tilespmem:$0x1FFB0] =	vst v5;
	v5 =	vld [tilespmem:$0x1F880];
	v4 =	vadd.f32 v4, v8  }
0x3ee: {  	v6 =	vadd.f32 v54, v6;
	v54 =	vld [tilespmem:$0x1F9C0]  }
0x3ef: {  	v4 =	vadd.f32 v45, v4;
	v45 =	vld [tilespmem:$0x19E10]  }
0x3f0: {  	v6 =	vadd.f32 v14, v6;
	v14 =	vld [tilespmem:$0x1F9F0]  }
0x3f1: {  	v7 =	vadd.f32 v55, v7;
	v55 =	vld [tilespmem:$0x1F9D0]  }
0x3f2: {  	v6 =	vadd.f32 v21, v6;
	v21 =	vld [tilespmem:$0x1FA20];
	v5 =	vadd.f32 v60, v5  }
0x3f3: {  	v60 =	vld [tilespmem:$0x1F930]  }
0x3f4: {  	v7 =	vadd.f32 v16, v7;
	v16 =	vld [tilespmem:$0x1FA00];
	v5 =	vadd.f32 v33, v5  }
0x3f5: {  	v33 =	vld [tilespmem:$0x19190]  }
0x3f6: {  	v7 =	vadd.f32 v24, v7;
	v24 =	vld [tilespmem:$0x1FA30];
	v5 =	vadd.f32 v49, v5  }
0x3f7: {  	v4 =	vadd.f32 v55, v4;
	v55 =	vld [tilespmem:$0x1A810]  }
0x3f8: {  	v49 =	vld [tilespmem:$0x1F9A0];
	v5 =	vadd.f32 v60, v5  }
0x3f9: {  	v7 =	vadd.f32 v52, v7;
	v52 =	vld [tilespmem:$0x1A310]  }
0x3fa: {  	v4 =	vadd.f32 v59, v4;
	v59 =	vld [tilespmem:$0x1AA90];
	v5 =	vadd.f32 v17, v5  }
0x3fb: {  	v60 =	vld [tilespmem:$0x1F9E0]  }
0x3fc: {  	v7 =	vadd.f32 v14, v7;
	v14 =	vld [tilespmem:$0x1FA60];
	v5 =	vadd.f32 v25, v5  }
0x3fd: {  	v4 =	vadd.f32 v62, v4;
	v62 =	vld [tilespmem:$0x1FA50]  }
0x3fe: {  	v33 =	vadd.f32 v33, v37;
	v37 =	vld [tilespmem:$0x1A340];
	v5 =	vadd.f32 v54, v5  }
0x3ff: {  	v17 =	vld [tilespmem:$0x1FA10]  }
0x400: {  	v5 =	vadd.f32 v16, v5;
	v16 =	vld [tilespmem:$0x1FA70]  }
0x401: {  	v7 =	vadd.f32 v21, v7;
	v21 =	vld [tilespmem:$0x1FA80]  }
0x402: {  	v6 =	vadd.f32 v49, v6;
	v49 =	vld [tilespmem:$0x1A090]  }
0x403: {  	v25 =	vld [tilespmem:$0x1FA40]  }
0x404: {  	v6 =	vadd.f32 v60, v6;
	v60 =	vld [tilespmem:$0x1AD10]  }
0x405: {  	v54 =	vld [tilespmem:$0x1A590];
	v5 =	vadd.f32 v24, v5;
	v4 =	vadd.f32 v16, v4  }
0x406: {  	v6 =	vadd.f32 v17, v6;
	v17 =	vld [tilespmem:$0x1B210]  }
0x407: {  	v5 =	vadd.f32 v14, v5;
	v14 =	vld [tilespmem:$0x1FAA0];
	v4 =	vadd.f32 v19, v4  }
0x408: {  	v6 =	vadd.f32 v25, v6;
	v24 =	vld [tilespmem:$0x1B490]  }
0x409: {  	v19 =	vld [tilespmem:$0x1FAD0];
	v4 =	vadd.f32 v13, v4  }
0x40a: {  	v25 =	vld [tilespmem:$0x1FA90];
	v6 =	vadd.f32 v21, v6  }
0x40b: {  	v12 =	vadd.f32 v12, v4;
	v4 =	vld [tilespmem:$0x1FB00]  }
0x40c: {  	[tilespmem:$0x1FEC0] =	vst v17;
	v17 =	vld [tilespmem:$0x1FAC0];
	v6 =	vadd.f32 v14, v6  }
0x40d: {  	v7 =	vadd.f32 v62, v7;
	v62 =	vld [tilespmem:$0x1AF90]  }
0x40e: {  	[tilespmem:$0x1FEE0] =	vst v24;
	v24 =	vld [tilespmem:$0x1FAF0];
	v6 =	vadd.f32 v19, v6  }
0x40f: {  	v7 =	vadd.f32 v18, v7;
	v18 =	vld [tilespmem:$0x18F20];
	v5 =	vadd.f32 v25, v5  }
0x410: {  	v25 =	vadd.f32 v4, v6;
	v4 =	vld [tilespmem:$0x1FB10]  }
0x411: {  	v21 =	vld [tilespmem:$0x1FAE0];
	v5 =	vadd.f32 v17, v5  }
0x412: {  	v16 =	vld [tilespmem:$0x1FAB0]  }
0x413: {  	v17 =	vld [tilespmem:$0x19420];
	v5 =	vadd.f32 v24, v5  }
0x414: {  	v14 =	vld [tilespmem:$0x1FB70]  }
0x415: {  	v8 =	vadd.f32 v4, v5;
	v4 =	vld [tilespmem:$0x1FB20]  }
0x416: {  	v13 =	vld [tilespmem:$0x1FBE0]  }
0x417: {  	v7 =	vadd.f32 v16, v7;
	v16 =	vld [tilespmem:$0x191A0]  }
0x418: {  	v19 =	vld [tilespmem:$0x196A0]  }
0x419: {  	v7 =	vadd.f32 v21, v7;
	v21 =	vld [tilespmem:$0x19920]  }
0x41a: {  	v24 =	vld [tilespmem:$0x1A0A0];
	v4 =	vadd.f32 v4, v25  }
0x41b: {  	v12 =	vadd.f32 v23, v12;
	v23 =	vld [tilespmem:$0x19E20]  }
0x41c: {  	[tilespmem:$0x1FFC0] =	vst v4;
	v4 =	vld [tilespmem:$0x1FB30]  }
0x41d: {  	v7 =	vadd.f32 v22, v7;
	v22 =	vld [tilespmem:$0x19BA0]  }
0x41e: {  	[tilespmem:$0x1FE90] =	vst v11;
	v11 =	vadd.f32 v27, v12;
	v27 =	vld [tilespmem:$0x1A5A0]  }
0x41f: {  	v12 =	vld [tilespmem:$0x1FBD0]  }
0x420: {  	v16 =	vadd.f32 v16, v18;
	v18 =	vadd.f32 v35, v33;
	v33 =	vld [tilespmem:$0x1A840]  }
0x421: {  	v35 =	vld [tilespmem:$0x1AAC0];
	v10 =	vadd.f32 v31, v7;
	v4 =	vadd.f32 v4, v8  }
0x422: {  	v31 =	vld [tilespmem:$0x1FB90]  }
0x423: {  	v6 =	vld [tilespmem:$0x19BB0];
	[tilespmem:$0x1FFD0] =	vst v4;
	v4 =	vadd.f32 v20, v10  }
0x424: {  	v5 =	vld [tilespmem:$0x1FB50]  }
0x425: {  	[tilespmem:$0x1FFE0] =	vst v4;
	v4 =	vld [tilespmem:$0x1FB40]  }
0x426: {  	v7 =	vld [tilespmem:$0x19E30];
	v16 =	vadd.f32 v17, v16  }
0x427: {  	v17 =	vadd.f32 v41, v18;
	v41 =	vadd.f32 v28, v51;
	v28 =	vld [tilespmem:$0x1AD40]  }
0x428: {  	v18 =	vld [tilespmem:$0x1AFC0]  }
0x429: {  	v51 =	vadd.f32 v42, v17;
	v41 =	vadd.f32 v63, v41;
	v17 =	vld [tilespmem:$0x1B240]  }
0x42a: {  	v63 =	vld [tilespmem:$0x1FE30];
	v4 =	vadd.f32 v5, v4;
	v5 =	vadd.f32 v29, v11  }
0x42b: {  	v16 =	vadd.f32 v19, v16;
	v42 =	vld [tilespmem:$0x19E50]  }
0x42c: {  	[tilespmem:$0x1FFF0] =	vst v5;
	v5 =	vld [tilespmem:$0x1FB60]  }
0x42d: {  	v21 =	vadd.f32 v21, v16;
	v16 =	vld [tilespmem:$0x1B4C0]  }
0x42e: {  	v20 =	vld [tilespmem:$0x1FB80]  }
0x42f: {  	v30 =	vadd.f32 v30, v41;
	v41 =	vld [tilespmem:$0x18F50]  }
0x430: {  	v10 =	vld [tilespmem:$0x1FBB0]  }
0x431: {  	v19 =	vadd.f32 v43, v51;
	v51 =	vld [tilespmem:$0x1FE50];
	v5 =	vadd.f32 v14, v5  }
0x432: {  	v11 =	vld [tilespmem:$0x1FBC0]  }
0x433: {  	v43 =	vld [tilespmem:$0x1FEF0];
	v4 =	vadd.f32 v20, v4;
	v5 =	vadd.f32 v31, v5  }
0x434: {  	v21 =	vadd.f32 v22, v21;
	v14 =	vld [tilespmem:$0x1FBF0]  }
0x435: {  	v22 =	vld [tilespmem:$0x191D0];
	v4 =	vadd.f32 v9, v4;
	v5 =	vadd.f32 v10, v5  }
0x436: {  	v20 =	vld [tilespmem:$0x1FC00]  }
0x437: {  	v4 =	vadd.f32 v11, v4;
	v11 =	vld [tilespmem:$0x1FC30];
	v5 =	vadd.f32 v12, v5  }
0x438: {  	v10 =	vld [tilespmem:$0x1FC20]  }
0x439: {  	v5 =	vadd.f32 v14, v5;
	v14 =	vld [tilespmem:$0x1FC60]  }
0x43a: {  	v9 =	vld [tilespmem:$0x1FC10];
	v4 =	vadd.f32 v13, v4  }
0x43b: {  	v13 =	vld [tilespmem:$0x1FC50]  }
0x43c: {  	v4 =	vadd.f32 v20, v4;
	v56 =	vadd.f32 v11, v56;
	v12 =	vld [tilespmem:$0x1FC40]  }
0x43d: {  	v6 =	vadd.f32 v6, v30;
	v30 =	vld [tilespmem:$0x19450]  }
0x43e: {  	v4 =	vadd.f32 v10, v4;
	v20 =	vadd.f32 v14, v56;
	v14 =	vld [tilespmem:$0x1FC90]  }
0x43f: {  	v19 =	vadd.f32 v45, v19;
	v45 =	vld [tilespmem:$0x1FE40];
	v5 =	vadd.f32 v9, v5  }
0x440: {  	v4 =	vadd.f32 v13, v4;
	v13 =	vld [tilespmem:$0x1FC80]  }
0x441: {  	v5 =	vadd.f32 v12, v5;
	v12 =	vld [tilespmem:$0x1FC70]  }
0x442: {  	v21 =	vadd.f32 v23, v21;
	v23 =	vld [tilespmem:$0x196D0]  }
0x443: {  	v32 =	vadd.f32 v14, v20;
	v20 =	vld [tilespmem:$0x1FCA0]  }
0x444: {  	v6 =	vadd.f32 v7, v6;
	v7 =	vld [tilespmem:$0x19950]  }
0x445: {  	v4 =	vadd.f32 v13, v4;
	v13 =	vld [tilespmem:$0x1FCC0]  }
0x446: {  	v5 =	vadd.f32 v12, v5;
	v12 =	vld [tilespmem:$0x1FCB0]  }
0x447: {  	v14 =	vld [tilespmem:$0x1FCD0]  }
0x448: {  	v5 =	vadd.f32 v20, v5;
	v20 =	vld [tilespmem:$0x1FCE0]  }
0x449: {  	v19 =	vadd.f32 v49, v19;
	v49 =	vld [tilespmem:$0x1FEC0]  }
0x44a: {  	v32 =	vadd.f32 v13, v32;
	v13 =	vld [tilespmem:$0x1FD00]  }
0x44b: {  	v4 =	vadd.f32 v12, v4;
	v12 =	vld [tilespmem:$0x1FCF0]  }
0x44c: {  	v25 =	vld [tilespmem:$0x1A320]  }
0x44d: {  	v5 =	vadd.f32 v14, v5;
	v4 =	vadd.f32 v20, v4;
	v20 =	vld [tilespmem:$0x1FD20]  }
0x44e: {  	[tilespmem:$0x1C5B0] =	vst v43;
	v43 =	vld [tilespmem:$0x1FFB0]  }
0x44f: {  	v5 =	vadd.f32 v13, v5;
	v13 =	vld [tilespmem:$0x1FD30]  }
0x450: {  	v19 =	vadd.f32 v52, v19;
	v14 =	vld [tilespmem:$0x1FD10];
	v32 =	vadd.f32 v12, v32  }
0x451: {  	v21 =	vadd.f32 v24, v21;
	v24 =	vld [tilespmem:$0x19BD0]  }
0x452: {  	v19 =	vadd.f32 v54, v19;
	v32 =	vadd.f32 v20, v32;
	v20 =	vld [tilespmem:$0x1FD40]  }
0x453: {  	v52 =	vld [tilespmem:$0x1FE60]  }
0x454: {  	v19 =	vadd.f32 v55, v19;
	v5 =	vadd.f32 v13, v5;
	v13 =	vld [tilespmem:$0x1FD50]  }
0x455: {  	v54 =	vld [tilespmem:$0x1FE70];
	v4 =	vadd.f32 v14, v4  }
0x456: {  	v21 =	vadd.f32 v25, v21;
	v25 =	vld [tilespmem:$0x1A0D0];
	v19 =	vadd.f32 v59, v19  }
0x457: {  	v4 =	vadd.f32 v20, v4;
	v20 =	vld [tilespmem:$0x1FD60]  }
0x458: {  	v55 =	vld [tilespmem:$0x1FEE0];
	v19 =	vadd.f32 v60, v19  }
0x459: {  	v8 =	vld [tilespmem:$0x1A5B0];
	v32 =	vadd.f32 v13, v32  }
0x45a: {  	v21 =	vadd.f32 v27, v21;
	v27 =	vld [tilespmem:$0x1A5D0];
	v19 =	vadd.f32 v62, v19  }
0x45b: {  	v32 =	vadd.f32 v50, v32;
	v50 =	vadd.f32 v58, v26;
	v26 =	vld [tilespmem:$0x1FD90]  }
0x45c: {  	v5 =	vadd.f32 v20, v5;
	v20 =	vld [tilespmem:$0x1FD80]  }
0x45d: {  	v59 =	vld [tilespmem:$0x1FE90];
	v19 =	vadd.f32 v49, v19  }
0x45e: {  	v60 =	vld [tilespmem:$0x1FEA0]  }
0x45f: {  	v19 =	vadd.f32 v55, v19;
	v55 =	vld [tilespmem:$0x1FF30];
	v4 =	vadd.f32 v15, v4  }
0x460: {  	v29 =	vld [tilespmem:$0x1A820]  }
0x461: {  	v26 =	vadd.f32 v26, v4;
	v4 =	vld [tilespmem:$0x1FDA0];
	v5 =	vadd.f32 v20, v5  }
0x462: {  	v58 =	vld [tilespmem:$0x1FDC0]  }
0x463: {  	v47 =	vadd.f32 v47, v5;
	v5 =	vld [tilespmem:$0x1FDB0]  }
0x464: {  	v62 =	vld [tilespmem:$0x1FEB0]  }
0x465: {  	v49 =	vld [tilespmem:$0x19E60]  }
0x466: {  	v31 =	vld [tilespmem:$0x1AD20];
	v32 =	vadd.f32 v4, v32  }
0x467: {  	[tilespmem:$0x1C5F0] =	vst v55;
	v55 =	vld [tilespmem:$0x1AFE0];
	v21 =	vadd.f32 v29, v21  }
0x468: {  	v5 =	vadd.f32 v5, v50;
	v50 =	vadd.f32 v58, v32;
	v58 =	vld [tilespmem:$0x1FDD0]  }
0x469: {  	v29 =	vld [tilespmem:$0x1AAD0];
	v21 =	vadd.f32 v40, v21  }
0x46a: {  	v40 =	vld [tilespmem:$0x1AFD0]  }
0x46b: {  	v11 =	vld [tilespmem:$0x19440];
	v21 =	vadd.f32 v31, v21  }
0x46c: {  	v31 =	vld [tilespmem:$0x1B4D0]  }
0x46d: {  	v21 =	vadd.f32 v57, v21;
	v32 =	vadd.f32 v53, v58;
	v58 =	vld [tilespmem:$0x1FDE0]  }
0x46e: {  	v10 =	vld [tilespmem:$0x191C0]  }
0x46f: {  	v57 =	vld [tilespmem:$0x19470];
	v21 =	vadd.f32 v38, v21  }
0x470: {  	v56 =	vld [tilespmem:$0x1A0B0]  }
0x471: {  	v21 =	vadd.f32 v48, v21;
	v48 =	vld [tilespmem:$0x1FF10]  }
0x472: {  	v58 =	vadd.f32 v58, v5;
	v5 =	vld [tilespmem:$0x1FDF0]  }
0x473: {  	v9 =	vld [tilespmem:$0x1AAB0]  }
0x474: {  	v38 =	vld [tilespmem:$0x1FF90]  }
0x475: {  	v10 =	vadd.f32 v10, v46;
	v46 =	vld [tilespmem:$0x19BF0]  }
0x476: {  	v6 =	vadd.f32 v56, v6;
	v56 =	vld [tilespmem:$0x1FE80]  }
0x477: {  	[tilespmem:$0x1C5D0] =	vst v48;
	v48 =	vld [tilespmem:$0x1FFD0];
	v32 =	vadd.f32 v5, v32  }
0x478: {  	v6 =	vadd.f32 v34, v6;
	v34 =	vld [tilespmem:$0x1A350]  }
0x479: {  	v32 =	vadd.f32 v61, v32;
	v61 =	vld [tilespmem:$0x1FE10]  }
0x47a: {  	v13 =	vld [tilespmem:$0x196C0]  }
0x47b: {  	v6 =	vadd.f32 v8, v6;
	v8 =	vld [tilespmem:$0x1A850]  }
0x47c: {  	v15 =	vld [tilespmem:$0x19940]  }
0x47d: {  	v10 =	vadd.f32 v11, v10;
	v4 =	vld [tilespmem:$0x19BC0]  }
0x47e: {  	v6 =	vadd.f32 v36, v6;
	v32 =	vadd.f32 v61, v32;
	v61 =	vld [tilespmem:$0x1FE20]  }
0x47f: {  	v12 =	vld [tilespmem:$0x1AFB0];
	v10 =	vadd.f32 v13, v10  }
0x480: {  	v6 =	vadd.f32 v9, v6;
	v20 =	vld [tilespmem:$0x19E40]  }
0x481: {  	v36 =	vld [tilespmem:$0x1AD50];
	v10 =	vadd.f32 v15, v10  }
0x482: {  	v6 =	vadd.f32 v39, v6;
	v53 =	vld [tilespmem:$0x1A0C0]  }
0x483: {  	v9 =	vld [tilespmem:$0x1B250];
	v4 =	vadd.f32 v4, v10;
	v32 =	vadd.f32 v61, v32  }
0x484: {  	v39 =	vld [tilespmem:$0x1A860];
	v6 =	vadd.f32 v12, v6  }
0x485: {  	v14 =	vld [tilespmem:$0x1B4B0];
	v4 =	vadd.f32 v20, v4;
	v32 =	vadd.f32 v63, v32  }
0x486: {  	v6 =	vadd.f32 v44, v6;
	v44 =	vld [tilespmem:$0x19BE0]  }
0x487: {  	v4 =	vadd.f32 v53, v4;
	v53 =	vld [tilespmem:$0x1AD70];
	v32 =	vadd.f32 v45, v32  }
0x488: {  	v61 =	vld [tilespmem:$0x18F60]  }
0x489: {  	v63 =	vld [tilespmem:$0x191E0];
	v32 =	vadd.f32 v51, v32  }
0x48a: {  	v4 =	vadd.f32 v37, v4;
	v37 =	vld [tilespmem:$0x1A5F0]  }
0x48b: {  	v45 =	vld [tilespmem:$0x1FF00];
	v32 =	vadd.f32 v52, v32  }
0x48c: {  	v5 =	vld [tilespmem:$0x1A5C0]  }
0x48d: {  	v51 =	vld [tilespmem:$0x18F70];
	v32 =	vadd.f32 v54, v32  }
0x48e: {  	v61 =	vadd.f32 v63, v61;
	v63 =	vld [tilespmem:$0x19960]  }
0x48f: {  	v52 =	vld [tilespmem:$0x1FED0];
	v32 =	vadd.f32 v56, v32  }
0x490: {  	[tilespmem:$0x1C5C0] =	vst v45;
	v45 =	vld [tilespmem:$0x1FFC0]  }
0x491: {  	v54 =	vld [tilespmem:$0x191F0];
	v32 =	vadd.f32 v59, v32  }
0x492: {  	v56 =	vld [tilespmem:$0x19460]  }
0x493: {  	v59 =	vadd.f32 v22, v41;
	v41 =	vld [tilespmem:$0x19970];
	v32 =	vadd.f32 v60, v32  }
0x494: {  	v60 =	vld [tilespmem:$0x196E0]  }
0x495: {  	v6 =	vadd.f32 v14, v6;
	v32 =	vadd.f32 v62, v32;
	v62 =	vld [tilespmem:$0x196F0]  }
0x496: {  	v12 =	vadd.f32 v54, v51;
	v51 =	vld [tilespmem:$0x1FF20];
	v14 =	vadd.f32 v30, v59  }
0x497: {  	v4 =	vadd.f32 v5, v4;
	v54 =	vld [tilespmem:$0x19E70];
	v11 =	vadd.f32 v56, v61  }
0x498: {  	v59 =	vld [tilespmem:$0x1A0F0];
	v12 =	vadd.f32 v57, v12;
	v14 =	vadd.f32 v23, v14  }
0x499: {  	v4 =	vadd.f32 v33, v4;
	v30 =	vld [tilespmem:$0x1FF80];
	v11 =	vadd.f32 v60, v11  }
0x49a: {  	v56 =	vld [tilespmem:$0x1A0E0];
	v7 =	vadd.f32 v7, v14;
	v12 =	vadd.f32 v62, v12  }
0x49b: {  	v57 =	vld [tilespmem:$0x1FF40];
	v32 =	vadd.f32 v52, v32;
	v52 =	vadd.f32 v63, v11  }
0x49c: {  	[tilespmem:$0x1C670] =	vst v43;
	v61 =	vld [tilespmem:$0x1A360];
	v7 =	vadd.f32 v24, v7;
	v12 =	vadd.f32 v41, v12  }
0x49d: {  	v4 =	vadd.f32 v35, v4;
	[tilespmem:$0x1C5E0] =	vst v51;
	v51 =	vld [tilespmem:$0x1AD60];
	v10 =	vadd.f32 v44, v52  }
0x49e: {  	[tilespmem:$0x1C710] =	vst v19;
	v60 =	vld [tilespmem:$0x1FF50];
	v7 =	vadd.f32 v42, v7;
	v12 =	vadd.f32 v46, v12  }
0x49f: {  	[tilespmem:$0x1C720] =	vst v21;
	v4 =	vadd.f32 v28, v4;
	v63 =	vld [tilespmem:$0x1A370];
	v10 =	vadd.f32 v49, v10  }
0x4a0: {  	[tilespmem:$0x1C650] =	vst v38;
	v7 =	vadd.f32 v25, v7;
	v25 =	vld [tilespmem:$0x1A5E0];
	v11 =	vadd.f32 v54, v12  }
0x4a1: {  	[tilespmem:$0x1C690] =	vst v48;
	v4 =	vadd.f32 v18, v4;
	v24 =	vld [tilespmem:$0x1FF70];
	v10 =	vadd.f32 v56, v10  }
0x4a2: {  	[tilespmem:$0x1C600] =	vst v57;
	v57 =	vld [tilespmem:$0x1B260];
	v7 =	vadd.f32 v34, v7;
	v11 =	vadd.f32 v59, v11  }
0x4a3: {  	[tilespmem:$0x1C730] =	vst v6;
	v4 =	vadd.f32 v17, v4;
	v42 =	vld [tilespmem:$0x1A870];
	v5 =	vadd.f32 v61, v10  }
0x4a4: {  	[tilespmem:$0x1C6C0] =	vst v26;
	v44 =	vld [tilespmem:$0x1AAE0];
	v7 =	vadd.f32 v27, v7;
	v11 =	vadd.f32 v63, v11  }
0x4a5: {  	[tilespmem:$0x1C6D0] =	vst v47;
	v4 =	vadd.f32 v16, v4;
	v46 =	vld [tilespmem:$0x1AAF0];
	v5 =	vadd.f32 v25, v5  }
0x4a6: {  	[tilespmem:$0x1C6E0] =	vst v50;
	v62 =	vld [tilespmem:$0x1FF60];
	v7 =	vadd.f32 v8, v7;
	v49 =	vadd.f32 v37, v11  }
0x4a7: {  	[tilespmem:$0x1C6F0] =	vst v58;
	v41 =	vld [tilespmem:$0x1FFA0];
	v5 =	vadd.f32 v39, v5  }
0x4a8: {  	[tilespmem:$0x1C740] =	vst v4;
	v52 =	vld [tilespmem:$0x1FFE0];
	v7 =	vadd.f32 v29, v7;
	v8 =	vadd.f32 v42, v49  }
0x4a9: {  	[tilespmem:$0x1C680] =	vst v45;
	v56 =	vld [tilespmem:$0x1AFF0];
	v5 =	vadd.f32 v44, v5  }
0x4aa: {  	[tilespmem:$0x1C610] =	vst v60;
	v60 =	vld [tilespmem:$0x1B4E0];
	v7 =	vadd.f32 v36, v7;
	v8 =	vadd.f32 v46, v8  }
0x4ab: {  	[tilespmem:$0x1C640] =	vst v30;
	v59 =	vld [tilespmem:$0x1B270];
	v5 =	vadd.f32 v51, v5  }
0x4ac: {  	[tilespmem:$0x1C700] =	vst v32;
	v54 =	vld [tilespmem:$0x1FFF0];
	v7 =	vadd.f32 v40, v7;
	v8 =	vadd.f32 v53, v8  }
0x4ad: {  	[tilespmem:$0x1C630] =	vst v24;
	v61 =	vld [tilespmem:$0x1B4F0];
	v5 =	vadd.f32 v55, v5  }
0x4ae: {  	[tilespmem:$0x1C620] =	vst v62;
	v7 =	vadd.f32 v9, v7;
	v8 =	vadd.f32 v56, v8  }
0x4af: {  	[tilespmem:$0x1C660] =	vst v41;
	v5 =	vadd.f32 v57, v5  }
0x4b0: {  	[tilespmem:$0x1C6A0] =	vst v52;
	v62 =	vadd.f32 v31, v7;
	v63 =	vadd.f32 v59, v8  }
0x4b1: {  	[tilespmem:$0x1C6B0] =	vst v54;
	v4 =	vadd.f32 v60, v5  }
0x4b2: {  	[tilespmem:$0x1C750] =	vst v62;
	v5 =	vadd.f32 v61, v63  }
0x4b3: {  	[tilespmem:$0x1C760] =	vst v4  }
0x4b4: {  	s21 =	simm.s32 $0x1C500;
	s9 =	rddreg [dreg:$0x12];
	[tilespmem:$0x1C770] =	vst v5  }
0x4b5: {  	[spmem:s9] =	stream.linear.scatter [tilespmem:s21], [sflag:$0x9], $0x280, $0x38;
	[tilespmem:$0x1C900] =	vst v63  }
0x4b6: {  	_ =	swait.ge [sflag:s0], $0x280  }
0x4b7: {  	[sflag:s0] =	ssyncset.done $0x0  }
0x4b8: {  	[sflag:s0] =	ssyncadd.s32 $0xFFFFFD80  }
0x4b9: {  	s21 =	stileid.u32;
	[bflag:$0x0] =	sbarrier.arrive $0xFFFF  }
0x4ba: {  	s9 =	sshll.u32 s21, $0x6;
	s28 =	rddreg [dreg:$0x6]  }
0x4bb: {  	s9 =	sor.u32 $0x1C09, s9;
	s29 =	rddreg [dreg:$0xe];
	s21 =	sshrl.u32 s28, $0x3  }
0x4bc: {  	[hbm:s29], [sflag:s9] =	dma.local [spmem:s21], $0x2700  }
0x4bd: {  	_ =	swait.ge [sflag:s0], $0x2700  }
0x4be: {  	[sflag:s0] =	ssyncset.done $0x0  }
0x4bf: {  	[sflag:s0] =	ssyncadd.s32 $0xFFFFD900  }
0x4c0: {  	s21 =	rddreg [dreg:$0x4]  }
0x4c1: {  	s29 =	rddreg [dreg:$0x13];
	s21 =	sshrl.u32 @p0 s21, $0x3  }
0x4c2: {  	[hbm:s29], [sflag:s9] =	dma.local @p0 [spmem:s21], $0x500  }
0x4c3: {  	s21 =	simm.s32 @p0 $0x9  }
0x4c4: {  	_ =	swait.ge @p0 [sflag:s21], $0x500  }
0x4c5: {  	[sflag:s21] =	ssyncset.done @p0 $0x0;
	s30 =	rddreg [dreg:$0x18]  }
0x4c6: {  	s29 =	rddreg [dreg:$0x14];
	[sflag:s21] =	ssyncadd.s32 @p0 $0xFFFFFB00;
	s21 =	sshrl.u32 @!p2 s30, $0x3  }
0x4c7: {  	[hbm:s29], [sflag:s9] =	dma.local @!p2 [spmem:s21], $0x100  }
0x4c8: {  	s9 =	simm.s32 @!p2 $0x9  }
0x4c9: {  	_ =	swait.ge @!p2 [sflag:s9], $0x100  }
0x4ca: {  	s29 =	rddreg [dreg:$0x1a]  }
0x4cb: {  	s21 =	rddreg [dreg:$0x15];
	s29 =	sadd.s32 $0x1, s29  }
0x4cc: {  	p3 =	sne.s32 s29, s21  }
.Ltmp6:
0x4cd: {  	_ = 	snop;
	(pc) =	sbr.rel @p3 .LBB2_1-.Ltmp6, $3  }
0x4ce: {  	_ =	sdelay $0x1  }
0x4cf: {  	[sflag:s9] =	ssyncset.done @!p2 $0x0  }
0x4d0: {  	[sflag:s9] =	ssyncadd.s32 @!p2 $0xFFFFFF00  }
0x4d1: {  	_ =	sfence.sel $0x180000  }
0x4d2: {  	[bflag:$0x0] =	sbarrier.arrive $0xFFFF  }
0x4d3: {  	_ =	strace $0x90000047  }
0x4d4: {  	s0 =	stileid.u32;
	[bflag:$0x2] =	sbarrier.arrive $0xFFFF  }
0x4d5: {  	p0 =	sne.s32 s0, $0x0;
	s0 =	rddreg [dreg:$0x5]  }
0x4d6: {  	s0 =	sadd.s32 @!p0 $0x100000, s0  }
0x4d7: {  	[sflag:s0] =	ssyncadd.tile.s32 @!p0 $0x1;
	_ =	shalt  }
.Lfunc_end2:
_tile_overlayer_lowered:
.L_overlay_start_2:
0x4d8: {  	(tag) =	ssettag $0x2  }
0x4d9: {  	s0 =	rddreg [dreg:$0x0];
	s2 =	stileid.u32  }
0x4da: {  	s1 =	rddreg [dreg:$0x1];
	p0 =	sne.s32 s2, $0x0  }
0x4db: {  	s3 =	rddreg [dreg:$0x2];
	[bflag:$0x3] =	sbarrier.arrive $0xFFFF;
	s2 =	simm.s32 @!p0 $0x1C09  }
0x4dc: {  	[timem:s3], [sflag:s2] =	dma.local @!p0 [hbm:s0], s1  }
0x4dd: {  	s0 =	simm.s32 @!p0 $0x9  }
0x4de: {  	_ =	swait.ge @!p0 [sflag:s0], s1  }
0x4df: {  	s1 =	ssub.s32 @!p0 $0x0, s1;
	[sflag:s0] =	ssyncset.done @!p0 $0x0  }
0x4e0: {  	[sflag:s0] =	ssyncadd.s32 @!p0 s1  }
0x4e1: {  	[bflag:$0x3] =	sbarrier.arrive $0xFFFF  }
0x4e2: {  	_ =	shalt  }

</sc_bundles>
